<compile_context>
chip_gen: v7x
topology: tpu7x:2x2x1
jax: 0.10.2.dev20260603
libtpu: 0.0.44.dev20260713+nightly
codegen_flags: <defaults>
</compile_context>

<pallas_src>
import functools

import jax
import jax.numpy as jnp
from jax import lax
from jax.experimental import pallas as pl
from jax.experimental.pallas import tpu as pltpu
from jax.experimental.pallas import tpu_sc as plsc

S = 2048
D = 1024
DA = D + 128
F = 1024
E = 8
K = 2
A = S * K
BM = 256
NB = A // BM + E
P = NB * BM
CHUNK = 512
NEG_INF = float("-inf")

NW = 32
TOK_W = S // NW
CH_C = 16
NCH_C = TOK_W // CH_C
IR_C = S // CH_C


def _route_body(x_ref, gw_ref, xw_ref, pos_ref, g_ref):
    x = x_ref[...]
    logits = lax.dot_general(
        x, gw_ref[...], (((1,), (1,)), ((), ())),
        preferred_element_type=jnp.float32)
    lane = lax.broadcasted_iota(jnp.int32, (S, E), 1).astype(jnp.float32)
    m1 = jnp.max(logits, axis=1, keepdims=True)
    i1 = jnp.min(jnp.where(logits == m1, lane, float(E)), axis=1,
                 keepdims=True)
    masked = jnp.where(lane == i1, NEG_INF, logits)
    m2 = jnp.max(masked, axis=1, keepdims=True)
    i2 = jnp.min(jnp.where(masked == m2, lane, float(E)), axis=1,
                 keepdims=True)
    z = jnp.exp(m2 - m1)
    denom = 1.0 + z
    w1 = 1.0 / denom
    w2 = z / denom

    h0 = (lane == i1).astype(jnp.float32)
    h1 = (lane == i2).astype(jnp.float32)

    lane_pad = lax.broadcasted_iota(jnp.int32, (S, DA - D), 1)
    is_w_col = (lane_pad == 0).astype(jnp.float32)
    xw_ref[0] = jnp.concatenate([w1 * x, w1 * is_w_col], axis=1)
    xw_ref[1] = jnp.concatenate([w2 * x, w2 * is_w_col], axis=1)

    r = lax.broadcasted_iota(jnp.int32, (CHUNK, CHUNK), 0)
    c = lax.broadcasted_iota(jnp.int32, (CHUNK, CHUNK), 1)
    tri = (c < r).astype(jnp.float32)

    run = jnp.zeros((1, E), jnp.float32)
    ranks = []
    for h in (h0, h1):
        for blk in range(S // CHUNK):
            hc = lax.slice(h, (blk * CHUNK, 0), ((blk + 1) * CHUNK, E))
            cum = lax.dot_general(
                tri, hc, (((1,), (0,)), ((), ())),
                preferred_element_type=jnp.float32)
            ranks.append(cum + run)
            run = run + jnp.sum(hc, axis=0, keepdims=True)
    rank0 = jnp.concatenate(ranks[: S // CHUNK], axis=0)
    rank1 = jnp.concatenate(ranks[S // CHUNK:], axis=0)

    counts = run.astype(jnp.int32)
    padded = ((counts + (BM - 1)) >> 8) << 8
    re_ = lax.broadcasted_iota(jnp.int32, (E, E), 0)
    ce_ = lax.broadcasted_iota(jnp.int32, (E, E), 1)
    tri_e = (re_ < ce_).astype(jnp.float32)
    start = lax.dot_general(
        padded.astype(jnp.float32), tri_e, (((1,), (0,)), ((), ())),
        preferred_element_type=jnp.float32)

    r0 = jnp.sum(h0 * rank0, axis=1, keepdims=True)
    r1 = jnp.sum(h1 * rank1, axis=1, keepdims=True)
    s0 = jnp.sum(h0 * start, axis=1, keepdims=True)
    s1 = jnp.sum(h1 * start, axis=1, keepdims=True)
    pos_ref[:, 0:1] = (s0 + r0).astype(jnp.int32)
    pos_ref[:, 1:2] = (s1 + r1).astype(jnp.int32)

    bs = start * (1.0 / BM)
    b_iota = lax.broadcasted_iota(
        jnp.int32, (1, NB + 1), 1).astype(jnp.float32)
    acc = jnp.zeros((1, NB + 1), jnp.int32)
    for e in range(E):
        bs_e = lax.slice(bs, (0, e), (1, e + 1))
        acc = acc + (b_iota >= bs_e).astype(jnp.int32)
    nact = jnp.sum(padded, axis=1, keepdims=True) >> 8
    lane_nb = lax.broadcasted_iota(jnp.int32, (1, NB + 1), 1)
    g_ref[...] = jnp.where(lane_nb == NB, nact, acc - 1)


def _route_call(x, gate_w):
    return pl.pallas_call(
        _route_body,
        grid=(1,),
        in_specs=[
            pl.BlockSpec((S, D), lambda i: (0, 0)),
            pl.BlockSpec((E, D), lambda i: (0, 0)),
        ],
        out_specs=[
            pl.BlockSpec((K, S, DA), lambda i: (0, 0, 0)),
            pl.BlockSpec((S, K), lambda i: (0, 0)),
            pl.BlockSpec((1, NB + 1), lambda i: (0, 0)),
        ],
        out_shape=[
            jax.ShapeDtypeStruct((K, S, DA), jnp.float32),
            jax.ShapeDtypeStruct((S, K), jnp.int32),
            jax.ShapeDtypeStruct((1, NB + 1), jnp.int32),
        ],
        compiler_params=pltpu.CompilerParams(
            dimension_semantics=("arbitrary",)),
    )(x, gate_w)


@functools.lru_cache(maxsize=None)
def _make_dispatch():
    mesh = plsc.VectorSubcoreMesh(core_axis_name="c", subcore_axis_name="s")

    @functools.partial(
        pl.kernel,
        mesh=mesh,
        out_type=jax.ShapeDtypeStruct((P, DA), jnp.float32),
        scratch_types=[
            pltpu.VMEM((K * NCH_C, CH_C), jnp.int32),
            pltpu.VMEM((CH_C, DA), jnp.float32),
            pltpu.VMEM((CH_C, DA), jnp.float32),
            pltpu.VMEM((CH_C, DA), jnp.float32),
            pltpu.VMEM((CH_C, DA), jnp.float32),
            pltpu.SemaphoreType.DMA,
            pltpu.SemaphoreType.DMA,
            pltpu.SemaphoreType.DMA,
            pltpu.SemaphoreType.DMA,
            pltpu.SemaphoreType.DMA,
            pltpu.SemaphoreType.DMA,
            pltpu.SemaphoreType.DMA,
            pltpu.SemaphoreType.DMA,
        ],
    )
    def _dispatch(xw_hbm, pos_hbm, xs_hbm, idx_v, row0_v, row1_v, row2_v,
                  row3_v, sg0, sg1, sg2, sg3, ss0, ss1, ss2, ss3):
        wid = lax.axis_index("s") * 2 + lax.axis_index("c")
        base = wid * TOK_W
        bufs = (row0_v, row1_v, row2_v, row3_v)
        gsems = (sg0, sg1, sg2, sg3)
        ssems = (ss0, ss1, ss2, ss3)
        pltpu.sync_copy(pos_hbm.at[pl.ds(wid * NCH_C, NCH_C), :],
                        idx_v.at[pl.ds(0, NCH_C)])
        pltpu.sync_copy(pos_hbm.at[pl.ds(IR_C + wid * NCH_C, NCH_C), :],
                        idx_v.at[pl.ds(NCH_C, NCH_C)])
        chunks = [(k, c) for k in range(K) for c in range(NCH_C)]
        depth = 4
        gathers = {}
        scatters = {}
        for i in range(depth):
            k, c = chunks[i]
            gathers[i] = pltpu.async_copy(
                xw_hbm.at[k, pl.ds(base + c * CH_C, CH_C), :], bufs[i],
                gsems[i])
        for i, (k, c) in enumerate(chunks):
            s = i % depth
            if i >= depth:
                scatters[i - depth].wait()
                gathers[i] = pltpu.async_copy(
                    xw_hbm.at[k, pl.ds(base + c * CH_C, CH_C), :], bufs[s],
                    gsems[s])
            gathers[i].wait()
            scatters[i] = pltpu.async_copy(
                bufs[s], xs_hbm.at[idx_v.at[k * NCH_C + c]], ssems[s])
        for i in range(len(chunks) - depth, len(chunks)):
            scatters[i].wait()

    return _dispatch


def _gmm_body(g_sref, xs_ref, w_ref, b_ref, ys_ref):
    @pl.when(pl.program_id(0) < g_sref[NB])
    def _active():
        xs = xs_ref[...]
        y = lax.dot_general(
            xs[:, :D], w_ref[0], (((1,), (1,)), ((), ())),
            preferred_element_type=jnp.float32)
        ys_ref[...] = y + xs[:, D:D + 1] * b_ref[0]


def _gmm_call(g, xs, expert_w, expert_b):
    grid_spec = pltpu.PrefetchScalarGridSpec(
        num_scalar_prefetch=1,
        grid=(NB,),
        in_specs=[
            pl.BlockSpec((BM, DA), lambda b, g_ref: (b, 0)),
            pl.BlockSpec((1, F, D), lambda b, g_ref: (g_ref[b], 0, 0)),
            pl.BlockSpec((1, 1, F), lambda b, g_ref: (g_ref[b], 0, 0)),
        ],
        out_specs=pl.BlockSpec((BM, F), lambda b, g_ref: (b, 0)),
    )
    return pl.pallas_call(
        _gmm_body,
        grid_spec=grid_spec,
        out_shape=jax.ShapeDtypeStruct((P, F), jnp.float32),
        compiler_params=pltpu.CompilerParams(
            dimension_semantics=("arbitrary",)),
    )(g, xs, expert_w, expert_b.reshape(E, 1, F))


@functools.lru_cache(maxsize=None)
def _make_combine():
    mesh = plsc.VectorSubcoreMesh(core_axis_name="c", subcore_axis_name="s")

    @functools.partial(
        pl.kernel,
        mesh=mesh,
        out_type=jax.ShapeDtypeStruct((S, F), jnp.float32),
        scratch_types=[
            pltpu.VMEM((NCH_C, CH_C), jnp.int32),
            pltpu.VMEM((NCH_C, CH_C), jnp.int32),
            pltpu.VMEM((CH_C, F), jnp.float32),
            pltpu.VMEM((CH_C, F), jnp.float32),
            pltpu.VMEM((CH_C, F), jnp.float32),
            pltpu.VMEM((CH_C, F), jnp.float32),
            pltpu.SemaphoreType.DMA,
            pltpu.SemaphoreType.DMA,
            pltpu.SemaphoreType.DMA,
            pltpu.SemaphoreType.DMA,
            pltpu.SemaphoreType.DMA,
            pltpu.SemaphoreType.DMA,
        ],
    )
    def _combine(ys_hbm, pos_hbm, out_hbm, idx0_v, idx1_v, a0_v, a1_v,
                 b0_v, b1_v, sa0, sa1, sb0, sb1, sw0, sw1):
        wid = lax.axis_index("s") * 2 + lax.axis_index("c")
        base = wid * TOK_W
        a_bufs = (a0_v, a1_v)
        b_bufs = (b0_v, b1_v)
        a_sems = (sa0, sa1)
        b_sems = (sb0, sb1)
        w_sems = (sw0, sw1)
        pltpu.sync_copy(pos_hbm.at[pl.ds(wid * NCH_C, NCH_C), :], idx0_v)
        pltpu.sync_copy(pos_hbm.at[pl.ds(IR_C + wid * NCH_C, NCH_C), :],
                        idx1_v)
        ga = {}
        gb = {}
        wr = {}
        for i in range(2):
            ga[i] = pltpu.async_copy(ys_hbm.at[idx0_v.at[i]], a_bufs[i],
                                     a_sems[i])
            gb[i] = pltpu.async_copy(ys_hbm.at[idx1_v.at[i]], b_bufs[i],
                                     b_sems[i])
        for i in range(NCH_C):
            s = i % 2
            if i >= 2:
                wr[i - 2].wait()
                ga[i] = pltpu.async_copy(ys_hbm.at[idx0_v.at[i]], a_bufs[s],
                                         a_sems[s])
                gb[i] = pltpu.async_copy(ys_hbm.at[idx1_v.at[i]], b_bufs[s],
                                         b_sems[s])
            ga[i].wait()
            gb[i].wait()
            a_v = a_bufs[s]
            b_v = b_bufs[s]
            for r in range(CH_C):
                def add_lanes(l, _, r=r, a_v=a_v, b_v=b_v):
                    sl = pl.ds(l * 16, 16)
                    a_v[r, sl] = a_v[r, sl] + b_v[r, sl]
                    return 0
                lax.fori_loop(0, F // 16, add_lanes, 0, unroll=2)
            wr[i] = pltpu.async_copy(
                a_v, out_hbm.at[pl.ds(base + i * CH_C, CH_C), :], w_sems[s])
        wr[NCH_C - 2].wait()
        wr[NCH_C - 1].wait()

    return _combine


def kernel(inputs, gate_w, expert_w, expert_b):
    B, S_, D_ = inputs.shape
    x = inputs.reshape(S, D)
    xw, pos, g = _route_call(x, gate_w)
    pos16 = pos.T.reshape(A // CH_C, CH_C)
    xs = _make_dispatch()(xw, pos16)
    ys = _gmm_call(g.reshape(NB + 1), xs, expert_w, expert_b)
    out = _make_combine()(ys, pos16)
    return out.reshape(B, S, F)

# --- scband reference (transcript-rebuilt; emitter-appended) ---
"""Pipeline reference for scband-moe-layer-35596688949260 (READ-ONLY COPY).

The authoritative reference and input builder live on the scoring server;
editing this copy changes nothing except your own understanding.
"""

import jax, jax.numpy as jnp
import numpy as np

IN_F = 1024
OUT_F = 1024
NUM_EXPERTS = 8
TOP_K = 2


def setup_inputs(seed: int = 0) -> dict:
    key = jax.random.key(seed)
    k1, k2, k3, k4 = jax.random.split(key, 4)
    x = jax.random.normal(k1, (1, 2048, IN_F), dtype=jnp.float32)
    gate_w = jax.random.normal(k2, (NUM_EXPERTS, IN_F), dtype=jnp.float32) * (1.0 / np.sqrt(IN_F))
    expert_w = jax.random.normal(k3, (NUM_EXPERTS, OUT_F, IN_F), dtype=jnp.float32) * (1.0 / np.sqrt(IN_F))
    expert_b = jax.random.normal(k4, (NUM_EXPERTS, OUT_F), dtype=jnp.float32) * 0.01
    return {"inputs": x, "gate_w": gate_w, "expert_w": expert_w, "expert_b": expert_b}


def reference(inputs, gate_w, expert_w, expert_b):
    # gate: nn.Linear(in_features, num_experts, bias=False)
    gate_logits = jnp.einsum('bsd,ed->bse', inputs, gate_w)
    # top-k expert selection per token
    weights, selected_experts = jax.lax.top_k(gate_logits, TOP_K)  # [B,S,K]
    weights = jax.nn.softmax(weights.astype(jnp.float32), axis=-1).astype(inputs.dtype)
    # each expert: nn.Linear(in_features, out_features, bias=True)
    y_all = jnp.einsum('bsd,efd->bsef', inputs, expert_w) + expert_b[None, None, :, :]  # [B,S,E,F]
    # gather selected experts' outputs per token/slot
    sel_out = jnp.take_along_axis(y_all, selected_experts[:, :, :, None], axis=2)  # [B,S,K,F]
    results = jnp.sum(sel_out * weights[:, :, :, None], axis=2)  # [B,S,F]
    return results

if __name__ == "__main__":
    import jax
    _d = setup_inputs()
    print(jax.jit(kernel)(*tuple(_d.values())))

</pallas_src>

<mosaic_0001>
#map = affine_map<(d0, d1) -> (0, 0, 0)>
#map1 = affine_map<(d0, d1) -> (0, 0)>
module attributes {stable_mosaic.version = 14 : i64} {
  func.func @_dispatch(%arg0: i32, %arg1: i32, %arg2: memref<2x2048x1152xf32, #tpu.memory_space<hbm>>, %arg3: memref<256x16xi32, #tpu.memory_space<hbm>>, %arg4: memref<6144x1152xf32, #tpu.memory_space<hbm>>, %arg5: memref<8x16xi32, #tpu.memory_space<vmem>>, %arg6: memref<16x1152xf32, #tpu.memory_space<vmem>>, %arg7: memref<16x1152xf32, #tpu.memory_space<vmem>>, %arg8: memref<16x1152xf32, #tpu.memory_space<vmem>>, %arg9: memref<16x1152xf32, #tpu.memory_space<vmem>>, %arg10: memref<!tpu.dma_semaphore, #tpu.memory_space<semaphore_mem>>, %arg11: memref<!tpu.dma_semaphore, #tpu.memory_space<semaphore_mem>>, %arg12: memref<!tpu.dma_semaphore, #tpu.memory_space<semaphore_mem>>, %arg13: memref<!tpu.dma_semaphore, #tpu.memory_space<semaphore_mem>>, %arg14: memref<!tpu.dma_semaphore, #tpu.memory_space<semaphore_mem>>, %arg15: memref<!tpu.dma_semaphore, #tpu.memory_space<semaphore_mem>>, %arg16: memref<!tpu.dma_semaphore, #tpu.memory_space<semaphore_mem>>, %arg17: memref<!tpu.dma_semaphore, #tpu.memory_space<semaphore_mem>>) attributes {dimension_semantics = [#tpu.dimension_semantics<core_parallel>, #tpu.dimension_semantics<subcore_parallel>], iteration_bounds = array<i64: 2, 16>, scalar_prefetch = 0 : i64, scratch_operands = 13 : i64, tpu.core_type = #tpu.core_type<sc_vector_subcore>, window_params = [{transform_indices = #map}, {transform_indices = #map1}, {transform_indices = #map1}]} {
    %mul3A = arith.constant 2 : i32
    %mul3A_0 = arith.muli %arg1, %mul3A : i32
    %add3A = arith.addi %mul3A_0, %arg0 : i32
    %mul3A_1 = arith.constant 64 : i32
    %mul3A_2 = arith.muli %add3A, %mul3A_1 : i32
    %mul3A_3 = arith.constant 4 : i32
    %mul3A_4 = arith.muli %add3A, %mul3A_3 : i32
    "tpu.region"() ({
      %run_scoped3A = tpu.sem_alloc : memref<!tpu.dma_semaphore, #tpu.memory_space<semaphore_mem>>
      %dma_start3A_247 = arith.constant 0 : i32
      %dma_start3A_248 = arith.constant 0 : i32
      %dma_start3A_249 = tpu.memref_slice %arg5[%dma_start3A_247, %dma_start3A_248] : memref<8x16xi32, #tpu.memory_space<vmem>> -> memref<4x16xi32, #tpu.memory_space<vmem>>
      %dma_start3A_250 = arith.constant 0 : i32
      %dma_start3A_251 = tpu.memref_slice %arg3[%mul3A_4, %dma_start3A_250] : memref<256x16xi32, #tpu.memory_space<hbm>> -> memref<4x16xi32, #tpu.memory_space<hbm>>
      %dma_start3A_252 = arith.constant 0 : i32
      %dma_start3A_253 = arith.constant 0 : i32
      %dma_start3A_254 = tpu.memref_slice %arg5[%dma_start3A_252, %dma_start3A_253] : memref<8x16xi32, #tpu.memory_space<vmem>> -> memref<4x16xi32, #tpu.memory_space<vmem>>
      %dma_start3A_255 = arith.constant 0 : i32
      %dma_start3A_256 = tpu.memref_slice %arg3[%mul3A_4, %dma_start3A_255] : memref<256x16xi32, #tpu.memory_space<hbm>> -> memref<4x16xi32, #tpu.memory_space<hbm>>
      tpu.enqueue_dma source(%dma_start3A_256 : memref<4x16xi32, #tpu.memory_space<hbm>>) target(%dma_start3A_254 : memref<4x16xi32, #tpu.memory_space<vmem>>) target_semaphore(%run_scoped3A : memref<!tpu.dma_semaphore, #tpu.memory_space<semaphore_mem>>)
      %dma_wait3A_257 = arith.constant 0 : i32
      %dma_wait3A_258 = arith.constant 0 : i32
      %dma_wait3A_259 = tpu.memref_slice %arg5[%dma_wait3A_257, %dma_wait3A_258] : memref<8x16xi32, #tpu.memory_space<vmem>> -> memref<4x16xi32, #tpu.memory_space<vmem>>
      %dma_wait3A_260 = arith.constant 0 : i32
      %dma_wait3A_261 = tpu.memref_slice %arg3[%mul3A_4, %dma_wait3A_260] : memref<256x16xi32, #tpu.memory_space<hbm>> -> memref<4x16xi32, #tpu.memory_space<hbm>>
      %dma_wait3A_262 = arith.constant 0 : i32
      %dma_wait3A_263 = arith.constant 0 : i32
      %dma_wait3A_264 = tpu.memref_slice %arg5[%dma_wait3A_262, %dma_wait3A_263] : memref<8x16xi32, #tpu.memory_space<vmem>> -> memref<4x16xi32, #tpu.memory_space<vmem>>
      %dma_wait3A_265 = arith.constant 0 : i32
      %dma_wait3A_266 = tpu.memref_slice %arg3[%mul3A_4, %dma_wait3A_265] : memref<256x16xi32, #tpu.memory_space<hbm>> -> memref<4x16xi32, #tpu.memory_space<hbm>>
      tpu.wait_dma2 semaphore(%run_scoped3A : memref<!tpu.dma_semaphore, #tpu.memory_space<semaphore_mem>>) src(%dma_wait3A_266 : memref<4x16xi32, #tpu.memory_space<hbm>>) dst(%dma_wait3A_264 : memref<4x16xi32, #tpu.memory_space<vmem>>)
      tpu.yield
    }) : () -> ()
    %mul3A_5 = arith.constant 4 : i32
    %mul3A_6 = arith.muli %add3A, %mul3A_5 : i32
    %add3A_7 = arith.constant 128 : i32
    %add3A_8 = arith.addi %add3A_7, %mul3A_6 : i32
    "tpu.region"() ({
      %run_scoped3A = tpu.sem_alloc : memref<!tpu.dma_semaphore, #tpu.memory_space<semaphore_mem>>
      %dma_start3A_247 = arith.constant 4 : i32
      %dma_start3A_248 = arith.constant 0 : i32
      %dma_start3A_249 = tpu.memref_slice %arg5[%dma_start3A_247, %dma_start3A_248] : memref<8x16xi32, #tpu.memory_space<vmem>> -> memref<4x16xi32, #tpu.memory_space<vmem>>
      %dma_start3A_250 = arith.constant 0 : i32
      %dma_start3A_251 = tpu.memref_slice %arg3[%add3A_8, %dma_start3A_250] : memref<256x16xi32, #tpu.memory_space<hbm>> -> memref<4x16xi32, #tpu.memory_space<hbm>>
      %dma_start3A_252 = arith.constant 4 : i32
      %dma_start3A_253 = arith.constant 0 : i32
      %dma_start3A_254 = tpu.memref_slice %arg5[%dma_start3A_252, %dma_start3A_253] : memref<8x16xi32, #tpu.memory_space<vmem>> -> memref<4x16xi32, #tpu.memory_space<vmem>>
      %dma_start3A_255 = arith.constant 0 : i32
      %dma_start3A_256 = tpu.memref_slice %arg3[%add3A_8, %dma_start3A_255] : memref<256x16xi32, #tpu.memory_space<hbm>> -> memref<4x16xi32, #tpu.memory_space<hbm>>
      tpu.enqueue_dma source(%dma_start3A_256 : memref<4x16xi32, #tpu.memory_space<hbm>>) target(%dma_start3A_254 : memref<4x16xi32, #tpu.memory_space<vmem>>) target_semaphore(%run_scoped3A : memref<!tpu.dma_semaphore, #tpu.memory_space<semaphore_mem>>)
      %dma_wait3A_257 = arith.constant 4 : i32
      %dma_wait3A_258 = arith.constant 0 : i32
      %dma_wait3A_259 = tpu.memref_slice %arg5[%dma_wait3A_257, %dma_wait3A_258] : memref<8x16xi32, #tpu.memory_space<vmem>> -> memref<4x16xi32, #tpu.memory_space<vmem>>
      %dma_wait3A_260 = arith.constant 0 : i32
      %dma_wait3A_261 = tpu.memref_slice %arg3[%add3A_8, %dma_wait3A_260] : memref<256x16xi32, #tpu.memory_space<hbm>> -> memref<4x16xi32, #tpu.memory_space<hbm>>
      %dma_wait3A_262 = arith.constant 4 : i32
      %dma_wait3A_263 = arith.constant 0 : i32
      %dma_wait3A_264 = tpu.memref_slice %arg5[%dma_wait3A_262, %dma_wait3A_263] : memref<8x16xi32, #tpu.memory_space<vmem>> -> memref<4x16xi32, #tpu.memory_space<vmem>>
      %dma_wait3A_265 = arith.constant 0 : i32
      %dma_wait3A_266 = tpu.memref_slice %arg3[%add3A_8, %dma_wait3A_265] : memref<256x16xi32, #tpu.memory_space<hbm>> -> memref<4x16xi32, #tpu.memory_space<hbm>>
      tpu.wait_dma2 semaphore(%run_scoped3A : memref<!tpu.dma_semaphore, #tpu.memory_space<semaphore_mem>>) src(%dma_wait3A_266 : memref<4x16xi32, #tpu.memory_space<hbm>>) dst(%dma_wait3A_264 : memref<4x16xi32, #tpu.memory_space<vmem>>)
      tpu.yield
    }) : () -> ()
    %add3A_9 = arith.constant 0 : i32
    %add3A_10 = arith.addi %mul3A_2, %add3A_9 : i32
    %dma_start3A = arith.constant 0 : i32
    %dma_start3A_11 = arith.constant 0 : i32
    %dma_start3A_12 = tpu.memref_slice %arg2[%dma_start3A, %add3A_10, %dma_start3A_11] : memref<2x2048x1152xf32, #tpu.memory_space<hbm>> -> memref<1x16x1152xf32, #tpu.memory_space<hbm>>
    %dma_start3A_13 = tpu.memref_squeeze %dma_start3A_12 : memref<1x16x1152xf32, #tpu.memory_space<hbm>> -> memref<16x1152xf32, #tpu.memory_space<hbm>>
    %dma_start3A_14 = arith.constant 0 : i32
    %dma_start3A_15 = tpu.memref_slice %arg2[%dma_start3A, %add3A_10, %dma_start3A_14] : memref<2x2048x1152xf32, #tpu.memory_space<hbm>> -> memref<1x16x1152xf32, #tpu.memory_space<hbm>>
    %dma_start3A_16 = tpu.memref_squeeze %dma_start3A_15 : memref<1x16x1152xf32, #tpu.memory_space<hbm>> -> memref<16x1152xf32, #tpu.memory_space<hbm>>
    tpu.enqueue_dma source(%dma_start3A_16 : memref<16x1152xf32, #tpu.memory_space<hbm>>) target(%arg6 : memref<16x1152xf32, #tpu.memory_space<vmem>>) target_semaphore(%arg10 : memref<!tpu.dma_semaphore, #tpu.memory_space<semaphore_mem>>)
    %add3A_17 = arith.constant 16 : i32
    %add3A_18 = arith.addi %mul3A_2, %add3A_17 : i32
    %dma_start3A_19 = arith.constant 0 : i32
    %dma_start3A_20 = arith.constant 0 : i32
    %dma_start3A_21 = tpu.memref_slice %arg2[%dma_start3A_19, %add3A_18, %dma_start3A_20] : memref<2x2048x1152xf32, #tpu.memory_space<hbm>> -> memref<1x16x1152xf32, #tpu.memory_space<hbm>>
    %dma_start3A_22 = tpu.memref_squeeze %dma_start3A_21 : memref<1x16x1152xf32, #tpu.memory_space<hbm>> -> memref<16x1152xf32, #tpu.memory_space<hbm>>
    %dma_start3A_23 = arith.constant 0 : i32
    %dma_start3A_24 = tpu.memref_slice %arg2[%dma_start3A_19, %add3A_18, %dma_start3A_23] : memref<2x2048x1152xf32, #tpu.memory_space<hbm>> -> memref<1x16x1152xf32, #tpu.memory_space<hbm>>
    %dma_start3A_25 = tpu.memref_squeeze %dma_start3A_24 : memref<1x16x1152xf32, #tpu.memory_space<hbm>> -> memref<16x1152xf32, #tpu.memory_space<hbm>>
    tpu.enqueue_dma source(%dma_start3A_25 : memref<16x1152xf32, #tpu.memory_space<hbm>>) target(%arg7 : memref<16x1152xf32, #tpu.memory_space<vmem>>) target_semaphore(%arg11 : memref<!tpu.dma_semaphore, #tpu.memory_space<semaphore_mem>>)
    %add3A_26 = arith.constant 32 : i32
    %add3A_27 = arith.addi %mul3A_2, %add3A_26 : i32
    %dma_start3A_28 = arith.constant 0 : i32
    %dma_start3A_29 = arith.constant 0 : i32
    %dma_start3A_30 = tpu.memref_slice %arg2[%dma_start3A_28, %add3A_27, %dma_start3A_29] : memref<2x2048x1152xf32, #tpu.memory_space<hbm>> -> memref<1x16x1152xf32, #tpu.memory_space<hbm>>
    %dma_start3A_31 = tpu.memref_squeeze %dma_start3A_30 : memref<1x16x1152xf32, #tpu.memory_space<hbm>> -> memref<16x1152xf32, #tpu.memory_space<hbm>>
    %dma_start3A_32 = arith.constant 0 : i32
    %dma_start3A_33 = tpu.memref_slice %arg2[%dma_start3A_28, %add3A_27, %dma_start3A_32] : memref<2x2048x1152xf32, #tpu.memory_space<hbm>> -> memref<1x16x1152xf32, #tpu.memory_space<hbm>>
    %dma_start3A_34 = tpu.memref_squeeze %dma_start3A_33 : memref<1x16x1152xf32, #tpu.memory_space<hbm>> -> memref<16x1152xf32, #tpu.memory_space<hbm>>
    tpu.enqueue_dma source(%dma_start3A_34 : memref<16x1152xf32, #tpu.memory_space<hbm>>) target(%arg8 : memref<16x1152xf32, #tpu.memory_space<vmem>>) target_semaphore(%arg12 : memref<!tpu.dma_semaphore, #tpu.memory_space<semaphore_mem>>)
    %add3A_35 = arith.constant 48 : i32
    %add3A_36 = arith.addi %mul3A_2, %add3A_35 : i32
    %dma_start3A_37 = arith.constant 0 : i32
    %dma_start3A_38 = arith.constant 0 : i32
    %dma_start3A_39 = tpu.memref_slice %arg2[%dma_start3A_37, %add3A_36, %dma_start3A_38] : memref<2x2048x1152xf32, #tpu.memory_space<hbm>> -> memref<1x16x1152xf32, #tpu.memory_space<hbm>>
    %dma_start3A_40 = tpu.memref_squeeze %dma_start3A_39 : memref<1x16x1152xf32, #tpu.memory_space<hbm>> -> memref<16x1152xf32, #tpu.memory_space<hbm>>
    %dma_start3A_41 = arith.constant 0 : i32
    %dma_start3A_42 = tpu.memref_slice %arg2[%dma_start3A_37, %add3A_36, %dma_start3A_41] : memref<2x2048x1152xf32, #tpu.memory_space<hbm>> -> memref<1x16x1152xf32, #tpu.memory_space<hbm>>
    %dma_start3A_43 = tpu.memref_squeeze %dma_start3A_42 : memref<1x16x1152xf32, #tpu.memory_space<hbm>> -> memref<16x1152xf32, #tpu.memory_space<hbm>>
    tpu.enqueue_dma source(%dma_start3A_43 : memref<16x1152xf32, #tpu.memory_space<hbm>>) target(%arg9 : memref<16x1152xf32, #tpu.memory_space<vmem>>) target_semaphore(%arg13 : memref<!tpu.dma_semaphore, #tpu.memory_space<semaphore_mem>>)
    %dma_wait3A = arith.constant 0 : i32
    %dma_wait3A_44 = arith.constant 0 : i32
    %dma_wait3A_45 = tpu.memref_slice %arg2[%dma_wait3A, %add3A_10, %dma_wait3A_44] : memref<2x2048x1152xf32, #tpu.memory_space<hbm>> -> memref<1x16x1152xf32, #tpu.memory_space<hbm>>
    %dma_wait3A_46 = tpu.memref_squeeze %dma_wait3A_45 : memref<1x16x1152xf32, #tpu.memory_space<hbm>> -> memref<16x1152xf32, #tpu.memory_space<hbm>>
    %dma_wait3A_47 = arith.constant 0 : i32
    %dma_wait3A_48 = tpu.memref_slice %arg2[%dma_wait3A, %add3A_10, %dma_wait3A_47] : memref<2x2048x1152xf32, #tpu.memory_space<hbm>> -> memref<1x16x1152xf32, #tpu.memory_space<hbm>>
    %dma_wait3A_49 = tpu.memref_squeeze %dma_wait3A_48 : memref<1x16x1152xf32, #tpu.memory_space<hbm>> -> memref<16x1152xf32, #tpu.memory_space<hbm>>
    tpu.wait_dma2 semaphore(%arg10 : memref<!tpu.dma_semaphore, #tpu.memory_space<semaphore_mem>>) src(%dma_wait3A_49 : memref<16x1152xf32, #tpu.memory_space<hbm>>) dst(%arg6 : memref<16x1152xf32, #tpu.memory_space<vmem>>)
    %dma_start3A_50 = arith.constant 0 : i32
    %dma_start3A_51 = arith.constant 0 : i32
    %dma_start3A_52 = tpu.memref_slice %arg5[%dma_start3A_50, %dma_start3A_51] : memref<8x16xi32, #tpu.memory_space<vmem>> -> memref<1x16xi32, #tpu.memory_space<vmem>>
    %dma_start3A_53 = tpu.memref_squeeze %dma_start3A_52 : memref<1x16xi32, #tpu.memory_space<vmem>> -> memref<16xi32, #tpu.memory_space<vmem>>
    %dma_start3A_54 = arith.constant 0 : i32
    %dma_start3A_55 = arith.constant 0 : i32
    %dma_start3A_56 = tpu.memref_slice %arg4[%dma_start3A_54, %dma_start3A_55] : memref<6144x1152xf32, #tpu.memory_space<hbm>> -> memref<6144x1152xf32, #tpu.memory_space<hbm>>
    tpu.enqueue_indirect_dma source(%arg6 : memref<16x1152xf32, #tpu.memory_space<vmem>>) target(%dma_start3A_56 : memref<6144x1152xf32, #tpu.memory_space<hbm>>) offsets(%dma_start3A_53 : memref<16xi32, #tpu.memory_space<vmem>>) semaphore(%arg14 : memref<!tpu.dma_semaphore, #tpu.memory_space<semaphore_mem>>)
    %dma_wait3A_57 = arith.constant 0 : i32
    %dma_wait3A_58 = arith.constant 0 : i32
    %dma_wait3A_59 = tpu.memref_slice %arg2[%dma_wait3A_57, %add3A_18, %dma_wait3A_58] : memref<2x2048x1152xf32, #tpu.memory_space<hbm>> -> memref<1x16x1152xf32, #tpu.memory_space<hbm>>
    %dma_wait3A_60 = tpu.memref_squeeze %dma_wait3A_59 : memref<1x16x1152xf32, #tpu.memory_space<hbm>> -> memref<16x1152xf32, #tpu.memory_space<hbm>>
    %dma_wait3A_61 = arith.constant 0 : i32
    %dma_wait3A_62 = tpu.memref_slice %arg2[%dma_wait3A_57, %add3A_18, %dma_wait3A_61] : memref<2x2048x1152xf32, #tpu.memory_space<hbm>> -> memref<1x16x1152xf32, #tpu.memory_space<hbm>>
    %dma_wait3A_63 = tpu.memref_squeeze %dma_wait3A_62 : memref<1x16x1152xf32, #tpu.memory_space<hbm>> -> memref<16x1152xf32, #tpu.memory_space<hbm>>
    tpu.wait_dma2 semaphore(%arg11 : memref<!tpu.dma_semaphore, #tpu.memory_space<semaphore_mem>>) src(%dma_wait3A_63 : memref<16x1152xf32, #tpu.memory_space<hbm>>) dst(%arg7 : memref<16x1152xf32, #tpu.memory_space<vmem>>)
    %dma_start3A_64 = arith.constant 1 : i32
    %dma_start3A_65 = arith.constant 0 : i32
    %dma_start3A_66 = tpu.memref_slice %arg5[%dma_start3A_64, %dma_start3A_65] : memref<8x16xi32, #tpu.memory_space<vmem>> -> memref<1x16xi32, #tpu.memory_space<vmem>>
    %dma_start3A_67 = tpu.memref_squeeze %dma_start3A_66 : memref<1x16xi32, #tpu.memory_space<vmem>> -> memref<16xi32, #tpu.memory_space<vmem>>
    %dma_start3A_68 = arith.constant 0 : i32
    %dma_start3A_69 = arith.constant 0 : i32
    %dma_start3A_70 = tpu.memref_slice %arg4[%dma_start3A_68, %dma_start3A_69] : memref<6144x1152xf32, #tpu.memory_space<hbm>> -> memref<6144x1152xf32, #tpu.memory_space<hbm>>
    tpu.enqueue_indirect_dma source(%arg7 : memref<16x1152xf32, #tpu.memory_space<vmem>>) target(%dma_start3A_70 : memref<6144x1152xf32, #tpu.memory_space<hbm>>) offsets(%dma_start3A_67 : memref<16xi32, #tpu.memory_space<vmem>>) semaphore(%arg15 : memref<!tpu.dma_semaphore, #tpu.memory_space<semaphore_mem>>)
    %dma_wait3A_71 = arith.constant 0 : i32
    %dma_wait3A_72 = arith.constant 0 : i32
    %dma_wait3A_73 = tpu.memref_slice %arg2[%dma_wait3A_71, %add3A_27, %dma_wait3A_72] : memref<2x2048x1152xf32, #tpu.memory_space<hbm>> -> memref<1x16x1152xf32, #tpu.memory_space<hbm>>
    %dma_wait3A_74 = tpu.memref_squeeze %dma_wait3A_73 : memref<1x16x1152xf32, #tpu.memory_space<hbm>> -> memref<16x1152xf32, #tpu.memory_space<hbm>>
    %dma_wait3A_75 = arith.constant 0 : i32
    %dma_wait3A_76 = tpu.memref_slice %arg2[%dma_wait3A_71, %add3A_27, %dma_wait3A_75] : memref<2x2048x1152xf32, #tpu.memory_space<hbm>> -> memref<1x16x1152xf32, #tpu.memory_space<hbm>>
    %dma_wait3A_77 = tpu.memref_squeeze %dma_wait3A_76 : memref<1x16x1152xf32, #tpu.memory_space<hbm>> -> memref<16x1152xf32, #tpu.memory_space<hbm>>
    tpu.wait_dma2 semaphore(%arg12 : memref<!tpu.dma_semaphore, #tpu.memory_space<semaphore_mem>>) src(%dma_wait3A_77 : memref<16x1152xf32, #tpu.memory_space<hbm>>) dst(%arg8 : memref<16x1152xf32, #tpu.memory_space<vmem>>)
    %dma_start3A_78 = arith.constant 2 : i32
    %dma_start3A_79 = arith.constant 0 : i32
    %dma_start3A_80 = tpu.memref_slice %arg5[%dma_start3A_78, %dma_start3A_79] : memref<8x16xi32, #tpu.memory_space<vmem>> -> memref<1x16xi32, #tpu.memory_space<vmem>>
    %dma_start3A_81 = tpu.memref_squeeze %dma_start3A_80 : memref<1x16xi32, #tpu.memory_space<vmem>> -> memref<16xi32, #tpu.memory_space<vmem>>
    %dma_start3A_82 = arith.constant 0 : i32
    %dma_start3A_83 = arith.constant 0 : i32
    %dma_start3A_84 = tpu.memref_slice %arg4[%dma_start3A_82, %dma_start3A_83] : memref<6144x1152xf32, #tpu.memory_space<hbm>> -> memref<6144x1152xf32, #tpu.memory_space<hbm>>
    tpu.enqueue_indirect_dma source(%arg8 : memref<16x1152xf32, #tpu.memory_space<vmem>>) target(%dma_start3A_84 : memref<6144x1152xf32, #tpu.memory_space<hbm>>) offsets(%dma_start3A_81 : memref<16xi32, #tpu.memory_space<vmem>>) semaphore(%arg16 : memref<!tpu.dma_semaphore, #tpu.memory_space<semaphore_mem>>)
    %dma_wait3A_85 = arith.constant 0 : i32
    %dma_wait3A_86 = arith.constant 0 : i32
    %dma_wait3A_87 = tpu.memref_slice %arg2[%dma_wait3A_85, %add3A_36, %dma_wait3A_86] : memref<2x2048x1152xf32, #tpu.memory_space<hbm>> -> memref<1x16x1152xf32, #tpu.memory_space<hbm>>
    %dma_wait3A_88 = tpu.memref_squeeze %dma_wait3A_87 : memref<1x16x1152xf32, #tpu.memory_space<hbm>> -> memref<16x1152xf32, #tpu.memory_space<hbm>>
    %dma_wait3A_89 = arith.constant 0 : i32
    %dma_wait3A_90 = tpu.memref_slice %arg2[%dma_wait3A_85, %add3A_36, %dma_wait3A_89] : memref<2x2048x1152xf32, #tpu.memory_space<hbm>> -> memref<1x16x1152xf32, #tpu.memory_space<hbm>>
    %dma_wait3A_91 = tpu.memref_squeeze %dma_wait3A_90 : memref<1x16x1152xf32, #tpu.memory_space<hbm>> -> memref<16x1152xf32, #tpu.memory_space<hbm>>
    tpu.wait_dma2 semaphore(%arg13 : memref<!tpu.dma_semaphore, #tpu.memory_space<semaphore_mem>>) src(%dma_wait3A_91 : memref<16x1152xf32, #tpu.memory_space<hbm>>) dst(%arg9 : memref<16x1152xf32, #tpu.memory_space<vmem>>)
    %dma_start3A_92 = arith.constant 3 : i32
    %dma_start3A_93 = arith.constant 0 : i32
    %dma_start3A_94 = tpu.memref_slice %arg5[%dma_start3A_92, %dma_start3A_93] : memref<8x16xi32, #tpu.memory_space<vmem>> -> memref<1x16xi32, #tpu.memory_space<vmem>>
    %dma_start3A_95 = tpu.memref_squeeze %dma_start3A_94 : memref<1x16xi32, #tpu.memory_space<vmem>> -> memref<16xi32, #tpu.memory_space<vmem>>
    %dma_start3A_96 = arith.constant 0 : i32
    %dma_start3A_97 = arith.constant 0 : i32
    %dma_start3A_98 = tpu.memref_slice %arg4[%dma_start3A_96, %dma_start3A_97] : memref<6144x1152xf32, #tpu.memory_space<hbm>> -> memref<6144x1152xf32, #tpu.memory_space<hbm>>
    tpu.enqueue_indirect_dma source(%arg9 : memref<16x1152xf32, #tpu.memory_space<vmem>>) target(%dma_start3A_98 : memref<6144x1152xf32, #tpu.memory_space<hbm>>) offsets(%dma_start3A_95 : memref<16xi32, #tpu.memory_space<vmem>>) semaphore(%arg17 : memref<!tpu.dma_semaphore, #tpu.memory_space<semaphore_mem>>)
    %dma_wait3A_99 = arith.constant 0 : i32
    %dma_wait3A_100 = arith.constant 0 : i32
    %dma_wait3A_101 = tpu.memref_slice %arg5[%dma_wait3A_99, %dma_wait3A_100] : memref<8x16xi32, #tpu.memory_space<vmem>> -> memref<1x16xi32, #tpu.memory_space<vmem>>
    %dma_wait3A_102 = tpu.memref_squeeze %dma_wait3A_101 : memref<1x16xi32, #tpu.memory_space<vmem>> -> memref<16xi32, #tpu.memory_space<vmem>>
    %dma_wait3A_103 = arith.constant 0 : i32
    %dma_wait3A_104 = arith.constant 0 : i32
    %dma_wait3A_105 = tpu.memref_slice %arg4[%dma_wait3A_103, %dma_wait3A_104] : memref<6144x1152xf32, #tpu.memory_space<hbm>> -> memref<6144x1152xf32, #tpu.memory_space<hbm>>
    tpu.wait_indirect_dma semaphore(%arg14 : memref<!tpu.dma_semaphore, #tpu.memory_space<semaphore_mem>>) src(%arg6 : memref<16x1152xf32, #tpu.memory_space<vmem>>) dst(%dma_wait3A_105 : memref<6144x1152xf32, #tpu.memory_space<hbm>>)
    %add3A_106 = arith.constant 0 : i32
    %add3A_107 = arith.addi %mul3A_2, %add3A_106 : i32
    %dma_start3A_108 = arith.constant 1 : i32
    %dma_start3A_109 = arith.constant 0 : i32
    %dma_start3A_110 = tpu.memref_slice %arg2[%dma_start3A_108, %add3A_107, %dma_start3A_109] : memref<2x2048x1152xf32, #tpu.memory_space<hbm>> -> memref<1x16x1152xf32, #tpu.memory_space<hbm>>
    %dma_start3A_111 = tpu.memref_squeeze %dma_start3A_110 : memref<1x16x1152xf32, #tpu.memory_space<hbm>> -> memref<16x1152xf32, #tpu.memory_space<hbm>>
    %dma_start3A_112 = arith.constant 0 : i32
    %dma_start3A_113 = tpu.memref_slice %arg2[%dma_start3A_108, %add3A_107, %dma_start3A_112] : memref<2x2048x1152xf32, #tpu.memory_space<hbm>> -> memref<1x16x1152xf32, #tpu.memory_space<hbm>>
    %dma_start3A_114 = tpu.memref_squeeze %dma_start3A_113 : memref<1x16x1152xf32, #tpu.memory_space<hbm>> -> memref<16x1152xf32, #tpu.memory_space<hbm>>
    tpu.enqueue_dma source(%dma_start3A_114 : memref<16x1152xf32, #tpu.memory_space<hbm>>) target(%arg6 : memref<16x1152xf32, #tpu.memory_space<vmem>>) target_semaphore(%arg10 : memref<!tpu.dma_semaphore, #tpu.memory_space<semaphore_mem>>)
    %dma_wait3A_115 = arith.constant 1 : i32
    %dma_wait3A_116 = arith.constant 0 : i32
    %dma_wait3A_117 = tpu.memref_slice %arg2[%dma_wait3A_115, %add3A_107, %dma_wait3A_116] : memref<2x2048x1152xf32, #tpu.memory_space<hbm>> -> memref<1x16x1152xf32, #tpu.memory_space<hbm>>
    %dma_wait3A_118 = tpu.memref_squeeze %dma_wait3A_117 : memref<1x16x1152xf32, #tpu.memory_space<hbm>> -> memref<16x1152xf32, #tpu.memory_space<hbm>>
    %dma_wait3A_119 = arith.constant 0 : i32
    %dma_wait3A_120 = tpu.memref_slice %arg2[%dma_wait3A_115, %add3A_107, %dma_wait3A_119] : memref<2x2048x1152xf32, #tpu.memory_space<hbm>> -> memref<1x16x1152xf32, #tpu.memory_space<hbm>>
    %dma_wait3A_121 = tpu.memref_squeeze %dma_wait3A_120 : memref<1x16x1152xf32, #tpu.memory_space<hbm>> -> memref<16x1152xf32, #tpu.memory_space<hbm>>
    tpu.wait_dma2 semaphore(%arg10 : memref<!tpu.dma_semaphore, #tpu.memory_space<semaphore_mem>>) src(%dma_wait3A_121 : memref<16x1152xf32, #tpu.memory_space<hbm>>) dst(%arg6 : memref<16x1152xf32, #tpu.memory_space<vmem>>)
    %dma_start3A_122 = arith.constant 4 : i32
    %dma_start3A_123 = arith.constant 0 : i32
    %dma_start3A_124 = tpu.memref_slice %arg5[%dma_start3A_122, %dma_start3A_123] : memref<8x16xi32, #tpu.memory_space<vmem>> -> memref<1x16xi32, #tpu.memory_space<vmem>>
    %dma_start3A_125 = tpu.memref_squeeze %dma_start3A_124 : memref<1x16xi32, #tpu.memory_space<vmem>> -> memref<16xi32, #tpu.memory_space<vmem>>
    %dma_start3A_126 = arith.constant 0 : i32
    %dma_start3A_127 = arith.constant 0 : i32
    %dma_start3A_128 = tpu.memref_slice %arg4[%dma_start3A_126, %dma_start3A_127] : memref<6144x1152xf32, #tpu.memory_space<hbm>> -> memref<6144x1152xf32, #tpu.memory_space<hbm>>
    tpu.enqueue_indirect_dma source(%arg6 : memref<16x1152xf32, #tpu.memory_space<vmem>>) target(%dma_start3A_128 : memref<6144x1152xf32, #tpu.memory_space<hbm>>) offsets(%dma_start3A_125 : memref<16xi32, #tpu.memory_space<vmem>>) semaphore(%arg14 : memref<!tpu.dma_semaphore, #tpu.memory_space<semaphore_mem>>)
    %dma_wait3A_129 = arith.constant 1 : i32
    %dma_wait3A_130 = arith.constant 0 : i32
    %dma_wait3A_131 = tpu.memref_slice %arg5[%dma_wait3A_129, %dma_wait3A_130] : memref<8x16xi32, #tpu.memory_space<vmem>> -> memref<1x16xi32, #tpu.memory_space<vmem>>
    %dma_wait3A_132 = tpu.memref_squeeze %dma_wait3A_131 : memref<1x16xi32, #tpu.memory_space<vmem>> -> memref<16xi32, #tpu.memory_space<vmem>>
    %dma_wait3A_133 = arith.constant 0 : i32
    %dma_wait3A_134 = arith.constant 0 : i32
    %dma_wait3A_135 = tpu.memref_slice %arg4[%dma_wait3A_133, %dma_wait3A_134] : memref<6144x1152xf32, #tpu.memory_space<hbm>> -> memref<6144x1152xf32, #tpu.memory_space<hbm>>
    tpu.wait_indirect_dma semaphore(%arg15 : memref<!tpu.dma_semaphore, #tpu.memory_space<semaphore_mem>>) src(%arg7 : memref<16x1152xf32, #tpu.memory_space<vmem>>) dst(%dma_wait3A_135 : memref<6144x1152xf32, #tpu.memory_space<hbm>>)
    %add3A_136 = arith.constant 16 : i32
    %add3A_137 = arith.addi %mul3A_2, %add3A_136 : i32
    %dma_start3A_138 = arith.constant 1 : i32
    %dma_start3A_139 = arith.constant 0 : i32
    %dma_start3A_140 = tpu.memref_slice %arg2[%dma_start3A_138, %add3A_137, %dma_start3A_139] : memref<2x2048x1152xf32, #tpu.memory_space<hbm>> -> memref<1x16x1152xf32, #tpu.memory_space<hbm>>
    %dma_start3A_141 = tpu.memref_squeeze %dma_start3A_140 : memref<1x16x1152xf32, #tpu.memory_space<hbm>> -> memref<16x1152xf32, #tpu.memory_space<hbm>>
    %dma_start3A_142 = arith.constant 0 : i32
    %dma_start3A_143 = tpu.memref_slice %arg2[%dma_start3A_138, %add3A_137, %dma_start3A_142] : memref<2x2048x1152xf32, #tpu.memory_space<hbm>> -> memref<1x16x1152xf32, #tpu.memory_space<hbm>>
    %dma_start3A_144 = tpu.memref_squeeze %dma_start3A_143 : memref<1x16x1152xf32, #tpu.memory_space<hbm>> -> memref<16x1152xf32, #tpu.memory_space<hbm>>
    tpu.enqueue_dma source(%dma_start3A_144 : memref<16x1152xf32, #tpu.memory_space<hbm>>) target(%arg7 : memref<16x1152xf32, #tpu.memory_space<vmem>>) target_semaphore(%arg11 : memref<!tpu.dma_semaphore, #tpu.memory_space<semaphore_mem>>)
    %dma_wait3A_145 = arith.constant 1 : i32
    %dma_wait3A_146 = arith.constant 0 : i32
    %dma_wait3A_147 = tpu.memref_slice %arg2[%dma_wait3A_145, %add3A_137, %dma_wait3A_146] : memref<2x2048x1152xf32, #tpu.memory_space<hbm>> -> memref<1x16x1152xf32, #tpu.memory_space<hbm>>
    %dma_wait3A_148 = tpu.memref_squeeze %dma_wait3A_147 : memref<1x16x1152xf32, #tpu.memory_space<hbm>> -> memref<16x1152xf32, #tpu.memory_space<hbm>>
    %dma_wait3A_149 = arith.constant 0 : i32
    %dma_wait3A_150 = tpu.memref_slice %arg2[%dma_wait3A_145, %add3A_137, %dma_wait3A_149] : memref<2x2048x1152xf32, #tpu.memory_space<hbm>> -> memref<1x16x1152xf32, #tpu.memory_space<hbm>>
    %dma_wait3A_151 = tpu.memref_squeeze %dma_wait3A_150 : memref<1x16x1152xf32, #tpu.memory_space<hbm>> -> memref<16x1152xf32, #tpu.memory_space<hbm>>
    tpu.wait_dma2 semaphore(%arg11 : memref<!tpu.dma_semaphore, #tpu.memory_space<semaphore_mem>>) src(%dma_wait3A_151 : memref<16x1152xf32, #tpu.memory_space<hbm>>) dst(%arg7 : memref<16x1152xf32, #tpu.memory_space<vmem>>)
    %dma_start3A_152 = arith.constant 5 : i32
    %dma_start3A_153 = arith.constant 0 : i32
    %dma_start3A_154 = tpu.memref_slice %arg5[%dma_start3A_152, %dma_start3A_153] : memref<8x16xi32, #tpu.memory_space<vmem>> -> memref<1x16xi32, #tpu.memory_space<vmem>>
    %dma_start3A_155 = tpu.memref_squeeze %dma_start3A_154 : memref<1x16xi32, #tpu.memory_space<vmem>> -> memref<16xi32, #tpu.memory_space<vmem>>
    %dma_start3A_156 = arith.constant 0 : i32
    %dma_start3A_157 = arith.constant 0 : i32
    %dma_start3A_158 = tpu.memref_slice %arg4[%dma_start3A_156, %dma_start3A_157] : memref<6144x1152xf32, #tpu.memory_space<hbm>> -> memref<6144x1152xf32, #tpu.memory_space<hbm>>
    tpu.enqueue_indirect_dma source(%arg7 : memref<16x1152xf32, #tpu.memory_space<vmem>>) target(%dma_start3A_158 : memref<6144x1152xf32, #tpu.memory_space<hbm>>) offsets(%dma_start3A_155 : memref<16xi32, #tpu.memory_space<vmem>>) semaphore(%arg15 : memref<!tpu.dma_semaphore, #tpu.memory_space<semaphore_mem>>)
    %dma_wait3A_159 = arith.constant 2 : i32
    %dma_wait3A_160 = arith.constant 0 : i32
    %dma_wait3A_161 = tpu.memref_slice %arg5[%dma_wait3A_159, %dma_wait3A_160] : memref<8x16xi32, #tpu.memory_space<vmem>> -> memref<1x16xi32, #tpu.memory_space<vmem>>
    %dma_wait3A_162 = tpu.memref_squeeze %dma_wait3A_161 : memref<1x16xi32, #tpu.memory_space<vmem>> -> memref<16xi32, #tpu.memory_space<vmem>>
    %dma_wait3A_163 = arith.constant 0 : i32
    %dma_wait3A_164 = arith.constant 0 : i32
    %dma_wait3A_165 = tpu.memref_slice %arg4[%dma_wait3A_163, %dma_wait3A_164] : memref<6144x1152xf32, #tpu.memory_space<hbm>> -> memref<6144x1152xf32, #tpu.memory_space<hbm>>
    tpu.wait_indirect_dma semaphore(%arg16 : memref<!tpu.dma_semaphore, #tpu.memory_space<semaphore_mem>>) src(%arg8 : memref<16x1152xf32, #tpu.memory_space<vmem>>) dst(%dma_wait3A_165 : memref<6144x1152xf32, #tpu.memory_space<hbm>>)
    %add3A_166 = arith.constant 32 : i32
    %add3A_167 = arith.addi %mul3A_2, %add3A_166 : i32
    %dma_start3A_168 = arith.constant 1 : i32
    %dma_start3A_169 = arith.constant 0 : i32
    %dma_start3A_170 = tpu.memref_slice %arg2[%dma_start3A_168, %add3A_167, %dma_start3A_169] : memref<2x2048x1152xf32, #tpu.memory_space<hbm>> -> memref<1x16x1152xf32, #tpu.memory_space<hbm>>
    %dma_start3A_171 = tpu.memref_squeeze %dma_start3A_170 : memref<1x16x1152xf32, #tpu.memory_space<hbm>> -> memref<16x1152xf32, #tpu.memory_space<hbm>>
    %dma_start3A_172 = arith.constant 0 : i32
    %dma_start3A_173 = tpu.memref_slice %arg2[%dma_start3A_168, %add3A_167, %dma_start3A_172] : memref<2x2048x1152xf32, #tpu.memory_space<hbm>> -> memref<1x16x1152xf32, #tpu.memory_space<hbm>>
    %dma_start3A_174 = tpu.memref_squeeze %dma_start3A_173 : memref<1x16x1152xf32, #tpu.memory_space<hbm>> -> memref<16x1152xf32, #tpu.memory_space<hbm>>
    tpu.enqueue_dma source(%dma_start3A_174 : memref<16x1152xf32, #tpu.memory_space<hbm>>) target(%arg8 : memref<16x1152xf32, #tpu.memory_space<vmem>>) target_semaphore(%arg12 : memref<!tpu.dma_semaphore, #tpu.memory_space<semaphore_mem>>)
    %dma_wait3A_175 = arith.constant 1 : i32
    %dma_wait3A_176 = arith.constant 0 : i32
    %dma_wait3A_177 = tpu.memref_slice %arg2[%dma_wait3A_175, %add3A_167, %dma_wait3A_176] : memref<2x2048x1152xf32, #tpu.memory_space<hbm>> -> memref<1x16x1152xf32, #tpu.memory_space<hbm>>
    %dma_wait3A_178 = tpu.memref_squeeze %dma_wait3A_177 : memref<1x16x1152xf32, #tpu.memory_space<hbm>> -> memref<16x1152xf32, #tpu.memory_space<hbm>>
    %dma_wait3A_179 = arith.constant 0 : i32
    %dma_wait3A_180 = tpu.memref_slice %arg2[%dma_wait3A_175, %add3A_167, %dma_wait3A_179] : memref<2x2048x1152xf32, #tpu.memory_space<hbm>> -> memref<1x16x1152xf32, #tpu.memory_space<hbm>>
    %dma_wait3A_181 = tpu.memref_squeeze %dma_wait3A_180 : memref<1x16x1152xf32, #tpu.memory_space<hbm>> -> memref<16x1152xf32, #tpu.memory_space<hbm>>
    tpu.wait_dma2 semaphore(%arg12 : memref<!tpu.dma_semaphore, #tpu.memory_space<semaphore_mem>>) src(%dma_wait3A_181 : memref<16x1152xf32, #tpu.memory_space<hbm>>) dst(%arg8 : memref<16x1152xf32, #tpu.memory_space<vmem>>)
    %dma_start3A_182 = arith.constant 6 : i32
    %dma_start3A_183 = arith.constant 0 : i32
    %dma_start3A_184 = tpu.memref_slice %arg5[%dma_start3A_182, %dma_start3A_183] : memref<8x16xi32, #tpu.memory_space<vmem>> -> memref<1x16xi32, #tpu.memory_space<vmem>>
    %dma_start3A_185 = tpu.memref_squeeze %dma_start3A_184 : memref<1x16xi32, #tpu.memory_space<vmem>> -> memref<16xi32, #tpu.memory_space<vmem>>
    %dma_start3A_186 = arith.constant 0 : i32
    %dma_start3A_187 = arith.constant 0 : i32
    %dma_start3A_188 = tpu.memref_slice %arg4[%dma_start3A_186, %dma_start3A_187] : memref<6144x1152xf32, #tpu.memory_space<hbm>> -> memref<6144x1152xf32, #tpu.memory_space<hbm>>
    tpu.enqueue_indirect_dma source(%arg8 : memref<16x1152xf32, #tpu.memory_space<vmem>>) target(%dma_start3A_188 : memref<6144x1152xf32, #tpu.memory_space<hbm>>) offsets(%dma_start3A_185 : memref<16xi32, #tpu.memory_space<vmem>>) semaphore(%arg16 : memref<!tpu.dma_semaphore, #tpu.memory_space<semaphore_mem>>)
    %dma_wait3A_189 = arith.constant 3 : i32
    %dma_wait3A_190 = arith.constant 0 : i32
    %dma_wait3A_191 = tpu.memref_slice %arg5[%dma_wait3A_189, %dma_wait3A_190] : memref<8x16xi32, #tpu.memory_space<vmem>> -> memref<1x16xi32, #tpu.memory_space<vmem>>
    %dma_wait3A_192 = tpu.memref_squeeze %dma_wait3A_191 : memref<1x16xi32, #tpu.memory_space<vmem>> -> memref<16xi32, #tpu.memory_space<vmem>>
    %dma_wait3A_193 = arith.constant 0 : i32
    %dma_wait3A_194 = arith.constant 0 : i32
    %dma_wait3A_195 = tpu.memref_slice %arg4[%dma_wait3A_193, %dma_wait3A_194] : memref<6144x1152xf32, #tpu.memory_space<hbm>> -> memref<6144x1152xf32, #tpu.memory_space<hbm>>
    tpu.wait_indirect_dma semaphore(%arg17 : memref<!tpu.dma_semaphore, #tpu.memory_space<semaphore_mem>>) src(%arg9 : memref<16x1152xf32, #tpu.memory_space<vmem>>) dst(%dma_wait3A_195 : memref<6144x1152xf32, #tpu.memory_space<hbm>>)
    %add3A_196 = arith.constant 48 : i32
    %add3A_197 = arith.addi %mul3A_2, %add3A_196 : i32
    %dma_start3A_198 = arith.constant 1 : i32
    %dma_start3A_199 = arith.constant 0 : i32
    %dma_start3A_200 = tpu.memref_slice %arg2[%dma_start3A_198, %add3A_197, %dma_start3A_199] : memref<2x2048x1152xf32, #tpu.memory_space<hbm>> -> memref<1x16x1152xf32, #tpu.memory_space<hbm>>
    %dma_start3A_201 = tpu.memref_squeeze %dma_start3A_200 : memref<1x16x1152xf32, #tpu.memory_space<hbm>> -> memref<16x1152xf32, #tpu.memory_space<hbm>>
    %dma_start3A_202 = arith.constant 0 : i32
    %dma_start3A_203 = tpu.memref_slice %arg2[%dma_start3A_198, %add3A_197, %dma_start3A_202] : memref<2x2048x1152xf32, #tpu.memory_space<hbm>> -> memref<1x16x1152xf32, #tpu.memory_space<hbm>>
    %dma_start3A_204 = tpu.memref_squeeze %dma_start3A_203 : memref<1x16x1152xf32, #tpu.memory_space<hbm>> -> memref<16x1152xf32, #tpu.memory_space<hbm>>
    tpu.enqueue_dma source(%dma_start3A_204 : memref<16x1152xf32, #tpu.memory_space<hbm>>) target(%arg9 : memref<16x1152xf32, #tpu.memory_space<vmem>>) target_semaphore(%arg13 : memref<!tpu.dma_semaphore, #tpu.memory_space<semaphore_mem>>)
    %dma_wait3A_205 = arith.constant 1 : i32
    %dma_wait3A_206 = arith.constant 0 : i32
    %dma_wait3A_207 = tpu.memref_slice %arg2[%dma_wait3A_205, %add3A_197, %dma_wait3A_206] : memref<2x2048x1152xf32, #tpu.memory_space<hbm>> -> memref<1x16x1152xf32, #tpu.memory_space<hbm>>
    %dma_wait3A_208 = tpu.memref_squeeze %dma_wait3A_207 : memref<1x16x1152xf32, #tpu.memory_space<hbm>> -> memref<16x1152xf32, #tpu.memory_space<hbm>>
    %dma_wait3A_209 = arith.constant 0 : i32
    %dma_wait3A_210 = tpu.memref_slice %arg2[%dma_wait3A_205, %add3A_197, %dma_wait3A_209] : memref<2x2048x1152xf32, #tpu.memory_space<hbm>> -> memref<1x16x1152xf32, #tpu.memory_space<hbm>>
    %dma_wait3A_211 = tpu.memref_squeeze %dma_wait3A_210 : memref<1x16x1152xf32, #tpu.memory_space<hbm>> -> memref<16x1152xf32, #tpu.memory_space<hbm>>
    tpu.wait_dma2 semaphore(%arg13 : memref<!tpu.dma_semaphore, #tpu.memory_space<semaphore_mem>>) src(%dma_wait3A_211 : memref<16x1152xf32, #tpu.memory_space<hbm>>) dst(%arg9 : memref<16x1152xf32, #tpu.memory_space<vmem>>)
    %dma_start3A_212 = arith.constant 7 : i32
    %dma_start3A_213 = arith.constant 0 : i32
    %dma_start3A_214 = tpu.memref_slice %arg5[%dma_start3A_212, %dma_start3A_213] : memref<8x16xi32, #tpu.memory_space<vmem>> -> memref<1x16xi32, #tpu.memory_space<vmem>>
    %dma_start3A_215 = tpu.memref_squeeze %dma_start3A_214 : memref<1x16xi32, #tpu.memory_space<vmem>> -> memref<16xi32, #tpu.memory_space<vmem>>
    %dma_start3A_216 = arith.constant 0 : i32
    %dma_start3A_217 = arith.constant 0 : i32
    %dma_start3A_218 = tpu.memref_slice %arg4[%dma_start3A_216, %dma_start3A_217] : memref<6144x1152xf32, #tpu.memory_space<hbm>> -> memref<6144x1152xf32, #tpu.memory_space<hbm>>
    tpu.enqueue_indirect_dma source(%arg9 : memref<16x1152xf32, #tpu.memory_space<vmem>>) target(%dma_start3A_218 : memref<6144x1152xf32, #tpu.memory_space<hbm>>) offsets(%dma_start3A_215 : memref<16xi32, #tpu.memory_space<vmem>>) semaphore(%arg17 : memref<!tpu.dma_semaphore, #tpu.memory_space<semaphore_mem>>)
    %dma_wait3A_219 = arith.constant 4 : i32
    %dma_wait3A_220 = arith.constant 0 : i32
    %dma_wait3A_221 = tpu.memref_slice %arg5[%dma_wait3A_219, %dma_wait3A_220] : memref<8x16xi32, #tpu.memory_space<vmem>> -> memref<1x16xi32, #tpu.memory_space<vmem>>
    %dma_wait3A_222 = tpu.memref_squeeze %dma_wait3A_221 : memref<1x16xi32, #tpu.memory_space<vmem>> -> memref<16xi32, #tpu.memory_space<vmem>>
    %dma_wait3A_223 = arith.constant 0 : i32
    %dma_wait3A_224 = arith.constant 0 : i32
    %dma_wait3A_225 = tpu.memref_slice %arg4[%dma_wait3A_223, %dma_wait3A_224] : memref<6144x1152xf32, #tpu.memory_space<hbm>> -> memref<6144x1152xf32, #tpu.memory_space<hbm>>
    tpu.wait_indirect_dma semaphore(%arg14 : memref<!tpu.dma_semaphore, #tpu.memory_space<semaphore_mem>>) src(%arg6 : memref<16x1152xf32, #tpu.memory_space<vmem>>) dst(%dma_wait3A_225 : memref<6144x1152xf32, #tpu.memory_space<hbm>>)
    %dma_wait3A_226 = arith.constant 5 : i32
    %dma_wait3A_227 = arith.constant 0 : i32
    %dma_wait3A_228 = tpu.memref_slice %arg5[%dma_wait3A_226, %dma_wait3A_227] : memref<8x16xi32, #tpu.memory_space<vmem>> -> memref<1x16xi32, #tpu.memory_space<vmem>>
    %dma_wait3A_229 = tpu.memref_squeeze %dma_wait3A_228 : memref<1x16xi32, #tpu.memory_space<vmem>> -> memref<16xi32, #tpu.memory_space<vmem>>
    %dma_wait3A_230 = arith.constant 0 : i32
    %dma_wait3A_231 = arith.constant 0 : i32
    %dma_wait3A_232 = tpu.memref_slice %arg4[%dma_wait3A_230, %dma_wait3A_231] : memref<6144x1152xf32, #tpu.memory_space<hbm>> -> memref<6144x1152xf32, #tpu.memory_space<hbm>>
    tpu.wait_indirect_dma semaphore(%arg15 : memref<!tpu.dma_semaphore, #tpu.memory_space<semaphore_mem>>) src(%arg7 : memref<16x1152xf32, #tpu.memory_space<vmem>>) dst(%dma_wait3A_232 : memref<6144x1152xf32, #tpu.memory_space<hbm>>)
    %dma_wait3A_233 = arith.constant 6 : i32
    %dma_wait3A_234 = arith.constant 0 : i32
    %dma_wait3A_235 = tpu.memref_slice %arg5[%dma_wait3A_233, %dma_wait3A_234] : memref<8x16xi32, #tpu.memory_space<vmem>> -> memref<1x16xi32, #tpu.memory_space<vmem>>
    %dma_wait3A_236 = tpu.memref_squeeze %dma_wait3A_235 : memref<1x16xi32, #tpu.memory_space<vmem>> -> memref<16xi32, #tpu.memory_space<vmem>>
    %dma_wait3A_237 = arith.constant 0 : i32
    %dma_wait3A_238 = arith.constant 0 : i32
    %dma_wait3A_239 = tpu.memref_slice %arg4[%dma_wait3A_237, %dma_wait3A_238] : memref<6144x1152xf32, #tpu.memory_space<hbm>> -> memref<6144x1152xf32, #tpu.memory_space<hbm>>
    tpu.wait_indirect_dma semaphore(%arg16 : memref<!tpu.dma_semaphore, #tpu.memory_space<semaphore_mem>>) src(%arg8 : memref<16x1152xf32, #tpu.memory_space<vmem>>) dst(%dma_wait3A_239 : memref<6144x1152xf32, #tpu.memory_space<hbm>>)
    %dma_wait3A_240 = arith.constant 7 : i32
    %dma_wait3A_241 = arith.constant 0 : i32
    %dma_wait3A_242 = tpu.memref_slice %arg5[%dma_wait3A_240, %dma_wait3A_241] : memref<8x16xi32, #tpu.memory_space<vmem>> -> memref<1x16xi32, #tpu.memory_space<vmem>>
    %dma_wait3A_243 = tpu.memref_squeeze %dma_wait3A_242 : memref<1x16xi32, #tpu.memory_space<vmem>> -> memref<16xi32, #tpu.memory_space<vmem>>
    %dma_wait3A_244 = arith.constant 0 : i32
    %dma_wait3A_245 = arith.constant 0 : i32
    %dma_wait3A_246 = tpu.memref_slice %arg4[%dma_wait3A_244, %dma_wait3A_245] : memref<6144x1152xf32, #tpu.memory_space<hbm>> -> memref<6144x1152xf32, #tpu.memory_space<hbm>>
    tpu.wait_indirect_dma semaphore(%arg17 : memref<!tpu.dma_semaphore, #tpu.memory_space<semaphore_mem>>) src(%arg9 : memref<16x1152xf32, #tpu.memory_space<vmem>>) dst(%dma_wait3A_246 : memref<6144x1152xf32, #tpu.memory_space<hbm>>)
    return
  }
}

#map = affine_map<(d0, d1) -> (0, 0)>
module attributes {stable_mosaic.version = 14 : i64} {
  func.func @_combine(%arg0: i32, %arg1: i32, %arg2: memref<6144x1024xf32, #tpu.memory_space<hbm>>, %arg3: memref<256x16xi32, #tpu.memory_space<hbm>>, %arg4: memref<2048x1024xf32, #tpu.memory_space<hbm>>, %arg5: memref<4x16xi32, #tpu.memory_space<vmem>>, %arg6: memref<4x16xi32, #tpu.memory_space<vmem>>, %arg7: memref<16x1024xf32, #tpu.memory_space<vmem>>, %arg8: memref<16x1024xf32, #tpu.memory_space<vmem>>, %arg9: memref<16x1024xf32, #tpu.memory_space<vmem>>, %arg10: memref<16x1024xf32, #tpu.memory_space<vmem>>, %arg11: memref<!tpu.dma_semaphore, #tpu.memory_space<semaphore_mem>>, %arg12: memref<!tpu.dma_semaphore, #tpu.memory_space<semaphore_mem>>, %arg13: memref<!tpu.dma_semaphore, #tpu.memory_space<semaphore_mem>>, %arg14: memref<!tpu.dma_semaphore, #tpu.memory_space<semaphore_mem>>, %arg15: memref<!tpu.dma_semaphore, #tpu.memory_space<semaphore_mem>>, %arg16: memref<!tpu.dma_semaphore, #tpu.memory_space<semaphore_mem>>) attributes {dimension_semantics = [#tpu.dimension_semantics<core_parallel>, #tpu.dimension_semantics<subcore_parallel>], iteration_bounds = array<i64: 2, 16>, scalar_prefetch = 0 : i64, scratch_operands = 12 : i64, tpu.core_type = #tpu.core_type<sc_vector_subcore>, window_params = [{transform_indices = #map}, {transform_indices = #map}, {transform_indices = #map}]} {
    %mul3A = arith.constant 2 : i32
    %mul3A_0 = arith.muli %arg1, %mul3A : i32
    %add3A = arith.addi %mul3A_0, %arg0 : i32
    %mul3A_1 = arith.constant 64 : i32
    %mul3A_2 = arith.muli %add3A, %mul3A_1 : i32
    %mul3A_3 = arith.constant 4 : i32
    %mul3A_4 = arith.muli %add3A, %mul3A_3 : i32
    "tpu.region"() ({
      %run_scoped3A = tpu.sem_alloc : memref<!tpu.dma_semaphore, #tpu.memory_space<semaphore_mem>>
      %dma_start3A_606 = arith.constant 0 : i32
      %dma_start3A_607 = tpu.memref_slice %arg3[%mul3A_4, %dma_start3A_606] : memref<256x16xi32, #tpu.memory_space<hbm>> -> memref<4x16xi32, #tpu.memory_space<hbm>>
      %dma_start3A_608 = arith.constant 0 : i32
      %dma_start3A_609 = tpu.memref_slice %arg3[%mul3A_4, %dma_start3A_608] : memref<256x16xi32, #tpu.memory_space<hbm>> -> memref<4x16xi32, #tpu.memory_space<hbm>>
      tpu.enqueue_dma source(%dma_start3A_609 : memref<4x16xi32, #tpu.memory_space<hbm>>) target(%arg5 : memref<4x16xi32, #tpu.memory_space<vmem>>) target_semaphore(%run_scoped3A : memref<!tpu.dma_semaphore, #tpu.memory_space<semaphore_mem>>)
      %dma_wait3A_610 = arith.constant 0 : i32
      %dma_wait3A_611 = tpu.memref_slice %arg3[%mul3A_4, %dma_wait3A_610] : memref<256x16xi32, #tpu.memory_space<hbm>> -> memref<4x16xi32, #tpu.memory_space<hbm>>
      %dma_wait3A_612 = arith.constant 0 : i32
      %dma_wait3A_613 = tpu.memref_slice %arg3[%mul3A_4, %dma_wait3A_612] : memref<256x16xi32, #tpu.memory_space<hbm>> -> memref<4x16xi32, #tpu.memory_space<hbm>>
      tpu.wait_dma2 semaphore(%run_scoped3A : memref<!tpu.dma_semaphore, #tpu.memory_space<semaphore_mem>>) src(%dma_wait3A_613 : memref<4x16xi32, #tpu.memory_space<hbm>>) dst(%arg5 : memref<4x16xi32, #tpu.memory_space<vmem>>)
      tpu.yield
    }) : () -> ()
    %mul3A_5 = arith.constant 4 : i32
    %mul3A_6 = arith.muli %add3A, %mul3A_5 : i32
    %add3A_7 = arith.constant 128 : i32
    %add3A_8 = arith.addi %add3A_7, %mul3A_6 : i32
    "tpu.region"() ({
      %run_scoped3A = tpu.sem_alloc : memref<!tpu.dma_semaphore, #tpu.memory_space<semaphore_mem>>
      %dma_start3A_606 = arith.constant 0 : i32
      %dma_start3A_607 = tpu.memref_slice %arg3[%add3A_8, %dma_start3A_606] : memref<256x16xi32, #tpu.memory_space<hbm>> -> memref<4x16xi32, #tpu.memory_space<hbm>>
      %dma_start3A_608 = arith.constant 0 : i32
      %dma_start3A_609 = tpu.memref_slice %arg3[%add3A_8, %dma_start3A_608] : memref<256x16xi32, #tpu.memory_space<hbm>> -> memref<4x16xi32, #tpu.memory_space<hbm>>
      tpu.enqueue_dma source(%dma_start3A_609 : memref<4x16xi32, #tpu.memory_space<hbm>>) target(%arg6 : memref<4x16xi32, #tpu.memory_space<vmem>>) target_semaphore(%run_scoped3A : memref<!tpu.dma_semaphore, #tpu.memory_space<semaphore_mem>>)
      %dma_wait3A_610 = arith.constant 0 : i32
      %dma_wait3A_611 = tpu.memref_slice %arg3[%add3A_8, %dma_wait3A_610] : memref<256x16xi32, #tpu.memory_space<hbm>> -> memref<4x16xi32, #tpu.memory_space<hbm>>
      %dma_wait3A_612 = arith.constant 0 : i32
      %dma_wait3A_613 = tpu.memref_slice %arg3[%add3A_8, %dma_wait3A_612] : memref<256x16xi32, #tpu.memory_space<hbm>> -> memref<4x16xi32, #tpu.memory_space<hbm>>
      tpu.wait_dma2 semaphore(%run_scoped3A : memref<!tpu.dma_semaphore, #tpu.memory_space<semaphore_mem>>) src(%dma_wait3A_613 : memref<4x16xi32, #tpu.memory_space<hbm>>) dst(%arg6 : memref<4x16xi32, #tpu.memory_space<vmem>>)
      tpu.yield
    }) : () -> ()
    %dma_start3A = arith.constant 0 : i32
    %dma_start3A_9 = arith.constant 0 : i32
    %dma_start3A_10 = tpu.memref_slice %arg5[%dma_start3A, %dma_start3A_9] : memref<4x16xi32, #tpu.memory_space<vmem>> -> memref<1x16xi32, #tpu.memory_space<vmem>>
    %dma_start3A_11 = tpu.memref_squeeze %dma_start3A_10 : memref<1x16xi32, #tpu.memory_space<vmem>> -> memref<16xi32, #tpu.memory_space<vmem>>
    %dma_start3A_12 = arith.constant 0 : i32
    %dma_start3A_13 = arith.constant 0 : i32
    %dma_start3A_14 = tpu.memref_slice %arg2[%dma_start3A_12, %dma_start3A_13] : memref<6144x1024xf32, #tpu.memory_space<hbm>> -> memref<6144x1024xf32, #tpu.memory_space<hbm>>
    tpu.enqueue_indirect_dma source(%dma_start3A_14 : memref<6144x1024xf32, #tpu.memory_space<hbm>>) target(%arg7 : memref<16x1024xf32, #tpu.memory_space<vmem>>) offsets(%dma_start3A_11 : memref<16xi32, #tpu.memory_space<vmem>>) semaphore(%arg11 : memref<!tpu.dma_semaphore, #tpu.memory_space<semaphore_mem>>)
    %dma_start3A_15 = arith.constant 0 : i32
    %dma_start3A_16 = arith.constant 0 : i32
    %dma_start3A_17 = tpu.memref_slice %arg6[%dma_start3A_15, %dma_start3A_16] : memref<4x16xi32, #tpu.memory_space<vmem>> -> memref<1x16xi32, #tpu.memory_space<vmem>>
    %dma_start3A_18 = tpu.memref_squeeze %dma_start3A_17 : memref<1x16xi32, #tpu.memory_space<vmem>> -> memref<16xi32, #tpu.memory_space<vmem>>
    %dma_start3A_19 = arith.constant 0 : i32
    %dma_start3A_20 = arith.constant 0 : i32
    %dma_start3A_21 = tpu.memref_slice %arg2[%dma_start3A_19, %dma_start3A_20] : memref<6144x1024xf32, #tpu.memory_space<hbm>> -> memref<6144x1024xf32, #tpu.memory_space<hbm>>
    tpu.enqueue_indirect_dma source(%dma_start3A_21 : memref<6144x1024xf32, #tpu.memory_space<hbm>>) target(%arg9 : memref<16x1024xf32, #tpu.memory_space<vmem>>) offsets(%dma_start3A_18 : memref<16xi32, #tpu.memory_space<vmem>>) semaphore(%arg13 : memref<!tpu.dma_semaphore, #tpu.memory_space<semaphore_mem>>)
    %dma_start3A_22 = arith.constant 1 : i32
    %dma_start3A_23 = arith.constant 0 : i32
    %dma_start3A_24 = tpu.memref_slice %arg5[%dma_start3A_22, %dma_start3A_23] : memref<4x16xi32, #tpu.memory_space<vmem>> -> memref<1x16xi32, #tpu.memory_space<vmem>>
    %dma_start3A_25 = tpu.memref_squeeze %dma_start3A_24 : memref<1x16xi32, #tpu.memory_space<vmem>> -> memref<16xi32, #tpu.memory_space<vmem>>
    %dma_start3A_26 = arith.constant 0 : i32
    %dma_start3A_27 = arith.constant 0 : i32
    %dma_start3A_28 = tpu.memref_slice %arg2[%dma_start3A_26, %dma_start3A_27] : memref<6144x1024xf32, #tpu.memory_space<hbm>> -> memref<6144x1024xf32, #tpu.memory_space<hbm>>
    tpu.enqueue_indirect_dma source(%dma_start3A_28 : memref<6144x1024xf32, #tpu.memory_space<hbm>>) target(%arg8 : memref<16x1024xf32, #tpu.memory_space<vmem>>) offsets(%dma_start3A_25 : memref<16xi32, #tpu.memory_space<vmem>>) semaphore(%arg12 : memref<!tpu.dma_semaphore, #tpu.memory_space<semaphore_mem>>)
    %dma_start3A_29 = arith.constant 1 : i32
    %dma_start3A_30 = arith.constant 0 : i32
    %dma_start3A_31 = tpu.memref_slice %arg6[%dma_start3A_29, %dma_start3A_30] : memref<4x16xi32, #tpu.memory_space<vmem>> -> memref<1x16xi32, #tpu.memory_space<vmem>>
    %dma_start3A_32 = tpu.memref_squeeze %dma_start3A_31 : memref<1x16xi32, #tpu.memory_space<vmem>> -> memref<16xi32, #tpu.memory_space<vmem>>
    %dma_start3A_33 = arith.constant 0 : i32
    %dma_start3A_34 = arith.constant 0 : i32
    %dma_start3A_35 = tpu.memref_slice %arg2[%dma_start3A_33, %dma_start3A_34] : memref<6144x1024xf32, #tpu.memory_space<hbm>> -> memref<6144x1024xf32, #tpu.memory_space<hbm>>
    tpu.enqueue_indirect_dma source(%dma_start3A_35 : memref<6144x1024xf32, #tpu.memory_space<hbm>>) target(%arg10 : memref<16x1024xf32, #tpu.memory_space<vmem>>) offsets(%dma_start3A_32 : memref<16xi32, #tpu.memory_space<vmem>>) semaphore(%arg14 : memref<!tpu.dma_semaphore, #tpu.memory_space<semaphore_mem>>)
    %dma_wait3A = arith.constant 0 : i32
    %dma_wait3A_36 = arith.constant 0 : i32
    %dma_wait3A_37 = tpu.memref_slice %arg5[%dma_wait3A, %dma_wait3A_36] : memref<4x16xi32, #tpu.memory_space<vmem>> -> memref<1x16xi32, #tpu.memory_space<vmem>>
    %dma_wait3A_38 = tpu.memref_squeeze %dma_wait3A_37 : memref<1x16xi32, #tpu.memory_space<vmem>> -> memref<16xi32, #tpu.memory_space<vmem>>
    %dma_wait3A_39 = arith.constant 0 : i32
    %dma_wait3A_40 = arith.constant 0 : i32
    %dma_wait3A_41 = tpu.memref_slice %arg2[%dma_wait3A_39, %dma_wait3A_40] : memref<6144x1024xf32, #tpu.memory_space<hbm>> -> memref<6144x1024xf32, #tpu.memory_space<hbm>>
    tpu.wait_indirect_dma semaphore(%arg11 : memref<!tpu.dma_semaphore, #tpu.memory_space<semaphore_mem>>) src(%dma_wait3A_41 : memref<6144x1024xf32, #tpu.memory_space<hbm>>) dst(%arg7 : memref<16x1024xf32, #tpu.memory_space<vmem>>)
    %dma_wait3A_42 = arith.constant 0 : i32
    %dma_wait3A_43 = arith.constant 0 : i32
    %dma_wait3A_44 = tpu.memref_slice %arg6[%dma_wait3A_42, %dma_wait3A_43] : memref<4x16xi32, #tpu.memory_space<vmem>> -> memref<1x16xi32, #tpu.memory_space<vmem>>
    %dma_wait3A_45 = tpu.memref_squeeze %dma_wait3A_44 : memref<1x16xi32, #tpu.memory_space<vmem>> -> memref<16xi32, #tpu.memory_space<vmem>>
    %dma_wait3A_46 = arith.constant 0 : i32
    %dma_wait3A_47 = arith.constant 0 : i32
    %dma_wait3A_48 = tpu.memref_slice %arg2[%dma_wait3A_46, %dma_wait3A_47] : memref<6144x1024xf32, #tpu.memory_space<hbm>> -> memref<6144x1024xf32, #tpu.memory_space<hbm>>
    tpu.wait_indirect_dma semaphore(%arg13 : memref<!tpu.dma_semaphore, #tpu.memory_space<semaphore_mem>>) src(%dma_wait3A_48 : memref<6144x1024xf32, #tpu.memory_space<hbm>>) dst(%arg9 : memref<16x1024xf32, #tpu.memory_space<vmem>>)
    %scan3A = arith.constant 0 : i32
    %scan3A_49 = arith.constant 0 : i32
    %scan3A_50 = arith.constant 64 : i32
    %scan3A_51 = arith.addi %scan3A_49, %scan3A_50 : i32
    %scan3A_52 = arith.constant 2 : i32
    %scan3A_53 = scf.for %scan3A_606 = %scan3A_49 to %scan3A_51 step %scan3A_52 iter_args(%scan3A_607 = %scan3A) -> (i32)  : i32 {
      %mul3A_608 = arith.constant 16 : i32
      %mul3A_609 = arith.muli %scan3A_606, %mul3A_608 : i32
      %get3A = arith.constant 0 : i32
      %get3A_610 = arith.index_cast %get3A : i32 to index
      %get3A_611 = arith.index_cast %mul3A_609 : i32 to index
      %get3A_612 = tpu.vector_load %arg7[%get3A_610, %get3A_611] {strides = array<i32>} : memref<16x1024xf32, #tpu.memory_space<vmem>>, vector<1x16xf32>,
      %get3A_613 = vector.shape_cast %get3A_612 : vector<1x16xf32> to vector<16xf32>
      %get3A_614 = arith.constant 0 : i32
      %get3A_615 = arith.index_cast %get3A_614 : i32 to index
      %get3A_616 = arith.index_cast %mul3A_609 : i32 to index
      %get3A_617 = tpu.vector_load %arg9[%get3A_615, %get3A_616] {strides = array<i32>} : memref<16x1024xf32, #tpu.memory_space<vmem>>, vector<1x16xf32>,
      %get3A_618 = vector.shape_cast %get3A_617 : vector<1x16xf32> to vector<16xf32>
      %add3A_619 = arith.addf %get3A_613, %get3A_618 : vector<16xf32>
      %swap3A = arith.constant 0 : i32
      %swap3A_620 = arith.index_cast %swap3A : i32 to index
      %swap3A_621 = arith.index_cast %mul3A_609 : i32 to index
      %swap3A_622 = tpu.vector_load %arg7[%swap3A_620, %swap3A_621] {strides = array<i32>} : memref<16x1024xf32, #tpu.memory_space<vmem>>, vector<1x16xf32>,
      %swap3A_623 = vector.shape_cast %swap3A_622 : vector<1x16xf32> to vector<16xf32>
      %swap3A_624 = vector.shape_cast %add3A_619 : vector<16xf32> to vector<1x16xf32>
      tpu.vector_store %arg7[%swap3A_620, %swap3A_621], %swap3A_624 {strides = array<i32>} : memref<16x1024xf32, #tpu.memory_space<vmem>>, vector<1x16xf32>,
      %scan3A_625 = arith.constant 0 : i32
      %scan3A_626 = arith.constant 1 : i32
      %scan3A_627 = arith.addi %scan3A_606, %scan3A_626 : i32
      %mul3A_628 = arith.constant 16 : i32
      %mul3A_629 = arith.muli %scan3A_627, %mul3A_628 : i32
      %get3A_630 = arith.constant 0 : i32
      %get3A_631 = arith.index_cast %get3A_630 : i32 to index
      %get3A_632 = arith.index_cast %mul3A_629 : i32 to index
      %get3A_633 = tpu.vector_load %arg7[%get3A_631, %get3A_632] {strides = array<i32>} : memref<16x1024xf32, #tpu.memory_space<vmem>>, vector<1x16xf32>,
      %get3A_634 = vector.shape_cast %get3A_633 : vector<1x16xf32> to vector<16xf32>
      %get3A_635 = arith.constant 0 : i32
      %get3A_636 = arith.index_cast %get3A_635 : i32 to index
      %get3A_637 = arith.index_cast %mul3A_629 : i32 to index
      %get3A_638 = tpu.vector_load %arg9[%get3A_636, %get3A_637] {strides = array<i32>} : memref<16x1024xf32, #tpu.memory_space<vmem>>, vector<1x16xf32>,
      %get3A_639 = vector.shape_cast %get3A_638 : vector<1x16xf32> to vector<16xf32>
      %add3A_640 = arith.addf %get3A_634, %get3A_639 : vector<16xf32>
      %swap3A_641 = arith.constant 0 : i32
      %swap3A_642 = arith.index_cast %swap3A_641 : i32 to index
      %swap3A_643 = arith.index_cast %mul3A_629 : i32 to index
      %swap3A_644 = tpu.vector_load %arg7[%swap3A_642, %swap3A_643] {strides = array<i32>} : memref<16x1024xf32, #tpu.memory_space<vmem>>, vector<1x16xf32>,
      %swap3A_645 = vector.shape_cast %swap3A_644 : vector<1x16xf32> to vector<16xf32>
      %swap3A_646 = vector.shape_cast %add3A_640 : vector<16xf32> to vector<1x16xf32>
      tpu.vector_store %arg7[%swap3A_642, %swap3A_643], %swap3A_646 {strides = array<i32>} : memref<16x1024xf32, #tpu.memory_space<vmem>>, vector<1x16xf32>,
      %scan3A_647 = arith.constant 0 : i32
      scf.yield %scan3A_647 : i32
    }
    %scan3A_54 = arith.constant 64 : i32
    %scan3A_55 = arith.constant 0 : i32
    %scan3A_56 = arith.constant 0 : i32
    %scan3A_57 = arith.constant 64 : i32
    %scan3A_58 = arith.addi %scan3A_56, %scan3A_57 : i32
    %scan3A_59 = arith.constant 2 : i32
    %scan3A_60 = scf.for %scan3A_606 = %scan3A_56 to %scan3A_58 step %scan3A_59 iter_args(%scan3A_607 = %scan3A_55) -> (i32)  : i32 {
      %mul3A_608 = arith.constant 16 : i32
      %mul3A_609 = arith.muli %scan3A_606, %mul3A_608 : i32
      %get3A = arith.constant 1 : i32
      %get3A_610 = arith.index_cast %get3A : i32 to index
      %get3A_611 = arith.index_cast %mul3A_609 : i32 to index
      %get3A_612 = tpu.vector_load %arg7[%get3A_610, %get3A_611] {strides = array<i32>} : memref<16x1024xf32, #tpu.memory_space<vmem>>, vector<1x16xf32>,
      %get3A_613 = vector.shape_cast %get3A_612 : vector<1x16xf32> to vector<16xf32>
      %get3A_614 = arith.constant 1 : i32
      %get3A_615 = arith.index_cast %get3A_614 : i32 to index
      %get3A_616 = arith.index_cast %mul3A_609 : i32 to index
      %get3A_617 = tpu.vector_load %arg9[%get3A_615, %get3A_616] {strides = array<i32>} : memref<16x1024xf32, #tpu.memory_space<vmem>>, vector<1x16xf32>,
      %get3A_618 = vector.shape_cast %get3A_617 : vector<1x16xf32> to vector<16xf32>
      %add3A_619 = arith.addf %get3A_613, %get3A_618 : vector<16xf32>
      %swap3A = arith.constant 1 : i32
      %swap3A_620 = arith.index_cast %swap3A : i32 to index
      %swap3A_621 = arith.index_cast %mul3A_609 : i32 to index
      %swap3A_622 = tpu.vector_load %arg7[%swap3A_620, %swap3A_621] {strides = array<i32>} : memref<16x1024xf32, #tpu.memory_space<vmem>>, vector<1x16xf32>,
      %swap3A_623 = vector.shape_cast %swap3A_622 : vector<1x16xf32> to vector<16xf32>
      %swap3A_624 = vector.shape_cast %add3A_619 : vector<16xf32> to vector<1x16xf32>
      tpu.vector_store %arg7[%swap3A_620, %swap3A_621], %swap3A_624 {strides = array<i32>} : memref<16x1024xf32, #tpu.memory_space<vmem>>, vector<1x16xf32>,
      %scan3A_625 = arith.constant 0 : i32
      %scan3A_626 = arith.constant 1 : i32
      %scan3A_627 = arith.addi %scan3A_606, %scan3A_626 : i32
      %mul3A_628 = arith.constant 16 : i32
      %mul3A_629 = arith.muli %scan3A_627, %mul3A_628 : i32
      %get3A_630 = arith.constant 1 : i32
      %get3A_631 = arith.index_cast %get3A_630 : i32 to index
      %get3A_632 = arith.index_cast %mul3A_629 : i32 to index
      %get3A_633 = tpu.vector_load %arg7[%get3A_631, %get3A_632] {strides = array<i32>} : memref<16x1024xf32, #tpu.memory_space<vmem>>, vector<1x16xf32>,
      %get3A_634 = vector.shape_cast %get3A_633 : vector<1x16xf32> to vector<16xf32>
      %get3A_635 = arith.constant 1 : i32
      %get3A_636 = arith.index_cast %get3A_635 : i32 to index
      %get3A_637 = arith.index_cast %mul3A_629 : i32 to index
      %get3A_638 = tpu.vector_load %arg9[%get3A_636, %get3A_637] {strides = array<i32>} : memref<16x1024xf32, #tpu.memory_space<vmem>>, vector<1x16xf32>,
      %get3A_639 = vector.shape_cast %get3A_638 : vector<1x16xf32> to vector<16xf32>
      %add3A_640 = arith.addf %get3A_634, %get3A_639 : vector<16xf32>
      %swap3A_641 = arith.constant 1 : i32
      %swap3A_642 = arith.index_cast %swap3A_641 : i32 to index
      %swap3A_643 = arith.index_cast %mul3A_629 : i32 to index
      %swap3A_644 = tpu.vector_load %arg7[%swap3A_642, %swap3A_643] {strides = array<i32>} : memref<16x1024xf32, #tpu.memory_space<vmem>>, vector<1x16xf32>,
      %swap3A_645 = vector.shape_cast %swap3A_644 : vector<1x16xf32> to vector<16xf32>
      %swap3A_646 = vector.shape_cast %add3A_640 : vector<16xf32> to vector<1x16xf32>
      tpu.vector_store %arg7[%swap3A_642, %swap3A_643], %swap3A_646 {strides = array<i32>} : memref<16x1024xf32, #tpu.memory_space<vmem>>, vector<1x16xf32>,
      %scan3A_647 = arith.constant 0 : i32
      scf.yield %scan3A_647 : i32
    }
    %scan3A_61 = arith.constant 64 : i32
    %scan3A_62 = arith.constant 0 : i32
    %scan3A_63 = arith.constant 0 : i32
    %scan3A_64 = arith.constant 64 : i32
    %scan3A_65 = arith.addi %scan3A_63, %scan3A_64 : i32
    %scan3A_66 = arith.constant 2 : i32
    %scan3A_67 = scf.for %scan3A_606 = %scan3A_63 to %scan3A_65 step %scan3A_66 iter_args(%scan3A_607 = %scan3A_62) -> (i32)  : i32 {
      %mul3A_608 = arith.constant 16 : i32
      %mul3A_609 = arith.muli %scan3A_606, %mul3A_608 : i32
      %get3A = arith.constant 2 : i32
      %get3A_610 = arith.index_cast %get3A : i32 to index
      %get3A_611 = arith.index_cast %mul3A_609 : i32 to index
      %get3A_612 = tpu.vector_load %arg7[%get3A_610, %get3A_611] {strides = array<i32>} : memref<16x1024xf32, #tpu.memory_space<vmem>>, vector<1x16xf32>,
      %get3A_613 = vector.shape_cast %get3A_612 : vector<1x16xf32> to vector<16xf32>
      %get3A_614 = arith.constant 2 : i32
      %get3A_615 = arith.index_cast %get3A_614 : i32 to index
      %get3A_616 = arith.index_cast %mul3A_609 : i32 to index
      %get3A_617 = tpu.vector_load %arg9[%get3A_615, %get3A_616] {strides = array<i32>} : memref<16x1024xf32, #tpu.memory_space<vmem>>, vector<1x16xf32>,
      %get3A_618 = vector.shape_cast %get3A_617 : vector<1x16xf32> to vector<16xf32>
      %add3A_619 = arith.addf %get3A_613, %get3A_618 : vector<16xf32>
      %swap3A = arith.constant 2 : i32
      %swap3A_620 = arith.index_cast %swap3A : i32 to index
      %swap3A_621 = arith.index_cast %mul3A_609 : i32 to index
      %swap3A_622 = tpu.vector_load %arg7[%swap3A_620, %swap3A_621] {strides = array<i32>} : memref<16x1024xf32, #tpu.memory_space<vmem>>, vector<1x16xf32>,
      %swap3A_623 = vector.shape_cast %swap3A_622 : vector<1x16xf32> to vector<16xf32>
      %swap3A_624 = vector.shape_cast %add3A_619 : vector<16xf32> to vector<1x16xf32>
      tpu.vector_store %arg7[%swap3A_620, %swap3A_621], %swap3A_624 {strides = array<i32>} : memref<16x1024xf32, #tpu.memory_space<vmem>>, vector<1x16xf32>,
      %scan3A_625 = arith.constant 0 : i32
      %scan3A_626 = arith.constant 1 : i32
      %scan3A_627 = arith.addi %scan3A_606, %scan3A_626 : i32
      %mul3A_628 = arith.constant 16 : i32
      %mul3A_629 = arith.muli %scan3A_627, %mul3A_628 : i32
      %get3A_630 = arith.constant 2 : i32
      %get3A_631 = arith.index_cast %get3A_630 : i32 to index
      %get3A_632 = arith.index_cast %mul3A_629 : i32 to index
      %get3A_633 = tpu.vector_load %arg7[%get3A_631, %get3A_632] {strides = array<i32>} : memref<16x1024xf32, #tpu.memory_space<vmem>>, vector<1x16xf32>,
      %get3A_634 = vector.shape_cast %get3A_633 : vector<1x16xf32> to vector<16xf32>
      %get3A_635 = arith.constant 2 : i32
      %get3A_636 = arith.index_cast %get3A_635 : i32 to index
      %get3A_637 = arith.index_cast %mul3A_629 : i32 to index
      %get3A_638 = tpu.vector_load %arg9[%get3A_636, %get3A_637] {strides = array<i32>} : memref<16x1024xf32, #tpu.memory_space<vmem>>, vector<1x16xf32>,
      %get3A_639 = vector.shape_cast %get3A_638 : vector<1x16xf32> to vector<16xf32>
      %add3A_640 = arith.addf %get3A_634, %get3A_639 : vector<16xf32>
      %swap3A_641 = arith.constant 2 : i32
      %swap3A_642 = arith.index_cast %swap3A_641 : i32 to index
      %swap3A_643 = arith.index_cast %mul3A_629 : i32 to index
      %swap3A_644 = tpu.vector_load %arg7[%swap3A_642, %swap3A_643] {strides = array<i32>} : memref<16x1024xf32, #tpu.memory_space<vmem>>, vector<1x16xf32>,
      %swap3A_645 = vector.shape_cast %swap3A_644 : vector<1x16xf32> to vector<16xf32>
      %swap3A_646 = vector.shape_cast %add3A_640 : vector<16xf32> to vector<1x16xf32>
      tpu.vector_store %arg7[%swap3A_642, %swap3A_643], %swap3A_646 {strides = array<i32>} : memref<16x1024xf32, #tpu.memory_space<vmem>>, vector<1x16xf32>,
      %scan3A_647 = arith.constant 0 : i32
      scf.yield %scan3A_647 : i32
    }
    %scan3A_68 = arith.constant 64 : i32
    %scan3A_69 = arith.constant 0 : i32
    %scan3A_70 = arith.constant 0 : i32
    %scan3A_71 = arith.constant 64 : i32
    %scan3A_72 = arith.addi %scan3A_70, %scan3A_71 : i32
    %scan3A_73 = arith.constant 2 : i32
    %scan3A_74 = scf.for %scan3A_606 = %scan3A_70 to %scan3A_72 step %scan3A_73 iter_args(%scan3A_607 = %scan3A_69) -> (i32)  : i32 {
      %mul3A_608 = arith.constant 16 : i32
      %mul3A_609 = arith.muli %scan3A_606, %mul3A_608 : i32
      %get3A = arith.constant 3 : i32
      %get3A_610 = arith.index_cast %get3A : i32 to index
      %get3A_611 = arith.index_cast %mul3A_609 : i32 to index
      %get3A_612 = tpu.vector_load %arg7[%get3A_610, %get3A_611] {strides = array<i32>} : memref<16x1024xf32, #tpu.memory_space<vmem>>, vector<1x16xf32>,
      %get3A_613 = vector.shape_cast %get3A_612 : vector<1x16xf32> to vector<16xf32>
      %get3A_614 = arith.constant 3 : i32
      %get3A_615 = arith.index_cast %get3A_614 : i32 to index
      %get3A_616 = arith.index_cast %mul3A_609 : i32 to index
      %get3A_617 = tpu.vector_load %arg9[%get3A_615, %get3A_616] {strides = array<i32>} : memref<16x1024xf32, #tpu.memory_space<vmem>>, vector<1x16xf32>,
      %get3A_618 = vector.shape_cast %get3A_617 : vector<1x16xf32> to vector<16xf32>
      %add3A_619 = arith.addf %get3A_613, %get3A_618 : vector<16xf32>
      %swap3A = arith.constant 3 : i32
      %swap3A_620 = arith.index_cast %swap3A : i32 to index
      %swap3A_621 = arith.index_cast %mul3A_609 : i32 to index
      %swap3A_622 = tpu.vector_load %arg7[%swap3A_620, %swap3A_621] {strides = array<i32>} : memref<16x1024xf32, #tpu.memory_space<vmem>>, vector<1x16xf32>,
      %swap3A_623 = vector.shape_cast %swap3A_622 : vector<1x16xf32> to vector<16xf32>
      %swap3A_624 = vector.shape_cast %add3A_619 : vector<16xf32> to vector<1x16xf32>
      tpu.vector_store %arg7[%swap3A_620, %swap3A_621], %swap3A_624 {strides = array<i32>} : memref<16x1024xf32, #tpu.memory_space<vmem>>, vector<1x16xf32>,
      %scan3A_625 = arith.constant 0 : i32
      %scan3A_626 = arith.constant 1 : i32
      %scan3A_627 = arith.addi %scan3A_606, %scan3A_626 : i32
      %mul3A_628 = arith.constant 16 : i32
      %mul3A_629 = arith.muli %scan3A_627, %mul3A_628 : i32
      %get3A_630 = arith.constant 3 : i32
      %get3A_631 = arith.index_cast %get3A_630 : i32 to index
      %get3A_632 = arith.index_cast %mul3A_629 : i32 to index
      %get3A_633 = tpu.vector_load %arg7[%get3A_631, %get3A_632] {strides = array<i32>} : memref<16x1024xf32, #tpu.memory_space<vmem>>, vector<1x16xf32>,
      %get3A_634 = vector.shape_cast %get3A_633 : vector<1x16xf32> to vector<16xf32>
      %get3A_635 = arith.constant 3 : i32
      %get3A_636 = arith.index_cast %get3A_635 : i32 to index
      %get3A_637 = arith.index_cast %mul3A_629 : i32 to index
      %get3A_638 = tpu.vector_load %arg9[%get3A_636, %get3A_637] {strides = array<i32>} : memref<16x1024xf32, #tpu.memory_space<vmem>>, vector<1x16xf32>,
      %get3A_639 = vector.shape_cast %get3A_638 : vector<1x16xf32> to vector<16xf32>
      %add3A_640 = arith.addf %get3A_634, %get3A_639 : vector<16xf32>
      %swap3A_641 = arith.constant 3 : i32
      %swap3A_642 = arith.index_cast %swap3A_641 : i32 to index
      %swap3A_643 = arith.index_cast %mul3A_629 : i32 to index
      %swap3A_644 = tpu.vector_load %arg7[%swap3A_642, %swap3A_643] {strides = array<i32>} : memref<16x1024xf32, #tpu.memory_space<vmem>>, vector<1x16xf32>,
      %swap3A_645 = vector.shape_cast %swap3A_644 : vector<1x16xf32> to vector<16xf32>
      %swap3A_646 = vector.shape_cast %add3A_640 : vector<16xf32> to vector<1x16xf32>
      tpu.vector_store %arg7[%swap3A_642, %swap3A_643], %swap3A_646 {strides = array<i32>} : memref<16x1024xf32, #tpu.memory_space<vmem>>, vector<1x16xf32>,
      %scan3A_647 = arith.constant 0 : i32
      scf.yield %scan3A_647 : i32
    }
    %scan3A_75 = arith.constant 64 : i32
    %scan3A_76 = arith.constant 0 : i32
    %scan3A_77 = arith.constant 0 : i32
    %scan3A_78 = arith.constant 64 : i32
    %scan3A_79 = arith.addi %scan3A_77, %scan3A_78 : i32
    %scan3A_80 = arith.constant 2 : i32
    %scan3A_81 = scf.for %scan3A_606 = %scan3A_77 to %scan3A_79 step %scan3A_80 iter_args(%scan3A_607 = %scan3A_76) -> (i32)  : i32 {
      %mul3A_608 = arith.constant 16 : i32
      %mul3A_609 = arith.muli %scan3A_606, %mul3A_608 : i32
      %get3A = arith.constant 4 : i32
      %get3A_610 = arith.index_cast %get3A : i32 to index
      %get3A_611 = arith.index_cast %mul3A_609 : i32 to index
      %get3A_612 = tpu.vector_load %arg7[%get3A_610, %get3A_611] {strides = array<i32>} : memref<16x1024xf32, #tpu.memory_space<vmem>>, vector<1x16xf32>,
      %get3A_613 = vector.shape_cast %get3A_612 : vector<1x16xf32> to vector<16xf32>
      %get3A_614 = arith.constant 4 : i32
      %get3A_615 = arith.index_cast %get3A_614 : i32 to index
      %get3A_616 = arith.index_cast %mul3A_609 : i32 to index
      %get3A_617 = tpu.vector_load %arg9[%get3A_615, %get3A_616] {strides = array<i32>} : memref<16x1024xf32, #tpu.memory_space<vmem>>, vector<1x16xf32>,
      %get3A_618 = vector.shape_cast %get3A_617 : vector<1x16xf32> to vector<16xf32>
      %add3A_619 = arith.addf %get3A_613, %get3A_618 : vector<16xf32>
      %swap3A = arith.constant 4 : i32
      %swap3A_620 = arith.index_cast %swap3A : i32 to index
      %swap3A_621 = arith.index_cast %mul3A_609 : i32 to index
      %swap3A_622 = tpu.vector_load %arg7[%swap3A_620, %swap3A_621] {strides = array<i32>} : memref<16x1024xf32, #tpu.memory_space<vmem>>, vector<1x16xf32>,
      %swap3A_623 = vector.shape_cast %swap3A_622 : vector<1x16xf32> to vector<16xf32>
      %swap3A_624 = vector.shape_cast %add3A_619 : vector<16xf32> to vector<1x16xf32>
      tpu.vector_store %arg7[%swap3A_620, %swap3A_621], %swap3A_624 {strides = array<i32>} : memref<16x1024xf32, #tpu.memory_space<vmem>>, vector<1x16xf32>,
      %scan3A_625 = arith.constant 0 : i32
      %scan3A_626 = arith.constant 1 : i32
      %scan3A_627 = arith.addi %scan3A_606, %scan3A_626 : i32
      %mul3A_628 = arith.constant 16 : i32
      %mul3A_629 = arith.muli %scan3A_627, %mul3A_628 : i32
      %get3A_630 = arith.constant 4 : i32
      %get3A_631 = arith.index_cast %get3A_630 : i32 to index
      %get3A_632 = arith.index_cast %mul3A_629 : i32 to index
      %get3A_633 = tpu.vector_load %arg7[%get3A_631, %get3A_632] {strides = array<i32>} : memref<16x1024xf32, #tpu.memory_space<vmem>>, vector<1x16xf32>,
      %get3A_634 = vector.shape_cast %get3A_633 : vector<1x16xf32> to vector<16xf32>
      %get3A_635 = arith.constant 4 : i32
      %get3A_636 = arith.index_cast %get3A_635 : i32 to index
      %get3A_637 = arith.index_cast %mul3A_629 : i32 to index
      %get3A_638 = tpu.vector_load %arg9[%get3A_636, %get3A_637] {strides = array<i32>} : memref<16x1024xf32, #tpu.memory_space<vmem>>, vector<1x16xf32>,
      %get3A_639 = vector.shape_cast %get3A_638 : vector<1x16xf32> to vector<16xf32>
      %add3A_640 = arith.addf %get3A_634, %get3A_639 : vector<16xf32>
      %swap3A_641 = arith.constant 4 : i32
      %swap3A_642 = arith.index_cast %swap3A_641 : i32 to index
      %swap3A_643 = arith.index_cast %mul3A_629 : i32 to index
      %swap3A_644 = tpu.vector_load %arg7[%swap3A_642, %swap3A_643] {strides = array<i32>} : memref<16x1024xf32, #tpu.memory_space<vmem>>, vector<1x16xf32>,
      %swap3A_645 = vector.shape_cast %swap3A_644 : vector<1x16xf32> to vector<16xf32>
      %swap3A_646 = vector.shape_cast %add3A_640 : vector<16xf32> to vector<1x16xf32>
      tpu.vector_store %arg7[%swap3A_642, %swap3A_643], %swap3A_646 {strides = array<i32>} : memref<16x1024xf32, #tpu.memory_space<vmem>>, vector<1x16xf32>,
      %scan3A_647 = arith.constant 0 : i32
      scf.yield %scan3A_647 : i32
    }
    %scan3A_82 = arith.constant 64 : i32
    %scan3A_83 = arith.constant 0 : i32
    %scan3A_84 = arith.constant 0 : i32
    %scan3A_85 = arith.constant 64 : i32
    %scan3A_86 = arith.addi %scan3A_84, %scan3A_85 : i32
    %scan3A_87 = arith.constant 2 : i32
    %scan3A_88 = scf.for %scan3A_606 = %scan3A_84 to %scan3A_86 step %scan3A_87 iter_args(%scan3A_607 = %scan3A_83) -> (i32)  : i32 {
      %mul3A_608 = arith.constant 16 : i32
      %mul3A_609 = arith.muli %scan3A_606, %mul3A_608 : i32
      %get3A = arith.constant 5 : i32
      %get3A_610 = arith.index_cast %get3A : i32 to index
      %get3A_611 = arith.index_cast %mul3A_609 : i32 to index
      %get3A_612 = tpu.vector_load %arg7[%get3A_610, %get3A_611] {strides = array<i32>} : memref<16x1024xf32, #tpu.memory_space<vmem>>, vector<1x16xf32>,
      %get3A_613 = vector.shape_cast %get3A_612 : vector<1x16xf32> to vector<16xf32>
      %get3A_614 = arith.constant 5 : i32
      %get3A_615 = arith.index_cast %get3A_614 : i32 to index
      %get3A_616 = arith.index_cast %mul3A_609 : i32 to index
      %get3A_617 = tpu.vector_load %arg9[%get3A_615, %get3A_616] {strides = array<i32>} : memref<16x1024xf32, #tpu.memory_space<vmem>>, vector<1x16xf32>,
      %get3A_618 = vector.shape_cast %get3A_617 : vector<1x16xf32> to vector<16xf32>
      %add3A_619 = arith.addf %get3A_613, %get3A_618 : vector<16xf32>
      %swap3A = arith.constant 5 : i32
      %swap3A_620 = arith.index_cast %swap3A : i32 to index
      %swap3A_621 = arith.index_cast %mul3A_609 : i32 to index
      %swap3A_622 = tpu.vector_load %arg7[%swap3A_620, %swap3A_621] {strides = array<i32>} : memref<16x1024xf32, #tpu.memory_space<vmem>>, vector<1x16xf32>,
      %swap3A_623 = vector.shape_cast %swap3A_622 : vector<1x16xf32> to vector<16xf32>
      %swap3A_624 = vector.shape_cast %add3A_619 : vector<16xf32> to vector<1x16xf32>
      tpu.vector_store %arg7[%swap3A_620, %swap3A_621], %swap3A_624 {strides = array<i32>} : memref<16x1024xf32, #tpu.memory_space<vmem>>, vector<1x16xf32>,
      %scan3A_625 = arith.constant 0 : i32
      %scan3A_626 = arith.constant 1 : i32
      %scan3A_627 = arith.addi %scan3A_606, %scan3A_626 : i32
      %mul3A_628 = arith.constant 16 : i32
      %mul3A_629 = arith.muli %scan3A_627, %mul3A_628 : i32
      %get3A_630 = arith.constant 5 : i32
      %get3A_631 = arith.index_cast %get3A_630 : i32 to index
      %get3A_632 = arith.index_cast %mul3A_629 : i32 to index
      %get3A_633 = tpu.vector_load %arg7[%get3A_631, %get3A_632] {strides = array<i32>} : memref<16x1024xf32, #tpu.memory_space<vmem>>, vector<1x16xf32>,
      %get3A_634 = vector.shape_cast %get3A_633 : vector<1x16xf32> to vector<16xf32>
      %get3A_635 = arith.constant 5 : i32
      %get3A_636 = arith.index_cast %get3A_635 : i32 to index
      %get3A_637 = arith.index_cast %mul3A_629 : i32 to index
      %get3A_638 = tpu.vector_load %arg9[%get3A_636, %get3A_637] {strides = array<i32>} : memref<16x1024xf32, #tpu.memory_space<vmem>>, vector<1x16xf32>,
      %get3A_639 = vector.shape_cast %get3A_638 : vector<1x16xf32> to vector<16xf32>
      %add3A_640 = arith.addf %get3A_634, %get3A_639 : vector<16xf32>
      %swap3A_641 = arith.constant 5 : i32
      %swap3A_642 = arith.index_cast %swap3A_641 : i32 to index
      %swap3A_643 = arith.index_cast %mul3A_629 : i32 to index
      %swap3A_644 = tpu.vector_load %arg7[%swap3A_642, %swap3A_643] {strides = array<i32>} : memref<16x1024xf32, #tpu.memory_space<vmem>>, vector<1x16xf32>,
      %swap3A_645 = vector.shape_cast %swap3A_644 : vector<1x16xf32> to vector<16xf32>
      %swap3A_646 = vector.shape_cast %add3A_640 : vector<16xf32> to vector<1x16xf32>
      tpu.vector_store %arg7[%swap3A_642, %swap3A_643], %swap3A_646 {strides = array<i32>} : memref<16x1024xf32, #tpu.memory_space<vmem>>, vector<1x16xf32>,
      %scan3A_647 = arith.constant 0 : i32
      scf.yield %scan3A_647 : i32
    }
    %scan3A_89 = arith.constant 64 : i32
    %scan3A_90 = arith.constant 0 : i32
    %scan3A_91 = arith.constant 0 : i32
    %scan3A_92 = arith.constant 64 : i32
    %scan3A_93 = arith.addi %scan3A_91, %scan3A_92 : i32
    %scan3A_94 = arith.constant 2 : i32
    %scan3A_95 = scf.for %scan3A_606 = %scan3A_91 to %scan3A_93 step %scan3A_94 iter_args(%scan3A_607 = %scan3A_90) -> (i32)  : i32 {
      %mul3A_608 = arith.constant 16 : i32
      %mul3A_609 = arith.muli %scan3A_606, %mul3A_608 : i32
      %get3A = arith.constant 6 : i32
      %get3A_610 = arith.index_cast %get3A : i32 to index
      %get3A_611 = arith.index_cast %mul3A_609 : i32 to index
      %get3A_612 = tpu.vector_load %arg7[%get3A_610, %get3A_611] {strides = array<i32>} : memref<16x1024xf32, #tpu.memory_space<vmem>>, vector<1x16xf32>,
      %get3A_613 = vector.shape_cast %get3A_612 : vector<1x16xf32> to vector<16xf32>
      %get3A_614 = arith.constant 6 : i32
      %get3A_615 = arith.index_cast %get3A_614 : i32 to index
      %get3A_616 = arith.index_cast %mul3A_609 : i32 to index
      %get3A_617 = tpu.vector_load %arg9[%get3A_615, %get3A_616] {strides = array<i32>} : memref<16x1024xf32, #tpu.memory_space<vmem>>, vector<1x16xf32>,
      %get3A_618 = vector.shape_cast %get3A_617 : vector<1x16xf32> to vector<16xf32>
      %add3A_619 = arith.addf %get3A_613, %get3A_618 : vector<16xf32>
      %swap3A = arith.constant 6 : i32
      %swap3A_620 = arith.index_cast %swap3A : i32 to index
      %swap3A_621 = arith.index_cast %mul3A_609 : i32 to index
      %swap3A_622 = tpu.vector_load %arg7[%swap3A_620, %swap3A_621] {strides = array<i32>} : memref<16x1024xf32, #tpu.memory_space<vmem>>, vector<1x16xf32>,
      %swap3A_623 = vector.shape_cast %swap3A_622 : vector<1x16xf32> to vector<16xf32>
      %swap3A_624 = vector.shape_cast %add3A_619 : vector<16xf32> to vector<1x16xf32>
      tpu.vector_store %arg7[%swap3A_620, %swap3A_621], %swap3A_624 {strides = array<i32>} : memref<16x1024xf32, #tpu.memory_space<vmem>>, vector<1x16xf32>,
      %scan3A_625 = arith.constant 0 : i32
      %scan3A_626 = arith.constant 1 : i32
      %scan3A_627 = arith.addi %scan3A_606, %scan3A_626 : i32
      %mul3A_628 = arith.constant 16 : i32
      %mul3A_629 = arith.muli %scan3A_627, %mul3A_628 : i32
      %get3A_630 = arith.constant 6 : i32
      %get3A_631 = arith.index_cast %get3A_630 : i32 to index
      %get3A_632 = arith.index_cast %mul3A_629 : i32 to index
      %get3A_633 = tpu.vector_load %arg7[%get3A_631, %get3A_632] {strides = array<i32>} : memref<16x1024xf32, #tpu.memory_space<vmem>>, vector<1x16xf32>,
      %get3A_634 = vector.shape_cast %get3A_633 : vector<1x16xf32> to vector<16xf32>
      %get3A_635 = arith.constant 6 : i32
      %get3A_636 = arith.index_cast %get3A_635 : i32 to index
      %get3A_637 = arith.index_cast %mul3A_629 : i32 to index
      %get3A_638 = tpu.vector_load %arg9[%get3A_636, %get3A_637] {strides = array<i32>} : memref<16x1024xf32, #tpu.memory_space<vmem>>, vector<1x16xf32>,
      %get3A_639 = vector.shape_cast %get3A_638 : vector<1x16xf32> to vector<16xf32>
      %add3A_640 = arith.addf %get3A_634, %get3A_639 : vector<16xf32>
      %swap3A_641 = arith.constant 6 : i32
      %swap3A_642 = arith.index_cast %swap3A_641 : i32 to index
      %swap3A_643 = arith.index_cast %mul3A_629 : i32 to index
      %swap3A_644 = tpu.vector_load %arg7[%swap3A_642, %swap3A_643] {strides = array<i32>} : memref<16x1024xf32, #tpu.memory_space<vmem>>, vector<1x16xf32>,
      %swap3A_645 = vector.shape_cast %swap3A_644 : vector<1x16xf32> to vector<16xf32>
      %swap3A_646 = vector.shape_cast %add3A_640 : vector<16xf32> to vector<1x16xf32>
      tpu.vector_store %arg7[%swap3A_642, %swap3A_643], %swap3A_646 {strides = array<i32>} : memref<16x1024xf32, #tpu.memory_space<vmem>>, vector<1x16xf32>,
      %scan3A_647 = arith.constant 0 : i32
      scf.yield %scan3A_647 : i32
    }
    %scan3A_96 = arith.constant 64 : i32
    %scan3A_97 = arith.constant 0 : i32
    %scan3A_98 = arith.constant 0 : i32
    %scan3A_99 = arith.constant 64 : i32
    %scan3A_100 = arith.addi %scan3A_98, %scan3A_99 : i32
    %scan3A_101 = arith.constant 2 : i32
    %scan3A_102 = scf.for %scan3A_606 = %scan3A_98 to %scan3A_100 step %scan3A_101 iter_args(%scan3A_607 = %scan3A_97) -> (i32)  : i32 {
      %mul3A_608 = arith.constant 16 : i32
      %mul3A_609 = arith.muli %scan3A_606, %mul3A_608 : i32
      %get3A = arith.constant 7 : i32
      %get3A_610 = arith.index_cast %get3A : i32 to index
      %get3A_611 = arith.index_cast %mul3A_609 : i32 to index
      %get3A_612 = tpu.vector_load %arg7[%get3A_610, %get3A_611] {strides = array<i32>} : memref<16x1024xf32, #tpu.memory_space<vmem>>, vector<1x16xf32>,
      %get3A_613 = vector.shape_cast %get3A_612 : vector<1x16xf32> to vector<16xf32>
      %get3A_614 = arith.constant 7 : i32
      %get3A_615 = arith.index_cast %get3A_614 : i32 to index
      %get3A_616 = arith.index_cast %mul3A_609 : i32 to index
      %get3A_617 = tpu.vector_load %arg9[%get3A_615, %get3A_616] {strides = array<i32>} : memref<16x1024xf32, #tpu.memory_space<vmem>>, vector<1x16xf32>,
      %get3A_618 = vector.shape_cast %get3A_617 : vector<1x16xf32> to vector<16xf32>
      %add3A_619 = arith.addf %get3A_613, %get3A_618 : vector<16xf32>
      %swap3A = arith.constant 7 : i32
      %swap3A_620 = arith.index_cast %swap3A : i32 to index
      %swap3A_621 = arith.index_cast %mul3A_609 : i32 to index
      %swap3A_622 = tpu.vector_load %arg7[%swap3A_620, %swap3A_621] {strides = array<i32>} : memref<16x1024xf32, #tpu.memory_space<vmem>>, vector<1x16xf32>,
      %swap3A_623 = vector.shape_cast %swap3A_622 : vector<1x16xf32> to vector<16xf32>
      %swap3A_624 = vector.shape_cast %add3A_619 : vector<16xf32> to vector<1x16xf32>
      tpu.vector_store %arg7[%swap3A_620, %swap3A_621], %swap3A_624 {strides = array<i32>} : memref<16x1024xf32, #tpu.memory_space<vmem>>, vector<1x16xf32>,
      %scan3A_625 = arith.constant 0 : i32
      %scan3A_626 = arith.constant 1 : i32
      %scan3A_627 = arith.addi %scan3A_606, %scan3A_626 : i32
      %mul3A_628 = arith.constant 16 : i32
      %mul3A_629 = arith.muli %scan3A_627, %mul3A_628 : i32
      %get3A_630 = arith.constant 7 : i32
      %get3A_631 = arith.index_cast %get3A_630 : i32 to index
      %get3A_632 = arith.index_cast %mul3A_629 : i32 to index
      %get3A_633 = tpu.vector_load %arg7[%get3A_631, %get3A_632] {strides = array<i32>} : memref<16x1024xf32, #tpu.memory_space<vmem>>, vector<1x16xf32>,
      %get3A_634 = vector.shape_cast %get3A_633 : vector<1x16xf32> to vector<16xf32>
      %get3A_635 = arith.constant 7 : i32
      %get3A_636 = arith.index_cast %get3A_635 : i32 to index
      %get3A_637 = arith.index_cast %mul3A_629 : i32 to index
      %get3A_638 = tpu.vector_load %arg9[%get3A_636, %get3A_637] {strides = array<i32>} : memref<16x1024xf32, #tpu.memory_space<vmem>>, vector<1x16xf32>,
      %get3A_639 = vector.shape_cast %get3A_638 : vector<1x16xf32> to vector<16xf32>
      %add3A_640 = arith.addf %get3A_634, %get3A_639 : vector<16xf32>
      %swap3A_641 = arith.constant 7 : i32
      %swap3A_642 = arith.index_cast %swap3A_641 : i32 to index
      %swap3A_643 = arith.index_cast %mul3A_629 : i32 to index
      %swap3A_644 = tpu.vector_load %arg7[%swap3A_642, %swap3A_643] {strides = array<i32>} : memref<16x1024xf32, #tpu.memory_space<vmem>>, vector<1x16xf32>,
      %swap3A_645 = vector.shape_cast %swap3A_644 : vector<1x16xf32> to vector<16xf32>
      %swap3A_646 = vector.shape_cast %add3A_640 : vector<16xf32> to vector<1x16xf32>
      tpu.vector_store %arg7[%swap3A_642, %swap3A_643], %swap3A_646 {strides = array<i32>} : memref<16x1024xf32, #tpu.memory_space<vmem>>, vector<1x16xf32>,
      %scan3A_647 = arith.constant 0 : i32
      scf.yield %scan3A_647 : i32
    }
    %scan3A_103 = arith.constant 64 : i32
    %scan3A_104 = arith.constant 0 : i32
    %scan3A_105 = arith.constant 0 : i32
    %scan3A_106 = arith.constant 64 : i32
    %scan3A_107 = arith.addi %scan3A_105, %scan3A_106 : i32
    %scan3A_108 = arith.constant 2 : i32
    %scan3A_109 = scf.for %scan3A_606 = %scan3A_105 to %scan3A_107 step %scan3A_108 iter_args(%scan3A_607 = %scan3A_104) -> (i32)  : i32 {
      %mul3A_608 = arith.constant 16 : i32
      %mul3A_609 = arith.muli %scan3A_606, %mul3A_608 : i32
      %get3A = arith.constant 8 : i32
      %get3A_610 = arith.index_cast %get3A : i32 to index
      %get3A_611 = arith.index_cast %mul3A_609 : i32 to index
      %get3A_612 = tpu.vector_load %arg7[%get3A_610, %get3A_611] {strides = array<i32>} : memref<16x1024xf32, #tpu.memory_space<vmem>>, vector<1x16xf32>,
      %get3A_613 = vector.shape_cast %get3A_612 : vector<1x16xf32> to vector<16xf32>
      %get3A_614 = arith.constant 8 : i32
      %get3A_615 = arith.index_cast %get3A_614 : i32 to index
      %get3A_616 = arith.index_cast %mul3A_609 : i32 to index
      %get3A_617 = tpu.vector_load %arg9[%get3A_615, %get3A_616] {strides = array<i32>} : memref<16x1024xf32, #tpu.memory_space<vmem>>, vector<1x16xf32>,
      %get3A_618 = vector.shape_cast %get3A_617 : vector<1x16xf32> to vector<16xf32>
      %add3A_619 = arith.addf %get3A_613, %get3A_618 : vector<16xf32>
      %swap3A = arith.constant 8 : i32
      %swap3A_620 = arith.index_cast %swap3A : i32 to index
      %swap3A_621 = arith.index_cast %mul3A_609 : i32 to index
      %swap3A_622 = tpu.vector_load %arg7[%swap3A_620, %swap3A_621] {strides = array<i32>} : memref<16x1024xf32, #tpu.memory_space<vmem>>, vector<1x16xf32>,
      %swap3A_623 = vector.shape_cast %swap3A_622 : vector<1x16xf32> to vector<16xf32>
      %swap3A_624 = vector.shape_cast %add3A_619 : vector<16xf32> to vector<1x16xf32>
      tpu.vector_store %arg7[%swap3A_620, %swap3A_621], %swap3A_624 {strides = array<i32>} : memref<16x1024xf32, #tpu.memory_space<vmem>>, vector<1x16xf32>,
      %scan3A_625 = arith.constant 0 : i32
      %scan3A_626 = arith.constant 1 : i32
      %scan3A_627 = arith.addi %scan3A_606, %scan3A_626 : i32
      %mul3A_628 = arith.constant 16 : i32
      %mul3A_629 = arith.muli %scan3A_627, %mul3A_628 : i32
      %get3A_630 = arith.constant 8 : i32
      %get3A_631 = arith.index_cast %get3A_630 : i32 to index
      %get3A_632 = arith.index_cast %mul3A_629 : i32 to index
      %get3A_633 = tpu.vector_load %arg7[%get3A_631, %get3A_632] {strides = array<i32>} : memref<16x1024xf32, #tpu.memory_space<vmem>>, vector<1x16xf32>,
      %get3A_634 = vector.shape_cast %get3A_633 : vector<1x16xf32> to vector<16xf32>
      %get3A_635 = arith.constant 8 : i32
      %get3A_636 = arith.index_cast %get3A_635 : i32 to index
      %get3A_637 = arith.index_cast %mul3A_629 : i32 to index
      %get3A_638 = tpu.vector_load %arg9[%get3A_636, %get3A_637] {strides = array<i32>} : memref<16x1024xf32, #tpu.memory_space<vmem>>, vector<1x16xf32>,
      %get3A_639 = vector.shape_cast %get3A_638 : vector<1x16xf32> to vector<16xf32>
      %add3A_640 = arith.addf %get3A_634, %get3A_639 : vector<16xf32>
      %swap3A_641 = arith.constant 8 : i32
      %swap3A_642 = arith.index_cast %swap3A_641 : i32 to index
      %swap3A_643 = arith.index_cast %mul3A_629 : i32 to index
      %swap3A_644 = tpu.vector_load %arg7[%swap3A_642, %swap3A_643] {strides = array<i32>} : memref<16x1024xf32, #tpu.memory_space<vmem>>, vector<1x16xf32>,
      %swap3A_645 = vector.shape_cast %swap3A_644 : vector<1x16xf32> to vector<16xf32>
      %swap3A_646 = vector.shape_cast %add3A_640 : vector<16xf32> to vector<1x16xf32>
      tpu.vector_store %arg7[%swap3A_642, %swap3A_643], %swap3A_646 {strides = array<i32>} : memref<16x1024xf32, #tpu.memory_space<vmem>>, vector<1x16xf32>,
      %scan3A_647 = arith.constant 0 : i32
      scf.yield %scan3A_647 : i32
    }
    %scan3A_110 = arith.constant 64 : i32
    %scan3A_111 = arith.constant 0 : i32
    %scan3A_112 = arith.constant 0 : i32
    %scan3A_113 = arith.constant 64 : i32
    %scan3A_114 = arith.addi %scan3A_112, %scan3A_113 : i32
    %scan3A_115 = arith.constant 2 : i32
    %scan3A_116 = scf.for %scan3A_606 = %scan3A_112 to %scan3A_114 step %scan3A_115 iter_args(%scan3A_607 = %scan3A_111) -> (i32)  : i32 {
      %mul3A_608 = arith.constant 16 : i32
      %mul3A_609 = arith.muli %scan3A_606, %mul3A_608 : i32
      %get3A = arith.constant 9 : i32
      %get3A_610 = arith.index_cast %get3A : i32 to index
      %get3A_611 = arith.index_cast %mul3A_609 : i32 to index
      %get3A_612 = tpu.vector_load %arg7[%get3A_610, %get3A_611] {strides = array<i32>} : memref<16x1024xf32, #tpu.memory_space<vmem>>, vector<1x16xf32>,
      %get3A_613 = vector.shape_cast %get3A_612 : vector<1x16xf32> to vector<16xf32>
      %get3A_614 = arith.constant 9 : i32
      %get3A_615 = arith.index_cast %get3A_614 : i32 to index
      %get3A_616 = arith.index_cast %mul3A_609 : i32 to index
      %get3A_617 = tpu.vector_load %arg9[%get3A_615, %get3A_616] {strides = array<i32>} : memref<16x1024xf32, #tpu.memory_space<vmem>>, vector<1x16xf32>,
      %get3A_618 = vector.shape_cast %get3A_617 : vector<1x16xf32> to vector<16xf32>
      %add3A_619 = arith.addf %get3A_613, %get3A_618 : vector<16xf32>
      %swap3A = arith.constant 9 : i32
      %swap3A_620 = arith.index_cast %swap3A : i32 to index
      %swap3A_621 = arith.index_cast %mul3A_609 : i32 to index
      %swap3A_622 = tpu.vector_load %arg7[%swap3A_620, %swap3A_621] {strides = array<i32>} : memref<16x1024xf32, #tpu.memory_space<vmem>>, vector<1x16xf32>,
      %swap3A_623 = vector.shape_cast %swap3A_622 : vector<1x16xf32> to vector<16xf32>
      %swap3A_624 = vector.shape_cast %add3A_619 : vector<16xf32> to vector<1x16xf32>
      tpu.vector_store %arg7[%swap3A_620, %swap3A_621], %swap3A_624 {strides = array<i32>} : memref<16x1024xf32, #tpu.memory_space<vmem>>, vector<1x16xf32>,
      %scan3A_625 = arith.constant 0 : i32
      %scan3A_626 = arith.constant 1 : i32
      %scan3A_627 = arith.addi %scan3A_606, %scan3A_626 : i32
      %mul3A_628 = arith.constant 16 : i32
      %mul3A_629 = arith.muli %scan3A_627, %mul3A_628 : i32
      %get3A_630 = arith.constant 9 : i32
      %get3A_631 = arith.index_cast %get3A_630 : i32 to index
      %get3A_632 = arith.index_cast %mul3A_629 : i32 to index
      %get3A_633 = tpu.vector_load %arg7[%get3A_631, %get3A_632] {strides = array<i32>} : memref<16x1024xf32, #tpu.memory_space<vmem>>, vector<1x16xf32>,
      %get3A_634 = vector.shape_cast %get3A_633 : vector<1x16xf32> to vector<16xf32>
      %get3A_635 = arith.constant 9 : i32
      %get3A_636 = arith.index_cast %get3A_635 : i32 to index
      %get3A_637 = arith.index_cast %mul3A_629 : i32 to index
      %get3A_638 = tpu.vector_load %arg9[%get3A_636, %get3A_637] {strides = array<i32>} : memref<16x1024xf32, #tpu.memory_space<vmem>>, vector<1x16xf32>,
      %get3A_639 = vector.shape_cast %get3A_638 : vector<1x16xf32> to vector<16xf32>
      %add3A_640 = arith.addf %get3A_634, %get3A_639 : vector<16xf32>
      %swap3A_641 = arith.constant 9 : i32
      %swap3A_642 = arith.index_cast %swap3A_641 : i32 to index
      %swap3A_643 = arith.index_cast %mul3A_629 : i32 to index
      %swap3A_644 = tpu.vector_load %arg7[%swap3A_642, %swap3A_643] {strides = array<i32>} : memref<16x1024xf32, #tpu.memory_space<vmem>>, vector<1x16xf32>,
      %swap3A_645 = vector.shape_cast %swap3A_644 : vector<1x16xf32> to vector<16xf32>
      %swap3A_646 = vector.shape_cast %add3A_640 : vector<16xf32> to vector<1x16xf32>
      tpu.vector_store %arg7[%swap3A_642, %swap3A_643], %swap3A_646 {strides = array<i32>} : memref<16x1024xf32, #tpu.memory_space<vmem>>, vector<1x16xf32>,
      %scan3A_647 = arith.constant 0 : i32
      scf.yield %scan3A_647 : i32
    }
    %scan3A_117 = arith.constant 64 : i32
    %scan3A_118 = arith.constant 0 : i32
    %scan3A_119 = arith.constant 0 : i32
    %scan3A_120 = arith.constant 64 : i32
    %scan3A_121 = arith.addi %scan3A_119, %scan3A_120 : i32
    %scan3A_122 = arith.constant 2 : i32
    %scan3A_123 = scf.for %scan3A_606 = %scan3A_119 to %scan3A_121 step %scan3A_122 iter_args(%scan3A_607 = %scan3A_118) -> (i32)  : i32 {
      %mul3A_608 = arith.constant 16 : i32
      %mul3A_609 = arith.muli %scan3A_606, %mul3A_608 : i32
      %get3A = arith.constant 10 : i32
      %get3A_610 = arith.index_cast %get3A : i32 to index
      %get3A_611 = arith.index_cast %mul3A_609 : i32 to index
      %get3A_612 = tpu.vector_load %arg7[%get3A_610, %get3A_611] {strides = array<i32>} : memref<16x1024xf32, #tpu.memory_space<vmem>>, vector<1x16xf32>,
      %get3A_613 = vector.shape_cast %get3A_612 : vector<1x16xf32> to vector<16xf32>
      %get3A_614 = arith.constant 10 : i32
      %get3A_615 = arith.index_cast %get3A_614 : i32 to index
      %get3A_616 = arith.index_cast %mul3A_609 : i32 to index
      %get3A_617 = tpu.vector_load %arg9[%get3A_615, %get3A_616] {strides = array<i32>} : memref<16x1024xf32, #tpu.memory_space<vmem>>, vector<1x16xf32>,
      %get3A_618 = vector.shape_cast %get3A_617 : vector<1x16xf32> to vector<16xf32>
      %add3A_619 = arith.addf %get3A_613, %get3A_618 : vector<16xf32>
      %swap3A = arith.constant 10 : i32
      %swap3A_620 = arith.index_cast %swap3A : i32 to index
      %swap3A_621 = arith.index_cast %mul3A_609 : i32 to index
      %swap3A_622 = tpu.vector_load %arg7[%swap3A_620, %swap3A_621] {strides = array<i32>} : memref<16x1024xf32, #tpu.memory_space<vmem>>, vector<1x16xf32>,
      %swap3A_623 = vector.shape_cast %swap3A_622 : vector<1x16xf32> to vector<16xf32>
      %swap3A_624 = vector.shape_cast %add3A_619 : vector<16xf32> to vector<1x16xf32>
      tpu.vector_store %arg7[%swap3A_620, %swap3A_621], %swap3A_624 {strides = array<i32>} : memref<16x1024xf32, #tpu.memory_space<vmem>>, vector<1x16xf32>,
      %scan3A_625 = arith.constant 0 : i32
      %scan3A_626 = arith.constant 1 : i32
      %scan3A_627 = arith.addi %scan3A_606, %scan3A_626 : i32
      %mul3A_628 = arith.constant 16 : i32
      %mul3A_629 = arith.muli %scan3A_627, %mul3A_628 : i32
      %get3A_630 = arith.constant 10 : i32
      %get3A_631 = arith.index_cast %get3A_630 : i32 to index
      %get3A_632 = arith.index_cast %mul3A_629 : i32 to index
      %get3A_633 = tpu.vector_load %arg7[%get3A_631, %get3A_632] {strides = array<i32>} : memref<16x1024xf32, #tpu.memory_space<vmem>>, vector<1x16xf32>,
      %get3A_634 = vector.shape_cast %get3A_633 : vector<1x16xf32> to vector<16xf32>
      %get3A_635 = arith.constant 10 : i32
      %get3A_636 = arith.index_cast %get3A_635 : i32 to index
      %get3A_637 = arith.index_cast %mul3A_629 : i32 to index
      %get3A_638 = tpu.vector_load %arg9[%get3A_636, %get3A_637] {strides = array<i32>} : memref<16x1024xf32, #tpu.memory_space<vmem>>, vector<1x16xf32>,
      %get3A_639 = vector.shape_cast %get3A_638 : vector<1x16xf32> to vector<16xf32>
      %add3A_640 = arith.addf %get3A_634, %get3A_639 : vector<16xf32>
      %swap3A_641 = arith.constant 10 : i32
      %swap3A_642 = arith.index_cast %swap3A_641 : i32 to index
      %swap3A_643 = arith.index_cast %mul3A_629 : i32 to index
      %swap3A_644 = tpu.vector_load %arg7[%swap3A_642, %swap3A_643] {strides = array<i32>} : memref<16x1024xf32, #tpu.memory_space<vmem>>, vector<1x16xf32>,
      %swap3A_645 = vector.shape_cast %swap3A_644 : vector<1x16xf32> to vector<16xf32>
      %swap3A_646 = vector.shape_cast %add3A_640 : vector<16xf32> to vector<1x16xf32>
      tpu.vector_store %arg7[%swap3A_642, %swap3A_643], %swap3A_646 {strides = array<i32>} : memref<16x1024xf32, #tpu.memory_space<vmem>>, vector<1x16xf32>,
      %scan3A_647 = arith.constant 0 : i32
      scf.yield %scan3A_647 : i32
    }
    %scan3A_124 = arith.constant 64 : i32
    %scan3A_125 = arith.constant 0 : i32
    %scan3A_126 = arith.constant 0 : i32
    %scan3A_127 = arith.constant 64 : i32
    %scan3A_128 = arith.addi %scan3A_126, %scan3A_127 : i32
    %scan3A_129 = arith.constant 2 : i32
    %scan3A_130 = scf.for %scan3A_606 = %scan3A_126 to %scan3A_128 step %scan3A_129 iter_args(%scan3A_607 = %scan3A_125) -> (i32)  : i32 {
      %mul3A_608 = arith.constant 16 : i32
      %mul3A_609 = arith.muli %scan3A_606, %mul3A_608 : i32
      %get3A = arith.constant 11 : i32
      %get3A_610 = arith.index_cast %get3A : i32 to index
      %get3A_611 = arith.index_cast %mul3A_609 : i32 to index
      %get3A_612 = tpu.vector_load %arg7[%get3A_610, %get3A_611] {strides = array<i32>} : memref<16x1024xf32, #tpu.memory_space<vmem>>, vector<1x16xf32>,
      %get3A_613 = vector.shape_cast %get3A_612 : vector<1x16xf32> to vector<16xf32>
      %get3A_614 = arith.constant 11 : i32
      %get3A_615 = arith.index_cast %get3A_614 : i32 to index
      %get3A_616 = arith.index_cast %mul3A_609 : i32 to index
      %get3A_617 = tpu.vector_load %arg9[%get3A_615, %get3A_616] {strides = array<i32>} : memref<16x1024xf32, #tpu.memory_space<vmem>>, vector<1x16xf32>,
      %get3A_618 = vector.shape_cast %get3A_617 : vector<1x16xf32> to vector<16xf32>
      %add3A_619 = arith.addf %get3A_613, %get3A_618 : vector<16xf32>
      %swap3A = arith.constant 11 : i32
      %swap3A_620 = arith.index_cast %swap3A : i32 to index
      %swap3A_621 = arith.index_cast %mul3A_609 : i32 to index
      %swap3A_622 = tpu.vector_load %arg7[%swap3A_620, %swap3A_621] {strides = array<i32>} : memref<16x1024xf32, #tpu.memory_space<vmem>>, vector<1x16xf32>,
      %swap3A_623 = vector.shape_cast %swap3A_622 : vector<1x16xf32> to vector<16xf32>
      %swap3A_624 = vector.shape_cast %add3A_619 : vector<16xf32> to vector<1x16xf32>
      tpu.vector_store %arg7[%swap3A_620, %swap3A_621], %swap3A_624 {strides = array<i32>} : memref<16x1024xf32, #tpu.memory_space<vmem>>, vector<1x16xf32>,
      %scan3A_625 = arith.constant 0 : i32
      %scan3A_626 = arith.constant 1 : i32
      %scan3A_627 = arith.addi %scan3A_606, %scan3A_626 : i32
      %mul3A_628 = arith.constant 16 : i32
      %mul3A_629 = arith.muli %scan3A_627, %mul3A_628 : i32
      %get3A_630 = arith.constant 11 : i32
      %get3A_631 = arith.index_cast %get3A_630 : i32 to index
      %get3A_632 = arith.index_cast %mul3A_629 : i32 to index
      %get3A_633 = tpu.vector_load %arg7[%get3A_631, %get3A_632] {strides = array<i32>} : memref<16x1024xf32, #tpu.memory_space<vmem>>, vector<1x16xf32>,
      %get3A_634 = vector.shape_cast %get3A_633 : vector<1x16xf32> to vector<16xf32>
      %get3A_635 = arith.constant 11 : i32
      %get3A_636 = arith.index_cast %get3A_635 : i32 to index
      %get3A_637 = arith.index_cast %mul3A_629 : i32 to index
      %get3A_638 = tpu.vector_load %arg9[%get3A_636, %get3A_637] {strides = array<i32>} : memref<16x1024xf32, #tpu.memory_space<vmem>>, vector<1x16xf32>,
      %get3A_639 = vector.shape_cast %get3A_638 : vector<1x16xf32> to vector<16xf32>
      %add3A_640 = arith.addf %get3A_634, %get3A_639 : vector<16xf32>
      %swap3A_641 = arith.constant 11 : i32
      %swap3A_642 = arith.index_cast %swap3A_641 : i32 to index
      %swap3A_643 = arith.index_cast %mul3A_629 : i32 to index
      %swap3A_644 = tpu.vector_load %arg7[%swap3A_642, %swap3A_643] {strides = array<i32>} : memref<16x1024xf32, #tpu.memory_space<vmem>>, vector<1x16xf32>,
      %swap3A_645 = vector.shape_cast %swap3A_644 : vector<1x16xf32> to vector<16xf32>
      %swap3A_646 = vector.shape_cast %add3A_640 : vector<16xf32> to vector<1x16xf32>
      tpu.vector_store %arg7[%swap3A_642, %swap3A_643], %swap3A_646 {strides = array<i32>} : memref<16x1024xf32, #tpu.memory_space<vmem>>, vector<1x16xf32>,
      %scan3A_647 = arith.constant 0 : i32
      scf.yield %scan3A_647 : i32
    }
    %scan3A_131 = arith.constant 64 : i32
    %scan3A_132 = arith.constant 0 : i32
    %scan3A_133 = arith.constant 0 : i32
    %scan3A_134 = arith.constant 64 : i32
    %scan3A_135 = arith.addi %scan3A_133, %scan3A_134 : i32
    %scan3A_136 = arith.constant 2 : i32
    %scan3A_137 = scf.for %scan3A_606 = %scan3A_133 to %scan3A_135 step %scan3A_136 iter_args(%scan3A_607 = %scan3A_132) -> (i32)  : i32 {
      %mul3A_608 = arith.constant 16 : i32
      %mul3A_609 = arith.muli %scan3A_606, %mul3A_608 : i32
      %get3A = arith.constant 12 : i32
      %get3A_610 = arith.index_cast %get3A : i32 to index
      %get3A_611 = arith.index_cast %mul3A_609 : i32 to index
      %get3A_612 = tpu.vector_load %arg7[%get3A_610, %get3A_611] {strides = array<i32>} : memref<16x1024xf32, #tpu.memory_space<vmem>>, vector<1x16xf32>,
      %get3A_613 = vector.shape_cast %get3A_612 : vector<1x16xf32> to vector<16xf32>
      %get3A_614 = arith.constant 12 : i32
      %get3A_615 = arith.index_cast %get3A_614 : i32 to index
      %get3A_616 = arith.index_cast %mul3A_609 : i32 to index
      %get3A_617 = tpu.vector_load %arg9[%get3A_615, %get3A_616] {strides = array<i32>} : memref<16x1024xf32, #tpu.memory_space<vmem>>, vector<1x16xf32>,
      %get3A_618 = vector.shape_cast %get3A_617 : vector<1x16xf32> to vector<16xf32>
      %add3A_619 = arith.addf %get3A_613, %get3A_618 : vector<16xf32>
      %swap3A = arith.constant 12 : i32
      %swap3A_620 = arith.index_cast %swap3A : i32 to index
      %swap3A_621 = arith.index_cast %mul3A_609 : i32 to index
      %swap3A_622 = tpu.vector_load %arg7[%swap3A_620, %swap3A_621] {strides = array<i32>} : memref<16x1024xf32, #tpu.memory_space<vmem>>, vector<1x16xf32>,
      %swap3A_623 = vector.shape_cast %swap3A_622 : vector<1x16xf32> to vector<16xf32>
      %swap3A_624 = vector.shape_cast %add3A_619 : vector<16xf32> to vector<1x16xf32>
      tpu.vector_store %arg7[%swap3A_620, %swap3A_621], %swap3A_624 {strides = array<i32>} : memref<16x1024xf32, #tpu.memory_space<vmem>>, vector<1x16xf32>,
      %scan3A_625 = arith.constant 0 : i32
      %scan3A_626 = arith.constant 1 : i32
      %scan3A_627 = arith.addi %scan3A_606, %scan3A_626 : i32
      %mul3A_628 = arith.constant 16 : i32
      %mul3A_629 = arith.muli %scan3A_627, %mul3A_628 : i32
      %get3A_630 = arith.constant 12 : i32
      %get3A_631 = arith.index_cast %get3A_630 : i32 to index
      %get3A_632 = arith.index_cast %mul3A_629 : i32 to index
      %get3A_633 = tpu.vector_load %arg7[%get3A_631, %get3A_632] {strides = array<i32>} : memref<16x1024xf32, #tpu.memory_space<vmem>>, vector<1x16xf32>,
      %get3A_634 = vector.shape_cast %get3A_633 : vector<1x16xf32> to vector<16xf32>
      %get3A_635 = arith.constant 12 : i32
      %get3A_636 = arith.index_cast %get3A_635 : i32 to index
      %get3A_637 = arith.index_cast %mul3A_629 : i32 to index
      %get3A_638 = tpu.vector_load %arg9[%get3A_636, %get3A_637] {strides = array<i32>} : memref<16x1024xf32, #tpu.memory_space<vmem>>, vector<1x16xf32>,
      %get3A_639 = vector.shape_cast %get3A_638 : vector<1x16xf32> to vector<16xf32>
      %add3A_640 = arith.addf %get3A_634, %get3A_639 : vector<16xf32>
      %swap3A_641 = arith.constant 12 : i32
      %swap3A_642 = arith.index_cast %swap3A_641 : i32 to index
      %swap3A_643 = arith.index_cast %mul3A_629 : i32 to index
      %swap3A_644 = tpu.vector_load %arg7[%swap3A_642, %swap3A_643] {strides = array<i32>} : memref<16x1024xf32, #tpu.memory_space<vmem>>, vector<1x16xf32>,
      %swap3A_645 = vector.shape_cast %swap3A_644 : vector<1x16xf32> to vector<16xf32>
      %swap3A_646 = vector.shape_cast %add3A_640 : vector<16xf32> to vector<1x16xf32>
      tpu.vector_store %arg7[%swap3A_642, %swap3A_643], %swap3A_646 {strides = array<i32>} : memref<16x1024xf32, #tpu.memory_space<vmem>>, vector<1x16xf32>,
      %scan3A_647 = arith.constant 0 : i32
      scf.yield %scan3A_647 : i32
    }
    %scan3A_138 = arith.constant 64 : i32
    %scan3A_139 = arith.constant 0 : i32
    %scan3A_140 = arith.constant 0 : i32
    %scan3A_141 = arith.constant 64 : i32
    %scan3A_142 = arith.addi %scan3A_140, %scan3A_141 : i32
    %scan3A_143 = arith.constant 2 : i32
    %scan3A_144 = scf.for %scan3A_606 = %scan3A_140 to %scan3A_142 step %scan3A_143 iter_args(%scan3A_607 = %scan3A_139) -> (i32)  : i32 {
      %mul3A_608 = arith.constant 16 : i32
      %mul3A_609 = arith.muli %scan3A_606, %mul3A_608 : i32
      %get3A = arith.constant 13 : i32
      %get3A_610 = arith.index_cast %get3A : i32 to index
      %get3A_611 = arith.index_cast %mul3A_609 : i32 to index
      %get3A_612 = tpu.vector_load %arg7[%get3A_610, %get3A_611] {strides = array<i32>} : memref<16x1024xf32, #tpu.memory_space<vmem>>, vector<1x16xf32>,
      %get3A_613 = vector.shape_cast %get3A_612 : vector<1x16xf32> to vector<16xf32>
      %get3A_614 = arith.constant 13 : i32
      %get3A_615 = arith.index_cast %get3A_614 : i32 to index
      %get3A_616 = arith.index_cast %mul3A_609 : i32 to index
      %get3A_617 = tpu.vector_load %arg9[%get3A_615, %get3A_616] {strides = array<i32>} : memref<16x1024xf32, #tpu.memory_space<vmem>>, vector<1x16xf32>,
      %get3A_618 = vector.shape_cast %get3A_617 : vector<1x16xf32> to vector<16xf32>
      %add3A_619 = arith.addf %get3A_613, %get3A_618 : vector<16xf32>
      %swap3A = arith.constant 13 : i32
      %swap3A_620 = arith.index_cast %swap3A : i32 to index
      %swap3A_621 = arith.index_cast %mul3A_609 : i32 to index
      %swap3A_622 = tpu.vector_load %arg7[%swap3A_620, %swap3A_621] {strides = array<i32>} : memref<16x1024xf32, #tpu.memory_space<vmem>>, vector<1x16xf32>,
      %swap3A_623 = vector.shape_cast %swap3A_622 : vector<1x16xf32> to vector<16xf32>
      %swap3A_624 = vector.shape_cast %add3A_619 : vector<16xf32> to vector<1x16xf32>
      tpu.vector_store %arg7[%swap3A_620, %swap3A_621], %swap3A_624 {strides = array<i32>} : memref<16x1024xf32, #tpu.memory_space<vmem>>, vector<1x16xf32>,
      %scan3A_625 = arith.constant 0 : i32
      %scan3A_626 = arith.constant 1 : i32
      %scan3A_627 = arith.addi %scan3A_606, %scan3A_626 : i32
      %mul3A_628 = arith.constant 16 : i32
      %mul3A_629 = arith.muli %scan3A_627, %mul3A_628 : i32
      %get3A_630 = arith.constant 13 : i32
      %get3A_631 = arith.index_cast %get3A_630 : i32 to index
      %get3A_632 = arith.index_cast %mul3A_629 : i32 to index
      %get3A_633 = tpu.vector_load %arg7[%get3A_631, %get3A_632] {strides = array<i32>} : memref<16x1024xf32, #tpu.memory_space<vmem>>, vector<1x16xf32>,
      %get3A_634 = vector.shape_cast %get3A_633 : vector<1x16xf32> to vector<16xf32>
      %get3A_635 = arith.constant 13 : i32
      %get3A_636 = arith.index_cast %get3A_635 : i32 to index
      %get3A_637 = arith.index_cast %mul3A_629 : i32 to index
      %get3A_638 = tpu.vector_load %arg9[%get3A_636, %get3A_637] {strides = array<i32>} : memref<16x1024xf32, #tpu.memory_space<vmem>>, vector<1x16xf32>,
      %get3A_639 = vector.shape_cast %get3A_638 : vector<1x16xf32> to vector<16xf32>
      %add3A_640 = arith.addf %get3A_634, %get3A_639 : vector<16xf32>
      %swap3A_641 = arith.constant 13 : i32
      %swap3A_642 = arith.index_cast %swap3A_641 : i32 to index
      %swap3A_643 = arith.index_cast %mul3A_629 : i32 to index
      %swap3A_644 = tpu.vector_load %arg7[%swap3A_642, %swap3A_643] {strides = array<i32>} : memref<16x1024xf32, #tpu.memory_space<vmem>>, vector<1x16xf32>,
      %swap3A_645 = vector.shape_cast %swap3A_644 : vector<1x16xf32> to vector<16xf32>
      %swap3A_646 = vector.shape_cast %add3A_640 : vector<16xf32> to vector<1x16xf32>
      tpu.vector_store %arg7[%swap3A_642, %swap3A_643], %swap3A_646 {strides = array<i32>} : memref<16x1024xf32, #tpu.memory_space<vmem>>, vector<1x16xf32>,
      %scan3A_647 = arith.constant 0 : i32
      scf.yield %scan3A_647 : i32
    }
    %scan3A_145 = arith.constant 64 : i32
    %scan3A_146 = arith.constant 0 : i32
    %scan3A_147 = arith.constant 0 : i32
    %scan3A_148 = arith.constant 64 : i32
    %scan3A_149 = arith.addi %scan3A_147, %scan3A_148 : i32
    %scan3A_150 = arith.constant 2 : i32
    %scan3A_151 = scf.for %scan3A_606 = %scan3A_147 to %scan3A_149 step %scan3A_150 iter_args(%scan3A_607 = %scan3A_146) -> (i32)  : i32 {
      %mul3A_608 = arith.constant 16 : i32
      %mul3A_609 = arith.muli %scan3A_606, %mul3A_608 : i32
      %get3A = arith.constant 14 : i32
      %get3A_610 = arith.index_cast %get3A : i32 to index
      %get3A_611 = arith.index_cast %mul3A_609 : i32 to index
      %get3A_612 = tpu.vector_load %arg7[%get3A_610, %get3A_611] {strides = array<i32>} : memref<16x1024xf32, #tpu.memory_space<vmem>>, vector<1x16xf32>,
      %get3A_613 = vector.shape_cast %get3A_612 : vector<1x16xf32> to vector<16xf32>
      %get3A_614 = arith.constant 14 : i32
      %get3A_615 = arith.index_cast %get3A_614 : i32 to index
      %get3A_616 = arith.index_cast %mul3A_609 : i32 to index
      %get3A_617 = tpu.vector_load %arg9[%get3A_615, %get3A_616] {strides = array<i32>} : memref<16x1024xf32, #tpu.memory_space<vmem>>, vector<1x16xf32>,
      %get3A_618 = vector.shape_cast %get3A_617 : vector<1x16xf32> to vector<16xf32>
      %add3A_619 = arith.addf %get3A_613, %get3A_618 : vector<16xf32>
      %swap3A = arith.constant 14 : i32
      %swap3A_620 = arith.index_cast %swap3A : i32 to index
      %swap3A_621 = arith.index_cast %mul3A_609 : i32 to index
      %swap3A_622 = tpu.vector_load %arg7[%swap3A_620, %swap3A_621] {strides = array<i32>} : memref<16x1024xf32, #tpu.memory_space<vmem>>, vector<1x16xf32>,
      %swap3A_623 = vector.shape_cast %swap3A_622 : vector<1x16xf32> to vector<16xf32>
      %swap3A_624 = vector.shape_cast %add3A_619 : vector<16xf32> to vector<1x16xf32>
      tpu.vector_store %arg7[%swap3A_620, %swap3A_621], %swap3A_624 {strides = array<i32>} : memref<16x1024xf32, #tpu.memory_space<vmem>>, vector<1x16xf32>,
      %scan3A_625 = arith.constant 0 : i32
      %scan3A_626 = arith.constant 1 : i32
      %scan3A_627 = arith.addi %scan3A_606, %scan3A_626 : i32
      %mul3A_628 = arith.constant 16 : i32
      %mul3A_629 = arith.muli %scan3A_627, %mul3A_628 : i32
      %get3A_630 = arith.constant 14 : i32
      %get3A_631 = arith.index_cast %get3A_630 : i32 to index
      %get3A_632 = arith.index_cast %mul3A_629 : i32 to index
      %get3A_633 = tpu.vector_load %arg7[%get3A_631, %get3A_632] {strides = array<i32>} : memref<16x1024xf32, #tpu.memory_space<vmem>>, vector<1x16xf32>,
      %get3A_634 = vector.shape_cast %get3A_633 : vector<1x16xf32> to vector<16xf32>
      %get3A_635 = arith.constant 14 : i32
      %get3A_636 = arith.index_cast %get3A_635 : i32 to index
      %get3A_637 = arith.index_cast %mul3A_629 : i32 to index
      %get3A_638 = tpu.vector_load %arg9[%get3A_636, %get3A_637] {strides = array<i32>} : memref<16x1024xf32, #tpu.memory_space<vmem>>, vector<1x16xf32>,
      %get3A_639 = vector.shape_cast %get3A_638 : vector<1x16xf32> to vector<16xf32>
      %add3A_640 = arith.addf %get3A_634, %get3A_639 : vector<16xf32>
      %swap3A_641 = arith.constant 14 : i32
      %swap3A_642 = arith.index_cast %swap3A_641 : i32 to index
      %swap3A_643 = arith.index_cast %mul3A_629 : i32 to index
      %swap3A_644 = tpu.vector_load %arg7[%swap3A_642, %swap3A_643] {strides = array<i32>} : memref<16x1024xf32, #tpu.memory_space<vmem>>, vector<1x16xf32>,
      %swap3A_645 = vector.shape_cast %swap3A_644 : vector<1x16xf32> to vector<16xf32>
      %swap3A_646 = vector.shape_cast %add3A_640 : vector<16xf32> to vector<1x16xf32>
      tpu.vector_store %arg7[%swap3A_642, %swap3A_643], %swap3A_646 {strides = array<i32>} : memref<16x1024xf32, #tpu.memory_space<vmem>>, vector<1x16xf32>,
      %scan3A_647 = arith.constant 0 : i32
      scf.yield %scan3A_647 : i32
    }
    %scan3A_152 = arith.constant 64 : i32
    %scan3A_153 = arith.constant 0 : i32
    %scan3A_154 = arith.constant 0 : i32
    %scan3A_155 = arith.constant 64 : i32
    %scan3A_156 = arith.addi %scan3A_154, %scan3A_155 : i32
    %scan3A_157 = arith.constant 2 : i32
    %scan3A_158 = scf.for %scan3A_606 = %scan3A_154 to %scan3A_156 step %scan3A_157 iter_args(%scan3A_607 = %scan3A_153) -> (i32)  : i32 {
      %mul3A_608 = arith.constant 16 : i32
      %mul3A_609 = arith.muli %scan3A_606, %mul3A_608 : i32
      %get3A = arith.constant 15 : i32
      %get3A_610 = arith.index_cast %get3A : i32 to index
      %get3A_611 = arith.index_cast %mul3A_609 : i32 to index
      %get3A_612 = tpu.vector_load %arg7[%get3A_610, %get3A_611] {strides = array<i32>} : memref<16x1024xf32, #tpu.memory_space<vmem>>, vector<1x16xf32>,
      %get3A_613 = vector.shape_cast %get3A_612 : vector<1x16xf32> to vector<16xf32>
      %get3A_614 = arith.constant 15 : i32
      %get3A_615 = arith.index_cast %get3A_614 : i32 to index
      %get3A_616 = arith.index_cast %mul3A_609 : i32 to index
      %get3A_617 = tpu.vector_load %arg9[%get3A_615, %get3A_616] {strides = array<i32>} : memref<16x1024xf32, #tpu.memory_space<vmem>>, vector<1x16xf32>,
      %get3A_618 = vector.shape_cast %get3A_617 : vector<1x16xf32> to vector<16xf32>
      %add3A_619 = arith.addf %get3A_613, %get3A_618 : vector<16xf32>
      %swap3A = arith.constant 15 : i32
      %swap3A_620 = arith.index_cast %swap3A : i32 to index
      %swap3A_621 = arith.index_cast %mul3A_609 : i32 to index
      %swap3A_622 = tpu.vector_load %arg7[%swap3A_620, %swap3A_621] {strides = array<i32>} : memref<16x1024xf32, #tpu.memory_space<vmem>>, vector<1x16xf32>,
      %swap3A_623 = vector.shape_cast %swap3A_622 : vector<1x16xf32> to vector<16xf32>
      %swap3A_624 = vector.shape_cast %add3A_619 : vector<16xf32> to vector<1x16xf32>
      tpu.vector_store %arg7[%swap3A_620, %swap3A_621], %swap3A_624 {strides = array<i32>} : memref<16x1024xf32, #tpu.memory_space<vmem>>, vector<1x16xf32>,
      %scan3A_625 = arith.constant 0 : i32
      %scan3A_626 = arith.constant 1 : i32
      %scan3A_627 = arith.addi %scan3A_606, %scan3A_626 : i32
      %mul3A_628 = arith.constant 16 : i32
      %mul3A_629 = arith.muli %scan3A_627, %mul3A_628 : i32
      %get3A_630 = arith.constant 15 : i32
      %get3A_631 = arith.index_cast %get3A_630 : i32 to index
      %get3A_632 = arith.index_cast %mul3A_629 : i32 to index
      %get3A_633 = tpu.vector_load %arg7[%get3A_631, %get3A_632] {strides = array<i32>} : memref<16x1024xf32, #tpu.memory_space<vmem>>, vector<1x16xf32>,
      %get3A_634 = vector.shape_cast %get3A_633 : vector<1x16xf32> to vector<16xf32>
      %get3A_635 = arith.constant 15 : i32
      %get3A_636 = arith.index_cast %get3A_635 : i32 to index
      %get3A_637 = arith.index_cast %mul3A_629 : i32 to index
      %get3A_638 = tpu.vector_load %arg9[%get3A_636, %get3A_637] {strides = array<i32>} : memref<16x1024xf32, #tpu.memory_space<vmem>>, vector<1x16xf32>,
      %get3A_639 = vector.shape_cast %get3A_638 : vector<1x16xf32> to vector<16xf32>
      %add3A_640 = arith.addf %get3A_634, %get3A_639 : vector<16xf32>
      %swap3A_641 = arith.constant 15 : i32
      %swap3A_642 = arith.index_cast %swap3A_641 : i32 to index
      %swap3A_643 = arith.index_cast %mul3A_629 : i32 to index
      %swap3A_644 = tpu.vector_load %arg7[%swap3A_642, %swap3A_643] {strides = array<i32>} : memref<16x1024xf32, #tpu.memory_space<vmem>>, vector<1x16xf32>,
      %swap3A_645 = vector.shape_cast %swap3A_644 : vector<1x16xf32> to vector<16xf32>
      %swap3A_646 = vector.shape_cast %add3A_640 : vector<16xf32> to vector<1x16xf32>
      tpu.vector_store %arg7[%swap3A_642, %swap3A_643], %swap3A_646 {strides = array<i32>} : memref<16x1024xf32, #tpu.memory_space<vmem>>, vector<1x16xf32>,
      %scan3A_647 = arith.constant 0 : i32
      scf.yield %scan3A_647 : i32
    }
    %scan3A_159 = arith.constant 64 : i32
    %add3A_160 = arith.constant 0 : i32
    %add3A_161 = arith.addi %mul3A_2, %add3A_160 : i32
    %dma_start3A_162 = arith.constant 0 : i32
    %dma_start3A_163 = tpu.memref_slice %arg4[%add3A_161, %dma_start3A_162] : memref<2048x1024xf32, #tpu.memory_space<hbm>> -> memref<16x1024xf32, #tpu.memory_space<hbm>>
    %dma_start3A_164 = arith.constant 0 : i32
    %dma_start3A_165 = tpu.memref_slice %arg4[%add3A_161, %dma_start3A_164] : memref<2048x1024xf32, #tpu.memory_space<hbm>> -> memref<16x1024xf32, #tpu.memory_space<hbm>>
    tpu.enqueue_dma source(%arg7 : memref<16x1024xf32, #tpu.memory_space<vmem>>) target(%dma_start3A_165 : memref<16x1024xf32, #tpu.memory_space<hbm>>) target_semaphore(%arg15 : memref<!tpu.dma_semaphore, #tpu.memory_space<semaphore_mem>>)
    %dma_wait3A_166 = arith.constant 1 : i32
    %dma_wait3A_167 = arith.constant 0 : i32
    %dma_wait3A_168 = tpu.memref_slice %arg5[%dma_wait3A_166, %dma_wait3A_167] : memref<4x16xi32, #tpu.memory_space<vmem>> -> memref<1x16xi32, #tpu.memory_space<vmem>>
    %dma_wait3A_169 = tpu.memref_squeeze %dma_wait3A_168 : memref<1x16xi32, #tpu.memory_space<vmem>> -> memref<16xi32, #tpu.memory_space<vmem>>
    %dma_wait3A_170 = arith.constant 0 : i32
    %dma_wait3A_171 = arith.constant 0 : i32
    %dma_wait3A_172 = tpu.memref_slice %arg2[%dma_wait3A_170, %dma_wait3A_171] : memref<6144x1024xf32, #tpu.memory_space<hbm>> -> memref<6144x1024xf32, #tpu.memory_space<hbm>>
    tpu.wait_indirect_dma semaphore(%arg12 : memref<!tpu.dma_semaphore, #tpu.memory_space<semaphore_mem>>) src(%dma_wait3A_172 : memref<6144x1024xf32, #tpu.memory_space<hbm>>) dst(%arg8 : memref<16x1024xf32, #tpu.memory_space<vmem>>)
    %dma_wait3A_173 = arith.constant 1 : i32
    %dma_wait3A_174 = arith.constant 0 : i32
    %dma_wait3A_175 = tpu.memref_slice %arg6[%dma_wait3A_173, %dma_wait3A_174] : memref<4x16xi32, #tpu.memory_space<vmem>> -> memref<1x16xi32, #tpu.memory_space<vmem>>
    %dma_wait3A_176 = tpu.memref_squeeze %dma_wait3A_175 : memref<1x16xi32, #tpu.memory_space<vmem>> -> memref<16xi32, #tpu.memory_space<vmem>>
    %dma_wait3A_177 = arith.constant 0 : i32
    %dma_wait3A_178 = arith.constant 0 : i32
    %dma_wait3A_179 = tpu.memref_slice %arg2[%dma_wait3A_177, %dma_wait3A_178] : memref<6144x1024xf32, #tpu.memory_space<hbm>> -> memref<6144x1024xf32, #tpu.memory_space<hbm>>
    tpu.wait_indirect_dma semaphore(%arg14 : memref<!tpu.dma_semaphore, #tpu.memory_space<semaphore_mem>>) src(%dma_wait3A_179 : memref<6144x1024xf32, #tpu.memory_space<hbm>>) dst(%arg10 : memref<16x1024xf32, #tpu.memory_space<vmem>>)
    %scan3A_180 = arith.constant 0 : i32
    %scan3A_181 = arith.constant 0 : i32
    %scan3A_182 = arith.constant 64 : i32
    %scan3A_183 = arith.addi %scan3A_181, %scan3A_182 : i32
    %scan3A_184 = arith.constant 2 : i32
    %scan3A_185 = scf.for %scan3A_606 = %scan3A_181 to %scan3A_183 step %scan3A_184 iter_args(%scan3A_607 = %scan3A_180) -> (i32)  : i32 {
      %mul3A_608 = arith.constant 16 : i32
      %mul3A_609 = arith.muli %scan3A_606, %mul3A_608 : i32
      %get3A = arith.constant 0 : i32
      %get3A_610 = arith.index_cast %get3A : i32 to index
      %get3A_611 = arith.index_cast %mul3A_609 : i32 to index
      %get3A_612 = tpu.vector_load %arg8[%get3A_610, %get3A_611] {strides = array<i32>} : memref<16x1024xf32, #tpu.memory_space<vmem>>, vector<1x16xf32>,
      %get3A_613 = vector.shape_cast %get3A_612 : vector<1x16xf32> to vector<16xf32>
      %get3A_614 = arith.constant 0 : i32
      %get3A_615 = arith.index_cast %get3A_614 : i32 to index
      %get3A_616 = arith.index_cast %mul3A_609 : i32 to index
      %get3A_617 = tpu.vector_load %arg10[%get3A_615, %get3A_616] {strides = array<i32>} : memref<16x1024xf32, #tpu.memory_space<vmem>>, vector<1x16xf32>,
      %get3A_618 = vector.shape_cast %get3A_617 : vector<1x16xf32> to vector<16xf32>
      %add3A_619 = arith.addf %get3A_613, %get3A_618 : vector<16xf32>
      %swap3A = arith.constant 0 : i32
      %swap3A_620 = arith.index_cast %swap3A : i32 to index
      %swap3A_621 = arith.index_cast %mul3A_609 : i32 to index
      %swap3A_622 = tpu.vector_load %arg8[%swap3A_620, %swap3A_621] {strides = array<i32>} : memref<16x1024xf32, #tpu.memory_space<vmem>>, vector<1x16xf32>,
      %swap3A_623 = vector.shape_cast %swap3A_622 : vector<1x16xf32> to vector<16xf32>
      %swap3A_624 = vector.shape_cast %add3A_619 : vector<16xf32> to vector<1x16xf32>
      tpu.vector_store %arg8[%swap3A_620, %swap3A_621], %swap3A_624 {strides = array<i32>} : memref<16x1024xf32, #tpu.memory_space<vmem>>, vector<1x16xf32>,
      %scan3A_625 = arith.constant 0 : i32
      %scan3A_626 = arith.constant 1 : i32
      %scan3A_627 = arith.addi %scan3A_606, %scan3A_626 : i32
      %mul3A_628 = arith.constant 16 : i32
      %mul3A_629 = arith.muli %scan3A_627, %mul3A_628 : i32
      %get3A_630 = arith.constant 0 : i32
      %get3A_631 = arith.index_cast %get3A_630 : i32 to index
      %get3A_632 = arith.index_cast %mul3A_629 : i32 to index
      %get3A_633 = tpu.vector_load %arg8[%get3A_631, %get3A_632] {strides = array<i32>} : memref<16x1024xf32, #tpu.memory_space<vmem>>, vector<1x16xf32>,
      %get3A_634 = vector.shape_cast %get3A_633 : vector<1x16xf32> to vector<16xf32>
      %get3A_635 = arith.constant 0 : i32
      %get3A_636 = arith.index_cast %get3A_635 : i32 to index
      %get3A_637 = arith.index_cast %mul3A_629 : i32 to index
      %get3A_638 = tpu.vector_load %arg10[%get3A_636, %get3A_637] {strides = array<i32>} : memref<16x1024xf32, #tpu.memory_space<vmem>>, vector<1x16xf32>,
      %get3A_639 = vector.shape_cast %get3A_638 : vector<1x16xf32> to vector<16xf32>
      %add3A_640 = arith.addf %get3A_634, %get3A_639 : vector<16xf32>
      %swap3A_641 = arith.constant 0 : i32
      %swap3A_642 = arith.index_cast %swap3A_641 : i32 to index
      %swap3A_643 = arith.index_cast %mul3A_629 : i32 to index
      %swap3A_644 = tpu.vector_load %arg8[%swap3A_642, %swap3A_643] {strides = array<i32>} : memref<16x1024xf32, #tpu.memory_space<vmem>>, vector<1x16xf32>,
      %swap3A_645 = vector.shape_cast %swap3A_644 : vector<1x16xf32> to vector<16xf32>
      %swap3A_646 = vector.shape_cast %add3A_640 : vector<16xf32> to vector<1x16xf32>
      tpu.vector_store %arg8[%swap3A_642, %swap3A_643], %swap3A_646 {strides = array<i32>} : memref<16x1024xf32, #tpu.memory_space<vmem>>, vector<1x16xf32>,
      %scan3A_647 = arith.constant 0 : i32
      scf.yield %scan3A_647 : i32
    }
    %scan3A_186 = arith.constant 64 : i32
    %scan3A_187 = arith.constant 0 : i32
    %scan3A_188 = arith.constant 0 : i32
    %scan3A_189 = arith.constant 64 : i32
    %scan3A_190 = arith.addi %scan3A_188, %scan3A_189 : i32
    %scan3A_191 = arith.constant 2 : i32
    %scan3A_192 = scf.for %scan3A_606 = %scan3A_188 to %scan3A_190 step %scan3A_191 iter_args(%scan3A_607 = %scan3A_187) -> (i32)  : i32 {
      %mul3A_608 = arith.constant 16 : i32
      %mul3A_609 = arith.muli %scan3A_606, %mul3A_608 : i32
      %get3A = arith.constant 1 : i32
      %get3A_610 = arith.index_cast %get3A : i32 to index
      %get3A_611 = arith.index_cast %mul3A_609 : i32 to index
      %get3A_612 = tpu.vector_load %arg8[%get3A_610, %get3A_611] {strides = array<i32>} : memref<16x1024xf32, #tpu.memory_space<vmem>>, vector<1x16xf32>,
      %get3A_613 = vector.shape_cast %get3A_612 : vector<1x16xf32> to vector<16xf32>
      %get3A_614 = arith.constant 1 : i32
      %get3A_615 = arith.index_cast %get3A_614 : i32 to index
      %get3A_616 = arith.index_cast %mul3A_609 : i32 to index
      %get3A_617 = tpu.vector_load %arg10[%get3A_615, %get3A_616] {strides = array<i32>} : memref<16x1024xf32, #tpu.memory_space<vmem>>, vector<1x16xf32>,
      %get3A_618 = vector.shape_cast %get3A_617 : vector<1x16xf32> to vector<16xf32>
      %add3A_619 = arith.addf %get3A_613, %get3A_618 : vector<16xf32>
      %swap3A = arith.constant 1 : i32
      %swap3A_620 = arith.index_cast %swap3A : i32 to index
      %swap3A_621 = arith.index_cast %mul3A_609 : i32 to index
      %swap3A_622 = tpu.vector_load %arg8[%swap3A_620, %swap3A_621] {strides = array<i32>} : memref<16x1024xf32, #tpu.memory_space<vmem>>, vector<1x16xf32>,
      %swap3A_623 = vector.shape_cast %swap3A_622 : vector<1x16xf32> to vector<16xf32>
      %swap3A_624 = vector.shape_cast %add3A_619 : vector<16xf32> to vector<1x16xf32>
      tpu.vector_store %arg8[%swap3A_620, %swap3A_621], %swap3A_624 {strides = array<i32>} : memref<16x1024xf32, #tpu.memory_space<vmem>>, vector<1x16xf32>,
      %scan3A_625 = arith.constant 0 : i32
      %scan3A_626 = arith.constant 1 : i32
      %scan3A_627 = arith.addi %scan3A_606, %scan3A_626 : i32
      %mul3A_628 = arith.constant 16 : i32
      %mul3A_629 = arith.muli %scan3A_627, %mul3A_628 : i32
      %get3A_630 = arith.constant 1 : i32
      %get3A_631 = arith.index_cast %get3A_630 : i32 to index
      %get3A_632 = arith.index_cast %mul3A_629 : i32 to index
      %get3A_633 = tpu.vector_load %arg8[%get3A_631, %get3A_632] {strides = array<i32>} : memref<16x1024xf32, #tpu.memory_space<vmem>>, vector<1x16xf32>,
      %get3A_634 = vector.shape_cast %get3A_633 : vector<1x16xf32> to vector<16xf32>
      %get3A_635 = arith.constant 1 : i32
      %get3A_636 = arith.index_cast %get3A_635 : i32 to index
      %get3A_637 = arith.index_cast %mul3A_629 : i32 to index
      %get3A_638 = tpu.vector_load %arg10[%get3A_636, %get3A_637] {strides = array<i32>} : memref<16x1024xf32, #tpu.memory_space<vmem>>, vector<1x16xf32>,
      %get3A_639 = vector.shape_cast %get3A_638 : vector<1x16xf32> to vector<16xf32>
      %add3A_640 = arith.addf %get3A_634, %get3A_639 : vector<16xf32>
      %swap3A_641 = arith.constant 1 : i32
      %swap3A_642 = arith.index_cast %swap3A_641 : i32 to index
      %swap3A_643 = arith.index_cast %mul3A_629 : i32 to index
      %swap3A_644 = tpu.vector_load %arg8[%swap3A_642, %swap3A_643] {strides = array<i32>} : memref<16x1024xf32, #tpu.memory_space<vmem>>, vector<1x16xf32>,
      %swap3A_645 = vector.shape_cast %swap3A_644 : vector<1x16xf32> to vector<16xf32>
      %swap3A_646 = vector.shape_cast %add3A_640 : vector<16xf32> to vector<1x16xf32>
      tpu.vector_store %arg8[%swap3A_642, %swap3A_643], %swap3A_646 {strides = array<i32>} : memref<16x1024xf32, #tpu.memory_space<vmem>>, vector<1x16xf32>,
      %scan3A_647 = arith.constant 0 : i32
      scf.yield %scan3A_647 : i32
    }
    %scan3A_193 = arith.constant 64 : i32
    %scan3A_194 = arith.constant 0 : i32
    %scan3A_195 = arith.constant 0 : i32
    %scan3A_196 = arith.constant 64 : i32
    %scan3A_197 = arith.addi %scan3A_195, %scan3A_196 : i32
    %scan3A_198 = arith.constant 2 : i32
    %scan3A_199 = scf.for %scan3A_606 = %scan3A_195 to %scan3A_197 step %scan3A_198 iter_args(%scan3A_607 = %scan3A_194) -> (i32)  : i32 {
      %mul3A_608 = arith.constant 16 : i32
      %mul3A_609 = arith.muli %scan3A_606, %mul3A_608 : i32
      %get3A = arith.constant 2 : i32
      %get3A_610 = arith.index_cast %get3A : i32 to index
      %get3A_611 = arith.index_cast %mul3A_609 : i32 to index
      %get3A_612 = tpu.vector_load %arg8[%get3A_610, %get3A_611] {strides = array<i32>} : memref<16x1024xf32, #tpu.memory_space<vmem>>, vector<1x16xf32>,
      %get3A_613 = vector.shape_cast %get3A_612 : vector<1x16xf32> to vector<16xf32>
      %get3A_614 = arith.constant 2 : i32
      %get3A_615 = arith.index_cast %get3A_614 : i32 to index
      %get3A_616 = arith.index_cast %mul3A_609 : i32 to index
      %get3A_617 = tpu.vector_load %arg10[%get3A_615, %get3A_616] {strides = array<i32>} : memref<16x1024xf32, #tpu.memory_space<vmem>>, vector<1x16xf32>,
      %get3A_618 = vector.shape_cast %get3A_617 : vector<1x16xf32> to vector<16xf32>
      %add3A_619 = arith.addf %get3A_613, %get3A_618 : vector<16xf32>
      %swap3A = arith.constant 2 : i32
      %swap3A_620 = arith.index_cast %swap3A : i32 to index
      %swap3A_621 = arith.index_cast %mul3A_609 : i32 to index
      %swap3A_622 = tpu.vector_load %arg8[%swap3A_620, %swap3A_621] {strides = array<i32>} : memref<16x1024xf32, #tpu.memory_space<vmem>>, vector<1x16xf32>,
      %swap3A_623 = vector.shape_cast %swap3A_622 : vector<1x16xf32> to vector<16xf32>
      %swap3A_624 = vector.shape_cast %add3A_619 : vector<16xf32> to vector<1x16xf32>
      tpu.vector_store %arg8[%swap3A_620, %swap3A_621], %swap3A_624 {strides = array<i32>} : memref<16x1024xf32, #tpu.memory_space<vmem>>, vector<1x16xf32>,
      %scan3A_625 = arith.constant 0 : i32
      %scan3A_626 = arith.constant 1 : i32
      %scan3A_627 = arith.addi %scan3A_606, %scan3A_626 : i32
      %mul3A_628 = arith.constant 16 : i32
      %mul3A_629 = arith.muli %scan3A_627, %mul3A_628 : i32
      %get3A_630 = arith.constant 2 : i32
      %get3A_631 = arith.index_cast %get3A_630 : i32 to index
      %get3A_632 = arith.index_cast %mul3A_629 : i32 to index
      %get3A_633 = tpu.vector_load %arg8[%get3A_631, %get3A_632] {strides = array<i32>} : memref<16x1024xf32, #tpu.memory_space<vmem>>, vector<1x16xf32>,
      %get3A_634 = vector.shape_cast %get3A_633 : vector<1x16xf32> to vector<16xf32>
      %get3A_635 = arith.constant 2 : i32
      %get3A_636 = arith.index_cast %get3A_635 : i32 to index
      %get3A_637 = arith.index_cast %mul3A_629 : i32 to index
      %get3A_638 = tpu.vector_load %arg10[%get3A_636, %get3A_637] {strides = array<i32>} : memref<16x1024xf32, #tpu.memory_space<vmem>>, vector<1x16xf32>,
      %get3A_639 = vector.shape_cast %get3A_638 : vector<1x16xf32> to vector<16xf32>
      %add3A_640 = arith.addf %get3A_634, %get3A_639 : vector<16xf32>
      %swap3A_641 = arith.constant 2 : i32
      %swap3A_642 = arith.index_cast %swap3A_641 : i32 to index
      %swap3A_643 = arith.index_cast %mul3A_629 : i32 to index
      %swap3A_644 = tpu.vector_load %arg8[%swap3A_642, %swap3A_643] {strides = array<i32>} : memref<16x1024xf32, #tpu.memory_space<vmem>>, vector<1x16xf32>,
      %swap3A_645 = vector.shape_cast %swap3A_644 : vector<1x16xf32> to vector<16xf32>
      %swap3A_646 = vector.shape_cast %add3A_640 : vector<16xf32> to vector<1x16xf32>
      tpu.vector_store %arg8[%swap3A_642, %swap3A_643], %swap3A_646 {strides = array<i32>} : memref<16x1024xf32, #tpu.memory_space<vmem>>, vector<1x16xf32>,
      %scan3A_647 = arith.constant 0 : i32
      scf.yield %scan3A_647 : i32
    }
    %scan3A_200 = arith.constant 64 : i32
    %scan3A_201 = arith.constant 0 : i32
    %scan3A_202 = arith.constant 0 : i32
    %scan3A_203 = arith.constant 64 : i32
    %scan3A_204 = arith.addi %scan3A_202, %scan3A_203 : i32
    %scan3A_205 = arith.constant 2 : i32
    %scan3A_206 = scf.for %scan3A_606 = %scan3A_202 to %scan3A_204 step %scan3A_205 iter_args(%scan3A_607 = %scan3A_201) -> (i32)  : i32 {
      %mul3A_608 = arith.constant 16 : i32
      %mul3A_609 = arith.muli %scan3A_606, %mul3A_608 : i32
      %get3A = arith.constant 3 : i32
      %get3A_610 = arith.index_cast %get3A : i32 to index
      %get3A_611 = arith.index_cast %mul3A_609 : i32 to index
      %get3A_612 = tpu.vector_load %arg8[%get3A_610, %get3A_611] {strides = array<i32>} : memref<16x1024xf32, #tpu.memory_space<vmem>>, vector<1x16xf32>,
      %get3A_613 = vector.shape_cast %get3A_612 : vector<1x16xf32> to vector<16xf32>
      %get3A_614 = arith.constant 3 : i32
      %get3A_615 = arith.index_cast %get3A_614 : i32 to index
      %get3A_616 = arith.index_cast %mul3A_609 : i32 to index
      %get3A_617 = tpu.vector_load %arg10[%get3A_615, %get3A_616] {strides = array<i32>} : memref<16x1024xf32, #tpu.memory_space<vmem>>, vector<1x16xf32>,
      %get3A_618 = vector.shape_cast %get3A_617 : vector<1x16xf32> to vector<16xf32>
      %add3A_619 = arith.addf %get3A_613, %get3A_618 : vector<16xf32>
      %swap3A = arith.constant 3 : i32
      %swap3A_620 = arith.index_cast %swap3A : i32 to index
      %swap3A_621 = arith.index_cast %mul3A_609 : i32 to index
      %swap3A_622 = tpu.vector_load %arg8[%swap3A_620, %swap3A_621] {strides = array<i32>} : memref<16x1024xf32, #tpu.memory_space<vmem>>, vector<1x16xf32>,
      %swap3A_623 = vector.shape_cast %swap3A_622 : vector<1x16xf32> to vector<16xf32>
      %swap3A_624 = vector.shape_cast %add3A_619 : vector<16xf32> to vector<1x16xf32>
      tpu.vector_store %arg8[%swap3A_620, %swap3A_621], %swap3A_624 {strides = array<i32>} : memref<16x1024xf32, #tpu.memory_space<vmem>>, vector<1x16xf32>,
      %scan3A_625 = arith.constant 0 : i32
      %scan3A_626 = arith.constant 1 : i32
      %scan3A_627 = arith.addi %scan3A_606, %scan3A_626 : i32
      %mul3A_628 = arith.constant 16 : i32
      %mul3A_629 = arith.muli %scan3A_627, %mul3A_628 : i32
      %get3A_630 = arith.constant 3 : i32
      %get3A_631 = arith.index_cast %get3A_630 : i32 to index
      %get3A_632 = arith.index_cast %mul3A_629 : i32 to index
      %get3A_633 = tpu.vector_load %arg8[%get3A_631, %get3A_632] {strides = array<i32>} : memref<16x1024xf32, #tpu.memory_space<vmem>>, vector<1x16xf32>,
      %get3A_634 = vector.shape_cast %get3A_633 : vector<1x16xf32> to vector<16xf32>
      %get3A_635 = arith.constant 3 : i32
      %get3A_636 = arith.index_cast %get3A_635 : i32 to index
      %get3A_637 = arith.index_cast %mul3A_629 : i32 to index
      %get3A_638 = tpu.vector_load %arg10[%get3A_636, %get3A_637] {strides = array<i32>} : memref<16x1024xf32, #tpu.memory_space<vmem>>, vector<1x16xf32>,
      %get3A_639 = vector.shape_cast %get3A_638 : vector<1x16xf32> to vector<16xf32>
      %add3A_640 = arith.addf %get3A_634, %get3A_639 : vector<16xf32>
      %swap3A_641 = arith.constant 3 : i32
      %swap3A_642 = arith.index_cast %swap3A_641 : i32 to index
      %swap3A_643 = arith.index_cast %mul3A_629 : i32 to index
      %swap3A_644 = tpu.vector_load %arg8[%swap3A_642, %swap3A_643] {strides = array<i32>} : memref<16x1024xf32, #tpu.memory_space<vmem>>, vector<1x16xf32>,
      %swap3A_645 = vector.shape_cast %swap3A_644 : vector<1x16xf32> to vector<16xf32>
      %swap3A_646 = vector.shape_cast %add3A_640 : vector<16xf32> to vector<1x16xf32>
      tpu.vector_store %arg8[%swap3A_642, %swap3A_643], %swap3A_646 {strides = array<i32>} : memref<16x1024xf32, #tpu.memory_space<vmem>>, vector<1x16xf32>,
      %scan3A_647 = arith.constant 0 : i32
      scf.yield %scan3A_647 : i32
    }
    %scan3A_207 = arith.constant 64 : i32
    %scan3A_208 = arith.constant 0 : i32
    %scan3A_209 = arith.constant 0 : i32
    %scan3A_210 = arith.constant 64 : i32
    %scan3A_211 = arith.addi %scan3A_209, %scan3A_210 : i32
    %scan3A_212 = arith.constant 2 : i32
    %scan3A_213 = scf.for %scan3A_606 = %scan3A_209 to %scan3A_211 step %scan3A_212 iter_args(%scan3A_607 = %scan3A_208) -> (i32)  : i32 {
      %mul3A_608 = arith.constant 16 : i32
      %mul3A_609 = arith.muli %scan3A_606, %mul3A_608 : i32
      %get3A = arith.constant 4 : i32
      %get3A_610 = arith.index_cast %get3A : i32 to index
      %get3A_611 = arith.index_cast %mul3A_609 : i32 to index
      %get3A_612 = tpu.vector_load %arg8[%get3A_610, %get3A_611] {strides = array<i32>} : memref<16x1024xf32, #tpu.memory_space<vmem>>, vector<1x16xf32>,
      %get3A_613 = vector.shape_cast %get3A_612 : vector<1x16xf32> to vector<16xf32>
      %get3A_614 = arith.constant 4 : i32
      %get3A_615 = arith.index_cast %get3A_614 : i32 to index
      %get3A_616 = arith.index_cast %mul3A_609 : i32 to index
      %get3A_617 = tpu.vector_load %arg10[%get3A_615, %get3A_616] {strides = array<i32>} : memref<16x1024xf32, #tpu.memory_space<vmem>>, vector<1x16xf32>,
      %get3A_618 = vector.shape_cast %get3A_617 : vector<1x16xf32> to vector<16xf32>
      %add3A_619 = arith.addf %get3A_613, %get3A_618 : vector<16xf32>
      %swap3A = arith.constant 4 : i32
      %swap3A_620 = arith.index_cast %swap3A : i32 to index
      %swap3A_621 = arith.index_cast %mul3A_609 : i32 to index
      %swap3A_622 = tpu.vector_load %arg8[%swap3A_620, %swap3A_621] {strides = array<i32>} : memref<16x1024xf32, #tpu.memory_space<vmem>>, vector<1x16xf32>,
      %swap3A_623 = vector.shape_cast %swap3A_622 : vector<1x16xf32> to vector<16xf32>
      %swap3A_624 = vector.shape_cast %add3A_619 : vector<16xf32> to vector<1x16xf32>
      tpu.vector_store %arg8[%swap3A_620, %swap3A_621], %swap3A_624 {strides = array<i32>} : memref<16x1024xf32, #tpu.memory_space<vmem>>, vector<1x16xf32>,
      %scan3A_625 = arith.constant 0 : i32
      %scan3A_626 = arith.constant 1 : i32
      %scan3A_627 = arith.addi %scan3A_606, %scan3A_626 : i32
      %mul3A_628 = arith.constant 16 : i32
      %mul3A_629 = arith.muli %scan3A_627, %mul3A_628 : i32
      %get3A_630 = arith.constant 4 : i32
      %get3A_631 = arith.index_cast %get3A_630 : i32 to index
      %get3A_632 = arith.index_cast %mul3A_629 : i32 to index
      %get3A_633 = tpu.vector_load %arg8[%get3A_631, %get3A_632] {strides = array<i32>} : memref<16x1024xf32, #tpu.memory_space<vmem>>, vector<1x16xf32>,
      %get3A_634 = vector.shape_cast %get3A_633 : vector<1x16xf32> to vector<16xf32>
      %get3A_635 = arith.constant 4 : i32
      %get3A_636 = arith.index_cast %get3A_635 : i32 to index
      %get3A_637 = arith.index_cast %mul3A_629 : i32 to index
      %get3A_638 = tpu.vector_load %arg10[%get3A_636, %get3A_637] {strides = array<i32>} : memref<16x1024xf32, #tpu.memory_space<vmem>>, vector<1x16xf32>,
      %get3A_639 = vector.shape_cast %get3A_638 : vector<1x16xf32> to vector<16xf32>
      %add3A_640 = arith.addf %get3A_634, %get3A_639 : vector<16xf32>
      %swap3A_641 = arith.constant 4 : i32
      %swap3A_642 = arith.index_cast %swap3A_641 : i32 to index
      %swap3A_643 = arith.index_cast %mul3A_629 : i32 to index
      %swap3A_644 = tpu.vector_load %arg8[%swap3A_642, %swap3A_643] {strides = array<i32>} : memref<16x1024xf32, #tpu.memory_space<vmem>>, vector<1x16xf32>,
      %swap3A_645 = vector.shape_cast %swap3A_644 : vector<1x16xf32> to vector<16xf32>
      %swap3A_646 = vector.shape_cast %add3A_640 : vector<16xf32> to vector<1x16xf32>
      tpu.vector_store %arg8[%swap3A_642, %swap3A_643], %swap3A_646 {strides = array<i32>} : memref<16x1024xf32, #tpu.memory_space<vmem>>, vector<1x16xf32>,
      %scan3A_647 = arith.constant 0 : i32
      scf.yield %scan3A_647 : i32
    }
    %scan3A_214 = arith.constant 64 : i32
    %scan3A_215 = arith.constant 0 : i32
    %scan3A_216 = arith.constant 0 : i32
    %scan3A_217 = arith.constant 64 : i32
    %scan3A_218 = arith.addi %scan3A_216, %scan3A_217 : i32
    %scan3A_219 = arith.constant 2 : i32
    %scan3A_220 = scf.for %scan3A_606 = %scan3A_216 to %scan3A_218 step %scan3A_219 iter_args(%scan3A_607 = %scan3A_215) -> (i32)  : i32 {
      %mul3A_608 = arith.constant 16 : i32
      %mul3A_609 = arith.muli %scan3A_606, %mul3A_608 : i32
      %get3A = arith.constant 5 : i32
      %get3A_610 = arith.index_cast %get3A : i32 to index
      %get3A_611 = arith.index_cast %mul3A_609 : i32 to index
      %get3A_612 = tpu.vector_load %arg8[%get3A_610, %get3A_611] {strides = array<i32>} : memref<16x1024xf32, #tpu.memory_space<vmem>>, vector<1x16xf32>,
      %get3A_613 = vector.shape_cast %get3A_612 : vector<1x16xf32> to vector<16xf32>
      %get3A_614 = arith.constant 5 : i32
      %get3A_615 = arith.index_cast %get3A_614 : i32 to index
      %get3A_616 = arith.index_cast %mul3A_609 : i32 to index
      %get3A_617 = tpu.vector_load %arg10[%get3A_615, %get3A_616] {strides = array<i32>} : memref<16x1024xf32, #tpu.memory_space<vmem>>, vector<1x16xf32>,
      %get3A_618 = vector.shape_cast %get3A_617 : vector<1x16xf32> to vector<16xf32>
      %add3A_619 = arith.addf %get3A_613, %get3A_618 : vector<16xf32>
      %swap3A = arith.constant 5 : i32
      %swap3A_620 = arith.index_cast %swap3A : i32 to index
      %swap3A_621 = arith.index_cast %mul3A_609 : i32 to index
      %swap3A_622 = tpu.vector_load %arg8[%swap3A_620, %swap3A_621] {strides = array<i32>} : memref<16x1024xf32, #tpu.memory_space<vmem>>, vector<1x16xf32>,
      %swap3A_623 = vector.shape_cast %swap3A_622 : vector<1x16xf32> to vector<16xf32>
      %swap3A_624 = vector.shape_cast %add3A_619 : vector<16xf32> to vector<1x16xf32>
      tpu.vector_store %arg8[%swap3A_620, %swap3A_621], %swap3A_624 {strides = array<i32>} : memref<16x1024xf32, #tpu.memory_space<vmem>>, vector<1x16xf32>,
      %scan3A_625 = arith.constant 0 : i32
      %scan3A_626 = arith.constant 1 : i32
      %scan3A_627 = arith.addi %scan3A_606, %scan3A_626 : i32
      %mul3A_628 = arith.constant 16 : i32
      %mul3A_629 = arith.muli %scan3A_627, %mul3A_628 : i32
      %get3A_630 = arith.constant 5 : i32
      %get3A_631 = arith.index_cast %get3A_630 : i32 to index
      %get3A_632 = arith.index_cast %mul3A_629 : i32 to index
      %get3A_633 = tpu.vector_load %arg8[%get3A_631, %get3A_632] {strides = array<i32>} : memref<16x1024xf32, #tpu.memory_space<vmem>>, vector<1x16xf32>,
      %get3A_634 = vector.shape_cast %get3A_633 : vector<1x16xf32> to vector<16xf32>
      %get3A_635 = arith.constant 5 : i32
      %get3A_636 = arith.index_cast %get3A_635 : i32 to index
      %get3A_637 = arith.index_cast %mul3A_629 : i32 to index
      %get3A_638 = tpu.vector_load %arg10[%get3A_636, %get3A_637] {strides = array<i32>} : memref<16x1024xf32, #tpu.memory_space<vmem>>, vector<1x16xf32>,
      %get3A_639 = vector.shape_cast %get3A_638 : vector<1x16xf32> to vector<16xf32>
      %add3A_640 = arith.addf %get3A_634, %get3A_639 : vector<16xf32>
      %swap3A_641 = arith.constant 5 : i32
      %swap3A_642 = arith.index_cast %swap3A_641 : i32 to index
      %swap3A_643 = arith.index_cast %mul3A_629 : i32 to index
      %swap3A_644 = tpu.vector_load %arg8[%swap3A_642, %swap3A_643] {strides = array<i32>} : memref<16x1024xf32, #tpu.memory_space<vmem>>, vector<1x16xf32>,
      %swap3A_645 = vector.shape_cast %swap3A_644 : vector<1x16xf32> to vector<16xf32>
      %swap3A_646 = vector.shape_cast %add3A_640 : vector<16xf32> to vector<1x16xf32>
      tpu.vector_store %arg8[%swap3A_642, %swap3A_643], %swap3A_646 {strides = array<i32>} : memref<16x1024xf32, #tpu.memory_space<vmem>>, vector<1x16xf32>,
      %scan3A_647 = arith.constant 0 : i32
      scf.yield %scan3A_647 : i32
    }
    %scan3A_221 = arith.constant 64 : i32
    %scan3A_222 = arith.constant 0 : i32
    %scan3A_223 = arith.constant 0 : i32
    %scan3A_224 = arith.constant 64 : i32
    %scan3A_225 = arith.addi %scan3A_223, %scan3A_224 : i32
    %scan3A_226 = arith.constant 2 : i32
    %scan3A_227 = scf.for %scan3A_606 = %scan3A_223 to %scan3A_225 step %scan3A_226 iter_args(%scan3A_607 = %scan3A_222) -> (i32)  : i32 {
      %mul3A_608 = arith.constant 16 : i32
      %mul3A_609 = arith.muli %scan3A_606, %mul3A_608 : i32
      %get3A = arith.constant 6 : i32
      %get3A_610 = arith.index_cast %get3A : i32 to index
      %get3A_611 = arith.index_cast %mul3A_609 : i32 to index
      %get3A_612 = tpu.vector_load %arg8[%get3A_610, %get3A_611] {strides = array<i32>} : memref<16x1024xf32, #tpu.memory_space<vmem>>, vector<1x16xf32>,
      %get3A_613 = vector.shape_cast %get3A_612 : vector<1x16xf32> to vector<16xf32>
      %get3A_614 = arith.constant 6 : i32
      %get3A_615 = arith.index_cast %get3A_614 : i32 to index
      %get3A_616 = arith.index_cast %mul3A_609 : i32 to index
      %get3A_617 = tpu.vector_load %arg10[%get3A_615, %get3A_616] {strides = array<i32>} : memref<16x1024xf32, #tpu.memory_space<vmem>>, vector<1x16xf32>,
      %get3A_618 = vector.shape_cast %get3A_617 : vector<1x16xf32> to vector<16xf32>
      %add3A_619 = arith.addf %get3A_613, %get3A_618 : vector<16xf32>
      %swap3A = arith.constant 6 : i32
      %swap3A_620 = arith.index_cast %swap3A : i32 to index
      %swap3A_621 = arith.index_cast %mul3A_609 : i32 to index
      %swap3A_622 = tpu.vector_load %arg8[%swap3A_620, %swap3A_621] {strides = array<i32>} : memref<16x1024xf32, #tpu.memory_space<vmem>>, vector<1x16xf32>,
      %swap3A_623 = vector.shape_cast %swap3A_622 : vector<1x16xf32> to vector<16xf32>
      %swap3A_624 = vector.shape_cast %add3A_619 : vector<16xf32> to vector<1x16xf32>
      tpu.vector_store %arg8[%swap3A_620, %swap3A_621], %swap3A_624 {strides = array<i32>} : memref<16x1024xf32, #tpu.memory_space<vmem>>, vector<1x16xf32>,
      %scan3A_625 = arith.constant 0 : i32
      %scan3A_626 = arith.constant 1 : i32
      %scan3A_627 = arith.addi %scan3A_606, %scan3A_626 : i32
      %mul3A_628 = arith.constant 16 : i32
      %mul3A_629 = arith.muli %scan3A_627, %mul3A_628 : i32
      %get3A_630 = arith.constant 6 : i32
      %get3A_631 = arith.index_cast %get3A_630 : i32 to index
      %get3A_632 = arith.index_cast %mul3A_629 : i32 to index
      %get3A_633 = tpu.vector_load %arg8[%get3A_631, %get3A_632] {strides = array<i32>} : memref<16x1024xf32, #tpu.memory_space<vmem>>, vector<1x16xf32>,
      %get3A_634 = vector.shape_cast %get3A_633 : vector<1x16xf32> to vector<16xf32>
      %get3A_635 = arith.constant 6 : i32
      %get3A_636 = arith.index_cast %get3A_635 : i32 to index
      %get3A_637 = arith.index_cast %mul3A_629 : i32 to index
      %get3A_638 = tpu.vector_load %arg10[%get3A_636, %get3A_637] {strides = array<i32>} : memref<16x1024xf32, #tpu.memory_space<vmem>>, vector<1x16xf32>,
      %get3A_639 = vector.shape_cast %get3A_638 : vector<1x16xf32> to vector<16xf32>
      %add3A_640 = arith.addf %get3A_634, %get3A_639 : vector<16xf32>
      %swap3A_641 = arith.constant 6 : i32
      %swap3A_642 = arith.index_cast %swap3A_641 : i32 to index
      %swap3A_643 = arith.index_cast %mul3A_629 : i32 to index
      %swap3A_644 = tpu.vector_load %arg8[%swap3A_642, %swap3A_643] {strides = array<i32>} : memref<16x1024xf32, #tpu.memory_space<vmem>>, vector<1x16xf32>,
      %swap3A_645 = vector.shape_cast %swap3A_644 : vector<1x16xf32> to vector<16xf32>
      %swap3A_646 = vector.shape_cast %add3A_640 : vector<16xf32> to vector<1x16xf32>
      tpu.vector_store %arg8[%swap3A_642, %swap3A_643], %swap3A_646 {strides = array<i32>} : memref<16x1024xf32, #tpu.memory_space<vmem>>, vector<1x16xf32>,
      %scan3A_647 = arith.constant 0 : i32
      scf.yield %scan3A_647 : i32
    }
    %scan3A_228 = arith.constant 64 : i32
    %scan3A_229 = arith.constant 0 : i32
    %scan3A_230 = arith.constant 0 : i32
    %scan3A_231 = arith.constant 64 : i32
    %scan3A_232 = arith.addi %scan3A_230, %scan3A_231 : i32
    %scan3A_233 = arith.constant 2 : i32
    %scan3A_234 = scf.for %scan3A_606 = %scan3A_230 to %scan3A_232 step %scan3A_233 iter_args(%scan3A_607 = %scan3A_229) -> (i32)  : i32 {
      %mul3A_608 = arith.constant 16 : i32
      %mul3A_609 = arith.muli %scan3A_606, %mul3A_608 : i32
      %get3A = arith.constant 7 : i32
      %get3A_610 = arith.index_cast %get3A : i32 to index
      %get3A_611 = arith.index_cast %mul3A_609 : i32 to index
      %get3A_612 = tpu.vector_load %arg8[%get3A_610, %get3A_611] {strides = array<i32>} : memref<16x1024xf32, #tpu.memory_space<vmem>>, vector<1x16xf32>,
      %get3A_613 = vector.shape_cast %get3A_612 : vector<1x16xf32> to vector<16xf32>
      %get3A_614 = arith.constant 7 : i32
      %get3A_615 = arith.index_cast %get3A_614 : i32 to index
      %get3A_616 = arith.index_cast %mul3A_609 : i32 to index
      %get3A_617 = tpu.vector_load %arg10[%get3A_615, %get3A_616] {strides = array<i32>} : memref<16x1024xf32, #tpu.memory_space<vmem>>, vector<1x16xf32>,
      %get3A_618 = vector.shape_cast %get3A_617 : vector<1x16xf32> to vector<16xf32>
      %add3A_619 = arith.addf %get3A_613, %get3A_618 : vector<16xf32>
      %swap3A = arith.constant 7 : i32
      %swap3A_620 = arith.index_cast %swap3A : i32 to index
      %swap3A_621 = arith.index_cast %mul3A_609 : i32 to index
      %swap3A_622 = tpu.vector_load %arg8[%swap3A_620, %swap3A_621] {strides = array<i32>} : memref<16x1024xf32, #tpu.memory_space<vmem>>, vector<1x16xf32>,
      %swap3A_623 = vector.shape_cast %swap3A_622 : vector<1x16xf32> to vector<16xf32>
      %swap3A_624 = vector.shape_cast %add3A_619 : vector<16xf32> to vector<1x16xf32>
      tpu.vector_store %arg8[%swap3A_620, %swap3A_621], %swap3A_624 {strides = array<i32>} : memref<16x1024xf32, #tpu.memory_space<vmem>>, vector<1x16xf32>,
      %scan3A_625 = arith.constant 0 : i32
      %scan3A_626 = arith.constant 1 : i32
      %scan3A_627 = arith.addi %scan3A_606, %scan3A_626 : i32
      %mul3A_628 = arith.constant 16 : i32
      %mul3A_629 = arith.muli %scan3A_627, %mul3A_628 : i32
      %get3A_630 = arith.constant 7 : i32
      %get3A_631 = arith.index_cast %get3A_630 : i32 to index
      %get3A_632 = arith.index_cast %mul3A_629 : i32 to index
      %get3A_633 = tpu.vector_load %arg8[%get3A_631, %get3A_632] {strides = array<i32>} : memref<16x1024xf32, #tpu.memory_space<vmem>>, vector<1x16xf32>,
      %get3A_634 = vector.shape_cast %get3A_633 : vector<1x16xf32> to vector<16xf32>
      %get3A_635 = arith.constant 7 : i32
      %get3A_636 = arith.index_cast %get3A_635 : i32 to index
      %get3A_637 = arith.index_cast %mul3A_629 : i32 to index
      %get3A_638 = tpu.vector_load %arg10[%get3A_636, %get3A_637] {strides = array<i32>} : memref<16x1024xf32, #tpu.memory_space<vmem>>, vector<1x16xf32>,
      %get3A_639 = vector.shape_cast %get3A_638 : vector<1x16xf32> to vector<16xf32>
      %add3A_640 = arith.addf %get3A_634, %get3A_639 : vector<16xf32>
      %swap3A_641 = arith.constant 7 : i32
      %swap3A_642 = arith.index_cast %swap3A_641 : i32 to index
      %swap3A_643 = arith.index_cast %mul3A_629 : i32 to index
      %swap3A_644 = tpu.vector_load %arg8[%swap3A_642, %swap3A_643] {strides = array<i32>} : memref<16x1024xf32, #tpu.memory_space<vmem>>, vector<1x16xf32>,
      %swap3A_645 = vector.shape_cast %swap3A_644 : vector<1x16xf32> to vector<16xf32>
      %swap3A_646 = vector.shape_cast %add3A_640 : vector<16xf32> to vector<1x16xf32>
      tpu.vector_store %arg8[%swap3A_642, %swap3A_643], %swap3A_646 {strides = array<i32>} : memref<16x1024xf32, #tpu.memory_space<vmem>>, vector<1x16xf32>,
      %scan3A_647 = arith.constant 0 : i32
      scf.yield %scan3A_647 : i32
    }
    %scan3A_235 = arith.constant 64 : i32
    %scan3A_236 = arith.constant 0 : i32
    %scan3A_237 = arith.constant 0 : i32
    %scan3A_238 = arith.constant 64 : i32
    %scan3A_239 = arith.addi %scan3A_237, %scan3A_238 : i32
    %scan3A_240 = arith.constant 2 : i32
    %scan3A_241 = scf.for %scan3A_606 = %scan3A_237 to %scan3A_239 step %scan3A_240 iter_args(%scan3A_607 = %scan3A_236) -> (i32)  : i32 {
      %mul3A_608 = arith.constant 16 : i32
      %mul3A_609 = arith.muli %scan3A_606, %mul3A_608 : i32
      %get3A = arith.constant 8 : i32
      %get3A_610 = arith.index_cast %get3A : i32 to index
      %get3A_611 = arith.index_cast %mul3A_609 : i32 to index
      %get3A_612 = tpu.vector_load %arg8[%get3A_610, %get3A_611] {strides = array<i32>} : memref<16x1024xf32, #tpu.memory_space<vmem>>, vector<1x16xf32>,
      %get3A_613 = vector.shape_cast %get3A_612 : vector<1x16xf32> to vector<16xf32>
      %get3A_614 = arith.constant 8 : i32
      %get3A_615 = arith.index_cast %get3A_614 : i32 to index
      %get3A_616 = arith.index_cast %mul3A_609 : i32 to index
      %get3A_617 = tpu.vector_load %arg10[%get3A_615, %get3A_616] {strides = array<i32>} : memref<16x1024xf32, #tpu.memory_space<vmem>>, vector<1x16xf32>,
      %get3A_618 = vector.shape_cast %get3A_617 : vector<1x16xf32> to vector<16xf32>
      %add3A_619 = arith.addf %get3A_613, %get3A_618 : vector<16xf32>
      %swap3A = arith.constant 8 : i32
      %swap3A_620 = arith.index_cast %swap3A : i32 to index
      %swap3A_621 = arith.index_cast %mul3A_609 : i32 to index
      %swap3A_622 = tpu.vector_load %arg8[%swap3A_620, %swap3A_621] {strides = array<i32>} : memref<16x1024xf32, #tpu.memory_space<vmem>>, vector<1x16xf32>,
      %swap3A_623 = vector.shape_cast %swap3A_622 : vector<1x16xf32> to vector<16xf32>
      %swap3A_624 = vector.shape_cast %add3A_619 : vector<16xf32> to vector<1x16xf32>
      tpu.vector_store %arg8[%swap3A_620, %swap3A_621], %swap3A_624 {strides = array<i32>} : memref<16x1024xf32, #tpu.memory_space<vmem>>, vector<1x16xf32>,
      %scan3A_625 = arith.constant 0 : i32
      %scan3A_626 = arith.constant 1 : i32
      %scan3A_627 = arith.addi %scan3A_606, %scan3A_626 : i32
      %mul3A_628 = arith.constant 16 : i32
      %mul3A_629 = arith.muli %scan3A_627, %mul3A_628 : i32
      %get3A_630 = arith.constant 8 : i32
      %get3A_631 = arith.index_cast %get3A_630 : i32 to index
      %get3A_632 = arith.index_cast %mul3A_629 : i32 to index
      %get3A_633 = tpu.vector_load %arg8[%get3A_631, %get3A_632] {strides = array<i32>} : memref<16x1024xf32, #tpu.memory_space<vmem>>, vector<1x16xf32>,
      %get3A_634 = vector.shape_cast %get3A_633 : vector<1x16xf32> to vector<16xf32>
      %get3A_635 = arith.constant 8 : i32
      %get3A_636 = arith.index_cast %get3A_635 : i32 to index
      %get3A_637 = arith.index_cast %mul3A_629 : i32 to index
      %get3A_638 = tpu.vector_load %arg10[%get3A_636, %get3A_637] {strides = array<i32>} : memref<16x1024xf32, #tpu.memory_space<vmem>>, vector<1x16xf32>,
      %get3A_639 = vector.shape_cast %get3A_638 : vector<1x16xf32> to vector<16xf32>
      %add3A_640 = arith.addf %get3A_634, %get3A_639 : vector<16xf32>
      %swap3A_641 = arith.constant 8 : i32
      %swap3A_642 = arith.index_cast %swap3A_641 : i32 to index
      %swap3A_643 = arith.index_cast %mul3A_629 : i32 to index
      %swap3A_644 = tpu.vector_load %arg8[%swap3A_642, %swap3A_643] {strides = array<i32>} : memref<16x1024xf32, #tpu.memory_space<vmem>>, vector<1x16xf32>,
      %swap3A_645 = vector.shape_cast %swap3A_644 : vector<1x16xf32> to vector<16xf32>
      %swap3A_646 = vector.shape_cast %add3A_640 : vector<16xf32> to vector<1x16xf32>
      tpu.vector_store %arg8[%swap3A_642, %swap3A_643], %swap3A_646 {strides = array<i32>} : memref<16x1024xf32, #tpu.memory_space<vmem>>, vector<1x16xf32>,
      %scan3A_647 = arith.constant 0 : i32
      scf.yield %scan3A_647 : i32
    }
    %scan3A_242 = arith.constant 64 : i32
    %scan3A_243 = arith.constant 0 : i32
    %scan3A_244 = arith.constant 0 : i32
    %scan3A_245 = arith.constant 64 : i32
    %scan3A_246 = arith.addi %scan3A_244, %scan3A_245 : i32
    %scan3A_247 = arith.constant 2 : i32
    %scan3A_248 = scf.for %scan3A_606 = %scan3A_244 to %scan3A_246 step %scan3A_247 iter_args(%scan3A_607 = %scan3A_243) -> (i32)  : i32 {
      %mul3A_608 = arith.constant 16 : i32
      %mul3A_609 = arith.muli %scan3A_606, %mul3A_608 : i32
      %get3A = arith.constant 9 : i32
      %get3A_610 = arith.index_cast %get3A : i32 to index
      %get3A_611 = arith.index_cast %mul3A_609 : i32 to index
      %get3A_612 = tpu.vector_load %arg8[%get3A_610, %get3A_611] {strides = array<i32>} : memref<16x1024xf32, #tpu.memory_space<vmem>>, vector<1x16xf32>,
      %get3A_613 = vector.shape_cast %get3A_612 : vector<1x16xf32> to vector<16xf32>
      %get3A_614 = arith.constant 9 : i32
      %get3A_615 = arith.index_cast %get3A_614 : i32 to index
      %get3A_616 = arith.index_cast %mul3A_609 : i32 to index
      %get3A_617 = tpu.vector_load %arg10[%get3A_615, %get3A_616] {strides = array<i32>} : memref<16x1024xf32, #tpu.memory_space<vmem>>, vector<1x16xf32>,
      %get3A_618 = vector.shape_cast %get3A_617 : vector<1x16xf32> to vector<16xf32>
      %add3A_619 = arith.addf %get3A_613, %get3A_618 : vector<16xf32>
      %swap3A = arith.constant 9 : i32
      %swap3A_620 = arith.index_cast %swap3A : i32 to index
      %swap3A_621 = arith.index_cast %mul3A_609 : i32 to index
      %swap3A_622 = tpu.vector_load %arg8[%swap3A_620, %swap3A_621] {strides = array<i32>} : memref<16x1024xf32, #tpu.memory_space<vmem>>, vector<1x16xf32>,
      %swap3A_623 = vector.shape_cast %swap3A_622 : vector<1x16xf32> to vector<16xf32>
      %swap3A_624 = vector.shape_cast %add3A_619 : vector<16xf32> to vector<1x16xf32>
      tpu.vector_store %arg8[%swap3A_620, %swap3A_621], %swap3A_624 {strides = array<i32>} : memref<16x1024xf32, #tpu.memory_space<vmem>>, vector<1x16xf32>,
      %scan3A_625 = arith.constant 0 : i32
      %scan3A_626 = arith.constant 1 : i32
      %scan3A_627 = arith.addi %scan3A_606, %scan3A_626 : i32
      %mul3A_628 = arith.constant 16 : i32
      %mul3A_629 = arith.muli %scan3A_627, %mul3A_628 : i32
      %get3A_630 = arith.constant 9 : i32
      %get3A_631 = arith.index_cast %get3A_630 : i32 to index
      %get3A_632 = arith.index_cast %mul3A_629 : i32 to index
      %get3A_633 = tpu.vector_load %arg8[%get3A_631, %get3A_632] {strides = array<i32>} : memref<16x1024xf32, #tpu.memory_space<vmem>>, vector<1x16xf32>,
      %get3A_634 = vector.shape_cast %get3A_633 : vector<1x16xf32> to vector<16xf32>
      %get3A_635 = arith.constant 9 : i32
      %get3A_636 = arith.index_cast %get3A_635 : i32 to index
      %get3A_637 = arith.index_cast %mul3A_629 : i32 to index
      %get3A_638 = tpu.vector_load %arg10[%get3A_636, %get3A_637] {strides = array<i32>} : memref<16x1024xf32, #tpu.memory_space<vmem>>, vector<1x16xf32>,
      %get3A_639 = vector.shape_cast %get3A_638 : vector<1x16xf32> to vector<16xf32>
      %add3A_640 = arith.addf %get3A_634, %get3A_639 : vector<16xf32>
      %swap3A_641 = arith.constant 9 : i32
      %swap3A_642 = arith.index_cast %swap3A_641 : i32 to index
      %swap3A_643 = arith.index_cast %mul3A_629 : i32 to index
      %swap3A_644 = tpu.vector_load %arg8[%swap3A_642, %swap3A_643] {strides = array<i32>} : memref<16x1024xf32, #tpu.memory_space<vmem>>, vector<1x16xf32>,
      %swap3A_645 = vector.shape_cast %swap3A_644 : vector<1x16xf32> to vector<16xf32>
      %swap3A_646 = vector.shape_cast %add3A_640 : vector<16xf32> to vector<1x16xf32>
      tpu.vector_store %arg8[%swap3A_642, %swap3A_643], %swap3A_646 {strides = array<i32>} : memref<16x1024xf32, #tpu.memory_space<vmem>>, vector<1x16xf32>,
      %scan3A_647 = arith.constant 0 : i32
      scf.yield %scan3A_647 : i32
    }
    %scan3A_249 = arith.constant 64 : i32
    %scan3A_250 = arith.constant 0 : i32
    %scan3A_251 = arith.constant 0 : i32
    %scan3A_252 = arith.constant 64 : i32
    %scan3A_253 = arith.addi %scan3A_251, %scan3A_252 : i32
    %scan3A_254 = arith.constant 2 : i32
    %scan3A_255 = scf.for %scan3A_606 = %scan3A_251 to %scan3A_253 step %scan3A_254 iter_args(%scan3A_607 = %scan3A_250) -> (i32)  : i32 {
      %mul3A_608 = arith.constant 16 : i32
      %mul3A_609 = arith.muli %scan3A_606, %mul3A_608 : i32
      %get3A = arith.constant 10 : i32
      %get3A_610 = arith.index_cast %get3A : i32 to index
      %get3A_611 = arith.index_cast %mul3A_609 : i32 to index
      %get3A_612 = tpu.vector_load %arg8[%get3A_610, %get3A_611] {strides = array<i32>} : memref<16x1024xf32, #tpu.memory_space<vmem>>, vector<1x16xf32>,
      %get3A_613 = vector.shape_cast %get3A_612 : vector<1x16xf32> to vector<16xf32>
      %get3A_614 = arith.constant 10 : i32
      %get3A_615 = arith.index_cast %get3A_614 : i32 to index
      %get3A_616 = arith.index_cast %mul3A_609 : i32 to index
      %get3A_617 = tpu.vector_load %arg10[%get3A_615, %get3A_616] {strides = array<i32>} : memref<16x1024xf32, #tpu.memory_space<vmem>>, vector<1x16xf32>,
      %get3A_618 = vector.shape_cast %get3A_617 : vector<1x16xf32> to vector<16xf32>
      %add3A_619 = arith.addf %get3A_613, %get3A_618 : vector<16xf32>
      %swap3A = arith.constant 10 : i32
      %swap3A_620 = arith.index_cast %swap3A : i32 to index
      %swap3A_621 = arith.index_cast %mul3A_609 : i32 to index
      %swap3A_622 = tpu.vector_load %arg8[%swap3A_620, %swap3A_621] {strides = array<i32>} : memref<16x1024xf32, #tpu.memory_space<vmem>>, vector<1x16xf32>,
      %swap3A_623 = vector.shape_cast %swap3A_622 : vector<1x16xf32> to vector<16xf32>
      %swap3A_624 = vector.shape_cast %add3A_619 : vector<16xf32> to vector<1x16xf32>
      tpu.vector_store %arg8[%swap3A_620, %swap3A_621], %swap3A_624 {strides = array<i32>} : memref<16x1024xf32, #tpu.memory_space<vmem>>, vector<1x16xf32>,
      %scan3A_625 = arith.constant 0 : i32
      %scan3A_626 = arith.constant 1 : i32
      %scan3A_627 = arith.addi %scan3A_606, %scan3A_626 : i32
      %mul3A_628 = arith.constant 16 : i32
      %mul3A_629 = arith.muli %scan3A_627, %mul3A_628 : i32
      %get3A_630 = arith.constant 10 : i32
      %get3A_631 = arith.index_cast %get3A_630 : i32 to index
      %get3A_632 = arith.index_cast %mul3A_629 : i32 to index
      %get3A_633 = tpu.vector_load %arg8[%get3A_631, %get3A_632] {strides = array<i32>} : memref<16x1024xf32, #tpu.memory_space<vmem>>, vector<1x16xf32>,
      %get3A_634 = vector.shape_cast %get3A_633 : vector<1x16xf32> to vector<16xf32>
      %get3A_635 = arith.constant 10 : i32
      %get3A_636 = arith.index_cast %get3A_635 : i32 to index
      %get3A_637 = arith.index_cast %mul3A_629 : i32 to index
      %get3A_638 = tpu.vector_load %arg10[%get3A_636, %get3A_637] {strides = array<i32>} : memref<16x1024xf32, #tpu.memory_space<vmem>>, vector<1x16xf32>,
      %get3A_639 = vector.shape_cast %get3A_638 : vector<1x16xf32> to vector<16xf32>
      %add3A_640 = arith.addf %get3A_634, %get3A_639 : vector<16xf32>
      %swap3A_641 = arith.constant 10 : i32
      %swap3A_642 = arith.index_cast %swap3A_641 : i32 to index
      %swap3A_643 = arith.index_cast %mul3A_629 : i32 to index
      %swap3A_644 = tpu.vector_load %arg8[%swap3A_642, %swap3A_643] {strides = array<i32>} : memref<16x1024xf32, #tpu.memory_space<vmem>>, vector<1x16xf32>,
      %swap3A_645 = vector.shape_cast %swap3A_644 : vector<1x16xf32> to vector<16xf32>
      %swap3A_646 = vector.shape_cast %add3A_640 : vector<16xf32> to vector<1x16xf32>
      tpu.vector_store %arg8[%swap3A_642, %swap3A_643], %swap3A_646 {strides = array<i32>} : memref<16x1024xf32, #tpu.memory_space<vmem>>, vector<1x16xf32>,
      %scan3A_647 = arith.constant 0 : i32
      scf.yield %scan3A_647 : i32
    }
    %scan3A_256 = arith.constant 64 : i32
    %scan3A_257 = arith.constant 0 : i32
    %scan3A_258 = arith.constant 0 : i32
    %scan3A_259 = arith.constant 64 : i32
    %scan3A_260 = arith.addi %scan3A_258, %scan3A_259 : i32
    %scan3A_261 = arith.constant 2 : i32
    %scan3A_262 = scf.for %scan3A_606 = %scan3A_258 to %scan3A_260 step %scan3A_261 iter_args(%scan3A_607 = %scan3A_257) -> (i32)  : i32 {
      %mul3A_608 = arith.constant 16 : i32
      %mul3A_609 = arith.muli %scan3A_606, %mul3A_608 : i32
      %get3A = arith.constant 11 : i32
      %get3A_610 = arith.index_cast %get3A : i32 to index
      %get3A_611 = arith.index_cast %mul3A_609 : i32 to index
      %get3A_612 = tpu.vector_load %arg8[%get3A_610, %get3A_611] {strides = array<i32>} : memref<16x1024xf32, #tpu.memory_space<vmem>>, vector<1x16xf32>,
      %get3A_613 = vector.shape_cast %get3A_612 : vector<1x16xf32> to vector<16xf32>
      %get3A_614 = arith.constant 11 : i32
      %get3A_615 = arith.index_cast %get3A_614 : i32 to index
      %get3A_616 = arith.index_cast %mul3A_609 : i32 to index
      %get3A_617 = tpu.vector_load %arg10[%get3A_615, %get3A_616] {strides = array<i32>} : memref<16x1024xf32, #tpu.memory_space<vmem>>, vector<1x16xf32>,
      %get3A_618 = vector.shape_cast %get3A_617 : vector<1x16xf32> to vector<16xf32>
      %add3A_619 = arith.addf %get3A_613, %get3A_618 : vector<16xf32>
      %swap3A = arith.constant 11 : i32
      %swap3A_620 = arith.index_cast %swap3A : i32 to index
      %swap3A_621 = arith.index_cast %mul3A_609 : i32 to index
      %swap3A_622 = tpu.vector_load %arg8[%swap3A_620, %swap3A_621] {strides = array<i32>} : memref<16x1024xf32, #tpu.memory_space<vmem>>, vector<1x16xf32>,
      %swap3A_623 = vector.shape_cast %swap3A_622 : vector<1x16xf32> to vector<16xf32>
      %swap3A_624 = vector.shape_cast %add3A_619 : vector<16xf32> to vector<1x16xf32>
      tpu.vector_store %arg8[%swap3A_620, %swap3A_621], %swap3A_624 {strides = array<i32>} : memref<16x1024xf32, #tpu.memory_space<vmem>>, vector<1x16xf32>,
      %scan3A_625 = arith.constant 0 : i32
      %scan3A_626 = arith.constant 1 : i32
      %scan3A_627 = arith.addi %scan3A_606, %scan3A_626 : i32
      %mul3A_628 = arith.constant 16 : i32
      %mul3A_629 = arith.muli %scan3A_627, %mul3A_628 : i32
      %get3A_630 = arith.constant 11 : i32
      %get3A_631 = arith.index_cast %get3A_630 : i32 to index
      %get3A_632 = arith.index_cast %mul3A_629 : i32 to index
      %get3A_633 = tpu.vector_load %arg8[%get3A_631, %get3A_632] {strides = array<i32>} : memref<16x1024xf32, #tpu.memory_space<vmem>>, vector<1x16xf32>,
      %get3A_634 = vector.shape_cast %get3A_633 : vector<1x16xf32> to vector<16xf32>
      %get3A_635 = arith.constant 11 : i32
      %get3A_636 = arith.index_cast %get3A_635 : i32 to index
      %get3A_637 = arith.index_cast %mul3A_629 : i32 to index
      %get3A_638 = tpu.vector_load %arg10[%get3A_636, %get3A_637] {strides = array<i32>} : memref<16x1024xf32, #tpu.memory_space<vmem>>, vector<1x16xf32>,
      %get3A_639 = vector.shape_cast %get3A_638 : vector<1x16xf32> to vector<16xf32>
      %add3A_640 = arith.addf %get3A_634, %get3A_639 : vector<16xf32>
      %swap3A_641 = arith.constant 11 : i32
      %swap3A_642 = arith.index_cast %swap3A_641 : i32 to index
      %swap3A_643 = arith.index_cast %mul3A_629 : i32 to index
      %swap3A_644 = tpu.vector_load %arg8[%swap3A_642, %swap3A_643] {strides = array<i32>} : memref<16x1024xf32, #tpu.memory_space<vmem>>, vector<1x16xf32>,
      %swap3A_645 = vector.shape_cast %swap3A_644 : vector<1x16xf32> to vector<16xf32>
      %swap3A_646 = vector.shape_cast %add3A_640 : vector<16xf32> to vector<1x16xf32>
      tpu.vector_store %arg8[%swap3A_642, %swap3A_643], %swap3A_646 {strides = array<i32>} : memref<16x1024xf32, #tpu.memory_space<vmem>>, vector<1x16xf32>,
      %scan3A_647 = arith.constant 0 : i32
      scf.yield %scan3A_647 : i32
    }
    %scan3A_263 = arith.constant 64 : i32
    %scan3A_264 = arith.constant 0 : i32
    %scan3A_265 = arith.constant 0 : i32
    %scan3A_266 = arith.constant 64 : i32
    %scan3A_267 = arith.addi %scan3A_265, %scan3A_266 : i32
    %scan3A_268 = arith.constant 2 : i32
    %scan3A_269 = scf.for %scan3A_606 = %scan3A_265 to %scan3A_267 step %scan3A_268 iter_args(%scan3A_607 = %scan3A_264) -> (i32)  : i32 {
      %mul3A_608 = arith.constant 16 : i32
      %mul3A_609 = arith.muli %scan3A_606, %mul3A_608 : i32
      %get3A = arith.constant 12 : i32
      %get3A_610 = arith.index_cast %get3A : i32 to index
      %get3A_611 = arith.index_cast %mul3A_609 : i32 to index
      %get3A_612 = tpu.vector_load %arg8[%get3A_610, %get3A_611] {strides = array<i32>} : memref<16x1024xf32, #tpu.memory_space<vmem>>, vector<1x16xf32>,
      %get3A_613 = vector.shape_cast %get3A_612 : vector<1x16xf32> to vector<16xf32>
      %get3A_614 = arith.constant 12 : i32
      %get3A_615 = arith.index_cast %get3A_614 : i32 to index
      %get3A_616 = arith.index_cast %mul3A_609 : i32 to index
      %get3A_617 = tpu.vector_load %arg10[%get3A_615, %get3A_616] {strides = array<i32>} : memref<16x1024xf32, #tpu.memory_space<vmem>>, vector<1x16xf32>,
      %get3A_618 = vector.shape_cast %get3A_617 : vector<1x16xf32> to vector<16xf32>
      %add3A_619 = arith.addf %get3A_613, %get3A_618 : vector<16xf32>
      %swap3A = arith.constant 12 : i32
      %swap3A_620 = arith.index_cast %swap3A : i32 to index
      %swap3A_621 = arith.index_cast %mul3A_609 : i32 to index
      %swap3A_622 = tpu.vector_load %arg8[%swap3A_620, %swap3A_621] {strides = array<i32>} : memref<16x1024xf32, #tpu.memory_space<vmem>>, vector<1x16xf32>,
      %swap3A_623 = vector.shape_cast %swap3A_622 : vector<1x16xf32> to vector<16xf32>
      %swap3A_624 = vector.shape_cast %add3A_619 : vector<16xf32> to vector<1x16xf32>
      tpu.vector_store %arg8[%swap3A_620, %swap3A_621], %swap3A_624 {strides = array<i32>} : memref<16x1024xf32, #tpu.memory_space<vmem>>, vector<1x16xf32>,
      %scan3A_625 = arith.constant 0 : i32
      %scan3A_626 = arith.constant 1 : i32
      %scan3A_627 = arith.addi %scan3A_606, %scan3A_626 : i32
      %mul3A_628 = arith.constant 16 : i32
      %mul3A_629 = arith.muli %scan3A_627, %mul3A_628 : i32
      %get3A_630 = arith.constant 12 : i32
      %get3A_631 = arith.index_cast %get3A_630 : i32 to index
      %get3A_632 = arith.index_cast %mul3A_629 : i32 to index
      %get3A_633 = tpu.vector_load %arg8[%get3A_631, %get3A_632] {strides = array<i32>} : memref<16x1024xf32, #tpu.memory_space<vmem>>, vector<1x16xf32>,
      %get3A_634 = vector.shape_cast %get3A_633 : vector<1x16xf32> to vector<16xf32>
      %get3A_635 = arith.constant 12 : i32
      %get3A_636 = arith.index_cast %get3A_635 : i32 to index
      %get3A_637 = arith.index_cast %mul3A_629 : i32 to index
      %get3A_638 = tpu.vector_load %arg10[%get3A_636, %get3A_637] {strides = array<i32>} : memref<16x1024xf32, #tpu.memory_space<vmem>>, vector<1x16xf32>,
      %get3A_639 = vector.shape_cast %get3A_638 : vector<1x16xf32> to vector<16xf32>
      %add3A_640 = arith.addf %get3A_634, %get3A_639 : vector<16xf32>
      %swap3A_641 = arith.constant 12 : i32
      %swap3A_642 = arith.index_cast %swap3A_641 : i32 to index
      %swap3A_643 = arith.index_cast %mul3A_629 : i32 to index
      %swap3A_644 = tpu.vector_load %arg8[%swap3A_642, %swap3A_643] {strides = array<i32>} : memref<16x1024xf32, #tpu.memory_space<vmem>>, vector<1x16xf32>,
      %swap3A_645 = vector.shape_cast %swap3A_644 : vector<1x16xf32> to vector<16xf32>
      %swap3A_646 = vector.shape_cast %add3A_640 : vector<16xf32> to vector<1x16xf32>
      tpu.vector_store %arg8[%swap3A_642, %swap3A_643], %swap3A_646 {strides = array<i32>} : memref<16x1024xf32, #tpu.memory_space<vmem>>, vector<1x16xf32>,
      %scan3A_647 = arith.constant 0 : i32
      scf.yield %scan3A_647 : i32
    }
    %scan3A_270 = arith.constant 64 : i32
    %scan3A_271 = arith.constant 0 : i32
    %scan3A_272 = arith.constant 0 : i32
    %scan3A_273 = arith.constant 64 : i32
    %scan3A_274 = arith.addi %scan3A_272, %scan3A_273 : i32
    %scan3A_275 = arith.constant 2 : i32
    %scan3A_276 = scf.for %scan3A_606 = %scan3A_272 to %scan3A_274 step %scan3A_275 iter_args(%scan3A_607 = %scan3A_271) -> (i32)  : i32 {
      %mul3A_608 = arith.constant 16 : i32
      %mul3A_609 = arith.muli %scan3A_606, %mul3A_608 : i32
      %get3A = arith.constant 13 : i32
      %get3A_610 = arith.index_cast %get3A : i32 to index
      %get3A_611 = arith.index_cast %mul3A_609 : i32 to index
      %get3A_612 = tpu.vector_load %arg8[%get3A_610, %get3A_611] {strides = array<i32>} : memref<16x1024xf32, #tpu.memory_space<vmem>>, vector<1x16xf32>,
      %get3A_613 = vector.shape_cast %get3A_612 : vector<1x16xf32> to vector<16xf32>
      %get3A_614 = arith.constant 13 : i32
      %get3A_615 = arith.index_cast %get3A_614 : i32 to index
      %get3A_616 = arith.index_cast %mul3A_609 : i32 to index
      %get3A_617 = tpu.vector_load %arg10[%get3A_615, %get3A_616] {strides = array<i32>} : memref<16x1024xf32, #tpu.memory_space<vmem>>, vector<1x16xf32>,
      %get3A_618 = vector.shape_cast %get3A_617 : vector<1x16xf32> to vector<16xf32>
      %add3A_619 = arith.addf %get3A_613, %get3A_618 : vector<16xf32>
      %swap3A = arith.constant 13 : i32
      %swap3A_620 = arith.index_cast %swap3A : i32 to index
      %swap3A_621 = arith.index_cast %mul3A_609 : i32 to index
      %swap3A_622 = tpu.vector_load %arg8[%swap3A_620, %swap3A_621] {strides = array<i32>} : memref<16x1024xf32, #tpu.memory_space<vmem>>, vector<1x16xf32>,
      %swap3A_623 = vector.shape_cast %swap3A_622 : vector<1x16xf32> to vector<16xf32>
      %swap3A_624 = vector.shape_cast %add3A_619 : vector<16xf32> to vector<1x16xf32>
      tpu.vector_store %arg8[%swap3A_620, %swap3A_621], %swap3A_624 {strides = array<i32>} : memref<16x1024xf32, #tpu.memory_space<vmem>>, vector<1x16xf32>,
      %scan3A_625 = arith.constant 0 : i32
      %scan3A_626 = arith.constant 1 : i32
      %scan3A_627 = arith.addi %scan3A_606, %scan3A_626 : i32
      %mul3A_628 = arith.constant 16 : i32
      %mul3A_629 = arith.muli %scan3A_627, %mul3A_628 : i32
      %get3A_630 = arith.constant 13 : i32
      %get3A_631 = arith.index_cast %get3A_630 : i32 to index
      %get3A_632 = arith.index_cast %mul3A_629 : i32 to index
      %get3A_633 = tpu.vector_load %arg8[%get3A_631, %get3A_632] {strides = array<i32>} : memref<16x1024xf32, #tpu.memory_space<vmem>>, vector<1x16xf32>,
      %get3A_634 = vector.shape_cast %get3A_633 : vector<1x16xf32> to vector<16xf32>
      %get3A_635 = arith.constant 13 : i32
      %get3A_636 = arith.index_cast %get3A_635 : i32 to index
      %get3A_637 = arith.index_cast %mul3A_629 : i32 to index
      %get3A_638 = tpu.vector_load %arg10[%get3A_636, %get3A_637] {strides = array<i32>} : memref<16x1024xf32, #tpu.memory_space<vmem>>, vector<1x16xf32>,
      %get3A_639 = vector.shape_cast %get3A_638 : vector<1x16xf32> to vector<16xf32>
      %add3A_640 = arith.addf %get3A_634, %get3A_639 : vector<16xf32>
      %swap3A_641 = arith.constant 13 : i32
      %swap3A_642 = arith.index_cast %swap3A_641 : i32 to index
      %swap3A_643 = arith.index_cast %mul3A_629 : i32 to index
      %swap3A_644 = tpu.vector_load %arg8[%swap3A_642, %swap3A_643] {strides = array<i32>} : memref<16x1024xf32, #tpu.memory_space<vmem>>, vector<1x16xf32>,
      %swap3A_645 = vector.shape_cast %swap3A_644 : vector<1x16xf32> to vector<16xf32>
      %swap3A_646 = vector.shape_cast %add3A_640 : vector<16xf32> to vector<1x16xf32>
      tpu.vector_store %arg8[%swap3A_642, %swap3A_643], %swap3A_646 {strides = array<i32>} : memref<16x1024xf32, #tpu.memory_space<vmem>>, vector<1x16xf32>,
      %scan3A_647 = arith.constant 0 : i32
      scf.yield %scan3A_647 : i32
    }
    %scan3A_277 = arith.constant 64 : i32
    %scan3A_278 = arith.constant 0 : i32
    %scan3A_279 = arith.constant 0 : i32
    %scan3A_280 = arith.constant 64 : i32
    %scan3A_281 = arith.addi %scan3A_279, %scan3A_280 : i32
    %scan3A_282 = arith.constant 2 : i32
    %scan3A_283 = scf.for %scan3A_606 = %scan3A_279 to %scan3A_281 step %scan3A_282 iter_args(%scan3A_607 = %scan3A_278) -> (i32)  : i32 {
      %mul3A_608 = arith.constant 16 : i32
      %mul3A_609 = arith.muli %scan3A_606, %mul3A_608 : i32
      %get3A = arith.constant 14 : i32
      %get3A_610 = arith.index_cast %get3A : i32 to index
      %get3A_611 = arith.index_cast %mul3A_609 : i32 to index
      %get3A_612 = tpu.vector_load %arg8[%get3A_610, %get3A_611] {strides = array<i32>} : memref<16x1024xf32, #tpu.memory_space<vmem>>, vector<1x16xf32>,
      %get3A_613 = vector.shape_cast %get3A_612 : vector<1x16xf32> to vector<16xf32>
      %get3A_614 = arith.constant 14 : i32
      %get3A_615 = arith.index_cast %get3A_614 : i32 to index
      %get3A_616 = arith.index_cast %mul3A_609 : i32 to index
      %get3A_617 = tpu.vector_load %arg10[%get3A_615, %get3A_616] {strides = array<i32>} : memref<16x1024xf32, #tpu.memory_space<vmem>>, vector<1x16xf32>,
      %get3A_618 = vector.shape_cast %get3A_617 : vector<1x16xf32> to vector<16xf32>
      %add3A_619 = arith.addf %get3A_613, %get3A_618 : vector<16xf32>
      %swap3A = arith.constant 14 : i32
      %swap3A_620 = arith.index_cast %swap3A : i32 to index
      %swap3A_621 = arith.index_cast %mul3A_609 : i32 to index
      %swap3A_622 = tpu.vector_load %arg8[%swap3A_620, %swap3A_621] {strides = array<i32>} : memref<16x1024xf32, #tpu.memory_space<vmem>>, vector<1x16xf32>,
      %swap3A_623 = vector.shape_cast %swap3A_622 : vector<1x16xf32> to vector<16xf32>
      %swap3A_624 = vector.shape_cast %add3A_619 : vector<16xf32> to vector<1x16xf32>
      tpu.vector_store %arg8[%swap3A_620, %swap3A_621], %swap3A_624 {strides = array<i32>} : memref<16x1024xf32, #tpu.memory_space<vmem>>, vector<1x16xf32>,
      %scan3A_625 = arith.constant 0 : i32
      %scan3A_626 = arith.constant 1 : i32
      %scan3A_627 = arith.addi %scan3A_606, %scan3A_626 : i32
      %mul3A_628 = arith.constant 16 : i32
      %mul3A_629 = arith.muli %scan3A_627, %mul3A_628 : i32
      %get3A_630 = arith.constant 14 : i32
      %get3A_631 = arith.index_cast %get3A_630 : i32 to index
      %get3A_632 = arith.index_cast %mul3A_629 : i32 to index
      %get3A_633 = tpu.vector_load %arg8[%get3A_631, %get3A_632] {strides = array<i32>} : memref<16x1024xf32, #tpu.memory_space<vmem>>, vector<1x16xf32>,
      %get3A_634 = vector.shape_cast %get3A_633 : vector<1x16xf32> to vector<16xf32>
      %get3A_635 = arith.constant 14 : i32
      %get3A_636 = arith.index_cast %get3A_635 : i32 to index
      %get3A_637 = arith.index_cast %mul3A_629 : i32 to index
      %get3A_638 = tpu.vector_load %arg10[%get3A_636, %get3A_637] {strides = array<i32>} : memref<16x1024xf32, #tpu.memory_space<vmem>>, vector<1x16xf32>,
      %get3A_639 = vector.shape_cast %get3A_638 : vector<1x16xf32> to vector<16xf32>
      %add3A_640 = arith.addf %get3A_634, %get3A_639 : vector<16xf32>
      %swap3A_641 = arith.constant 14 : i32
      %swap3A_642 = arith.index_cast %swap3A_641 : i32 to index
      %swap3A_643 = arith.index_cast %mul3A_629 : i32 to index
      %swap3A_644 = tpu.vector_load %arg8[%swap3A_642, %swap3A_643] {strides = array<i32>} : memref<16x1024xf32, #tpu.memory_space<vmem>>, vector<1x16xf32>,
      %swap3A_645 = vector.shape_cast %swap3A_644 : vector<1x16xf32> to vector<16xf32>
      %swap3A_646 = vector.shape_cast %add3A_640 : vector<16xf32> to vector<1x16xf32>
      tpu.vector_store %arg8[%swap3A_642, %swap3A_643], %swap3A_646 {strides = array<i32>} : memref<16x1024xf32, #tpu.memory_space<vmem>>, vector<1x16xf32>,
      %scan3A_647 = arith.constant 0 : i32
      scf.yield %scan3A_647 : i32
    }
    %scan3A_284 = arith.constant 64 : i32
    %scan3A_285 = arith.constant 0 : i32
    %scan3A_286 = arith.constant 0 : i32
    %scan3A_287 = arith.constant 64 : i32
    %scan3A_288 = arith.addi %scan3A_286, %scan3A_287 : i32
    %scan3A_289 = arith.constant 2 : i32
    %scan3A_290 = scf.for %scan3A_606 = %scan3A_286 to %scan3A_288 step %scan3A_289 iter_args(%scan3A_607 = %scan3A_285) -> (i32)  : i32 {
      %mul3A_608 = arith.constant 16 : i32
      %mul3A_609 = arith.muli %scan3A_606, %mul3A_608 : i32
      %get3A = arith.constant 15 : i32
      %get3A_610 = arith.index_cast %get3A : i32 to index
      %get3A_611 = arith.index_cast %mul3A_609 : i32 to index
      %get3A_612 = tpu.vector_load %arg8[%get3A_610, %get3A_611] {strides = array<i32>} : memref<16x1024xf32, #tpu.memory_space<vmem>>, vector<1x16xf32>,
      %get3A_613 = vector.shape_cast %get3A_612 : vector<1x16xf32> to vector<16xf32>
      %get3A_614 = arith.constant 15 : i32
      %get3A_615 = arith.index_cast %get3A_614 : i32 to index
      %get3A_616 = arith.index_cast %mul3A_609 : i32 to index
      %get3A_617 = tpu.vector_load %arg10[%get3A_615, %get3A_616] {strides = array<i32>} : memref<16x1024xf32, #tpu.memory_space<vmem>>, vector<1x16xf32>,
      %get3A_618 = vector.shape_cast %get3A_617 : vector<1x16xf32> to vector<16xf32>
      %add3A_619 = arith.addf %get3A_613, %get3A_618 : vector<16xf32>
      %swap3A = arith.constant 15 : i32
      %swap3A_620 = arith.index_cast %swap3A : i32 to index
      %swap3A_621 = arith.index_cast %mul3A_609 : i32 to index
      %swap3A_622 = tpu.vector_load %arg8[%swap3A_620, %swap3A_621] {strides = array<i32>} : memref<16x1024xf32, #tpu.memory_space<vmem>>, vector<1x16xf32>,
      %swap3A_623 = vector.shape_cast %swap3A_622 : vector<1x16xf32> to vector<16xf32>
      %swap3A_624 = vector.shape_cast %add3A_619 : vector<16xf32> to vector<1x16xf32>
      tpu.vector_store %arg8[%swap3A_620, %swap3A_621], %swap3A_624 {strides = array<i32>} : memref<16x1024xf32, #tpu.memory_space<vmem>>, vector<1x16xf32>,
      %scan3A_625 = arith.constant 0 : i32
      %scan3A_626 = arith.constant 1 : i32
      %scan3A_627 = arith.addi %scan3A_606, %scan3A_626 : i32
      %mul3A_628 = arith.constant 16 : i32
      %mul3A_629 = arith.muli %scan3A_627, %mul3A_628 : i32
      %get3A_630 = arith.constant 15 : i32
      %get3A_631 = arith.index_cast %get3A_630 : i32 to index
      %get3A_632 = arith.index_cast %mul3A_629 : i32 to index
      %get3A_633 = tpu.vector_load %arg8[%get3A_631, %get3A_632] {strides = array<i32>} : memref<16x1024xf32, #tpu.memory_space<vmem>>, vector<1x16xf32>,
      %get3A_634 = vector.shape_cast %get3A_633 : vector<1x16xf32> to vector<16xf32>
      %get3A_635 = arith.constant 15 : i32
      %get3A_636 = arith.index_cast %get3A_635 : i32 to index
      %get3A_637 = arith.index_cast %mul3A_629 : i32 to index
      %get3A_638 = tpu.vector_load %arg10[%get3A_636, %get3A_637] {strides = array<i32>} : memref<16x1024xf32, #tpu.memory_space<vmem>>, vector<1x16xf32>,
      %get3A_639 = vector.shape_cast %get3A_638 : vector<1x16xf32> to vector<16xf32>
      %add3A_640 = arith.addf %get3A_634, %get3A_639 : vector<16xf32>
      %swap3A_641 = arith.constant 15 : i32
      %swap3A_642 = arith.index_cast %swap3A_641 : i32 to index
      %swap3A_643 = arith.index_cast %mul3A_629 : i32 to index
      %swap3A_644 = tpu.vector_load %arg8[%swap3A_642, %swap3A_643] {strides = array<i32>} : memref<16x1024xf32, #tpu.memory_space<vmem>>, vector<1x16xf32>,
      %swap3A_645 = vector.shape_cast %swap3A_644 : vector<1x16xf32> to vector<16xf32>
      %swap3A_646 = vector.shape_cast %add3A_640 : vector<16xf32> to vector<1x16xf32>
      tpu.vector_store %arg8[%swap3A_642, %swap3A_643], %swap3A_646 {strides = array<i32>} : memref<16x1024xf32, #tpu.memory_space<vmem>>, vector<1x16xf32>,
      %scan3A_647 = arith.constant 0 : i32
      scf.yield %scan3A_647 : i32
    }
    %scan3A_291 = arith.constant 64 : i32
    %add3A_292 = arith.constant 16 : i32
    %add3A_293 = arith.addi %mul3A_2, %add3A_292 : i32
    %dma_start3A_294 = arith.constant 0 : i32
    %dma_start3A_295 = tpu.memref_slice %arg4[%add3A_293, %dma_start3A_294] : memref<2048x1024xf32, #tpu.memory_space<hbm>> -> memref<16x1024xf32, #tpu.memory_space<hbm>>
    %dma_start3A_296 = arith.constant 0 : i32
    %dma_start3A_297 = tpu.memref_slice %arg4[%add3A_293, %dma_start3A_296] : memref<2048x1024xf32, #tpu.memory_space<hbm>> -> memref<16x1024xf32, #tpu.memory_space<hbm>>
    tpu.enqueue_dma source(%arg8 : memref<16x1024xf32, #tpu.memory_space<vmem>>) target(%dma_start3A_297 : memref<16x1024xf32, #tpu.memory_space<hbm>>) target_semaphore(%arg16 : memref<!tpu.dma_semaphore, #tpu.memory_space<semaphore_mem>>)
    %dma_wait3A_298 = arith.constant 0 : i32
    %dma_wait3A_299 = tpu.memref_slice %arg4[%add3A_161, %dma_wait3A_298] : memref<2048x1024xf32, #tpu.memory_space<hbm>> -> memref<16x1024xf32, #tpu.memory_space<hbm>>
    %dma_wait3A_300 = arith.constant 0 : i32
    %dma_wait3A_301 = tpu.memref_slice %arg4[%add3A_161, %dma_wait3A_300] : memref<2048x1024xf32, #tpu.memory_space<hbm>> -> memref<16x1024xf32, #tpu.memory_space<hbm>>
    tpu.wait_dma2 semaphore(%arg15 : memref<!tpu.dma_semaphore, #tpu.memory_space<semaphore_mem>>) src(%arg7 : memref<16x1024xf32, #tpu.memory_space<vmem>>) dst(%dma_wait3A_301 : memref<16x1024xf32, #tpu.memory_space<hbm>>)
    %dma_start3A_302 = arith.constant 2 : i32
    %dma_start3A_303 = arith.constant 0 : i32
    %dma_start3A_304 = tpu.memref_slice %arg5[%dma_start3A_302, %dma_start3A_303] : memref<4x16xi32, #tpu.memory_space<vmem>> -> memref<1x16xi32, #tpu.memory_space<vmem>>
    %dma_start3A_305 = tpu.memref_squeeze %dma_start3A_304 : memref<1x16xi32, #tpu.memory_space<vmem>> -> memref<16xi32, #tpu.memory_space<vmem>>
    %dma_start3A_306 = arith.constant 0 : i32
    %dma_start3A_307 = arith.constant 0 : i32
    %dma_start3A_308 = tpu.memref_slice %arg2[%dma_start3A_306, %dma_start3A_307] : memref<6144x1024xf32, #tpu.memory_space<hbm>> -> memref<6144x1024xf32, #tpu.memory_space<hbm>>
    tpu.enqueue_indirect_dma source(%dma_start3A_308 : memref<6144x1024xf32, #tpu.memory_space<hbm>>) target(%arg7 : memref<16x1024xf32, #tpu.memory_space<vmem>>) offsets(%dma_start3A_305 : memref<16xi32, #tpu.memory_space<vmem>>) semaphore(%arg11 : memref<!tpu.dma_semaphore, #tpu.memory_space<semaphore_mem>>)
    %dma_start3A_309 = arith.constant 2 : i32
    %dma_start3A_310 = arith.constant 0 : i32
    %dma_start3A_311 = tpu.memref_slice %arg6[%dma_start3A_309, %dma_start3A_310] : memref<4x16xi32, #tpu.memory_space<vmem>> -> memref<1x16xi32, #tpu.memory_space<vmem>>
    %dma_start3A_312 = tpu.memref_squeeze %dma_start3A_311 : memref<1x16xi32, #tpu.memory_space<vmem>> -> memref<16xi32, #tpu.memory_space<vmem>>
    %dma_start3A_313 = arith.constant 0 : i32
    %dma_start3A_314 = arith.constant 0 : i32
    %dma_start3A_315 = tpu.memref_slice %arg2[%dma_start3A_313, %dma_start3A_314] : memref<6144x1024xf32, #tpu.memory_space<hbm>> -> memref<6144x1024xf32, #tpu.memory_space<hbm>>
    tpu.enqueue_indirect_dma source(%dma_start3A_315 : memref<6144x1024xf32, #tpu.memory_space<hbm>>) target(%arg9 : memref<16x1024xf32, #tpu.memory_space<vmem>>) offsets(%dma_start3A_312 : memref<16xi32, #tpu.memory_space<vmem>>) semaphore(%arg13 : memref<!tpu.dma_semaphore, #tpu.memory_space<semaphore_mem>>)
    %dma_wait3A_316 = arith.constant 2 : i32
    %dma_wait3A_317 = arith.constant 0 : i32
    %dma_wait3A_318 = tpu.memref_slice %arg5[%dma_wait3A_316, %dma_wait3A_317] : memref<4x16xi32, #tpu.memory_space<vmem>> -> memref<1x16xi32, #tpu.memory_space<vmem>>
    %dma_wait3A_319 = tpu.memref_squeeze %dma_wait3A_318 : memref<1x16xi32, #tpu.memory_space<vmem>> -> memref<16xi32, #tpu.memory_space<vmem>>
    %dma_wait3A_320 = arith.constant 0 : i32
    %dma_wait3A_321 = arith.constant 0 : i32
    %dma_wait3A_322 = tpu.memref_slice %arg2[%dma_wait3A_320, %dma_wait3A_321] : memref<6144x1024xf32, #tpu.memory_space<hbm>> -> memref<6144x1024xf32, #tpu.memory_space<hbm>>
    tpu.wait_indirect_dma semaphore(%arg11 : memref<!tpu.dma_semaphore, #tpu.memory_space<semaphore_mem>>) src(%dma_wait3A_322 : memref<6144x1024xf32, #tpu.memory_space<hbm>>) dst(%arg7 : memref<16x1024xf32, #tpu.memory_space<vmem>>)
    %dma_wait3A_323 = arith.constant 2 : i32
    %dma_wait3A_324 = arith.constant 0 : i32
    %dma_wait3A_325 = tpu.memref_slice %arg6[%dma_wait3A_323, %dma_wait3A_324] : memref<4x16xi32, #tpu.memory_space<vmem>> -> memref<1x16xi32, #tpu.memory_space<vmem>>
    %dma_wait3A_326 = tpu.memref_squeeze %dma_wait3A_325 : memref<1x16xi32, #tpu.memory_space<vmem>> -> memref<16xi32, #tpu.memory_space<vmem>>
    %dma_wait3A_327 = arith.constant 0 : i32
    %dma_wait3A_328 = arith.constant 0 : i32
    %dma_wait3A_329 = tpu.memref_slice %arg2[%dma_wait3A_327, %dma_wait3A_328] : memref<6144x1024xf32, #tpu.memory_space<hbm>> -> memref<6144x1024xf32, #tpu.memory_space<hbm>>
    tpu.wait_indirect_dma semaphore(%arg13 : memref<!tpu.dma_semaphore, #tpu.memory_space<semaphore_mem>>) src(%dma_wait3A_329 : memref<6144x1024xf32, #tpu.memory_space<hbm>>) dst(%arg9 : memref<16x1024xf32, #tpu.memory_space<vmem>>)
    %scan3A_330 = arith.constant 0 : i32
    %scan3A_331 = arith.constant 0 : i32
    %scan3A_332 = arith.constant 64 : i32
    %scan3A_333 = arith.addi %scan3A_331, %scan3A_332 : i32
    %scan3A_334 = arith.constant 2 : i32
    %scan3A_335 = scf.for %scan3A_606 = %scan3A_331 to %scan3A_333 step %scan3A_334 iter_args(%scan3A_607 = %scan3A_330) -> (i32)  : i32 {
      %mul3A_608 = arith.constant 16 : i32
      %mul3A_609 = arith.muli %scan3A_606, %mul3A_608 : i32
      %get3A = arith.constant 0 : i32
      %get3A_610 = arith.index_cast %get3A : i32 to index
      %get3A_611 = arith.index_cast %mul3A_609 : i32 to index
      %get3A_612 = tpu.vector_load %arg7[%get3A_610, %get3A_611] {strides = array<i32>} : memref<16x1024xf32, #tpu.memory_space<vmem>>, vector<1x16xf32>,
      %get3A_613 = vector.shape_cast %get3A_612 : vector<1x16xf32> to vector<16xf32>
      %get3A_614 = arith.constant 0 : i32
      %get3A_615 = arith.index_cast %get3A_614 : i32 to index
      %get3A_616 = arith.index_cast %mul3A_609 : i32 to index
      %get3A_617 = tpu.vector_load %arg9[%get3A_615, %get3A_616] {strides = array<i32>} : memref<16x1024xf32, #tpu.memory_space<vmem>>, vector<1x16xf32>,
      %get3A_618 = vector.shape_cast %get3A_617 : vector<1x16xf32> to vector<16xf32>
      %add3A_619 = arith.addf %get3A_613, %get3A_618 : vector<16xf32>
      %swap3A = arith.constant 0 : i32
      %swap3A_620 = arith.index_cast %swap3A : i32 to index
      %swap3A_621 = arith.index_cast %mul3A_609 : i32 to index
      %swap3A_622 = tpu.vector_load %arg7[%swap3A_620, %swap3A_621] {strides = array<i32>} : memref<16x1024xf32, #tpu.memory_space<vmem>>, vector<1x16xf32>,
      %swap3A_623 = vector.shape_cast %swap3A_622 : vector<1x16xf32> to vector<16xf32>
      %swap3A_624 = vector.shape_cast %add3A_619 : vector<16xf32> to vector<1x16xf32>
      tpu.vector_store %arg7[%swap3A_620, %swap3A_621], %swap3A_624 {strides = array<i32>} : memref<16x1024xf32, #tpu.memory_space<vmem>>, vector<1x16xf32>,
      %scan3A_625 = arith.constant 0 : i32
      %scan3A_626 = arith.constant 1 : i32
      %scan3A_627 = arith.addi %scan3A_606, %scan3A_626 : i32
      %mul3A_628 = arith.constant 16 : i32
      %mul3A_629 = arith.muli %scan3A_627, %mul3A_628 : i32
      %get3A_630 = arith.constant 0 : i32
      %get3A_631 = arith.index_cast %get3A_630 : i32 to index
      %get3A_632 = arith.index_cast %mul3A_629 : i32 to index
      %get3A_633 = tpu.vector_load %arg7[%get3A_631, %get3A_632] {strides = array<i32>} : memref<16x1024xf32, #tpu.memory_space<vmem>>, vector<1x16xf32>,
      %get3A_634 = vector.shape_cast %get3A_633 : vector<1x16xf32> to vector<16xf32>
      %get3A_635 = arith.constant 0 : i32
      %get3A_636 = arith.index_cast %get3A_635 : i32 to index
      %get3A_637 = arith.index_cast %mul3A_629 : i32 to index
      %get3A_638 = tpu.vector_load %arg9[%get3A_636, %get3A_637] {strides = array<i32>} : memref<16x1024xf32, #tpu.memory_space<vmem>>, vector<1x16xf32>,
      %get3A_639 = vector.shape_cast %get3A_638 : vector<1x16xf32> to vector<16xf32>
      %add3A_640 = arith.addf %get3A_634, %get3A_639 : vector<16xf32>
      %swap3A_641 = arith.constant 0 : i32
      %swap3A_642 = arith.index_cast %swap3A_641 : i32 to index
      %swap3A_643 = arith.index_cast %mul3A_629 : i32 to index
      %swap3A_644 = tpu.vector_load %arg7[%swap3A_642, %swap3A_643] {strides = array<i32>} : memref<16x1024xf32, #tpu.memory_space<vmem>>, vector<1x16xf32>,
      %swap3A_645 = vector.shape_cast %swap3A_644 : vector<1x16xf32> to vector<16xf32>
      %swap3A_646 = vector.shape_cast %add3A_640 : vector<16xf32> to vector<1x16xf32>
      tpu.vector_store %arg7[%swap3A_642, %swap3A_643], %swap3A_646 {strides = array<i32>} : memref<16x1024xf32, #tpu.memory_space<vmem>>, vector<1x16xf32>,
      %scan3A_647 = arith.constant 0 : i32
      scf.yield %scan3A_647 : i32
    }
    %scan3A_336 = arith.constant 64 : i32
    %scan3A_337 = arith.constant 0 : i32
    %scan3A_338 = arith.constant 0 : i32
    %scan3A_339 = arith.constant 64 : i32
    %scan3A_340 = arith.addi %scan3A_338, %scan3A_339 : i32
    %scan3A_341 = arith.constant 2 : i32
    %scan3A_342 = scf.for %scan3A_606 = %scan3A_338 to %scan3A_340 step %scan3A_341 iter_args(%scan3A_607 = %scan3A_337) -> (i32)  : i32 {
      %mul3A_608 = arith.constant 16 : i32
      %mul3A_609 = arith.muli %scan3A_606, %mul3A_608 : i32
      %get3A = arith.constant 1 : i32
      %get3A_610 = arith.index_cast %get3A : i32 to index
      %get3A_611 = arith.index_cast %mul3A_609 : i32 to index
      %get3A_612 = tpu.vector_load %arg7[%get3A_610, %get3A_611] {strides = array<i32>} : memref<16x1024xf32, #tpu.memory_space<vmem>>, vector<1x16xf32>,
      %get3A_613 = vector.shape_cast %get3A_612 : vector<1x16xf32> to vector<16xf32>
      %get3A_614 = arith.constant 1 : i32
      %get3A_615 = arith.index_cast %get3A_614 : i32 to index
      %get3A_616 = arith.index_cast %mul3A_609 : i32 to index
      %get3A_617 = tpu.vector_load %arg9[%get3A_615, %get3A_616] {strides = array<i32>} : memref<16x1024xf32, #tpu.memory_space<vmem>>, vector<1x16xf32>,
      %get3A_618 = vector.shape_cast %get3A_617 : vector<1x16xf32> to vector<16xf32>
      %add3A_619 = arith.addf %get3A_613, %get3A_618 : vector<16xf32>
      %swap3A = arith.constant 1 : i32
      %swap3A_620 = arith.index_cast %swap3A : i32 to index
      %swap3A_621 = arith.index_cast %mul3A_609 : i32 to index
      %swap3A_622 = tpu.vector_load %arg7[%swap3A_620, %swap3A_621] {strides = array<i32>} : memref<16x1024xf32, #tpu.memory_space<vmem>>, vector<1x16xf32>,
      %swap3A_623 = vector.shape_cast %swap3A_622 : vector<1x16xf32> to vector<16xf32>
      %swap3A_624 = vector.shape_cast %add3A_619 : vector<16xf32> to vector<1x16xf32>
      tpu.vector_store %arg7[%swap3A_620, %swap3A_621], %swap3A_624 {strides = array<i32>} : memref<16x1024xf32, #tpu.memory_space<vmem>>, vector<1x16xf32>,
      %scan3A_625 = arith.constant 0 : i32
      %scan3A_626 = arith.constant 1 : i32
      %scan3A_627 = arith.addi %scan3A_606, %scan3A_626 : i32
      %mul3A_628 = arith.constant 16 : i32
      %mul3A_629 = arith.muli %scan3A_627, %mul3A_628 : i32
      %get3A_630 = arith.constant 1 : i32
      %get3A_631 = arith.index_cast %get3A_630 : i32 to index
      %get3A_632 = arith.index_cast %mul3A_629 : i32 to index
      %get3A_633 = tpu.vector_load %arg7[%get3A_631, %get3A_632] {strides = array<i32>} : memref<16x1024xf32, #tpu.memory_space<vmem>>, vector<1x16xf32>,
      %get3A_634 = vector.shape_cast %get3A_633 : vector<1x16xf32> to vector<16xf32>
      %get3A_635 = arith.constant 1 : i32
      %get3A_636 = arith.index_cast %get3A_635 : i32 to index
      %get3A_637 = arith.index_cast %mul3A_629 : i32 to index
      %get3A_638 = tpu.vector_load %arg9[%get3A_636, %get3A_637] {strides = array<i32>} : memref<16x1024xf32, #tpu.memory_space<vmem>>, vector<1x16xf32>,
      %get3A_639 = vector.shape_cast %get3A_638 : vector<1x16xf32> to vector<16xf32>
      %add3A_640 = arith.addf %get3A_634, %get3A_639 : vector<16xf32>
      %swap3A_641 = arith.constant 1 : i32
      %swap3A_642 = arith.index_cast %swap3A_641 : i32 to index
      %swap3A_643 = arith.index_cast %mul3A_629 : i32 to index
      %swap3A_644 = tpu.vector_load %arg7[%swap3A_642, %swap3A_643] {strides = array<i32>} : memref<16x1024xf32, #tpu.memory_space<vmem>>, vector<1x16xf32>,
      %swap3A_645 = vector.shape_cast %swap3A_644 : vector<1x16xf32> to vector<16xf32>
      %swap3A_646 = vector.shape_cast %add3A_640 : vector<16xf32> to vector<1x16xf32>
      tpu.vector_store %arg7[%swap3A_642, %swap3A_643], %swap3A_646 {strides = array<i32>} : memref<16x1024xf32, #tpu.memory_space<vmem>>, vector<1x16xf32>,
      %scan3A_647 = arith.constant 0 : i32
      scf.yield %scan3A_647 : i32
    }
    %scan3A_343 = arith.constant 64 : i32
    %scan3A_344 = arith.constant 0 : i32
    %scan3A_345 = arith.constant 0 : i32
    %scan3A_346 = arith.constant 64 : i32
    %scan3A_347 = arith.addi %scan3A_345, %scan3A_346 : i32
    %scan3A_348 = arith.constant 2 : i32
    %scan3A_349 = scf.for %scan3A_606 = %scan3A_345 to %scan3A_347 step %scan3A_348 iter_args(%scan3A_607 = %scan3A_344) -> (i32)  : i32 {
      %mul3A_608 = arith.constant 16 : i32
      %mul3A_609 = arith.muli %scan3A_606, %mul3A_608 : i32
      %get3A = arith.constant 2 : i32
      %get3A_610 = arith.index_cast %get3A : i32 to index
      %get3A_611 = arith.index_cast %mul3A_609 : i32 to index
      %get3A_612 = tpu.vector_load %arg7[%get3A_610, %get3A_611] {strides = array<i32>} : memref<16x1024xf32, #tpu.memory_space<vmem>>, vector<1x16xf32>,
      %get3A_613 = vector.shape_cast %get3A_612 : vector<1x16xf32> to vector<16xf32>
      %get3A_614 = arith.constant 2 : i32
      %get3A_615 = arith.index_cast %get3A_614 : i32 to index
      %get3A_616 = arith.index_cast %mul3A_609 : i32 to index
      %get3A_617 = tpu.vector_load %arg9[%get3A_615, %get3A_616] {strides = array<i32>} : memref<16x1024xf32, #tpu.memory_space<vmem>>, vector<1x16xf32>,
      %get3A_618 = vector.shape_cast %get3A_617 : vector<1x16xf32> to vector<16xf32>
      %add3A_619 = arith.addf %get3A_613, %get3A_618 : vector<16xf32>
      %swap3A = arith.constant 2 : i32
      %swap3A_620 = arith.index_cast %swap3A : i32 to index
      %swap3A_621 = arith.index_cast %mul3A_609 : i32 to index
      %swap3A_622 = tpu.vector_load %arg7[%swap3A_620, %swap3A_621] {strides = array<i32>} : memref<16x1024xf32, #tpu.memory_space<vmem>>, vector<1x16xf32>,
      %swap3A_623 = vector.shape_cast %swap3A_622 : vector<1x16xf32> to vector<16xf32>
      %swap3A_624 = vector.shape_cast %add3A_619 : vector<16xf32> to vector<1x16xf32>
      tpu.vector_store %arg7[%swap3A_620, %swap3A_621], %swap3A_624 {strides = array<i32>} : memref<16x1024xf32, #tpu.memory_space<vmem>>, vector<1x16xf32>,
      %scan3A_625 = arith.constant 0 : i32
      %scan3A_626 = arith.constant 1 : i32
      %scan3A_627 = arith.addi %scan3A_606, %scan3A_626 : i32
      %mul3A_628 = arith.constant 16 : i32
      %mul3A_629 = arith.muli %scan3A_627, %mul3A_628 : i32
      %get3A_630 = arith.constant 2 : i32
      %get3A_631 = arith.index_cast %get3A_630 : i32 to index
      %get3A_632 = arith.index_cast %mul3A_629 : i32 to index
      %get3A_633 = tpu.vector_load %arg7[%get3A_631, %get3A_632] {strides = array<i32>} : memref<16x1024xf32, #tpu.memory_space<vmem>>, vector<1x16xf32>,
      %get3A_634 = vector.shape_cast %get3A_633 : vector<1x16xf32> to vector<16xf32>
      %get3A_635 = arith.constant 2 : i32
      %get3A_636 = arith.index_cast %get3A_635 : i32 to index
      %get3A_637 = arith.index_cast %mul3A_629 : i32 to index
      %get3A_638 = tpu.vector_load %arg9[%get3A_636, %get3A_637] {strides = array<i32>} : memref<16x1024xf32, #tpu.memory_space<vmem>>, vector<1x16xf32>,
      %get3A_639 = vector.shape_cast %get3A_638 : vector<1x16xf32> to vector<16xf32>
      %add3A_640 = arith.addf %get3A_634, %get3A_639 : vector<16xf32>
      %swap3A_641 = arith.constant 2 : i32
      %swap3A_642 = arith.index_cast %swap3A_641 : i32 to index
      %swap3A_643 = arith.index_cast %mul3A_629 : i32 to index
      %swap3A_644 = tpu.vector_load %arg7[%swap3A_642, %swap3A_643] {strides = array<i32>} : memref<16x1024xf32, #tpu.memory_space<vmem>>, vector<1x16xf32>,
      %swap3A_645 = vector.shape_cast %swap3A_644 : vector<1x16xf32> to vector<16xf32>
      %swap3A_646 = vector.shape_cast %add3A_640 : vector<16xf32> to vector<1x16xf32>
      tpu.vector_store %arg7[%swap3A_642, %swap3A_643], %swap3A_646 {strides = array<i32>} : memref<16x1024xf32, #tpu.memory_space<vmem>>, vector<1x16xf32>,
      %scan3A_647 = arith.constant 0 : i32
      scf.yield %scan3A_647 : i32
    }
    %scan3A_350 = arith.constant 64 : i32
    %scan3A_351 = arith.constant 0 : i32
    %scan3A_352 = arith.constant 0 : i32
    %scan3A_353 = arith.constant 64 : i32
    %scan3A_354 = arith.addi %scan3A_352, %scan3A_353 : i32
    %scan3A_355 = arith.constant 2 : i32
    %scan3A_356 = scf.for %scan3A_606 = %scan3A_352 to %scan3A_354 step %scan3A_355 iter_args(%scan3A_607 = %scan3A_351) -> (i32)  : i32 {
      %mul3A_608 = arith.constant 16 : i32
      %mul3A_609 = arith.muli %scan3A_606, %mul3A_608 : i32
      %get3A = arith.constant 3 : i32
      %get3A_610 = arith.index_cast %get3A : i32 to index
      %get3A_611 = arith.index_cast %mul3A_609 : i32 to index
      %get3A_612 = tpu.vector_load %arg7[%get3A_610, %get3A_611] {strides = array<i32>} : memref<16x1024xf32, #tpu.memory_space<vmem>>, vector<1x16xf32>,
      %get3A_613 = vector.shape_cast %get3A_612 : vector<1x16xf32> to vector<16xf32>
      %get3A_614 = arith.constant 3 : i32
      %get3A_615 = arith.index_cast %get3A_614 : i32 to index
      %get3A_616 = arith.index_cast %mul3A_609 : i32 to index
      %get3A_617 = tpu.vector_load %arg9[%get3A_615, %get3A_616] {strides = array<i32>} : memref<16x1024xf32, #tpu.memory_space<vmem>>, vector<1x16xf32>,
      %get3A_618 = vector.shape_cast %get3A_617 : vector<1x16xf32> to vector<16xf32>
      %add3A_619 = arith.addf %get3A_613, %get3A_618 : vector<16xf32>
      %swap3A = arith.constant 3 : i32
      %swap3A_620 = arith.index_cast %swap3A : i32 to index
      %swap3A_621 = arith.index_cast %mul3A_609 : i32 to index
      %swap3A_622 = tpu.vector_load %arg7[%swap3A_620, %swap3A_621] {strides = array<i32>} : memref<16x1024xf32, #tpu.memory_space<vmem>>, vector<1x16xf32>,
      %swap3A_623 = vector.shape_cast %swap3A_622 : vector<1x16xf32> to vector<16xf32>
      %swap3A_624 = vector.shape_cast %add3A_619 : vector<16xf32> to vector<1x16xf32>
      tpu.vector_store %arg7[%swap3A_620, %swap3A_621], %swap3A_624 {strides = array<i32>} : memref<16x1024xf32, #tpu.memory_space<vmem>>, vector<1x16xf32>,
      %scan3A_625 = arith.constant 0 : i32
      %scan3A_626 = arith.constant 1 : i32
      %scan3A_627 = arith.addi %scan3A_606, %scan3A_626 : i32
      %mul3A_628 = arith.constant 16 : i32
      %mul3A_629 = arith.muli %scan3A_627, %mul3A_628 : i32
      %get3A_630 = arith.constant 3 : i32
      %get3A_631 = arith.index_cast %get3A_630 : i32 to index
      %get3A_632 = arith.index_cast %mul3A_629 : i32 to index
      %get3A_633 = tpu.vector_load %arg7[%get3A_631, %get3A_632] {strides = array<i32>} : memref<16x1024xf32, #tpu.memory_space<vmem>>, vector<1x16xf32>,
      %get3A_634 = vector.shape_cast %get3A_633 : vector<1x16xf32> to vector<16xf32>
      %get3A_635 = arith.constant 3 : i32
      %get3A_636 = arith.index_cast %get3A_635 : i32 to index
      %get3A_637 = arith.index_cast %mul3A_629 : i32 to index
      %get3A_638 = tpu.vector_load %arg9[%get3A_636, %get3A_637] {strides = array<i32>} : memref<16x1024xf32, #tpu.memory_space<vmem>>, vector<1x16xf32>,
      %get3A_639 = vector.shape_cast %get3A_638 : vector<1x16xf32> to vector<16xf32>
      %add3A_640 = arith.addf %get3A_634, %get3A_639 : vector<16xf32>
      %swap3A_641 = arith.constant 3 : i32
      %swap3A_642 = arith.index_cast %swap3A_641 : i32 to index
      %swap3A_643 = arith.index_cast %mul3A_629 : i32 to index
      %swap3A_644 = tpu.vector_load %arg7[%swap3A_642, %swap3A_643] {strides = array<i32>} : memref<16x1024xf32, #tpu.memory_space<vmem>>, vector<1x16xf32>,
      %swap3A_645 = vector.shape_cast %swap3A_644 : vector<1x16xf32> to vector<16xf32>
      %swap3A_646 = vector.shape_cast %add3A_640 : vector<16xf32> to vector<1x16xf32>
      tpu.vector_store %arg7[%swap3A_642, %swap3A_643], %swap3A_646 {strides = array<i32>} : memref<16x1024xf32, #tpu.memory_space<vmem>>, vector<1x16xf32>,
      %scan3A_647 = arith.constant 0 : i32
      scf.yield %scan3A_647 : i32
    }
    %scan3A_357 = arith.constant 64 : i32
    %scan3A_358 = arith.constant 0 : i32
    %scan3A_359 = arith.constant 0 : i32
    %scan3A_360 = arith.constant 64 : i32
    %scan3A_361 = arith.addi %scan3A_359, %scan3A_360 : i32
    %scan3A_362 = arith.constant 2 : i32
    %scan3A_363 = scf.for %scan3A_606 = %scan3A_359 to %scan3A_361 step %scan3A_362 iter_args(%scan3A_607 = %scan3A_358) -> (i32)  : i32 {
      %mul3A_608 = arith.constant 16 : i32
      %mul3A_609 = arith.muli %scan3A_606, %mul3A_608 : i32
      %get3A = arith.constant 4 : i32
      %get3A_610 = arith.index_cast %get3A : i32 to index
      %get3A_611 = arith.index_cast %mul3A_609 : i32 to index
      %get3A_612 = tpu.vector_load %arg7[%get3A_610, %get3A_611] {strides = array<i32>} : memref<16x1024xf32, #tpu.memory_space<vmem>>, vector<1x16xf32>,
      %get3A_613 = vector.shape_cast %get3A_612 : vector<1x16xf32> to vector<16xf32>
      %get3A_614 = arith.constant 4 : i32
      %get3A_615 = arith.index_cast %get3A_614 : i32 to index
      %get3A_616 = arith.index_cast %mul3A_609 : i32 to index
      %get3A_617 = tpu.vector_load %arg9[%get3A_615, %get3A_616] {strides = array<i32>} : memref<16x1024xf32, #tpu.memory_space<vmem>>, vector<1x16xf32>,
      %get3A_618 = vector.shape_cast %get3A_617 : vector<1x16xf32> to vector<16xf32>
      %add3A_619 = arith.addf %get3A_613, %get3A_618 : vector<16xf32>
      %swap3A = arith.constant 4 : i32
      %swap3A_620 = arith.index_cast %swap3A : i32 to index
      %swap3A_621 = arith.index_cast %mul3A_609 : i32 to index
      %swap3A_622 = tpu.vector_load %arg7[%swap3A_620, %swap3A_621] {strides = array<i32>} : memref<16x1024xf32, #tpu.memory_space<vmem>>, vector<1x16xf32>,
      %swap3A_623 = vector.shape_cast %swap3A_622 : vector<1x16xf32> to vector<16xf32>
      %swap3A_624 = vector.shape_cast %add3A_619 : vector<16xf32> to vector<1x16xf32>
      tpu.vector_store %arg7[%swap3A_620, %swap3A_621], %swap3A_624 {strides = array<i32>} : memref<16x1024xf32, #tpu.memory_space<vmem>>, vector<1x16xf32>,
      %scan3A_625 = arith.constant 0 : i32
      %scan3A_626 = arith.constant 1 : i32
      %scan3A_627 = arith.addi %scan3A_606, %scan3A_626 : i32
      %mul3A_628 = arith.constant 16 : i32
      %mul3A_629 = arith.muli %scan3A_627, %mul3A_628 : i32
      %get3A_630 = arith.constant 4 : i32
      %get3A_631 = arith.index_cast %get3A_630 : i32 to index
      %get3A_632 = arith.index_cast %mul3A_629 : i32 to index
      %get3A_633 = tpu.vector_load %arg7[%get3A_631, %get3A_632] {strides = array<i32>} : memref<16x1024xf32, #tpu.memory_space<vmem>>, vector<1x16xf32>,
      %get3A_634 = vector.shape_cast %get3A_633 : vector<1x16xf32> to vector<16xf32>
      %get3A_635 = arith.constant 4 : i32
      %get3A_636 = arith.index_cast %get3A_635 : i32 to index
      %get3A_637 = arith.index_cast %mul3A_629 : i32 to index
      %get3A_638 = tpu.vector_load %arg9[%get3A_636, %get3A_637] {strides = array<i32>} : memref<16x1024xf32, #tpu.memory_space<vmem>>, vector<1x16xf32>,
      %get3A_639 = vector.shape_cast %get3A_638 : vector<1x16xf32> to vector<16xf32>
      %add3A_640 = arith.addf %get3A_634, %get3A_639 : vector<16xf32>
      %swap3A_641 = arith.constant 4 : i32
      %swap3A_642 = arith.index_cast %swap3A_641 : i32 to index
      %swap3A_643 = arith.index_cast %mul3A_629 : i32 to index
      %swap3A_644 = tpu.vector_load %arg7[%swap3A_642, %swap3A_643] {strides = array<i32>} : memref<16x1024xf32, #tpu.memory_space<vmem>>, vector<1x16xf32>,
      %swap3A_645 = vector.shape_cast %swap3A_644 : vector<1x16xf32> to vector<16xf32>
      %swap3A_646 = vector.shape_cast %add3A_640 : vector<16xf32> to vector<1x16xf32>
      tpu.vector_store %arg7[%swap3A_642, %swap3A_643], %swap3A_646 {strides = array<i32>} : memref<16x1024xf32, #tpu.memory_space<vmem>>, vector<1x16xf32>,
      %scan3A_647 = arith.constant 0 : i32
      scf.yield %scan3A_647 : i32
    }
    %scan3A_364 = arith.constant 64 : i32
    %scan3A_365 = arith.constant 0 : i32
    %scan3A_366 = arith.constant 0 : i32
    %scan3A_367 = arith.constant 64 : i32
    %scan3A_368 = arith.addi %scan3A_366, %scan3A_367 : i32
    %scan3A_369 = arith.constant 2 : i32
    %scan3A_370 = scf.for %scan3A_606 = %scan3A_366 to %scan3A_368 step %scan3A_369 iter_args(%scan3A_607 = %scan3A_365) -> (i32)  : i32 {
      %mul3A_608 = arith.constant 16 : i32
      %mul3A_609 = arith.muli %scan3A_606, %mul3A_608 : i32
      %get3A = arith.constant 5 : i32
      %get3A_610 = arith.index_cast %get3A : i32 to index
      %get3A_611 = arith.index_cast %mul3A_609 : i32 to index
      %get3A_612 = tpu.vector_load %arg7[%get3A_610, %get3A_611] {strides = array<i32>} : memref<16x1024xf32, #tpu.memory_space<vmem>>, vector<1x16xf32>,
      %get3A_613 = vector.shape_cast %get3A_612 : vector<1x16xf32> to vector<16xf32>
      %get3A_614 = arith.constant 5 : i32
      %get3A_615 = arith.index_cast %get3A_614 : i32 to index
      %get3A_616 = arith.index_cast %mul3A_609 : i32 to index
      %get3A_617 = tpu.vector_load %arg9[%get3A_615, %get3A_616] {strides = array<i32>} : memref<16x1024xf32, #tpu.memory_space<vmem>>, vector<1x16xf32>,
      %get3A_618 = vector.shape_cast %get3A_617 : vector<1x16xf32> to vector<16xf32>
      %add3A_619 = arith.addf %get3A_613, %get3A_618 : vector<16xf32>
      %swap3A = arith.constant 5 : i32
      %swap3A_620 = arith.index_cast %swap3A : i32 to index
      %swap3A_621 = arith.index_cast %mul3A_609 : i32 to index
      %swap3A_622 = tpu.vector_load %arg7[%swap3A_620, %swap3A_621] {strides = array<i32>} : memref<16x1024xf32, #tpu.memory_space<vmem>>, vector<1x16xf32>,
      %swap3A_623 = vector.shape_cast %swap3A_622 : vector<1x16xf32> to vector<16xf32>
      %swap3A_624 = vector.shape_cast %add3A_619 : vector<16xf32> to vector<1x16xf32>
      tpu.vector_store %arg7[%swap3A_620, %swap3A_621], %swap3A_624 {strides = array<i32>} : memref<16x1024xf32, #tpu.memory_space<vmem>>, vector<1x16xf32>,
      %scan3A_625 = arith.constant 0 : i32
      %scan3A_626 = arith.constant 1 : i32
      %scan3A_627 = arith.addi %scan3A_606, %scan3A_626 : i32
      %mul3A_628 = arith.constant 16 : i32
      %mul3A_629 = arith.muli %scan3A_627, %mul3A_628 : i32
      %get3A_630 = arith.constant 5 : i32
      %get3A_631 = arith.index_cast %get3A_630 : i32 to index
      %get3A_632 = arith.index_cast %mul3A_629 : i32 to index
      %get3A_633 = tpu.vector_load %arg7[%get3A_631, %get3A_632] {strides = array<i32>} : memref<16x1024xf32, #tpu.memory_space<vmem>>, vector<1x16xf32>,
      %get3A_634 = vector.shape_cast %get3A_633 : vector<1x16xf32> to vector<16xf32>
      %get3A_635 = arith.constant 5 : i32
      %get3A_636 = arith.index_cast %get3A_635 : i32 to index
      %get3A_637 = arith.index_cast %mul3A_629 : i32 to index
      %get3A_638 = tpu.vector_load %arg9[%get3A_636, %get3A_637] {strides = array<i32>} : memref<16x1024xf32, #tpu.memory_space<vmem>>, vector<1x16xf32>,
      %get3A_639 = vector.shape_cast %get3A_638 : vector<1x16xf32> to vector<16xf32>
      %add3A_640 = arith.addf %get3A_634, %get3A_639 : vector<16xf32>
      %swap3A_641 = arith.constant 5 : i32
      %swap3A_642 = arith.index_cast %swap3A_641 : i32 to index
      %swap3A_643 = arith.index_cast %mul3A_629 : i32 to index
      %swap3A_644 = tpu.vector_load %arg7[%swap3A_642, %swap3A_643] {strides = array<i32>} : memref<16x1024xf32, #tpu.memory_space<vmem>>, vector<1x16xf32>,
      %swap3A_645 = vector.shape_cast %swap3A_644 : vector<1x16xf32> to vector<16xf32>
      %swap3A_646 = vector.shape_cast %add3A_640 : vector<16xf32> to vector<1x16xf32>
      tpu.vector_store %arg7[%swap3A_642, %swap3A_643], %swap3A_646 {strides = array<i32>} : memref<16x1024xf32, #tpu.memory_space<vmem>>, vector<1x16xf32>,
      %scan3A_647 = arith.constant 0 : i32
      scf.yield %scan3A_647 : i32
    }
    %scan3A_371 = arith.constant 64 : i32
    %scan3A_372 = arith.constant 0 : i32
    %scan3A_373 = arith.constant 0 : i32
    %scan3A_374 = arith.constant 64 : i32
    %scan3A_375 = arith.addi %scan3A_373, %scan3A_374 : i32
    %scan3A_376 = arith.constant 2 : i32
    %scan3A_377 = scf.for %scan3A_606 = %scan3A_373 to %scan3A_375 step %scan3A_376 iter_args(%scan3A_607 = %scan3A_372) -> (i32)  : i32 {
      %mul3A_608 = arith.constant 16 : i32
      %mul3A_609 = arith.muli %scan3A_606, %mul3A_608 : i32
      %get3A = arith.constant 6 : i32
      %get3A_610 = arith.index_cast %get3A : i32 to index
      %get3A_611 = arith.index_cast %mul3A_609 : i32 to index
      %get3A_612 = tpu.vector_load %arg7[%get3A_610, %get3A_611] {strides = array<i32>} : memref<16x1024xf32, #tpu.memory_space<vmem>>, vector<1x16xf32>,
      %get3A_613 = vector.shape_cast %get3A_612 : vector<1x16xf32> to vector<16xf32>
      %get3A_614 = arith.constant 6 : i32
      %get3A_615 = arith.index_cast %get3A_614 : i32 to index
      %get3A_616 = arith.index_cast %mul3A_609 : i32 to index
      %get3A_617 = tpu.vector_load %arg9[%get3A_615, %get3A_616] {strides = array<i32>} : memref<16x1024xf32, #tpu.memory_space<vmem>>, vector<1x16xf32>,
      %get3A_618 = vector.shape_cast %get3A_617 : vector<1x16xf32> to vector<16xf32>
      %add3A_619 = arith.addf %get3A_613, %get3A_618 : vector<16xf32>
      %swap3A = arith.constant 6 : i32
      %swap3A_620 = arith.index_cast %swap3A : i32 to index
      %swap3A_621 = arith.index_cast %mul3A_609 : i32 to index
      %swap3A_622 = tpu.vector_load %arg7[%swap3A_620, %swap3A_621] {strides = array<i32>} : memref<16x1024xf32, #tpu.memory_space<vmem>>, vector<1x16xf32>,
      %swap3A_623 = vector.shape_cast %swap3A_622 : vector<1x16xf32> to vector<16xf32>
      %swap3A_624 = vector.shape_cast %add3A_619 : vector<16xf32> to vector<1x16xf32>
      tpu.vector_store %arg7[%swap3A_620, %swap3A_621], %swap3A_624 {strides = array<i32>} : memref<16x1024xf32, #tpu.memory_space<vmem>>, vector<1x16xf32>,
      %scan3A_625 = arith.constant 0 : i32
      %scan3A_626 = arith.constant 1 : i32
      %scan3A_627 = arith.addi %scan3A_606, %scan3A_626 : i32
      %mul3A_628 = arith.constant 16 : i32
      %mul3A_629 = arith.muli %scan3A_627, %mul3A_628 : i32
      %get3A_630 = arith.constant 6 : i32
      %get3A_631 = arith.index_cast %get3A_630 : i32 to index
      %get3A_632 = arith.index_cast %mul3A_629 : i32 to index
      %get3A_633 = tpu.vector_load %arg7[%get3A_631, %get3A_632] {strides = array<i32>} : memref<16x1024xf32, #tpu.memory_space<vmem>>, vector<1x16xf32>,
      %get3A_634 = vector.shape_cast %get3A_633 : vector<1x16xf32> to vector<16xf32>
      %get3A_635 = arith.constant 6 : i32
      %get3A_636 = arith.index_cast %get3A_635 : i32 to index
      %get3A_637 = arith.index_cast %mul3A_629 : i32 to index
      %get3A_638 = tpu.vector_load %arg9[%get3A_636, %get3A_637] {strides = array<i32>} : memref<16x1024xf32, #tpu.memory_space<vmem>>, vector<1x16xf32>,
      %get3A_639 = vector.shape_cast %get3A_638 : vector<1x16xf32> to vector<16xf32>
      %add3A_640 = arith.addf %get3A_634, %get3A_639 : vector<16xf32>
      %swap3A_641 = arith.constant 6 : i32
      %swap3A_642 = arith.index_cast %swap3A_641 : i32 to index
      %swap3A_643 = arith.index_cast %mul3A_629 : i32 to index
      %swap3A_644 = tpu.vector_load %arg7[%swap3A_642, %swap3A_643] {strides = array<i32>} : memref<16x1024xf32, #tpu.memory_space<vmem>>, vector<1x16xf32>,
      %swap3A_645 = vector.shape_cast %swap3A_644 : vector<1x16xf32> to vector<16xf32>
      %swap3A_646 = vector.shape_cast %add3A_640 : vector<16xf32> to vector<1x16xf32>
      tpu.vector_store %arg7[%swap3A_642, %swap3A_643], %swap3A_646 {strides = array<i32>} : memref<16x1024xf32, #tpu.memory_space<vmem>>, vector<1x16xf32>,
      %scan3A_647 = arith.constant 0 : i32
      scf.yield %scan3A_647 : i32
    }
    %scan3A_378 = arith.constant 64 : i32
    %scan3A_379 = arith.constant 0 : i32
    %scan3A_380 = arith.constant 0 : i32
    %scan3A_381 = arith.constant 64 : i32
    %scan3A_382 = arith.addi %scan3A_380, %scan3A_381 : i32
    %scan3A_383 = arith.constant 2 : i32
    %scan3A_384 = scf.for %scan3A_606 = %scan3A_380 to %scan3A_382 step %scan3A_383 iter_args(%scan3A_607 = %scan3A_379) -> (i32)  : i32 {
      %mul3A_608 = arith.constant 16 : i32
      %mul3A_609 = arith.muli %scan3A_606, %mul3A_608 : i32
      %get3A = arith.constant 7 : i32
      %get3A_610 = arith.index_cast %get3A : i32 to index
      %get3A_611 = arith.index_cast %mul3A_609 : i32 to index
      %get3A_612 = tpu.vector_load %arg7[%get3A_610, %get3A_611] {strides = array<i32>} : memref<16x1024xf32, #tpu.memory_space<vmem>>, vector<1x16xf32>,
      %get3A_613 = vector.shape_cast %get3A_612 : vector<1x16xf32> to vector<16xf32>
      %get3A_614 = arith.constant 7 : i32
      %get3A_615 = arith.index_cast %get3A_614 : i32 to index
      %get3A_616 = arith.index_cast %mul3A_609 : i32 to index
      %get3A_617 = tpu.vector_load %arg9[%get3A_615, %get3A_616] {strides = array<i32>} : memref<16x1024xf32, #tpu.memory_space<vmem>>, vector<1x16xf32>,
      %get3A_618 = vector.shape_cast %get3A_617 : vector<1x16xf32> to vector<16xf32>
      %add3A_619 = arith.addf %get3A_613, %get3A_618 : vector<16xf32>
      %swap3A = arith.constant 7 : i32
      %swap3A_620 = arith.index_cast %swap3A : i32 to index
      %swap3A_621 = arith.index_cast %mul3A_609 : i32 to index
      %swap3A_622 = tpu.vector_load %arg7[%swap3A_620, %swap3A_621] {strides = array<i32>} : memref<16x1024xf32, #tpu.memory_space<vmem>>, vector<1x16xf32>,
      %swap3A_623 = vector.shape_cast %swap3A_622 : vector<1x16xf32> to vector<16xf32>
      %swap3A_624 = vector.shape_cast %add3A_619 : vector<16xf32> to vector<1x16xf32>
      tpu.vector_store %arg7[%swap3A_620, %swap3A_621], %swap3A_624 {strides = array<i32>} : memref<16x1024xf32, #tpu.memory_space<vmem>>, vector<1x16xf32>,
      %scan3A_625 = arith.constant 0 : i32
      %scan3A_626 = arith.constant 1 : i32
      %scan3A_627 = arith.addi %scan3A_606, %scan3A_626 : i32
      %mul3A_628 = arith.constant 16 : i32
      %mul3A_629 = arith.muli %scan3A_627, %mul3A_628 : i32
      %get3A_630 = arith.constant 7 : i32
      %get3A_631 = arith.index_cast %get3A_630 : i32 to index
      %get3A_632 = arith.index_cast %mul3A_629 : i32 to index
      %get3A_633 = tpu.vector_load %arg7[%get3A_631, %get3A_632] {strides = array<i32>} : memref<16x1024xf32, #tpu.memory_space<vmem>>, vector<1x16xf32>,
      %get3A_634 = vector.shape_cast %get3A_633 : vector<1x16xf32> to vector<16xf32>
      %get3A_635 = arith.constant 7 : i32
      %get3A_636 = arith.index_cast %get3A_635 : i32 to index
      %get3A_637 = arith.index_cast %mul3A_629 : i32 to index
      %get3A_638 = tpu.vector_load %arg9[%get3A_636, %get3A_637] {strides = array<i32>} : memref<16x1024xf32, #tpu.memory_space<vmem>>, vector<1x16xf32>,
      %get3A_639 = vector.shape_cast %get3A_638 : vector<1x16xf32> to vector<16xf32>
      %add3A_640 = arith.addf %get3A_634, %get3A_639 : vector<16xf32>
      %swap3A_641 = arith.constant 7 : i32
      %swap3A_642 = arith.index_cast %swap3A_641 : i32 to index
      %swap3A_643 = arith.index_cast %mul3A_629 : i32 to index
      %swap3A_644 = tpu.vector_load %arg7[%swap3A_642, %swap3A_643] {strides = array<i32>} : memref<16x1024xf32, #tpu.memory_space<vmem>>, vector<1x16xf32>,
      %swap3A_645 = vector.shape_cast %swap3A_644 : vector<1x16xf32> to vector<16xf32>
      %swap3A_646 = vector.shape_cast %add3A_640 : vector<16xf32> to vector<1x16xf32>
      tpu.vector_store %arg7[%swap3A_642, %swap3A_643], %swap3A_646 {strides = array<i32>} : memref<16x1024xf32, #tpu.memory_space<vmem>>, vector<1x16xf32>,
      %scan3A_647 = arith.constant 0 : i32
      scf.yield %scan3A_647 : i32
    }
    %scan3A_385 = arith.constant 64 : i32
    %scan3A_386 = arith.constant 0 : i32
    %scan3A_387 = arith.constant 0 : i32
    %scan3A_388 = arith.constant 64 : i32
    %scan3A_389 = arith.addi %scan3A_387, %scan3A_388 : i32
    %scan3A_390 = arith.constant 2 : i32
    %scan3A_391 = scf.for %scan3A_606 = %scan3A_387 to %scan3A_389 step %scan3A_390 iter_args(%scan3A_607 = %scan3A_386) -> (i32)  : i32 {
      %mul3A_608 = arith.constant 16 : i32
      %mul3A_609 = arith.muli %scan3A_606, %mul3A_608 : i32
      %get3A = arith.constant 8 : i32
      %get3A_610 = arith.index_cast %get3A : i32 to index
      %get3A_611 = arith.index_cast %mul3A_609 : i32 to index
      %get3A_612 = tpu.vector_load %arg7[%get3A_610, %get3A_611] {strides = array<i32>} : memref<16x1024xf32, #tpu.memory_space<vmem>>, vector<1x16xf32>,
      %get3A_613 = vector.shape_cast %get3A_612 : vector<1x16xf32> to vector<16xf32>
      %get3A_614 = arith.constant 8 : i32
      %get3A_615 = arith.index_cast %get3A_614 : i32 to index
      %get3A_616 = arith.index_cast %mul3A_609 : i32 to index
      %get3A_617 = tpu.vector_load %arg9[%get3A_615, %get3A_616] {strides = array<i32>} : memref<16x1024xf32, #tpu.memory_space<vmem>>, vector<1x16xf32>,
      %get3A_618 = vector.shape_cast %get3A_617 : vector<1x16xf32> to vector<16xf32>
      %add3A_619 = arith.addf %get3A_613, %get3A_618 : vector<16xf32>
      %swap3A = arith.constant 8 : i32
      %swap3A_620 = arith.index_cast %swap3A : i32 to index
      %swap3A_621 = arith.index_cast %mul3A_609 : i32 to index
      %swap3A_622 = tpu.vector_load %arg7[%swap3A_620, %swap3A_621] {strides = array<i32>} : memref<16x1024xf32, #tpu.memory_space<vmem>>, vector<1x16xf32>,
      %swap3A_623 = vector.shape_cast %swap3A_622 : vector<1x16xf32> to vector<16xf32>
      %swap3A_624 = vector.shape_cast %add3A_619 : vector<16xf32> to vector<1x16xf32>
      tpu.vector_store %arg7[%swap3A_620, %swap3A_621], %swap3A_624 {strides = array<i32>} : memref<16x1024xf32, #tpu.memory_space<vmem>>, vector<1x16xf32>,
      %scan3A_625 = arith.constant 0 : i32
      %scan3A_626 = arith.constant 1 : i32
      %scan3A_627 = arith.addi %scan3A_606, %scan3A_626 : i32
      %mul3A_628 = arith.constant 16 : i32
      %mul3A_629 = arith.muli %scan3A_627, %mul3A_628 : i32
      %get3A_630 = arith.constant 8 : i32
      %get3A_631 = arith.index_cast %get3A_630 : i32 to index
      %get3A_632 = arith.index_cast %mul3A_629 : i32 to index
      %get3A_633 = tpu.vector_load %arg7[%get3A_631, %get3A_632] {strides = array<i32>} : memref<16x1024xf32, #tpu.memory_space<vmem>>, vector<1x16xf32>,
      %get3A_634 = vector.shape_cast %get3A_633 : vector<1x16xf32> to vector<16xf32>
      %get3A_635 = arith.constant 8 : i32
      %get3A_636 = arith.index_cast %get3A_635 : i32 to index
      %get3A_637 = arith.index_cast %mul3A_629 : i32 to index
      %get3A_638 = tpu.vector_load %arg9[%get3A_636, %get3A_637] {strides = array<i32>} : memref<16x1024xf32, #tpu.memory_space<vmem>>, vector<1x16xf32>,
      %get3A_639 = vector.shape_cast %get3A_638 : vector<1x16xf32> to vector<16xf32>
      %add3A_640 = arith.addf %get3A_634, %get3A_639 : vector<16xf32>
      %swap3A_641 = arith.constant 8 : i32
      %swap3A_642 = arith.index_cast %swap3A_641 : i32 to index
      %swap3A_643 = arith.index_cast %mul3A_629 : i32 to index
      %swap3A_644 = tpu.vector_load %arg7[%swap3A_642, %swap3A_643] {strides = array<i32>} : memref<16x1024xf32, #tpu.memory_space<vmem>>, vector<1x16xf32>,
      %swap3A_645 = vector.shape_cast %swap3A_644 : vector<1x16xf32> to vector<16xf32>
      %swap3A_646 = vector.shape_cast %add3A_640 : vector<16xf32> to vector<1x16xf32>
      tpu.vector_store %arg7[%swap3A_642, %swap3A_643], %swap3A_646 {strides = array<i32>} : memref<16x1024xf32, #tpu.memory_space<vmem>>, vector<1x16xf32>,
      %scan3A_647 = arith.constant 0 : i32
      scf.yield %scan3A_647 : i32
    }
    %scan3A_392 = arith.constant 64 : i32
    %scan3A_393 = arith.constant 0 : i32
    %scan3A_394 = arith.constant 0 : i32
    %scan3A_395 = arith.constant 64 : i32
    %scan3A_396 = arith.addi %scan3A_394, %scan3A_395 : i32
    %scan3A_397 = arith.constant 2 : i32
    %scan3A_398 = scf.for %scan3A_606 = %scan3A_394 to %scan3A_396 step %scan3A_397 iter_args(%scan3A_607 = %scan3A_393) -> (i32)  : i32 {
      %mul3A_608 = arith.constant 16 : i32
      %mul3A_609 = arith.muli %scan3A_606, %mul3A_608 : i32
      %get3A = arith.constant 9 : i32
      %get3A_610 = arith.index_cast %get3A : i32 to index
      %get3A_611 = arith.index_cast %mul3A_609 : i32 to index
      %get3A_612 = tpu.vector_load %arg7[%get3A_610, %get3A_611] {strides = array<i32>} : memref<16x1024xf32, #tpu.memory_space<vmem>>, vector<1x16xf32>,
      %get3A_613 = vector.shape_cast %get3A_612 : vector<1x16xf32> to vector<16xf32>
      %get3A_614 = arith.constant 9 : i32
      %get3A_615 = arith.index_cast %get3A_614 : i32 to index
      %get3A_616 = arith.index_cast %mul3A_609 : i32 to index
      %get3A_617 = tpu.vector_load %arg9[%get3A_615, %get3A_616] {strides = array<i32>} : memref<16x1024xf32, #tpu.memory_space<vmem>>, vector<1x16xf32>,
      %get3A_618 = vector.shape_cast %get3A_617 : vector<1x16xf32> to vector<16xf32>
      %add3A_619 = arith.addf %get3A_613, %get3A_618 : vector<16xf32>
      %swap3A = arith.constant 9 : i32
      %swap3A_620 = arith.index_cast %swap3A : i32 to index
      %swap3A_621 = arith.index_cast %mul3A_609 : i32 to index
      %swap3A_622 = tpu.vector_load %arg7[%swap3A_620, %swap3A_621] {strides = array<i32>} : memref<16x1024xf32, #tpu.memory_space<vmem>>, vector<1x16xf32>,
      %swap3A_623 = vector.shape_cast %swap3A_622 : vector<1x16xf32> to vector<16xf32>
      %swap3A_624 = vector.shape_cast %add3A_619 : vector<16xf32> to vector<1x16xf32>
      tpu.vector_store %arg7[%swap3A_620, %swap3A_621], %swap3A_624 {strides = array<i32>} : memref<16x1024xf32, #tpu.memory_space<vmem>>, vector<1x16xf32>,
      %scan3A_625 = arith.constant 0 : i32
      %scan3A_626 = arith.constant 1 : i32
      %scan3A_627 = arith.addi %scan3A_606, %scan3A_626 : i32
      %mul3A_628 = arith.constant 16 : i32
      %mul3A_629 = arith.muli %scan3A_627, %mul3A_628 : i32
      %get3A_630 = arith.constant 9 : i32
      %get3A_631 = arith.index_cast %get3A_630 : i32 to index
      %get3A_632 = arith.index_cast %mul3A_629 : i32 to index
      %get3A_633 = tpu.vector_load %arg7[%get3A_631, %get3A_632] {strides = array<i32>} : memref<16x1024xf32, #tpu.memory_space<vmem>>, vector<1x16xf32>,
      %get3A_634 = vector.shape_cast %get3A_633 : vector<1x16xf32> to vector<16xf32>
      %get3A_635 = arith.constant 9 : i32
      %get3A_636 = arith.index_cast %get3A_635 : i32 to index
      %get3A_637 = arith.index_cast %mul3A_629 : i32 to index
      %get3A_638 = tpu.vector_load %arg9[%get3A_636, %get3A_637] {strides = array<i32>} : memref<16x1024xf32, #tpu.memory_space<vmem>>, vector<1x16xf32>,
      %get3A_639 = vector.shape_cast %get3A_638 : vector<1x16xf32> to vector<16xf32>
      %add3A_640 = arith.addf %get3A_634, %get3A_639 : vector<16xf32>
      %swap3A_641 = arith.constant 9 : i32
      %swap3A_642 = arith.index_cast %swap3A_641 : i32 to index
      %swap3A_643 = arith.index_cast %mul3A_629 : i32 to index
      %swap3A_644 = tpu.vector_load %arg7[%swap3A_642, %swap3A_643] {strides = array<i32>} : memref<16x1024xf32, #tpu.memory_space<vmem>>, vector<1x16xf32>,
      %swap3A_645 = vector.shape_cast %swap3A_644 : vector<1x16xf32> to vector<16xf32>
      %swap3A_646 = vector.shape_cast %add3A_640 : vector<16xf32> to vector<1x16xf32>
      tpu.vector_store %arg7[%swap3A_642, %swap3A_643], %swap3A_646 {strides = array<i32>} : memref<16x1024xf32, #tpu.memory_space<vmem>>, vector<1x16xf32>,
      %scan3A_647 = arith.constant 0 : i32
      scf.yield %scan3A_647 : i32
    }
    %scan3A_399 = arith.constant 64 : i32
    %scan3A_400 = arith.constant 0 : i32
    %scan3A_401 = arith.constant 0 : i32
    %scan3A_402 = arith.constant 64 : i32
    %scan3A_403 = arith.addi %scan3A_401, %scan3A_402 : i32
    %scan3A_404 = arith.constant 2 : i32
    %scan3A_405 = scf.for %scan3A_606 = %scan3A_401 to %scan3A_403 step %scan3A_404 iter_args(%scan3A_607 = %scan3A_400) -> (i32)  : i32 {
      %mul3A_608 = arith.constant 16 : i32
      %mul3A_609 = arith.muli %scan3A_606, %mul3A_608 : i32
      %get3A = arith.constant 10 : i32
      %get3A_610 = arith.index_cast %get3A : i32 to index
      %get3A_611 = arith.index_cast %mul3A_609 : i32 to index
      %get3A_612 = tpu.vector_load %arg7[%get3A_610, %get3A_611] {strides = array<i32>} : memref<16x1024xf32, #tpu.memory_space<vmem>>, vector<1x16xf32>,
      %get3A_613 = vector.shape_cast %get3A_612 : vector<1x16xf32> to vector<16xf32>
      %get3A_614 = arith.constant 10 : i32
      %get3A_615 = arith.index_cast %get3A_614 : i32 to index
      %get3A_616 = arith.index_cast %mul3A_609 : i32 to index
      %get3A_617 = tpu.vector_load %arg9[%get3A_615, %get3A_616] {strides = array<i32>} : memref<16x1024xf32, #tpu.memory_space<vmem>>, vector<1x16xf32>,
      %get3A_618 = vector.shape_cast %get3A_617 : vector<1x16xf32> to vector<16xf32>
      %add3A_619 = arith.addf %get3A_613, %get3A_618 : vector<16xf32>
      %swap3A = arith.constant 10 : i32
      %swap3A_620 = arith.index_cast %swap3A : i32 to index
      %swap3A_621 = arith.index_cast %mul3A_609 : i32 to index
      %swap3A_622 = tpu.vector_load %arg7[%swap3A_620, %swap3A_621] {strides = array<i32>} : memref<16x1024xf32, #tpu.memory_space<vmem>>, vector<1x16xf32>,
      %swap3A_623 = vector.shape_cast %swap3A_622 : vector<1x16xf32> to vector<16xf32>
      %swap3A_624 = vector.shape_cast %add3A_619 : vector<16xf32> to vector<1x16xf32>
      tpu.vector_store %arg7[%swap3A_620, %swap3A_621], %swap3A_624 {strides = array<i32>} : memref<16x1024xf32, #tpu.memory_space<vmem>>, vector<1x16xf32>,
      %scan3A_625 = arith.constant 0 : i32
      %scan3A_626 = arith.constant 1 : i32
      %scan3A_627 = arith.addi %scan3A_606, %scan3A_626 : i32
      %mul3A_628 = arith.constant 16 : i32
      %mul3A_629 = arith.muli %scan3A_627, %mul3A_628 : i32
      %get3A_630 = arith.constant 10 : i32
      %get3A_631 = arith.index_cast %get3A_630 : i32 to index
      %get3A_632 = arith.index_cast %mul3A_629 : i32 to index
      %get3A_633 = tpu.vector_load %arg7[%get3A_631, %get3A_632] {strides = array<i32>} : memref<16x1024xf32, #tpu.memory_space<vmem>>, vector<1x16xf32>,
      %get3A_634 = vector.shape_cast %get3A_633 : vector<1x16xf32> to vector<16xf32>
      %get3A_635 = arith.constant 10 : i32
      %get3A_636 = arith.index_cast %get3A_635 : i32 to index
      %get3A_637 = arith.index_cast %mul3A_629 : i32 to index
      %get3A_638 = tpu.vector_load %arg9[%get3A_636, %get3A_637] {strides = array<i32>} : memref<16x1024xf32, #tpu.memory_space<vmem>>, vector<1x16xf32>,
      %get3A_639 = vector.shape_cast %get3A_638 : vector<1x16xf32> to vector<16xf32>
      %add3A_640 = arith.addf %get3A_634, %get3A_639 : vector<16xf32>
      %swap3A_641 = arith.constant 10 : i32
      %swap3A_642 = arith.index_cast %swap3A_641 : i32 to index
      %swap3A_643 = arith.index_cast %mul3A_629 : i32 to index
      %swap3A_644 = tpu.vector_load %arg7[%swap3A_642, %swap3A_643] {strides = array<i32>} : memref<16x1024xf32, #tpu.memory_space<vmem>>, vector<1x16xf32>,
      %swap3A_645 = vector.shape_cast %swap3A_644 : vector<1x16xf32> to vector<16xf32>
      %swap3A_646 = vector.shape_cast %add3A_640 : vector<16xf32> to vector<1x16xf32>
      tpu.vector_store %arg7[%swap3A_642, %swap3A_643], %swap3A_646 {strides = array<i32>} : memref<16x1024xf32, #tpu.memory_space<vmem>>, vector<1x16xf32>,
      %scan3A_647 = arith.constant 0 : i32
      scf.yield %scan3A_647 : i32
    }
    %scan3A_406 = arith.constant 64 : i32
    %scan3A_407 = arith.constant 0 : i32
    %scan3A_408 = arith.constant 0 : i32
    %scan3A_409 = arith.constant 64 : i32
    %scan3A_410 = arith.addi %scan3A_408, %scan3A_409 : i32
    %scan3A_411 = arith.constant 2 : i32
    %scan3A_412 = scf.for %scan3A_606 = %scan3A_408 to %scan3A_410 step %scan3A_411 iter_args(%scan3A_607 = %scan3A_407) -> (i32)  : i32 {
      %mul3A_608 = arith.constant 16 : i32
      %mul3A_609 = arith.muli %scan3A_606, %mul3A_608 : i32
      %get3A = arith.constant 11 : i32
      %get3A_610 = arith.index_cast %get3A : i32 to index
      %get3A_611 = arith.index_cast %mul3A_609 : i32 to index
      %get3A_612 = tpu.vector_load %arg7[%get3A_610, %get3A_611] {strides = array<i32>} : memref<16x1024xf32, #tpu.memory_space<vmem>>, vector<1x16xf32>,
      %get3A_613 = vector.shape_cast %get3A_612 : vector<1x16xf32> to vector<16xf32>
      %get3A_614 = arith.constant 11 : i32
      %get3A_615 = arith.index_cast %get3A_614 : i32 to index
      %get3A_616 = arith.index_cast %mul3A_609 : i32 to index
      %get3A_617 = tpu.vector_load %arg9[%get3A_615, %get3A_616] {strides = array<i32>} : memref<16x1024xf32, #tpu.memory_space<vmem>>, vector<1x16xf32>,
      %get3A_618 = vector.shape_cast %get3A_617 : vector<1x16xf32> to vector<16xf32>
      %add3A_619 = arith.addf %get3A_613, %get3A_618 : vector<16xf32>
      %swap3A = arith.constant 11 : i32
      %swap3A_620 = arith.index_cast %swap3A : i32 to index
      %swap3A_621 = arith.index_cast %mul3A_609 : i32 to index
      %swap3A_622 = tpu.vector_load %arg7[%swap3A_620, %swap3A_621] {strides = array<i32>} : memref<16x1024xf32, #tpu.memory_space<vmem>>, vector<1x16xf32>,
      %swap3A_623 = vector.shape_cast %swap3A_622 : vector<1x16xf32> to vector<16xf32>
      %swap3A_624 = vector.shape_cast %add3A_619 : vector<16xf32> to vector<1x16xf32>
      tpu.vector_store %arg7[%swap3A_620, %swap3A_621], %swap3A_624 {strides = array<i32>} : memref<16x1024xf32, #tpu.memory_space<vmem>>, vector<1x16xf32>,
      %scan3A_625 = arith.constant 0 : i32
      %scan3A_626 = arith.constant 1 : i32
      %scan3A_627 = arith.addi %scan3A_606, %scan3A_626 : i32
      %mul3A_628 = arith.constant 16 : i32
      %mul3A_629 = arith.muli %scan3A_627, %mul3A_628 : i32
      %get3A_630 = arith.constant 11 : i32
      %get3A_631 = arith.index_cast %get3A_630 : i32 to index
      %get3A_632 = arith.index_cast %mul3A_629 : i32 to index
      %get3A_633 = tpu.vector_load %arg7[%get3A_631, %get3A_632] {strides = array<i32>} : memref<16x1024xf32, #tpu.memory_space<vmem>>, vector<1x16xf32>,
      %get3A_634 = vector.shape_cast %get3A_633 : vector<1x16xf32> to vector<16xf32>
      %get3A_635 = arith.constant 11 : i32
      %get3A_636 = arith.index_cast %get3A_635 : i32 to index
      %get3A_637 = arith.index_cast %mul3A_629 : i32 to index
      %get3A_638 = tpu.vector_load %arg9[%get3A_636, %get3A_637] {strides = array<i32>} : memref<16x1024xf32, #tpu.memory_space<vmem>>, vector<1x16xf32>,
      %get3A_639 = vector.shape_cast %get3A_638 : vector<1x16xf32> to vector<16xf32>
      %add3A_640 = arith.addf %get3A_634, %get3A_639 : vector<16xf32>
      %swap3A_641 = arith.constant 11 : i32
      %swap3A_642 = arith.index_cast %swap3A_641 : i32 to index
      %swap3A_643 = arith.index_cast %mul3A_629 : i32 to index
      %swap3A_644 = tpu.vector_load %arg7[%swap3A_642, %swap3A_643] {strides = array<i32>} : memref<16x1024xf32, #tpu.memory_space<vmem>>, vector<1x16xf32>,
      %swap3A_645 = vector.shape_cast %swap3A_644 : vector<1x16xf32> to vector<16xf32>
      %swap3A_646 = vector.shape_cast %add3A_640 : vector<16xf32> to vector<1x16xf32>
      tpu.vector_store %arg7[%swap3A_642, %swap3A_643], %swap3A_646 {strides = array<i32>} : memref<16x1024xf32, #tpu.memory_space<vmem>>, vector<1x16xf32>,
      %scan3A_647 = arith.constant 0 : i32
      scf.yield %scan3A_647 : i32
    }
    %scan3A_413 = arith.constant 64 : i32
    %scan3A_414 = arith.constant 0 : i32
    %scan3A_415 = arith.constant 0 : i32
    %scan3A_416 = arith.constant 64 : i32
    %scan3A_417 = arith.addi %scan3A_415, %scan3A_416 : i32
    %scan3A_418 = arith.constant 2 : i32
    %scan3A_419 = scf.for %scan3A_606 = %scan3A_415 to %scan3A_417 step %scan3A_418 iter_args(%scan3A_607 = %scan3A_414) -> (i32)  : i32 {
      %mul3A_608 = arith.constant 16 : i32
      %mul3A_609 = arith.muli %scan3A_606, %mul3A_608 : i32
      %get3A = arith.constant 12 : i32
      %get3A_610 = arith.index_cast %get3A : i32 to index
      %get3A_611 = arith.index_cast %mul3A_609 : i32 to index
      %get3A_612 = tpu.vector_load %arg7[%get3A_610, %get3A_611] {strides = array<i32>} : memref<16x1024xf32, #tpu.memory_space<vmem>>, vector<1x16xf32>,
      %get3A_613 = vector.shape_cast %get3A_612 : vector<1x16xf32> to vector<16xf32>
      %get3A_614 = arith.constant 12 : i32
      %get3A_615 = arith.index_cast %get3A_614 : i32 to index
      %get3A_616 = arith.index_cast %mul3A_609 : i32 to index
      %get3A_617 = tpu.vector_load %arg9[%get3A_615, %get3A_616] {strides = array<i32>} : memref<16x1024xf32, #tpu.memory_space<vmem>>, vector<1x16xf32>,
      %get3A_618 = vector.shape_cast %get3A_617 : vector<1x16xf32> to vector<16xf32>
      %add3A_619 = arith.addf %get3A_613, %get3A_618 : vector<16xf32>
      %swap3A = arith.constant 12 : i32
      %swap3A_620 = arith.index_cast %swap3A : i32 to index
      %swap3A_621 = arith.index_cast %mul3A_609 : i32 to index
      %swap3A_622 = tpu.vector_load %arg7[%swap3A_620, %swap3A_621] {strides = array<i32>} : memref<16x1024xf32, #tpu.memory_space<vmem>>, vector<1x16xf32>,
      %swap3A_623 = vector.shape_cast %swap3A_622 : vector<1x16xf32> to vector<16xf32>
      %swap3A_624 = vector.shape_cast %add3A_619 : vector<16xf32> to vector<1x16xf32>
      tpu.vector_store %arg7[%swap3A_620, %swap3A_621], %swap3A_624 {strides = array<i32>} : memref<16x1024xf32, #tpu.memory_space<vmem>>, vector<1x16xf32>,
      %scan3A_625 = arith.constant 0 : i32
      %scan3A_626 = arith.constant 1 : i32
      %scan3A_627 = arith.addi %scan3A_606, %scan3A_626 : i32
      %mul3A_628 = arith.constant 16 : i32
      %mul3A_629 = arith.muli %scan3A_627, %mul3A_628 : i32
      %get3A_630 = arith.constant 12 : i32
      %get3A_631 = arith.index_cast %get3A_630 : i32 to index
      %get3A_632 = arith.index_cast %mul3A_629 : i32 to index
      %get3A_633 = tpu.vector_load %arg7[%get3A_631, %get3A_632] {strides = array<i32>} : memref<16x1024xf32, #tpu.memory_space<vmem>>, vector<1x16xf32>,
      %get3A_634 = vector.shape_cast %get3A_633 : vector<1x16xf32> to vector<16xf32>
      %get3A_635 = arith.constant 12 : i32
      %get3A_636 = arith.index_cast %get3A_635 : i32 to index
      %get3A_637 = arith.index_cast %mul3A_629 : i32 to index
      %get3A_638 = tpu.vector_load %arg9[%get3A_636, %get3A_637] {strides = array<i32>} : memref<16x1024xf32, #tpu.memory_space<vmem>>, vector<1x16xf32>,
      %get3A_639 = vector.shape_cast %get3A_638 : vector<1x16xf32> to vector<16xf32>
      %add3A_640 = arith.addf %get3A_634, %get3A_639 : vector<16xf32>
      %swap3A_641 = arith.constant 12 : i32
      %swap3A_642 = arith.index_cast %swap3A_641 : i32 to index
      %swap3A_643 = arith.index_cast %mul3A_629 : i32 to index
      %swap3A_644 = tpu.vector_load %arg7[%swap3A_642, %swap3A_643] {strides = array<i32>} : memref<16x1024xf32, #tpu.memory_space<vmem>>, vector<1x16xf32>,
      %swap3A_645 = vector.shape_cast %swap3A_644 : vector<1x16xf32> to vector<16xf32>
      %swap3A_646 = vector.shape_cast %add3A_640 : vector<16xf32> to vector<1x16xf32>
      tpu.vector_store %arg7[%swap3A_642, %swap3A_643], %swap3A_646 {strides = array<i32>} : memref<16x1024xf32, #tpu.memory_space<vmem>>, vector<1x16xf32>,
      %scan3A_647 = arith.constant 0 : i32
      scf.yield %scan3A_647 : i32
    }
    %scan3A_420 = arith.constant 64 : i32
    %scan3A_421 = arith.constant 0 : i32
    %scan3A_422 = arith.constant 0 : i32
    %scan3A_423 = arith.constant 64 : i32
    %scan3A_424 = arith.addi %scan3A_422, %scan3A_423 : i32
    %scan3A_425 = arith.constant 2 : i32
    %scan3A_426 = scf.for %scan3A_606 = %scan3A_422 to %scan3A_424 step %scan3A_425 iter_args(%scan3A_607 = %scan3A_421) -> (i32)  : i32 {
      %mul3A_608 = arith.constant 16 : i32
      %mul3A_609 = arith.muli %scan3A_606, %mul3A_608 : i32
      %get3A = arith.constant 13 : i32
      %get3A_610 = arith.index_cast %get3A : i32 to index
      %get3A_611 = arith.index_cast %mul3A_609 : i32 to index
      %get3A_612 = tpu.vector_load %arg7[%get3A_610, %get3A_611] {strides = array<i32>} : memref<16x1024xf32, #tpu.memory_space<vmem>>, vector<1x16xf32>,
      %get3A_613 = vector.shape_cast %get3A_612 : vector<1x16xf32> to vector<16xf32>
      %get3A_614 = arith.constant 13 : i32
      %get3A_615 = arith.index_cast %get3A_614 : i32 to index
      %get3A_616 = arith.index_cast %mul3A_609 : i32 to index
      %get3A_617 = tpu.vector_load %arg9[%get3A_615, %get3A_616] {strides = array<i32>} : memref<16x1024xf32, #tpu.memory_space<vmem>>, vector<1x16xf32>,
      %get3A_618 = vector.shape_cast %get3A_617 : vector<1x16xf32> to vector<16xf32>
      %add3A_619 = arith.addf %get3A_613, %get3A_618 : vector<16xf32>
      %swap3A = arith.constant 13 : i32
      %swap3A_620 = arith.index_cast %swap3A : i32 to index
      %swap3A_621 = arith.index_cast %mul3A_609 : i32 to index
      %swap3A_622 = tpu.vector_load %arg7[%swap3A_620, %swap3A_621] {strides = array<i32>} : memref<16x1024xf32, #tpu.memory_space<vmem>>, vector<1x16xf32>,
      %swap3A_623 = vector.shape_cast %swap3A_622 : vector<1x16xf32> to vector<16xf32>
      %swap3A_624 = vector.shape_cast %add3A_619 : vector<16xf32> to vector<1x16xf32>
      tpu.vector_store %arg7[%swap3A_620, %swap3A_621], %swap3A_624 {strides = array<i32>} : memref<16x1024xf32, #tpu.memory_space<vmem>>, vector<1x16xf32>,
      %scan3A_625 = arith.constant 0 : i32
      %scan3A_626 = arith.constant 1 : i32
      %scan3A_627 = arith.addi %scan3A_606, %scan3A_626 : i32
      %mul3A_628 = arith.constant 16 : i32
      %mul3A_629 = arith.muli %scan3A_627, %mul3A_628 : i32
      %get3A_630 = arith.constant 13 : i32
      %get3A_631 = arith.index_cast %get3A_630 : i32 to index
      %get3A_632 = arith.index_cast %mul3A_629 : i32 to index
      %get3A_633 = tpu.vector_load %arg7[%get3A_631, %get3A_632] {strides = array<i32>} : memref<16x1024xf32, #tpu.memory_space<vmem>>, vector<1x16xf32>,
      %get3A_634 = vector.shape_cast %get3A_633 : vector<1x16xf32> to vector<16xf32>
      %get3A_635 = arith.constant 13 : i32
      %get3A_636 = arith.index_cast %get3A_635 : i32 to index
      %get3A_637 = arith.index_cast %mul3A_629 : i32 to index
      %get3A_638 = tpu.vector_load %arg9[%get3A_636, %get3A_637] {strides = array<i32>} : memref<16x1024xf32, #tpu.memory_space<vmem>>, vector<1x16xf32>,
      %get3A_639 = vector.shape_cast %get3A_638 : vector<1x16xf32> to vector<16xf32>
      %add3A_640 = arith.addf %get3A_634, %get3A_639 : vector<16xf32>
      %swap3A_641 = arith.constant 13 : i32
      %swap3A_642 = arith.index_cast %swap3A_641 : i32 to index
      %swap3A_643 = arith.index_cast %mul3A_629 : i32 to index
      %swap3A_644 = tpu.vector_load %arg7[%swap3A_642, %swap3A_643] {strides = array<i32>} : memref<16x1024xf32, #tpu.memory_space<vmem>>, vector<1x16xf32>,
      %swap3A_645 = vector.shape_cast %swap3A_644 : vector<1x16xf32> to vector<16xf32>
      %swap3A_646 = vector.shape_cast %add3A_640 : vector<16xf32> to vector<1x16xf32>
      tpu.vector_store %arg7[%swap3A_642, %swap3A_643], %swap3A_646 {strides = array<i32>} : memref<16x1024xf32, #tpu.memory_space<vmem>>, vector<1x16xf32>,
      %scan3A_647 = arith.constant 0 : i32
      scf.yield %scan3A_647 : i32
    }
    %scan3A_427 = arith.constant 64 : i32
    %scan3A_428 = arith.constant 0 : i32
    %scan3A_429 = arith.constant 0 : i32
    %scan3A_430 = arith.constant 64 : i32
    %scan3A_431 = arith.addi %scan3A_429, %scan3A_430 : i32
    %scan3A_432 = arith.constant 2 : i32
    %scan3A_433 = scf.for %scan3A_606 = %scan3A_429 to %scan3A_431 step %scan3A_432 iter_args(%scan3A_607 = %scan3A_428) -> (i32)  : i32 {
      %mul3A_608 = arith.constant 16 : i32
      %mul3A_609 = arith.muli %scan3A_606, %mul3A_608 : i32
      %get3A = arith.constant 14 : i32
      %get3A_610 = arith.index_cast %get3A : i32 to index
      %get3A_611 = arith.index_cast %mul3A_609 : i32 to index
      %get3A_612 = tpu.vector_load %arg7[%get3A_610, %get3A_611] {strides = array<i32>} : memref<16x1024xf32, #tpu.memory_space<vmem>>, vector<1x16xf32>,
      %get3A_613 = vector.shape_cast %get3A_612 : vector<1x16xf32> to vector<16xf32>
      %get3A_614 = arith.constant 14 : i32
      %get3A_615 = arith.index_cast %get3A_614 : i32 to index
      %get3A_616 = arith.index_cast %mul3A_609 : i32 to index
      %get3A_617 = tpu.vector_load %arg9[%get3A_615, %get3A_616] {strides = array<i32>} : memref<16x1024xf32, #tpu.memory_space<vmem>>, vector<1x16xf32>,
      %get3A_618 = vector.shape_cast %get3A_617 : vector<1x16xf32> to vector<16xf32>
      %add3A_619 = arith.addf %get3A_613, %get3A_618 : vector<16xf32>
      %swap3A = arith.constant 14 : i32
      %swap3A_620 = arith.index_cast %swap3A : i32 to index
      %swap3A_621 = arith.index_cast %mul3A_609 : i32 to index
      %swap3A_622 = tpu.vector_load %arg7[%swap3A_620, %swap3A_621] {strides = array<i32>} : memref<16x1024xf32, #tpu.memory_space<vmem>>, vector<1x16xf32>,
      %swap3A_623 = vector.shape_cast %swap3A_622 : vector<1x16xf32> to vector<16xf32>
      %swap3A_624 = vector.shape_cast %add3A_619 : vector<16xf32> to vector<1x16xf32>
      tpu.vector_store %arg7[%swap3A_620, %swap3A_621], %swap3A_624 {strides = array<i32>} : memref<16x1024xf32, #tpu.memory_space<vmem>>, vector<1x16xf32>,
      %scan3A_625 = arith.constant 0 : i32
      %scan3A_626 = arith.constant 1 : i32
      %scan3A_627 = arith.addi %scan3A_606, %scan3A_626 : i32
      %mul3A_628 = arith.constant 16 : i32
      %mul3A_629 = arith.muli %scan3A_627, %mul3A_628 : i32
      %get3A_630 = arith.constant 14 : i32
      %get3A_631 = arith.index_cast %get3A_630 : i32 to index
      %get3A_632 = arith.index_cast %mul3A_629 : i32 to index
      %get3A_633 = tpu.vector_load %arg7[%get3A_631, %get3A_632] {strides = array<i32>} : memref<16x1024xf32, #tpu.memory_space<vmem>>, vector<1x16xf32>,
      %get3A_634 = vector.shape_cast %get3A_633 : vector<1x16xf32> to vector<16xf32>
      %get3A_635 = arith.constant 14 : i32
      %get3A_636 = arith.index_cast %get3A_635 : i32 to index
      %get3A_637 = arith.index_cast %mul3A_629 : i32 to index
      %get3A_638 = tpu.vector_load %arg9[%get3A_636, %get3A_637] {strides = array<i32>} : memref<16x1024xf32, #tpu.memory_space<vmem>>, vector<1x16xf32>,
      %get3A_639 = vector.shape_cast %get3A_638 : vector<1x16xf32> to vector<16xf32>
      %add3A_640 = arith.addf %get3A_634, %get3A_639 : vector<16xf32>
      %swap3A_641 = arith.constant 14 : i32
      %swap3A_642 = arith.index_cast %swap3A_641 : i32 to index
      %swap3A_643 = arith.index_cast %mul3A_629 : i32 to index
      %swap3A_644 = tpu.vector_load %arg7[%swap3A_642, %swap3A_643] {strides = array<i32>} : memref<16x1024xf32, #tpu.memory_space<vmem>>, vector<1x16xf32>,
      %swap3A_645 = vector.shape_cast %swap3A_644 : vector<1x16xf32> to vector<16xf32>
      %swap3A_646 = vector.shape_cast %add3A_640 : vector<16xf32> to vector<1x16xf32>
      tpu.vector_store %arg7[%swap3A_642, %swap3A_643], %swap3A_646 {strides = array<i32>} : memref<16x1024xf32, #tpu.memory_space<vmem>>, vector<1x16xf32>,
      %scan3A_647 = arith.constant 0 : i32
      scf.yield %scan3A_647 : i32
    }
    %scan3A_434 = arith.constant 64 : i32
    %scan3A_435 = arith.constant 0 : i32
    %scan3A_436 = arith.constant 0 : i32
    %scan3A_437 = arith.constant 64 : i32
    %scan3A_438 = arith.addi %scan3A_436, %scan3A_437 : i32
    %scan3A_439 = arith.constant 2 : i32
    %scan3A_440 = scf.for %scan3A_606 = %scan3A_436 to %scan3A_438 step %scan3A_439 iter_args(%scan3A_607 = %scan3A_435) -> (i32)  : i32 {
      %mul3A_608 = arith.constant 16 : i32
      %mul3A_609 = arith.muli %scan3A_606, %mul3A_608 : i32
      %get3A = arith.constant 15 : i32
      %get3A_610 = arith.index_cast %get3A : i32 to index
      %get3A_611 = arith.index_cast %mul3A_609 : i32 to index
      %get3A_612 = tpu.vector_load %arg7[%get3A_610, %get3A_611] {strides = array<i32>} : memref<16x1024xf32, #tpu.memory_space<vmem>>, vector<1x16xf32>,
      %get3A_613 = vector.shape_cast %get3A_612 : vector<1x16xf32> to vector<16xf32>
      %get3A_614 = arith.constant 15 : i32
      %get3A_615 = arith.index_cast %get3A_614 : i32 to index
      %get3A_616 = arith.index_cast %mul3A_609 : i32 to index
      %get3A_617 = tpu.vector_load %arg9[%get3A_615, %get3A_616] {strides = array<i32>} : memref<16x1024xf32, #tpu.memory_space<vmem>>, vector<1x16xf32>,
      %get3A_618 = vector.shape_cast %get3A_617 : vector<1x16xf32> to vector<16xf32>
      %add3A_619 = arith.addf %get3A_613, %get3A_618 : vector<16xf32>
      %swap3A = arith.constant 15 : i32
      %swap3A_620 = arith.index_cast %swap3A : i32 to index
      %swap3A_621 = arith.index_cast %mul3A_609 : i32 to index
      %swap3A_622 = tpu.vector_load %arg7[%swap3A_620, %swap3A_621] {strides = array<i32>} : memref<16x1024xf32, #tpu.memory_space<vmem>>, vector<1x16xf32>,
      %swap3A_623 = vector.shape_cast %swap3A_622 : vector<1x16xf32> to vector<16xf32>
      %swap3A_624 = vector.shape_cast %add3A_619 : vector<16xf32> to vector<1x16xf32>
      tpu.vector_store %arg7[%swap3A_620, %swap3A_621], %swap3A_624 {strides = array<i32>} : memref<16x1024xf32, #tpu.memory_space<vmem>>, vector<1x16xf32>,
      %scan3A_625 = arith.constant 0 : i32
      %scan3A_626 = arith.constant 1 : i32
      %scan3A_627 = arith.addi %scan3A_606, %scan3A_626 : i32
      %mul3A_628 = arith.constant 16 : i32
      %mul3A_629 = arith.muli %scan3A_627, %mul3A_628 : i32
      %get3A_630 = arith.constant 15 : i32
      %get3A_631 = arith.index_cast %get3A_630 : i32 to index
      %get3A_632 = arith.index_cast %mul3A_629 : i32 to index
      %get3A_633 = tpu.vector_load %arg7[%get3A_631, %get3A_632] {strides = array<i32>} : memref<16x1024xf32, #tpu.memory_space<vmem>>, vector<1x16xf32>,
      %get3A_634 = vector.shape_cast %get3A_633 : vector<1x16xf32> to vector<16xf32>
      %get3A_635 = arith.constant 15 : i32
      %get3A_636 = arith.index_cast %get3A_635 : i32 to index
      %get3A_637 = arith.index_cast %mul3A_629 : i32 to index
      %get3A_638 = tpu.vector_load %arg9[%get3A_636, %get3A_637] {strides = array<i32>} : memref<16x1024xf32, #tpu.memory_space<vmem>>, vector<1x16xf32>,
      %get3A_639 = vector.shape_cast %get3A_638 : vector<1x16xf32> to vector<16xf32>
      %add3A_640 = arith.addf %get3A_634, %get3A_639 : vector<16xf32>
      %swap3A_641 = arith.constant 15 : i32
      %swap3A_642 = arith.index_cast %swap3A_641 : i32 to index
      %swap3A_643 = arith.index_cast %mul3A_629 : i32 to index
      %swap3A_644 = tpu.vector_load %arg7[%swap3A_642, %swap3A_643] {strides = array<i32>} : memref<16x1024xf32, #tpu.memory_space<vmem>>, vector<1x16xf32>,
      %swap3A_645 = vector.shape_cast %swap3A_644 : vector<1x16xf32> to vector<16xf32>
      %swap3A_646 = vector.shape_cast %add3A_640 : vector<16xf32> to vector<1x16xf32>
      tpu.vector_store %arg7[%swap3A_642, %swap3A_643], %swap3A_646 {strides = array<i32>} : memref<16x1024xf32, #tpu.memory_space<vmem>>, vector<1x16xf32>,
      %scan3A_647 = arith.constant 0 : i32
      scf.yield %scan3A_647 : i32
    }
    %scan3A_441 = arith.constant 64 : i32
    %add3A_442 = arith.constant 32 : i32
    %add3A_443 = arith.addi %mul3A_2, %add3A_442 : i32
    %dma_start3A_444 = arith.constant 0 : i32
    %dma_start3A_445 = tpu.memref_slice %arg4[%add3A_443, %dma_start3A_444] : memref<2048x1024xf32, #tpu.memory_space<hbm>> -> memref<16x1024xf32, #tpu.memory_space<hbm>>
    %dma_start3A_446 = arith.constant 0 : i32
    %dma_start3A_447 = tpu.memref_slice %arg4[%add3A_443, %dma_start3A_446] : memref<2048x1024xf32, #tpu.memory_space<hbm>> -> memref<16x1024xf32, #tpu.memory_space<hbm>>
    tpu.enqueue_dma source(%arg7 : memref<16x1024xf32, #tpu.memory_space<vmem>>) target(%dma_start3A_447 : memref<16x1024xf32, #tpu.memory_space<hbm>>) target_semaphore(%arg15 : memref<!tpu.dma_semaphore, #tpu.memory_space<semaphore_mem>>)
    %dma_wait3A_448 = arith.constant 0 : i32
    %dma_wait3A_449 = tpu.memref_slice %arg4[%add3A_293, %dma_wait3A_448] : memref<2048x1024xf32, #tpu.memory_space<hbm>> -> memref<16x1024xf32, #tpu.memory_space<hbm>>
    %dma_wait3A_450 = arith.constant 0 : i32
    %dma_wait3A_451 = tpu.memref_slice %arg4[%add3A_293, %dma_wait3A_450] : memref<2048x1024xf32, #tpu.memory_space<hbm>> -> memref<16x1024xf32, #tpu.memory_space<hbm>>
    tpu.wait_dma2 semaphore(%arg16 : memref<!tpu.dma_semaphore, #tpu.memory_space<semaphore_mem>>) src(%arg8 : memref<16x1024xf32, #tpu.memory_space<vmem>>) dst(%dma_wait3A_451 : memref<16x1024xf32, #tpu.memory_space<hbm>>)
    %dma_start3A_452 = arith.constant 3 : i32
    %dma_start3A_453 = arith.constant 0 : i32
    %dma_start3A_454 = tpu.memref_slice %arg5[%dma_start3A_452, %dma_start3A_453] : memref<4x16xi32, #tpu.memory_space<vmem>> -> memref<1x16xi32, #tpu.memory_space<vmem>>
    %dma_start3A_455 = tpu.memref_squeeze %dma_start3A_454 : memref<1x16xi32, #tpu.memory_space<vmem>> -> memref<16xi32, #tpu.memory_space<vmem>>
    %dma_start3A_456 = arith.constant 0 : i32
    %dma_start3A_457 = arith.constant 0 : i32
    %dma_start3A_458 = tpu.memref_slice %arg2[%dma_start3A_456, %dma_start3A_457] : memref<6144x1024xf32, #tpu.memory_space<hbm>> -> memref<6144x1024xf32, #tpu.memory_space<hbm>>
    tpu.enqueue_indirect_dma source(%dma_start3A_458 : memref<6144x1024xf32, #tpu.memory_space<hbm>>) target(%arg8 : memref<16x1024xf32, #tpu.memory_space<vmem>>) offsets(%dma_start3A_455 : memref<16xi32, #tpu.memory_space<vmem>>) semaphore(%arg12 : memref<!tpu.dma_semaphore, #tpu.memory_space<semaphore_mem>>)
    %dma_start3A_459 = arith.constant 3 : i32
    %dma_start3A_460 = arith.constant 0 : i32
    %dma_start3A_461 = tpu.memref_slice %arg6[%dma_start3A_459, %dma_start3A_460] : memref<4x16xi32, #tpu.memory_space<vmem>> -> memref<1x16xi32, #tpu.memory_space<vmem>>
    %dma_start3A_462 = tpu.memref_squeeze %dma_start3A_461 : memref<1x16xi32, #tpu.memory_space<vmem>> -> memref<16xi32, #tpu.memory_space<vmem>>
    %dma_start3A_463 = arith.constant 0 : i32
    %dma_start3A_464 = arith.constant 0 : i32
    %dma_start3A_465 = tpu.memref_slice %arg2[%dma_start3A_463, %dma_start3A_464] : memref<6144x1024xf32, #tpu.memory_space<hbm>> -> memref<6144x1024xf32, #tpu.memory_space<hbm>>
    tpu.enqueue_indirect_dma source(%dma_start3A_465 : memref<6144x1024xf32, #tpu.memory_space<hbm>>) target(%arg10 : memref<16x1024xf32, #tpu.memory_space<vmem>>) offsets(%dma_start3A_462 : memref<16xi32, #tpu.memory_space<vmem>>) semaphore(%arg14 : memref<!tpu.dma_semaphore, #tpu.memory_space<semaphore_mem>>)
    %dma_wait3A_466 = arith.constant 3 : i32
    %dma_wait3A_467 = arith.constant 0 : i32
    %dma_wait3A_468 = tpu.memref_slice %arg5[%dma_wait3A_466, %dma_wait3A_467] : memref<4x16xi32, #tpu.memory_space<vmem>> -> memref<1x16xi32, #tpu.memory_space<vmem>>
    %dma_wait3A_469 = tpu.memref_squeeze %dma_wait3A_468 : memref<1x16xi32, #tpu.memory_space<vmem>> -> memref<16xi32, #tpu.memory_space<vmem>>
    %dma_wait3A_470 = arith.constant 0 : i32
    %dma_wait3A_471 = arith.constant 0 : i32
    %dma_wait3A_472 = tpu.memref_slice %arg2[%dma_wait3A_470, %dma_wait3A_471] : memref<6144x1024xf32, #tpu.memory_space<hbm>> -> memref<6144x1024xf32, #tpu.memory_space<hbm>>
    tpu.wait_indirect_dma semaphore(%arg12 : memref<!tpu.dma_semaphore, #tpu.memory_space<semaphore_mem>>) src(%dma_wait3A_472 : memref<6144x1024xf32, #tpu.memory_space<hbm>>) dst(%arg8 : memref<16x1024xf32, #tpu.memory_space<vmem>>)
    %dma_wait3A_473 = arith.constant 3 : i32
    %dma_wait3A_474 = arith.constant 0 : i32
    %dma_wait3A_475 = tpu.memref_slice %arg6[%dma_wait3A_473, %dma_wait3A_474] : memref<4x16xi32, #tpu.memory_space<vmem>> -> memref<1x16xi32, #tpu.memory_space<vmem>>
    %dma_wait3A_476 = tpu.memref_squeeze %dma_wait3A_475 : memref<1x16xi32, #tpu.memory_space<vmem>> -> memref<16xi32, #tpu.memory_space<vmem>>
    %dma_wait3A_477 = arith.constant 0 : i32
    %dma_wait3A_478 = arith.constant 0 : i32
    %dma_wait3A_479 = tpu.memref_slice %arg2[%dma_wait3A_477, %dma_wait3A_478] : memref<6144x1024xf32, #tpu.memory_space<hbm>> -> memref<6144x1024xf32, #tpu.memory_space<hbm>>
    tpu.wait_indirect_dma semaphore(%arg14 : memref<!tpu.dma_semaphore, #tpu.memory_space<semaphore_mem>>) src(%dma_wait3A_479 : memref<6144x1024xf32, #tpu.memory_space<hbm>>) dst(%arg10 : memref<16x1024xf32, #tpu.memory_space<vmem>>)
    %scan3A_480 = arith.constant 0 : i32
    %scan3A_481 = arith.constant 0 : i32
    %scan3A_482 = arith.constant 64 : i32
    %scan3A_483 = arith.addi %scan3A_481, %scan3A_482 : i32
    %scan3A_484 = arith.constant 2 : i32
    %scan3A_485 = scf.for %scan3A_606 = %scan3A_481 to %scan3A_483 step %scan3A_484 iter_args(%scan3A_607 = %scan3A_480) -> (i32)  : i32 {
      %mul3A_608 = arith.constant 16 : i32
      %mul3A_609 = arith.muli %scan3A_606, %mul3A_608 : i32
      %get3A = arith.constant 0 : i32
      %get3A_610 = arith.index_cast %get3A : i32 to index
      %get3A_611 = arith.index_cast %mul3A_609 : i32 to index
      %get3A_612 = tpu.vector_load %arg8[%get3A_610, %get3A_611] {strides = array<i32>} : memref<16x1024xf32, #tpu.memory_space<vmem>>, vector<1x16xf32>,
      %get3A_613 = vector.shape_cast %get3A_612 : vector<1x16xf32> to vector<16xf32>
      %get3A_614 = arith.constant 0 : i32
      %get3A_615 = arith.index_cast %get3A_614 : i32 to index
      %get3A_616 = arith.index_cast %mul3A_609 : i32 to index
      %get3A_617 = tpu.vector_load %arg10[%get3A_615, %get3A_616] {strides = array<i32>} : memref<16x1024xf32, #tpu.memory_space<vmem>>, vector<1x16xf32>,
      %get3A_618 = vector.shape_cast %get3A_617 : vector<1x16xf32> to vector<16xf32>
      %add3A_619 = arith.addf %get3A_613, %get3A_618 : vector<16xf32>
      %swap3A = arith.constant 0 : i32
      %swap3A_620 = arith.index_cast %swap3A : i32 to index
      %swap3A_621 = arith.index_cast %mul3A_609 : i32 to index
      %swap3A_622 = tpu.vector_load %arg8[%swap3A_620, %swap3A_621] {strides = array<i32>} : memref<16x1024xf32, #tpu.memory_space<vmem>>, vector<1x16xf32>,
      %swap3A_623 = vector.shape_cast %swap3A_622 : vector<1x16xf32> to vector<16xf32>
      %swap3A_624 = vector.shape_cast %add3A_619 : vector<16xf32> to vector<1x16xf32>
      tpu.vector_store %arg8[%swap3A_620, %swap3A_621], %swap3A_624 {strides = array<i32>} : memref<16x1024xf32, #tpu.memory_space<vmem>>, vector<1x16xf32>,
      %scan3A_625 = arith.constant 0 : i32
      %scan3A_626 = arith.constant 1 : i32
      %scan3A_627 = arith.addi %scan3A_606, %scan3A_626 : i32
      %mul3A_628 = arith.constant 16 : i32
      %mul3A_629 = arith.muli %scan3A_627, %mul3A_628 : i32
      %get3A_630 = arith.constant 0 : i32
      %get3A_631 = arith.index_cast %get3A_630 : i32 to index
      %get3A_632 = arith.index_cast %mul3A_629 : i32 to index
      %get3A_633 = tpu.vector_load %arg8[%get3A_631, %get3A_632] {strides = array<i32>} : memref<16x1024xf32, #tpu.memory_space<vmem>>, vector<1x16xf32>,
      %get3A_634 = vector.shape_cast %get3A_633 : vector<1x16xf32> to vector<16xf32>
      %get3A_635 = arith.constant 0 : i32
      %get3A_636 = arith.index_cast %get3A_635 : i32 to index
      %get3A_637 = arith.index_cast %mul3A_629 : i32 to index
      %get3A_638 = tpu.vector_load %arg10[%get3A_636, %get3A_637] {strides = array<i32>} : memref<16x1024xf32, #tpu.memory_space<vmem>>, vector<1x16xf32>,
      %get3A_639 = vector.shape_cast %get3A_638 : vector<1x16xf32> to vector<16xf32>
      %add3A_640 = arith.addf %get3A_634, %get3A_639 : vector<16xf32>
      %swap3A_641 = arith.constant 0 : i32
      %swap3A_642 = arith.index_cast %swap3A_641 : i32 to index
      %swap3A_643 = arith.index_cast %mul3A_629 : i32 to index
      %swap3A_644 = tpu.vector_load %arg8[%swap3A_642, %swap3A_643] {strides = array<i32>} : memref<16x1024xf32, #tpu.memory_space<vmem>>, vector<1x16xf32>,
      %swap3A_645 = vector.shape_cast %swap3A_644 : vector<1x16xf32> to vector<16xf32>
      %swap3A_646 = vector.shape_cast %add3A_640 : vector<16xf32> to vector<1x16xf32>
      tpu.vector_store %arg8[%swap3A_642, %swap3A_643], %swap3A_646 {strides = array<i32>} : memref<16x1024xf32, #tpu.memory_space<vmem>>, vector<1x16xf32>,
      %scan3A_647 = arith.constant 0 : i32
      scf.yield %scan3A_647 : i32
    }
    %scan3A_486 = arith.constant 64 : i32
    %scan3A_487 = arith.constant 0 : i32
    %scan3A_488 = arith.constant 0 : i32
    %scan3A_489 = arith.constant 64 : i32
    %scan3A_490 = arith.addi %scan3A_488, %scan3A_489 : i32
    %scan3A_491 = arith.constant 2 : i32
    %scan3A_492 = scf.for %scan3A_606 = %scan3A_488 to %scan3A_490 step %scan3A_491 iter_args(%scan3A_607 = %scan3A_487) -> (i32)  : i32 {
      %mul3A_608 = arith.constant 16 : i32
      %mul3A_609 = arith.muli %scan3A_606, %mul3A_608 : i32
      %get3A = arith.constant 1 : i32
      %get3A_610 = arith.index_cast %get3A : i32 to index
      %get3A_611 = arith.index_cast %mul3A_609 : i32 to index
      %get3A_612 = tpu.vector_load %arg8[%get3A_610, %get3A_611] {strides = array<i32>} : memref<16x1024xf32, #tpu.memory_space<vmem>>, vector<1x16xf32>,
      %get3A_613 = vector.shape_cast %get3A_612 : vector<1x16xf32> to vector<16xf32>
      %get3A_614 = arith.constant 1 : i32
      %get3A_615 = arith.index_cast %get3A_614 : i32 to index
      %get3A_616 = arith.index_cast %mul3A_609 : i32 to index
      %get3A_617 = tpu.vector_load %arg10[%get3A_615, %get3A_616] {strides = array<i32>} : memref<16x1024xf32, #tpu.memory_space<vmem>>, vector<1x16xf32>,
      %get3A_618 = vector.shape_cast %get3A_617 : vector<1x16xf32> to vector<16xf32>
      %add3A_619 = arith.addf %get3A_613, %get3A_618 : vector<16xf32>
      %swap3A = arith.constant 1 : i32
      %swap3A_620 = arith.index_cast %swap3A : i32 to index
      %swap3A_621 = arith.index_cast %mul3A_609 : i32 to index
      %swap3A_622 = tpu.vector_load %arg8[%swap3A_620, %swap3A_621] {strides = array<i32>} : memref<16x1024xf32, #tpu.memory_space<vmem>>, vector<1x16xf32>,
      %swap3A_623 = vector.shape_cast %swap3A_622 : vector<1x16xf32> to vector<16xf32>
      %swap3A_624 = vector.shape_cast %add3A_619 : vector<16xf32> to vector<1x16xf32>
      tpu.vector_store %arg8[%swap3A_620, %swap3A_621], %swap3A_624 {strides = array<i32>} : memref<16x1024xf32, #tpu.memory_space<vmem>>, vector<1x16xf32>,
      %scan3A_625 = arith.constant 0 : i32
      %scan3A_626 = arith.constant 1 : i32
      %scan3A_627 = arith.addi %scan3A_606, %scan3A_626 : i32
      %mul3A_628 = arith.constant 16 : i32
      %mul3A_629 = arith.muli %scan3A_627, %mul3A_628 : i32
      %get3A_630 = arith.constant 1 : i32
      %get3A_631 = arith.index_cast %get3A_630 : i32 to index
      %get3A_632 = arith.index_cast %mul3A_629 : i32 to index
      %get3A_633 = tpu.vector_load %arg8[%get3A_631, %get3A_632] {strides = array<i32>} : memref<16x1024xf32, #tpu.memory_space<vmem>>, vector<1x16xf32>,
      %get3A_634 = vector.shape_cast %get3A_633 : vector<1x16xf32> to vector<16xf32>
      %get3A_635 = arith.constant 1 : i32
      %get3A_636 = arith.index_cast %get3A_635 : i32 to index
      %get3A_637 = arith.index_cast %mul3A_629 : i32 to index
      %get3A_638 = tpu.vector_load %arg10[%get3A_636, %get3A_637] {strides = array<i32>} : memref<16x1024xf32, #tpu.memory_space<vmem>>, vector<1x16xf32>,
      %get3A_639 = vector.shape_cast %get3A_638 : vector<1x16xf32> to vector<16xf32>
      %add3A_640 = arith.addf %get3A_634, %get3A_639 : vector<16xf32>
      %swap3A_641 = arith.constant 1 : i32
      %swap3A_642 = arith.index_cast %swap3A_641 : i32 to index
      %swap3A_643 = arith.index_cast %mul3A_629 : i32 to index
      %swap3A_644 = tpu.vector_load %arg8[%swap3A_642, %swap3A_643] {strides = array<i32>} : memref<16x1024xf32, #tpu.memory_space<vmem>>, vector<1x16xf32>,
      %swap3A_645 = vector.shape_cast %swap3A_644 : vector<1x16xf32> to vector<16xf32>
      %swap3A_646 = vector.shape_cast %add3A_640 : vector<16xf32> to vector<1x16xf32>
      tpu.vector_store %arg8[%swap3A_642, %swap3A_643], %swap3A_646 {strides = array<i32>} : memref<16x1024xf32, #tpu.memory_space<vmem>>, vector<1x16xf32>,
      %scan3A_647 = arith.constant 0 : i32
      scf.yield %scan3A_647 : i32
    }
    %scan3A_493 = arith.constant 64 : i32
    %scan3A_494 = arith.constant 0 : i32
    %scan3A_495 = arith.constant 0 : i32
    %scan3A_496 = arith.constant 64 : i32
    %scan3A_497 = arith.addi %scan3A_495, %scan3A_496 : i32
    %scan3A_498 = arith.constant 2 : i32
    %scan3A_499 = scf.for %scan3A_606 = %scan3A_495 to %scan3A_497 step %scan3A_498 iter_args(%scan3A_607 = %scan3A_494) -> (i32)  : i32 {
      %mul3A_608 = arith.constant 16 : i32
      %mul3A_609 = arith.muli %scan3A_606, %mul3A_608 : i32
      %get3A = arith.constant 2 : i32
      %get3A_610 = arith.index_cast %get3A : i32 to index
      %get3A_611 = arith.index_cast %mul3A_609 : i32 to index
      %get3A_612 = tpu.vector_load %arg8[%get3A_610, %get3A_611] {strides = array<i32>} : memref<16x1024xf32, #tpu.memory_space<vmem>>, vector<1x16xf32>,
      %get3A_613 = vector.shape_cast %get3A_612 : vector<1x16xf32> to vector<16xf32>
      %get3A_614 = arith.constant 2 : i32
      %get3A_615 = arith.index_cast %get3A_614 : i32 to index
      %get3A_616 = arith.index_cast %mul3A_609 : i32 to index
      %get3A_617 = tpu.vector_load %arg10[%get3A_615, %get3A_616] {strides = array<i32>} : memref<16x1024xf32, #tpu.memory_space<vmem>>, vector<1x16xf32>,
      %get3A_618 = vector.shape_cast %get3A_617 : vector<1x16xf32> to vector<16xf32>
      %add3A_619 = arith.addf %get3A_613, %get3A_618 : vector<16xf32>
      %swap3A = arith.constant 2 : i32
      %swap3A_620 = arith.index_cast %swap3A : i32 to index
      %swap3A_621 = arith.index_cast %mul3A_609 : i32 to index
      %swap3A_622 = tpu.vector_load %arg8[%swap3A_620, %swap3A_621] {strides = array<i32>} : memref<16x1024xf32, #tpu.memory_space<vmem>>, vector<1x16xf32>,
      %swap3A_623 = vector.shape_cast %swap3A_622 : vector<1x16xf32> to vector<16xf32>
      %swap3A_624 = vector.shape_cast %add3A_619 : vector<16xf32> to vector<1x16xf32>
      tpu.vector_store %arg8[%swap3A_620, %swap3A_621], %swap3A_624 {strides = array<i32>} : memref<16x1024xf32, #tpu.memory_space<vmem>>, vector<1x16xf32>,
      %scan3A_625 = arith.constant 0 : i32
      %scan3A_626 = arith.constant 1 : i32
      %scan3A_627 = arith.addi %scan3A_606, %scan3A_626 : i32
      %mul3A_628 = arith.constant 16 : i32
      %mul3A_629 = arith.muli %scan3A_627, %mul3A_628 : i32
      %get3A_630 = arith.constant 2 : i32
      %get3A_631 = arith.index_cast %get3A_630 : i32 to index
      %get3A_632 = arith.index_cast %mul3A_629 : i32 to index
      %get3A_633 = tpu.vector_load %arg8[%get3A_631, %get3A_632] {strides = array<i32>} : memref<16x1024xf32, #tpu.memory_space<vmem>>, vector<1x16xf32>,
      %get3A_634 = vector.shape_cast %get3A_633 : vector<1x16xf32> to vector<16xf32>
      %get3A_635 = arith.constant 2 : i32
      %get3A_636 = arith.index_cast %get3A_635 : i32 to index
      %get3A_637 = arith.index_cast %mul3A_629 : i32 to index
      %get3A_638 = tpu.vector_load %arg10[%get3A_636, %get3A_637] {strides = array<i32>} : memref<16x1024xf32, #tpu.memory_space<vmem>>, vector<1x16xf32>,
      %get3A_639 = vector.shape_cast %get3A_638 : vector<1x16xf32> to vector<16xf32>
      %add3A_640 = arith.addf %get3A_634, %get3A_639 : vector<16xf32>
      %swap3A_641 = arith.constant 2 : i32
      %swap3A_642 = arith.index_cast %swap3A_641 : i32 to index
      %swap3A_643 = arith.index_cast %mul3A_629 : i32 to index
      %swap3A_644 = tpu.vector_load %arg8[%swap3A_642, %swap3A_643] {strides = array<i32>} : memref<16x1024xf32, #tpu.memory_space<vmem>>, vector<1x16xf32>,
      %swap3A_645 = vector.shape_cast %swap3A_644 : vector<1x16xf32> to vector<16xf32>
      %swap3A_646 = vector.shape_cast %add3A_640 : vector<16xf32> to vector<1x16xf32>
      tpu.vector_store %arg8[%swap3A_642, %swap3A_643], %swap3A_646 {strides = array<i32>} : memref<16x1024xf32, #tpu.memory_space<vmem>>, vector<1x16xf32>,
      %scan3A_647 = arith.constant 0 : i32
      scf.yield %scan3A_647 : i32
    }
    %scan3A_500 = arith.constant 64 : i32
    %scan3A_501 = arith.constant 0 : i32
    %scan3A_502 = arith.constant 0 : i32
    %scan3A_503 = arith.constant 64 : i32
    %scan3A_504 = arith.addi %scan3A_502, %scan3A_503 : i32
    %scan3A_505 = arith.constant 2 : i32
    %scan3A_506 = scf.for %scan3A_606 = %scan3A_502 to %scan3A_504 step %scan3A_505 iter_args(%scan3A_607 = %scan3A_501) -> (i32)  : i32 {
      %mul3A_608 = arith.constant 16 : i32
      %mul3A_609 = arith.muli %scan3A_606, %mul3A_608 : i32
      %get3A = arith.constant 3 : i32
      %get3A_610 = arith.index_cast %get3A : i32 to index
      %get3A_611 = arith.index_cast %mul3A_609 : i32 to index
      %get3A_612 = tpu.vector_load %arg8[%get3A_610, %get3A_611] {strides = array<i32>} : memref<16x1024xf32, #tpu.memory_space<vmem>>, vector<1x16xf32>,
      %get3A_613 = vector.shape_cast %get3A_612 : vector<1x16xf32> to vector<16xf32>
      %get3A_614 = arith.constant 3 : i32
      %get3A_615 = arith.index_cast %get3A_614 : i32 to index
      %get3A_616 = arith.index_cast %mul3A_609 : i32 to index
      %get3A_617 = tpu.vector_load %arg10[%get3A_615, %get3A_616] {strides = array<i32>} : memref<16x1024xf32, #tpu.memory_space<vmem>>, vector<1x16xf32>,
      %get3A_618 = vector.shape_cast %get3A_617 : vector<1x16xf32> to vector<16xf32>
      %add3A_619 = arith.addf %get3A_613, %get3A_618 : vector<16xf32>
      %swap3A = arith.constant 3 : i32
      %swap3A_620 = arith.index_cast %swap3A : i32 to index
      %swap3A_621 = arith.index_cast %mul3A_609 : i32 to index
      %swap3A_622 = tpu.vector_load %arg8[%swap3A_620, %swap3A_621] {strides = array<i32>} : memref<16x1024xf32, #tpu.memory_space<vmem>>, vector<1x16xf32>,
      %swap3A_623 = vector.shape_cast %swap3A_622 : vector<1x16xf32> to vector<16xf32>
      %swap3A_624 = vector.shape_cast %add3A_619 : vector<16xf32> to vector<1x16xf32>
      tpu.vector_store %arg8[%swap3A_620, %swap3A_621], %swap3A_624 {strides = array<i32>} : memref<16x1024xf32, #tpu.memory_space<vmem>>, vector<1x16xf32>,
      %scan3A_625 = arith.constant 0 : i32
      %scan3A_626 = arith.constant 1 : i32
      %scan3A_627 = arith.addi %scan3A_606, %scan3A_626 : i32
      %mul3A_628 = arith.constant 16 : i32
      %mul3A_629 = arith.muli %scan3A_627, %mul3A_628 : i32
      %get3A_630 = arith.constant 3 : i32
      %get3A_631 = arith.index_cast %get3A_630 : i32 to index
      %get3A_632 = arith.index_cast %mul3A_629 : i32 to index
      %get3A_633 = tpu.vector_load %arg8[%get3A_631, %get3A_632] {strides = array<i32>} : memref<16x1024xf32, #tpu.memory_space<vmem>>, vector<1x16xf32>,
      %get3A_634 = vector.shape_cast %get3A_633 : vector<1x16xf32> to vector<16xf32>
      %get3A_635 = arith.constant 3 : i32
      %get3A_636 = arith.index_cast %get3A_635 : i32 to index
      %get3A_637 = arith.index_cast %mul3A_629 : i32 to index
      %get3A_638 = tpu.vector_load %arg10[%get3A_636, %get3A_637] {strides = array<i32>} : memref<16x1024xf32, #tpu.memory_space<vmem>>, vector<1x16xf32>,
      %get3A_639 = vector.shape_cast %get3A_638 : vector<1x16xf32> to vector<16xf32>
      %add3A_640 = arith.addf %get3A_634, %get3A_639 : vector<16xf32>
      %swap3A_641 = arith.constant 3 : i32
      %swap3A_642 = arith.index_cast %swap3A_641 : i32 to index
      %swap3A_643 = arith.index_cast %mul3A_629 : i32 to index
      %swap3A_644 = tpu.vector_load %arg8[%swap3A_642, %swap3A_643] {strides = array<i32>} : memref<16x1024xf32, #tpu.memory_space<vmem>>, vector<1x16xf32>,
      %swap3A_645 = vector.shape_cast %swap3A_644 : vector<1x16xf32> to vector<16xf32>
      %swap3A_646 = vector.shape_cast %add3A_640 : vector<16xf32> to vector<1x16xf32>
      tpu.vector_store %arg8[%swap3A_642, %swap3A_643], %swap3A_646 {strides = array<i32>} : memref<16x1024xf32, #tpu.memory_space<vmem>>, vector<1x16xf32>,
      %scan3A_647 = arith.constant 0 : i32
      scf.yield %scan3A_647 : i32
    }
    %scan3A_507 = arith.constant 64 : i32
    %scan3A_508 = arith.constant 0 : i32
    %scan3A_509 = arith.constant 0 : i32
    %scan3A_510 = arith.constant 64 : i32
    %scan3A_511 = arith.addi %scan3A_509, %scan3A_510 : i32
    %scan3A_512 = arith.constant 2 : i32
    %scan3A_513 = scf.for %scan3A_606 = %scan3A_509 to %scan3A_511 step %scan3A_512 iter_args(%scan3A_607 = %scan3A_508) -> (i32)  : i32 {
      %mul3A_608 = arith.constant 16 : i32
      %mul3A_609 = arith.muli %scan3A_606, %mul3A_608 : i32
      %get3A = arith.constant 4 : i32
      %get3A_610 = arith.index_cast %get3A : i32 to index
      %get3A_611 = arith.index_cast %mul3A_609 : i32 to index
      %get3A_612 = tpu.vector_load %arg8[%get3A_610, %get3A_611] {strides = array<i32>} : memref<16x1024xf32, #tpu.memory_space<vmem>>, vector<1x16xf32>,
      %get3A_613 = vector.shape_cast %get3A_612 : vector<1x16xf32> to vector<16xf32>
      %get3A_614 = arith.constant 4 : i32
      %get3A_615 = arith.index_cast %get3A_614 : i32 to index
      %get3A_616 = arith.index_cast %mul3A_609 : i32 to index
      %get3A_617 = tpu.vector_load %arg10[%get3A_615, %get3A_616] {strides = array<i32>} : memref<16x1024xf32, #tpu.memory_space<vmem>>, vector<1x16xf32>,
      %get3A_618 = vector.shape_cast %get3A_617 : vector<1x16xf32> to vector<16xf32>
      %add3A_619 = arith.addf %get3A_613, %get3A_618 : vector<16xf32>
      %swap3A = arith.constant 4 : i32
      %swap3A_620 = arith.index_cast %swap3A : i32 to index
      %swap3A_621 = arith.index_cast %mul3A_609 : i32 to index
      %swap3A_622 = tpu.vector_load %arg8[%swap3A_620, %swap3A_621] {strides = array<i32>} : memref<16x1024xf32, #tpu.memory_space<vmem>>, vector<1x16xf32>,
      %swap3A_623 = vector.shape_cast %swap3A_622 : vector<1x16xf32> to vector<16xf32>
      %swap3A_624 = vector.shape_cast %add3A_619 : vector<16xf32> to vector<1x16xf32>
      tpu.vector_store %arg8[%swap3A_620, %swap3A_621], %swap3A_624 {strides = array<i32>} : memref<16x1024xf32, #tpu.memory_space<vmem>>, vector<1x16xf32>,
      %scan3A_625 = arith.constant 0 : i32
      %scan3A_626 = arith.constant 1 : i32
      %scan3A_627 = arith.addi %scan3A_606, %scan3A_626 : i32
      %mul3A_628 = arith.constant 16 : i32
      %mul3A_629 = arith.muli %scan3A_627, %mul3A_628 : i32
      %get3A_630 = arith.constant 4 : i32
      %get3A_631 = arith.index_cast %get3A_630 : i32 to index
      %get3A_632 = arith.index_cast %mul3A_629 : i32 to index
      %get3A_633 = tpu.vector_load %arg8[%get3A_631, %get3A_632] {strides = array<i32>} : memref<16x1024xf32, #tpu.memory_space<vmem>>, vector<1x16xf32>,
      %get3A_634 = vector.shape_cast %get3A_633 : vector<1x16xf32> to vector<16xf32>
      %get3A_635 = arith.constant 4 : i32
      %get3A_636 = arith.index_cast %get3A_635 : i32 to index
      %get3A_637 = arith.index_cast %mul3A_629 : i32 to index
      %get3A_638 = tpu.vector_load %arg10[%get3A_636, %get3A_637] {strides = array<i32>} : memref<16x1024xf32, #tpu.memory_space<vmem>>, vector<1x16xf32>,
      %get3A_639 = vector.shape_cast %get3A_638 : vector<1x16xf32> to vector<16xf32>
      %add3A_640 = arith.addf %get3A_634, %get3A_639 : vector<16xf32>
      %swap3A_641 = arith.constant 4 : i32
      %swap3A_642 = arith.index_cast %swap3A_641 : i32 to index
      %swap3A_643 = arith.index_cast %mul3A_629 : i32 to index
      %swap3A_644 = tpu.vector_load %arg8[%swap3A_642, %swap3A_643] {strides = array<i32>} : memref<16x1024xf32, #tpu.memory_space<vmem>>, vector<1x16xf32>,
      %swap3A_645 = vector.shape_cast %swap3A_644 : vector<1x16xf32> to vector<16xf32>
      %swap3A_646 = vector.shape_cast %add3A_640 : vector<16xf32> to vector<1x16xf32>
      tpu.vector_store %arg8[%swap3A_642, %swap3A_643], %swap3A_646 {strides = array<i32>} : memref<16x1024xf32, #tpu.memory_space<vmem>>, vector<1x16xf32>,
      %scan3A_647 = arith.constant 0 : i32
      scf.yield %scan3A_647 : i32
    }
    %scan3A_514 = arith.constant 64 : i32
    %scan3A_515 = arith.constant 0 : i32
    %scan3A_516 = arith.constant 0 : i32
    %scan3A_517 = arith.constant 64 : i32
    %scan3A_518 = arith.addi %scan3A_516, %scan3A_517 : i32
    %scan3A_519 = arith.constant 2 : i32
    %scan3A_520 = scf.for %scan3A_606 = %scan3A_516 to %scan3A_518 step %scan3A_519 iter_args(%scan3A_607 = %scan3A_515) -> (i32)  : i32 {
      %mul3A_608 = arith.constant 16 : i32
      %mul3A_609 = arith.muli %scan3A_606, %mul3A_608 : i32
      %get3A = arith.constant 5 : i32
      %get3A_610 = arith.index_cast %get3A : i32 to index
      %get3A_611 = arith.index_cast %mul3A_609 : i32 to index
      %get3A_612 = tpu.vector_load %arg8[%get3A_610, %get3A_611] {strides = array<i32>} : memref<16x1024xf32, #tpu.memory_space<vmem>>, vector<1x16xf32>,
      %get3A_613 = vector.shape_cast %get3A_612 : vector<1x16xf32> to vector<16xf32>
      %get3A_614 = arith.constant 5 : i32
      %get3A_615 = arith.index_cast %get3A_614 : i32 to index
      %get3A_616 = arith.index_cast %mul3A_609 : i32 to index
      %get3A_617 = tpu.vector_load %arg10[%get3A_615, %get3A_616] {strides = array<i32>} : memref<16x1024xf32, #tpu.memory_space<vmem>>, vector<1x16xf32>,
      %get3A_618 = vector.shape_cast %get3A_617 : vector<1x16xf32> to vector<16xf32>
      %add3A_619 = arith.addf %get3A_613, %get3A_618 : vector<16xf32>
      %swap3A = arith.constant 5 : i32
      %swap3A_620 = arith.index_cast %swap3A : i32 to index
      %swap3A_621 = arith.index_cast %mul3A_609 : i32 to index
      %swap3A_622 = tpu.vector_load %arg8[%swap3A_620, %swap3A_621] {strides = array<i32>} : memref<16x1024xf32, #tpu.memory_space<vmem>>, vector<1x16xf32>,
      %swap3A_623 = vector.shape_cast %swap3A_622 : vector<1x16xf32> to vector<16xf32>
      %swap3A_624 = vector.shape_cast %add3A_619 : vector<16xf32> to vector<1x16xf32>
      tpu.vector_store %arg8[%swap3A_620, %swap3A_621], %swap3A_624 {strides = array<i32>} : memref<16x1024xf32, #tpu.memory_space<vmem>>, vector<1x16xf32>,
      %scan3A_625 = arith.constant 0 : i32
      %scan3A_626 = arith.constant 1 : i32
      %scan3A_627 = arith.addi %scan3A_606, %scan3A_626 : i32
      %mul3A_628 = arith.constant 16 : i32
      %mul3A_629 = arith.muli %scan3A_627, %mul3A_628 : i32
      %get3A_630 = arith.constant 5 : i32
      %get3A_631 = arith.index_cast %get3A_630 : i32 to index
      %get3A_632 = arith.index_cast %mul3A_629 : i32 to index
      %get3A_633 = tpu.vector_load %arg8[%get3A_631, %get3A_632] {strides = array<i32>} : memref<16x1024xf32, #tpu.memory_space<vmem>>, vector<1x16xf32>,
      %get3A_634 = vector.shape_cast %get3A_633 : vector<1x16xf32> to vector<16xf32>
      %get3A_635 = arith.constant 5 : i32
      %get3A_636 = arith.index_cast %get3A_635 : i32 to index
      %get3A_637 = arith.index_cast %mul3A_629 : i32 to index
      %get3A_638 = tpu.vector_load %arg10[%get3A_636, %get3A_637] {strides = array<i32>} : memref<16x1024xf32, #tpu.memory_space<vmem>>, vector<1x16xf32>,
      %get3A_639 = vector.shape_cast %get3A_638 : vector<1x16xf32> to vector<16xf32>
      %add3A_640 = arith.addf %get3A_634, %get3A_639 : vector<16xf32>
      %swap3A_641 = arith.constant 5 : i32
      %swap3A_642 = arith.index_cast %swap3A_641 : i32 to index
      %swap3A_643 = arith.index_cast %mul3A_629 : i32 to index
      %swap3A_644 = tpu.vector_load %arg8[%swap3A_642, %swap3A_643] {strides = array<i32>} : memref<16x1024xf32, #tpu.memory_space<vmem>>, vector<1x16xf32>,
      %swap3A_645 = vector.shape_cast %swap3A_644 : vector<1x16xf32> to vector<16xf32>
      %swap3A_646 = vector.shape_cast %add3A_640 : vector<16xf32> to vector<1x16xf32>
      tpu.vector_store %arg8[%swap3A_642, %swap3A_643], %swap3A_646 {strides = array<i32>} : memref<16x1024xf32, #tpu.memory_space<vmem>>, vector<1x16xf32>,
      %scan3A_647 = arith.constant 0 : i32
      scf.yield %scan3A_647 : i32
    }
    %scan3A_521 = arith.constant 64 : i32
    %scan3A_522 = arith.constant 0 : i32
    %scan3A_523 = arith.constant 0 : i32
    %scan3A_524 = arith.constant 64 : i32
    %scan3A_525 = arith.addi %scan3A_523, %scan3A_524 : i32
    %scan3A_526 = arith.constant 2 : i32
    %scan3A_527 = scf.for %scan3A_606 = %scan3A_523 to %scan3A_525 step %scan3A_526 iter_args(%scan3A_607 = %scan3A_522) -> (i32)  : i32 {
      %mul3A_608 = arith.constant 16 : i32
      %mul3A_609 = arith.muli %scan3A_606, %mul3A_608 : i32
      %get3A = arith.constant 6 : i32
      %get3A_610 = arith.index_cast %get3A : i32 to index
      %get3A_611 = arith.index_cast %mul3A_609 : i32 to index
      %get3A_612 = tpu.vector_load %arg8[%get3A_610, %get3A_611] {strides = array<i32>} : memref<16x1024xf32, #tpu.memory_space<vmem>>, vector<1x16xf32>,
      %get3A_613 = vector.shape_cast %get3A_612 : vector<1x16xf32> to vector<16xf32>
      %get3A_614 = arith.constant 6 : i32
      %get3A_615 = arith.index_cast %get3A_614 : i32 to index
      %get3A_616 = arith.index_cast %mul3A_609 : i32 to index
      %get3A_617 = tpu.vector_load %arg10[%get3A_615, %get3A_616] {strides = array<i32>} : memref<16x1024xf32, #tpu.memory_space<vmem>>, vector<1x16xf32>,
      %get3A_618 = vector.shape_cast %get3A_617 : vector<1x16xf32> to vector<16xf32>
      %add3A_619 = arith.addf %get3A_613, %get3A_618 : vector<16xf32>
      %swap3A = arith.constant 6 : i32
      %swap3A_620 = arith.index_cast %swap3A : i32 to index
      %swap3A_621 = arith.index_cast %mul3A_609 : i32 to index
      %swap3A_622 = tpu.vector_load %arg8[%swap3A_620, %swap3A_621] {strides = array<i32>} : memref<16x1024xf32, #tpu.memory_space<vmem>>, vector<1x16xf32>,
      %swap3A_623 = vector.shape_cast %swap3A_622 : vector<1x16xf32> to vector<16xf32>
      %swap3A_624 = vector.shape_cast %add3A_619 : vector<16xf32> to vector<1x16xf32>
      tpu.vector_store %arg8[%swap3A_620, %swap3A_621], %swap3A_624 {strides = array<i32>} : memref<16x1024xf32, #tpu.memory_space<vmem>>, vector<1x16xf32>,
      %scan3A_625 = arith.constant 0 : i32
      %scan3A_626 = arith.constant 1 : i32
      %scan3A_627 = arith.addi %scan3A_606, %scan3A_626 : i32
      %mul3A_628 = arith.constant 16 : i32
      %mul3A_629 = arith.muli %scan3A_627, %mul3A_628 : i32
      %get3A_630 = arith.constant 6 : i32
      %get3A_631 = arith.index_cast %get3A_630 : i32 to index
      %get3A_632 = arith.index_cast %mul3A_629 : i32 to index
      %get3A_633 = tpu.vector_load %arg8[%get3A_631, %get3A_632] {strides = array<i32>} : memref<16x1024xf32, #tpu.memory_space<vmem>>, vector<1x16xf32>,
      %get3A_634 = vector.shape_cast %get3A_633 : vector<1x16xf32> to vector<16xf32>
      %get3A_635 = arith.constant 6 : i32
      %get3A_636 = arith.index_cast %get3A_635 : i32 to index
      %get3A_637 = arith.index_cast %mul3A_629 : i32 to index
      %get3A_638 = tpu.vector_load %arg10[%get3A_636, %get3A_637] {strides = array<i32>} : memref<16x1024xf32, #tpu.memory_space<vmem>>, vector<1x16xf32>,
      %get3A_639 = vector.shape_cast %get3A_638 : vector<1x16xf32> to vector<16xf32>
      %add3A_640 = arith.addf %get3A_634, %get3A_639 : vector<16xf32>
      %swap3A_641 = arith.constant 6 : i32
      %swap3A_642 = arith.index_cast %swap3A_641 : i32 to index
      %swap3A_643 = arith.index_cast %mul3A_629 : i32 to index
      %swap3A_644 = tpu.vector_load %arg8[%swap3A_642, %swap3A_643] {strides = array<i32>} : memref<16x1024xf32, #tpu.memory_space<vmem>>, vector<1x16xf32>,
      %swap3A_645 = vector.shape_cast %swap3A_644 : vector<1x16xf32> to vector<16xf32>
      %swap3A_646 = vector.shape_cast %add3A_640 : vector<16xf32> to vector<1x16xf32>
      tpu.vector_store %arg8[%swap3A_642, %swap3A_643], %swap3A_646 {strides = array<i32>} : memref<16x1024xf32, #tpu.memory_space<vmem>>, vector<1x16xf32>,
      %scan3A_647 = arith.constant 0 : i32
      scf.yield %scan3A_647 : i32
    }
    %scan3A_528 = arith.constant 64 : i32
    %scan3A_529 = arith.constant 0 : i32
    %scan3A_530 = arith.constant 0 : i32
    %scan3A_531 = arith.constant 64 : i32
    %scan3A_532 = arith.addi %scan3A_530, %scan3A_531 : i32
    %scan3A_533 = arith.constant 2 : i32
    %scan3A_534 = scf.for %scan3A_606 = %scan3A_530 to %scan3A_532 step %scan3A_533 iter_args(%scan3A_607 = %scan3A_529) -> (i32)  : i32 {
      %mul3A_608 = arith.constant 16 : i32
      %mul3A_609 = arith.muli %scan3A_606, %mul3A_608 : i32
      %get3A = arith.constant 7 : i32
      %get3A_610 = arith.index_cast %get3A : i32 to index
      %get3A_611 = arith.index_cast %mul3A_609 : i32 to index
      %get3A_612 = tpu.vector_load %arg8[%get3A_610, %get3A_611] {strides = array<i32>} : memref<16x1024xf32, #tpu.memory_space<vmem>>, vector<1x16xf32>,
      %get3A_613 = vector.shape_cast %get3A_612 : vector<1x16xf32> to vector<16xf32>
      %get3A_614 = arith.constant 7 : i32
      %get3A_615 = arith.index_cast %get3A_614 : i32 to index
      %get3A_616 = arith.index_cast %mul3A_609 : i32 to index
      %get3A_617 = tpu.vector_load %arg10[%get3A_615, %get3A_616] {strides = array<i32>} : memref<16x1024xf32, #tpu.memory_space<vmem>>, vector<1x16xf32>,
      %get3A_618 = vector.shape_cast %get3A_617 : vector<1x16xf32> to vector<16xf32>
      %add3A_619 = arith.addf %get3A_613, %get3A_618 : vector<16xf32>
      %swap3A = arith.constant 7 : i32
      %swap3A_620 = arith.index_cast %swap3A : i32 to index
      %swap3A_621 = arith.index_cast %mul3A_609 : i32 to index
      %swap3A_622 = tpu.vector_load %arg8[%swap3A_620, %swap3A_621] {strides = array<i32>} : memref<16x1024xf32, #tpu.memory_space<vmem>>, vector<1x16xf32>,
      %swap3A_623 = vector.shape_cast %swap3A_622 : vector<1x16xf32> to vector<16xf32>
      %swap3A_624 = vector.shape_cast %add3A_619 : vector<16xf32> to vector<1x16xf32>
      tpu.vector_store %arg8[%swap3A_620, %swap3A_621], %swap3A_624 {strides = array<i32>} : memref<16x1024xf32, #tpu.memory_space<vmem>>, vector<1x16xf32>,
      %scan3A_625 = arith.constant 0 : i32
      %scan3A_626 = arith.constant 1 : i32
      %scan3A_627 = arith.addi %scan3A_606, %scan3A_626 : i32
      %mul3A_628 = arith.constant 16 : i32
      %mul3A_629 = arith.muli %scan3A_627, %mul3A_628 : i32
      %get3A_630 = arith.constant 7 : i32
      %get3A_631 = arith.index_cast %get3A_630 : i32 to index
      %get3A_632 = arith.index_cast %mul3A_629 : i32 to index
      %get3A_633 = tpu.vector_load %arg8[%get3A_631, %get3A_632] {strides = array<i32>} : memref<16x1024xf32, #tpu.memory_space<vmem>>, vector<1x16xf32>,
      %get3A_634 = vector.shape_cast %get3A_633 : vector<1x16xf32> to vector<16xf32>
      %get3A_635 = arith.constant 7 : i32
      %get3A_636 = arith.index_cast %get3A_635 : i32 to index
      %get3A_637 = arith.index_cast %mul3A_629 : i32 to index
      %get3A_638 = tpu.vector_load %arg10[%get3A_636, %get3A_637] {strides = array<i32>} : memref<16x1024xf32, #tpu.memory_space<vmem>>, vector<1x16xf32>,
      %get3A_639 = vector.shape_cast %get3A_638 : vector<1x16xf32> to vector<16xf32>
      %add3A_640 = arith.addf %get3A_634, %get3A_639 : vector<16xf32>
      %swap3A_641 = arith.constant 7 : i32
      %swap3A_642 = arith.index_cast %swap3A_641 : i32 to index
      %swap3A_643 = arith.index_cast %mul3A_629 : i32 to index
      %swap3A_644 = tpu.vector_load %arg8[%swap3A_642, %swap3A_643] {strides = array<i32>} : memref<16x1024xf32, #tpu.memory_space<vmem>>, vector<1x16xf32>,
      %swap3A_645 = vector.shape_cast %swap3A_644 : vector<1x16xf32> to vector<16xf32>
      %swap3A_646 = vector.shape_cast %add3A_640 : vector<16xf32> to vector<1x16xf32>
      tpu.vector_store %arg8[%swap3A_642, %swap3A_643], %swap3A_646 {strides = array<i32>} : memref<16x1024xf32, #tpu.memory_space<vmem>>, vector<1x16xf32>,
      %scan3A_647 = arith.constant 0 : i32
      scf.yield %scan3A_647 : i32
    }
    %scan3A_535 = arith.constant 64 : i32
    %scan3A_536 = arith.constant 0 : i32
    %scan3A_537 = arith.constant 0 : i32
    %scan3A_538 = arith.constant 64 : i32
    %scan3A_539 = arith.addi %scan3A_537, %scan3A_538 : i32
    %scan3A_540 = arith.constant 2 : i32
    %scan3A_541 = scf.for %scan3A_606 = %scan3A_537 to %scan3A_539 step %scan3A_540 iter_args(%scan3A_607 = %scan3A_536) -> (i32)  : i32 {
      %mul3A_608 = arith.constant 16 : i32
      %mul3A_609 = arith.muli %scan3A_606, %mul3A_608 : i32
      %get3A = arith.constant 8 : i32
      %get3A_610 = arith.index_cast %get3A : i32 to index
      %get3A_611 = arith.index_cast %mul3A_609 : i32 to index
      %get3A_612 = tpu.vector_load %arg8[%get3A_610, %get3A_611] {strides = array<i32>} : memref<16x1024xf32, #tpu.memory_space<vmem>>, vector<1x16xf32>,
      %get3A_613 = vector.shape_cast %get3A_612 : vector<1x16xf32> to vector<16xf32>
      %get3A_614 = arith.constant 8 : i32
      %get3A_615 = arith.index_cast %get3A_614 : i32 to index
      %get3A_616 = arith.index_cast %mul3A_609 : i32 to index
      %get3A_617 = tpu.vector_load %arg10[%get3A_615, %get3A_616] {strides = array<i32>} : memref<16x1024xf32, #tpu.memory_space<vmem>>, vector<1x16xf32>,
      %get3A_618 = vector.shape_cast %get3A_617 : vector<1x16xf32> to vector<16xf32>
      %add3A_619 = arith.addf %get3A_613, %get3A_618 : vector<16xf32>
      %swap3A = arith.constant 8 : i32
      %swap3A_620 = arith.index_cast %swap3A : i32 to index
      %swap3A_621 = arith.index_cast %mul3A_609 : i32 to index
      %swap3A_622 = tpu.vector_load %arg8[%swap3A_620, %swap3A_621] {strides = array<i32>} : memref<16x1024xf32, #tpu.memory_space<vmem>>, vector<1x16xf32>,
      %swap3A_623 = vector.shape_cast %swap3A_622 : vector<1x16xf32> to vector<16xf32>
      %swap3A_624 = vector.shape_cast %add3A_619 : vector<16xf32> to vector<1x16xf32>
      tpu.vector_store %arg8[%swap3A_620, %swap3A_621], %swap3A_624 {strides = array<i32>} : memref<16x1024xf32, #tpu.memory_space<vmem>>, vector<1x16xf32>,
      %scan3A_625 = arith.constant 0 : i32
      %scan3A_626 = arith.constant 1 : i32
      %scan3A_627 = arith.addi %scan3A_606, %scan3A_626 : i32
      %mul3A_628 = arith.constant 16 : i32
      %mul3A_629 = arith.muli %scan3A_627, %mul3A_628 : i32
      %get3A_630 = arith.constant 8 : i32
      %get3A_631 = arith.index_cast %get3A_630 : i32 to index
      %get3A_632 = arith.index_cast %mul3A_629 : i32 to index
      %get3A_633 = tpu.vector_load %arg8[%get3A_631, %get3A_632] {strides = array<i32>} : memref<16x1024xf32, #tpu.memory_space<vmem>>, vector<1x16xf32>,
      %get3A_634 = vector.shape_cast %get3A_633 : vector<1x16xf32> to vector<16xf32>
      %get3A_635 = arith.constant 8 : i32
      %get3A_636 = arith.index_cast %get3A_635 : i32 to index
      %get3A_637 = arith.index_cast %mul3A_629 : i32 to index
      %get3A_638 = tpu.vector_load %arg10[%get3A_636, %get3A_637] {strides = array<i32>} : memref<16x1024xf32, #tpu.memory_space<vmem>>, vector<1x16xf32>,
      %get3A_639 = vector.shape_cast %get3A_638 : vector<1x16xf32> to vector<16xf32>
      %add3A_640 = arith.addf %get3A_634, %get3A_639 : vector<16xf32>
      %swap3A_641 = arith.constant 8 : i32
      %swap3A_642 = arith.index_cast %swap3A_641 : i32 to index
      %swap3A_643 = arith.index_cast %mul3A_629 : i32 to index
      %swap3A_644 = tpu.vector_load %arg8[%swap3A_642, %swap3A_643] {strides = array<i32>} : memref<16x1024xf32, #tpu.memory_space<vmem>>, vector<1x16xf32>,
      %swap3A_645 = vector.shape_cast %swap3A_644 : vector<1x16xf32> to vector<16xf32>
      %swap3A_646 = vector.shape_cast %add3A_640 : vector<16xf32> to vector<1x16xf32>
      tpu.vector_store %arg8[%swap3A_642, %swap3A_643], %swap3A_646 {strides = array<i32>} : memref<16x1024xf32, #tpu.memory_space<vmem>>, vector<1x16xf32>,
      %scan3A_647 = arith.constant 0 : i32
      scf.yield %scan3A_647 : i32
    }
    %scan3A_542 = arith.constant 64 : i32
    %scan3A_543 = arith.constant 0 : i32
    %scan3A_544 = arith.constant 0 : i32
    %scan3A_545 = arith.constant 64 : i32
    %scan3A_546 = arith.addi %scan3A_544, %scan3A_545 : i32
    %scan3A_547 = arith.constant 2 : i32
    %scan3A_548 = scf.for %scan3A_606 = %scan3A_544 to %scan3A_546 step %scan3A_547 iter_args(%scan3A_607 = %scan3A_543) -> (i32)  : i32 {
      %mul3A_608 = arith.constant 16 : i32
      %mul3A_609 = arith.muli %scan3A_606, %mul3A_608 : i32
      %get3A = arith.constant 9 : i32
      %get3A_610 = arith.index_cast %get3A : i32 to index
      %get3A_611 = arith.index_cast %mul3A_609 : i32 to index
      %get3A_612 = tpu.vector_load %arg8[%get3A_610, %get3A_611] {strides = array<i32>} : memref<16x1024xf32, #tpu.memory_space<vmem>>, vector<1x16xf32>,
      %get3A_613 = vector.shape_cast %get3A_612 : vector<1x16xf32> to vector<16xf32>
      %get3A_614 = arith.constant 9 : i32
      %get3A_615 = arith.index_cast %get3A_614 : i32 to index
      %get3A_616 = arith.index_cast %mul3A_609 : i32 to index
      %get3A_617 = tpu.vector_load %arg10[%get3A_615, %get3A_616] {strides = array<i32>} : memref<16x1024xf32, #tpu.memory_space<vmem>>, vector<1x16xf32>,
      %get3A_618 = vector.shape_cast %get3A_617 : vector<1x16xf32> to vector<16xf32>
      %add3A_619 = arith.addf %get3A_613, %get3A_618 : vector<16xf32>
      %swap3A = arith.constant 9 : i32
      %swap3A_620 = arith.index_cast %swap3A : i32 to index
      %swap3A_621 = arith.index_cast %mul3A_609 : i32 to index
      %swap3A_622 = tpu.vector_load %arg8[%swap3A_620, %swap3A_621] {strides = array<i32>} : memref<16x1024xf32, #tpu.memory_space<vmem>>, vector<1x16xf32>,
      %swap3A_623 = vector.shape_cast %swap3A_622 : vector<1x16xf32> to vector<16xf32>
      %swap3A_624 = vector.shape_cast %add3A_619 : vector<16xf32> to vector<1x16xf32>
      tpu.vector_store %arg8[%swap3A_620, %swap3A_621], %swap3A_624 {strides = array<i32>} : memref<16x1024xf32, #tpu.memory_space<vmem>>, vector<1x16xf32>,
      %scan3A_625 = arith.constant 0 : i32
      %scan3A_626 = arith.constant 1 : i32
      %scan3A_627 = arith.addi %scan3A_606, %scan3A_626 : i32
      %mul3A_628 = arith.constant 16 : i32
      %mul3A_629 = arith.muli %scan3A_627, %mul3A_628 : i32
      %get3A_630 = arith.constant 9 : i32
      %get3A_631 = arith.index_cast %get3A_630 : i32 to index
      %get3A_632 = arith.index_cast %mul3A_629 : i32 to index
      %get3A_633 = tpu.vector_load %arg8[%get3A_631, %get3A_632] {strides = array<i32>} : memref<16x1024xf32, #tpu.memory_space<vmem>>, vector<1x16xf32>,
      %get3A_634 = vector.shape_cast %get3A_633 : vector<1x16xf32> to vector<16xf32>
      %get3A_635 = arith.constant 9 : i32
      %get3A_636 = arith.index_cast %get3A_635 : i32 to index
      %get3A_637 = arith.index_cast %mul3A_629 : i32 to index
      %get3A_638 = tpu.vector_load %arg10[%get3A_636, %get3A_637] {strides = array<i32>} : memref<16x1024xf32, #tpu.memory_space<vmem>>, vector<1x16xf32>,
      %get3A_639 = vector.shape_cast %get3A_638 : vector<1x16xf32> to vector<16xf32>
      %add3A_640 = arith.addf %get3A_634, %get3A_639 : vector<16xf32>
      %swap3A_641 = arith.constant 9 : i32
      %swap3A_642 = arith.index_cast %swap3A_641 : i32 to index
      %swap3A_643 = arith.index_cast %mul3A_629 : i32 to index
      %swap3A_644 = tpu.vector_load %arg8[%swap3A_642, %swap3A_643] {strides = array<i32>} : memref<16x1024xf32, #tpu.memory_space<vmem>>, vector<1x16xf32>,
      %swap3A_645 = vector.shape_cast %swap3A_644 : vector<1x16xf32> to vector<16xf32>
      %swap3A_646 = vector.shape_cast %add3A_640 : vector<16xf32> to vector<1x16xf32>
      tpu.vector_store %arg8[%swap3A_642, %swap3A_643], %swap3A_646 {strides = array<i32>} : memref<16x1024xf32, #tpu.memory_space<vmem>>, vector<1x16xf32>,
      %scan3A_647 = arith.constant 0 : i32
      scf.yield %scan3A_647 : i32
    }
    %scan3A_549 = arith.constant 64 : i32
    %scan3A_550 = arith.constant 0 : i32
    %scan3A_551 = arith.constant 0 : i32
    %scan3A_552 = arith.constant 64 : i32
    %scan3A_553 = arith.addi %scan3A_551, %scan3A_552 : i32
    %scan3A_554 = arith.constant 2 : i32
    %scan3A_555 = scf.for %scan3A_606 = %scan3A_551 to %scan3A_553 step %scan3A_554 iter_args(%scan3A_607 = %scan3A_550) -> (i32)  : i32 {
      %mul3A_608 = arith.constant 16 : i32
      %mul3A_609 = arith.muli %scan3A_606, %mul3A_608 : i32
      %get3A = arith.constant 10 : i32
      %get3A_610 = arith.index_cast %get3A : i32 to index
      %get3A_611 = arith.index_cast %mul3A_609 : i32 to index
      %get3A_612 = tpu.vector_load %arg8[%get3A_610, %get3A_611] {strides = array<i32>} : memref<16x1024xf32, #tpu.memory_space<vmem>>, vector<1x16xf32>,
      %get3A_613 = vector.shape_cast %get3A_612 : vector<1x16xf32> to vector<16xf32>
      %get3A_614 = arith.constant 10 : i32
      %get3A_615 = arith.index_cast %get3A_614 : i32 to index
      %get3A_616 = arith.index_cast %mul3A_609 : i32 to index
      %get3A_617 = tpu.vector_load %arg10[%get3A_615, %get3A_616] {strides = array<i32>} : memref<16x1024xf32, #tpu.memory_space<vmem>>, vector<1x16xf32>,
      %get3A_618 = vector.shape_cast %get3A_617 : vector<1x16xf32> to vector<16xf32>
      %add3A_619 = arith.addf %get3A_613, %get3A_618 : vector<16xf32>
      %swap3A = arith.constant 10 : i32
      %swap3A_620 = arith.index_cast %swap3A : i32 to index
      %swap3A_621 = arith.index_cast %mul3A_609 : i32 to index
      %swap3A_622 = tpu.vector_load %arg8[%swap3A_620, %swap3A_621] {strides = array<i32>} : memref<16x1024xf32, #tpu.memory_space<vmem>>, vector<1x16xf32>,
      %swap3A_623 = vector.shape_cast %swap3A_622 : vector<1x16xf32> to vector<16xf32>
      %swap3A_624 = vector.shape_cast %add3A_619 : vector<16xf32> to vector<1x16xf32>
      tpu.vector_store %arg8[%swap3A_620, %swap3A_621], %swap3A_624 {strides = array<i32>} : memref<16x1024xf32, #tpu.memory_space<vmem>>, vector<1x16xf32>,
      %scan3A_625 = arith.constant 0 : i32
      %scan3A_626 = arith.constant 1 : i32
      %scan3A_627 = arith.addi %scan3A_606, %scan3A_626 : i32
      %mul3A_628 = arith.constant 16 : i32
      %mul3A_629 = arith.muli %scan3A_627, %mul3A_628 : i32
      %get3A_630 = arith.constant 10 : i32
      %get3A_631 = arith.index_cast %get3A_630 : i32 to index
      %get3A_632 = arith.index_cast %mul3A_629 : i32 to index
      %get3A_633 = tpu.vector_load %arg8[%get3A_631, %get3A_632] {strides = array<i32>} : memref<16x1024xf32, #tpu.memory_space<vmem>>, vector<1x16xf32>,
      %get3A_634 = vector.shape_cast %get3A_633 : vector<1x16xf32> to vector<16xf32>
      %get3A_635 = arith.constant 10 : i32
      %get3A_636 = arith.index_cast %get3A_635 : i32 to index
      %get3A_637 = arith.index_cast %mul3A_629 : i32 to index
      %get3A_638 = tpu.vector_load %arg10[%get3A_636, %get3A_637] {strides = array<i32>} : memref<16x1024xf32, #tpu.memory_space<vmem>>, vector<1x16xf32>,
      %get3A_639 = vector.shape_cast %get3A_638 : vector<1x16xf32> to vector<16xf32>
      %add3A_640 = arith.addf %get3A_634, %get3A_639 : vector<16xf32>
      %swap3A_641 = arith.constant 10 : i32
      %swap3A_642 = arith.index_cast %swap3A_641 : i32 to index
      %swap3A_643 = arith.index_cast %mul3A_629 : i32 to index
      %swap3A_644 = tpu.vector_load %arg8[%swap3A_642, %swap3A_643] {strides = array<i32>} : memref<16x1024xf32, #tpu.memory_space<vmem>>, vector<1x16xf32>,
      %swap3A_645 = vector.shape_cast %swap3A_644 : vector<1x16xf32> to vector<16xf32>
      %swap3A_646 = vector.shape_cast %add3A_640 : vector<16xf32> to vector<1x16xf32>
      tpu.vector_store %arg8[%swap3A_642, %swap3A_643], %swap3A_646 {strides = array<i32>} : memref<16x1024xf32, #tpu.memory_space<vmem>>, vector<1x16xf32>,
      %scan3A_647 = arith.constant 0 : i32
      scf.yield %scan3A_647 : i32
    }
    %scan3A_556 = arith.constant 64 : i32
    %scan3A_557 = arith.constant 0 : i32
    %scan3A_558 = arith.constant 0 : i32
    %scan3A_559 = arith.constant 64 : i32
    %scan3A_560 = arith.addi %scan3A_558, %scan3A_559 : i32
    %scan3A_561 = arith.constant 2 : i32
    %scan3A_562 = scf.for %scan3A_606 = %scan3A_558 to %scan3A_560 step %scan3A_561 iter_args(%scan3A_607 = %scan3A_557) -> (i32)  : i32 {
      %mul3A_608 = arith.constant 16 : i32
      %mul3A_609 = arith.muli %scan3A_606, %mul3A_608 : i32
      %get3A = arith.constant 11 : i32
      %get3A_610 = arith.index_cast %get3A : i32 to index
      %get3A_611 = arith.index_cast %mul3A_609 : i32 to index
      %get3A_612 = tpu.vector_load %arg8[%get3A_610, %get3A_611] {strides = array<i32>} : memref<16x1024xf32, #tpu.memory_space<vmem>>, vector<1x16xf32>,
      %get3A_613 = vector.shape_cast %get3A_612 : vector<1x16xf32> to vector<16xf32>
      %get3A_614 = arith.constant 11 : i32
      %get3A_615 = arith.index_cast %get3A_614 : i32 to index
      %get3A_616 = arith.index_cast %mul3A_609 : i32 to index
      %get3A_617 = tpu.vector_load %arg10[%get3A_615, %get3A_616] {strides = array<i32>} : memref<16x1024xf32, #tpu.memory_space<vmem>>, vector<1x16xf32>,
      %get3A_618 = vector.shape_cast %get3A_617 : vector<1x16xf32> to vector<16xf32>
      %add3A_619 = arith.addf %get3A_613, %get3A_618 : vector<16xf32>
      %swap3A = arith.constant 11 : i32
      %swap3A_620 = arith.index_cast %swap3A : i32 to index
      %swap3A_621 = arith.index_cast %mul3A_609 : i32 to index
      %swap3A_622 = tpu.vector_load %arg8[%swap3A_620, %swap3A_621] {strides = array<i32>} : memref<16x1024xf32, #tpu.memory_space<vmem>>, vector<1x16xf32>,
      %swap3A_623 = vector.shape_cast %swap3A_622 : vector<1x16xf32> to vector<16xf32>
      %swap3A_624 = vector.shape_cast %add3A_619 : vector<16xf32> to vector<1x16xf32>
      tpu.vector_store %arg8[%swap3A_620, %swap3A_621], %swap3A_624 {strides = array<i32>} : memref<16x1024xf32, #tpu.memory_space<vmem>>, vector<1x16xf32>,
      %scan3A_625 = arith.constant 0 : i32
      %scan3A_626 = arith.constant 1 : i32
      %scan3A_627 = arith.addi %scan3A_606, %scan3A_626 : i32
      %mul3A_628 = arith.constant 16 : i32
      %mul3A_629 = arith.muli %scan3A_627, %mul3A_628 : i32
      %get3A_630 = arith.constant 11 : i32
      %get3A_631 = arith.index_cast %get3A_630 : i32 to index
      %get3A_632 = arith.index_cast %mul3A_629 : i32 to index
      %get3A_633 = tpu.vector_load %arg8[%get3A_631, %get3A_632] {strides = array<i32>} : memref<16x1024xf32, #tpu.memory_space<vmem>>, vector<1x16xf32>,
      %get3A_634 = vector.shape_cast %get3A_633 : vector<1x16xf32> to vector<16xf32>
      %get3A_635 = arith.constant 11 : i32
      %get3A_636 = arith.index_cast %get3A_635 : i32 to index
      %get3A_637 = arith.index_cast %mul3A_629 : i32 to index
      %get3A_638 = tpu.vector_load %arg10[%get3A_636, %get3A_637] {strides = array<i32>} : memref<16x1024xf32, #tpu.memory_space<vmem>>, vector<1x16xf32>,
      %get3A_639 = vector.shape_cast %get3A_638 : vector<1x16xf32> to vector<16xf32>
      %add3A_640 = arith.addf %get3A_634, %get3A_639 : vector<16xf32>
      %swap3A_641 = arith.constant 11 : i32
      %swap3A_642 = arith.index_cast %swap3A_641 : i32 to index
      %swap3A_643 = arith.index_cast %mul3A_629 : i32 to index
      %swap3A_644 = tpu.vector_load %arg8[%swap3A_642, %swap3A_643] {strides = array<i32>} : memref<16x1024xf32, #tpu.memory_space<vmem>>, vector<1x16xf32>,
      %swap3A_645 = vector.shape_cast %swap3A_644 : vector<1x16xf32> to vector<16xf32>
      %swap3A_646 = vector.shape_cast %add3A_640 : vector<16xf32> to vector<1x16xf32>
      tpu.vector_store %arg8[%swap3A_642, %swap3A_643], %swap3A_646 {strides = array<i32>} : memref<16x1024xf32, #tpu.memory_space<vmem>>, vector<1x16xf32>,
      %scan3A_647 = arith.constant 0 : i32
      scf.yield %scan3A_647 : i32
    }
    %scan3A_563 = arith.constant 64 : i32
    %scan3A_564 = arith.constant 0 : i32
    %scan3A_565 = arith.constant 0 : i32
    %scan3A_566 = arith.constant 64 : i32
    %scan3A_567 = arith.addi %scan3A_565, %scan3A_566 : i32
    %scan3A_568 = arith.constant 2 : i32
    %scan3A_569 = scf.for %scan3A_606 = %scan3A_565 to %scan3A_567 step %scan3A_568 iter_args(%scan3A_607 = %scan3A_564) -> (i32)  : i32 {
      %mul3A_608 = arith.constant 16 : i32
      %mul3A_609 = arith.muli %scan3A_606, %mul3A_608 : i32
      %get3A = arith.constant 12 : i32
      %get3A_610 = arith.index_cast %get3A : i32 to index
      %get3A_611 = arith.index_cast %mul3A_609 : i32 to index
      %get3A_612 = tpu.vector_load %arg8[%get3A_610, %get3A_611] {strides = array<i32>} : memref<16x1024xf32, #tpu.memory_space<vmem>>, vector<1x16xf32>,
      %get3A_613 = vector.shape_cast %get3A_612 : vector<1x16xf32> to vector<16xf32>
      %get3A_614 = arith.constant 12 : i32
      %get3A_615 = arith.index_cast %get3A_614 : i32 to index
      %get3A_616 = arith.index_cast %mul3A_609 : i32 to index
      %get3A_617 = tpu.vector_load %arg10[%get3A_615, %get3A_616] {strides = array<i32>} : memref<16x1024xf32, #tpu.memory_space<vmem>>, vector<1x16xf32>,
      %get3A_618 = vector.shape_cast %get3A_617 : vector<1x16xf32> to vector<16xf32>
      %add3A_619 = arith.addf %get3A_613, %get3A_618 : vector<16xf32>
      %swap3A = arith.constant 12 : i32
      %swap3A_620 = arith.index_cast %swap3A : i32 to index
      %swap3A_621 = arith.index_cast %mul3A_609 : i32 to index
      %swap3A_622 = tpu.vector_load %arg8[%swap3A_620, %swap3A_621] {strides = array<i32>} : memref<16x1024xf32, #tpu.memory_space<vmem>>, vector<1x16xf32>,
      %swap3A_623 = vector.shape_cast %swap3A_622 : vector<1x16xf32> to vector<16xf32>
      %swap3A_624 = vector.shape_cast %add3A_619 : vector<16xf32> to vector<1x16xf32>
      tpu.vector_store %arg8[%swap3A_620, %swap3A_621], %swap3A_624 {strides = array<i32>} : memref<16x1024xf32, #tpu.memory_space<vmem>>, vector<1x16xf32>,
      %scan3A_625 = arith.constant 0 : i32
      %scan3A_626 = arith.constant 1 : i32
      %scan3A_627 = arith.addi %scan3A_606, %scan3A_626 : i32
      %mul3A_628 = arith.constant 16 : i32
      %mul3A_629 = arith.muli %scan3A_627, %mul3A_628 : i32
      %get3A_630 = arith.constant 12 : i32
      %get3A_631 = arith.index_cast %get3A_630 : i32 to index
      %get3A_632 = arith.index_cast %mul3A_629 : i32 to index
      %get3A_633 = tpu.vector_load %arg8[%get3A_631, %get3A_632] {strides = array<i32>} : memref<16x1024xf32, #tpu.memory_space<vmem>>, vector<1x16xf32>,
      %get3A_634 = vector.shape_cast %get3A_633 : vector<1x16xf32> to vector<16xf32>
      %get3A_635 = arith.constant 12 : i32
      %get3A_636 = arith.index_cast %get3A_635 : i32 to index
      %get3A_637 = arith.index_cast %mul3A_629 : i32 to index
      %get3A_638 = tpu.vector_load %arg10[%get3A_636, %get3A_637] {strides = array<i32>} : memref<16x1024xf32, #tpu.memory_space<vmem>>, vector<1x16xf32>,
      %get3A_639 = vector.shape_cast %get3A_638 : vector<1x16xf32> to vector<16xf32>
      %add3A_640 = arith.addf %get3A_634, %get3A_639 : vector<16xf32>
      %swap3A_641 = arith.constant 12 : i32
      %swap3A_642 = arith.index_cast %swap3A_641 : i32 to index
      %swap3A_643 = arith.index_cast %mul3A_629 : i32 to index
      %swap3A_644 = tpu.vector_load %arg8[%swap3A_642, %swap3A_643] {strides = array<i32>} : memref<16x1024xf32, #tpu.memory_space<vmem>>, vector<1x16xf32>,
      %swap3A_645 = vector.shape_cast %swap3A_644 : vector<1x16xf32> to vector<16xf32>
      %swap3A_646 = vector.shape_cast %add3A_640 : vector<16xf32> to vector<1x16xf32>
      tpu.vector_store %arg8[%swap3A_642, %swap3A_643], %swap3A_646 {strides = array<i32>} : memref<16x1024xf32, #tpu.memory_space<vmem>>, vector<1x16xf32>,
      %scan3A_647 = arith.constant 0 : i32
      scf.yield %scan3A_647 : i32
    }
    %scan3A_570 = arith.constant 64 : i32
    %scan3A_571 = arith.constant 0 : i32
    %scan3A_572 = arith.constant 0 : i32
    %scan3A_573 = arith.constant 64 : i32
    %scan3A_574 = arith.addi %scan3A_572, %scan3A_573 : i32
    %scan3A_575 = arith.constant 2 : i32
    %scan3A_576 = scf.for %scan3A_606 = %scan3A_572 to %scan3A_574 step %scan3A_575 iter_args(%scan3A_607 = %scan3A_571) -> (i32)  : i32 {
      %mul3A_608 = arith.constant 16 : i32
      %mul3A_609 = arith.muli %scan3A_606, %mul3A_608 : i32
      %get3A = arith.constant 13 : i32
      %get3A_610 = arith.index_cast %get3A : i32 to index
      %get3A_611 = arith.index_cast %mul3A_609 : i32 to index
      %get3A_612 = tpu.vector_load %arg8[%get3A_610, %get3A_611] {strides = array<i32>} : memref<16x1024xf32, #tpu.memory_space<vmem>>, vector<1x16xf32>,
      %get3A_613 = vector.shape_cast %get3A_612 : vector<1x16xf32> to vector<16xf32>
      %get3A_614 = arith.constant 13 : i32
      %get3A_615 = arith.index_cast %get3A_614 : i32 to index
      %get3A_616 = arith.index_cast %mul3A_609 : i32 to index
      %get3A_617 = tpu.vector_load %arg10[%get3A_615, %get3A_616] {strides = array<i32>} : memref<16x1024xf32, #tpu.memory_space<vmem>>, vector<1x16xf32>,
      %get3A_618 = vector.shape_cast %get3A_617 : vector<1x16xf32> to vector<16xf32>
      %add3A_619 = arith.addf %get3A_613, %get3A_618 : vector<16xf32>
      %swap3A = arith.constant 13 : i32
      %swap3A_620 = arith.index_cast %swap3A : i32 to index
      %swap3A_621 = arith.index_cast %mul3A_609 : i32 to index
      %swap3A_622 = tpu.vector_load %arg8[%swap3A_620, %swap3A_621] {strides = array<i32>} : memref<16x1024xf32, #tpu.memory_space<vmem>>, vector<1x16xf32>,
      %swap3A_623 = vector.shape_cast %swap3A_622 : vector<1x16xf32> to vector<16xf32>
      %swap3A_624 = vector.shape_cast %add3A_619 : vector<16xf32> to vector<1x16xf32>
      tpu.vector_store %arg8[%swap3A_620, %swap3A_621], %swap3A_624 {strides = array<i32>} : memref<16x1024xf32, #tpu.memory_space<vmem>>, vector<1x16xf32>,
      %scan3A_625 = arith.constant 0 : i32
      %scan3A_626 = arith.constant 1 : i32
      %scan3A_627 = arith.addi %scan3A_606, %scan3A_626 : i32
      %mul3A_628 = arith.constant 16 : i32
      %mul3A_629 = arith.muli %scan3A_627, %mul3A_628 : i32
      %get3A_630 = arith.constant 13 : i32
      %get3A_631 = arith.index_cast %get3A_630 : i32 to index
      %get3A_632 = arith.index_cast %mul3A_629 : i32 to index
      %get3A_633 = tpu.vector_load %arg8[%get3A_631, %get3A_632] {strides = array<i32>} : memref<16x1024xf32, #tpu.memory_space<vmem>>, vector<1x16xf32>,
      %get3A_634 = vector.shape_cast %get3A_633 : vector<1x16xf32> to vector<16xf32>
      %get3A_635 = arith.constant 13 : i32
      %get3A_636 = arith.index_cast %get3A_635 : i32 to index
      %get3A_637 = arith.index_cast %mul3A_629 : i32 to index
      %get3A_638 = tpu.vector_load %arg10[%get3A_636, %get3A_637] {strides = array<i32>} : memref<16x1024xf32, #tpu.memory_space<vmem>>, vector<1x16xf32>,
      %get3A_639 = vector.shape_cast %get3A_638 : vector<1x16xf32> to vector<16xf32>
      %add3A_640 = arith.addf %get3A_634, %get3A_639 : vector<16xf32>
      %swap3A_641 = arith.constant 13 : i32
      %swap3A_642 = arith.index_cast %swap3A_641 : i32 to index
      %swap3A_643 = arith.index_cast %mul3A_629 : i32 to index
      %swap3A_644 = tpu.vector_load %arg8[%swap3A_642, %swap3A_643] {strides = array<i32>} : memref<16x1024xf32, #tpu.memory_space<vmem>>, vector<1x16xf32>,
      %swap3A_645 = vector.shape_cast %swap3A_644 : vector<1x16xf32> to vector<16xf32>
      %swap3A_646 = vector.shape_cast %add3A_640 : vector<16xf32> to vector<1x16xf32>
      tpu.vector_store %arg8[%swap3A_642, %swap3A_643], %swap3A_646 {strides = array<i32>} : memref<16x1024xf32, #tpu.memory_space<vmem>>, vector<1x16xf32>,
      %scan3A_647 = arith.constant 0 : i32
      scf.yield %scan3A_647 : i32
    }
    %scan3A_577 = arith.constant 64 : i32
    %scan3A_578 = arith.constant 0 : i32
    %scan3A_579 = arith.constant 0 : i32
    %scan3A_580 = arith.constant 64 : i32
    %scan3A_581 = arith.addi %scan3A_579, %scan3A_580 : i32
    %scan3A_582 = arith.constant 2 : i32
    %scan3A_583 = scf.for %scan3A_606 = %scan3A_579 to %scan3A_581 step %scan3A_582 iter_args(%scan3A_607 = %scan3A_578) -> (i32)  : i32 {
      %mul3A_608 = arith.constant 16 : i32
      %mul3A_609 = arith.muli %scan3A_606, %mul3A_608 : i32
      %get3A = arith.constant 14 : i32
      %get3A_610 = arith.index_cast %get3A : i32 to index
      %get3A_611 = arith.index_cast %mul3A_609 : i32 to index
      %get3A_612 = tpu.vector_load %arg8[%get3A_610, %get3A_611] {strides = array<i32>} : memref<16x1024xf32, #tpu.memory_space<vmem>>, vector<1x16xf32>,
      %get3A_613 = vector.shape_cast %get3A_612 : vector<1x16xf32> to vector<16xf32>
      %get3A_614 = arith.constant 14 : i32
      %get3A_615 = arith.index_cast %get3A_614 : i32 to index
      %get3A_616 = arith.index_cast %mul3A_609 : i32 to index
      %get3A_617 = tpu.vector_load %arg10[%get3A_615, %get3A_616] {strides = array<i32>} : memref<16x1024xf32, #tpu.memory_space<vmem>>, vector<1x16xf32>,
      %get3A_618 = vector.shape_cast %get3A_617 : vector<1x16xf32> to vector<16xf32>
      %add3A_619 = arith.addf %get3A_613, %get3A_618 : vector<16xf32>
      %swap3A = arith.constant 14 : i32
      %swap3A_620 = arith.index_cast %swap3A : i32 to index
      %swap3A_621 = arith.index_cast %mul3A_609 : i32 to index
      %swap3A_622 = tpu.vector_load %arg8[%swap3A_620, %swap3A_621] {strides = array<i32>} : memref<16x1024xf32, #tpu.memory_space<vmem>>, vector<1x16xf32>,
      %swap3A_623 = vector.shape_cast %swap3A_622 : vector<1x16xf32> to vector<16xf32>
      %swap3A_624 = vector.shape_cast %add3A_619 : vector<16xf32> to vector<1x16xf32>
      tpu.vector_store %arg8[%swap3A_620, %swap3A_621], %swap3A_624 {strides = array<i32>} : memref<16x1024xf32, #tpu.memory_space<vmem>>, vector<1x16xf32>,
      %scan3A_625 = arith.constant 0 : i32
      %scan3A_626 = arith.constant 1 : i32
      %scan3A_627 = arith.addi %scan3A_606, %scan3A_626 : i32
      %mul3A_628 = arith.constant 16 : i32
      %mul3A_629 = arith.muli %scan3A_627, %mul3A_628 : i32
      %get3A_630 = arith.constant 14 : i32
      %get3A_631 = arith.index_cast %get3A_630 : i32 to index
      %get3A_632 = arith.index_cast %mul3A_629 : i32 to index
      %get3A_633 = tpu.vector_load %arg8[%get3A_631, %get3A_632] {strides = array<i32>} : memref<16x1024xf32, #tpu.memory_space<vmem>>, vector<1x16xf32>,
      %get3A_634 = vector.shape_cast %get3A_633 : vector<1x16xf32> to vector<16xf32>
      %get3A_635 = arith.constant 14 : i32
      %get3A_636 = arith.index_cast %get3A_635 : i32 to index
      %get3A_637 = arith.index_cast %mul3A_629 : i32 to index
      %get3A_638 = tpu.vector_load %arg10[%get3A_636, %get3A_637] {strides = array<i32>} : memref<16x1024xf32, #tpu.memory_space<vmem>>, vector<1x16xf32>,
      %get3A_639 = vector.shape_cast %get3A_638 : vector<1x16xf32> to vector<16xf32>
      %add3A_640 = arith.addf %get3A_634, %get3A_639 : vector<16xf32>
      %swap3A_641 = arith.constant 14 : i32
      %swap3A_642 = arith.index_cast %swap3A_641 : i32 to index
      %swap3A_643 = arith.index_cast %mul3A_629 : i32 to index
      %swap3A_644 = tpu.vector_load %arg8[%swap3A_642, %swap3A_643] {strides = array<i32>} : memref<16x1024xf32, #tpu.memory_space<vmem>>, vector<1x16xf32>,
      %swap3A_645 = vector.shape_cast %swap3A_644 : vector<1x16xf32> to vector<16xf32>
      %swap3A_646 = vector.shape_cast %add3A_640 : vector<16xf32> to vector<1x16xf32>
      tpu.vector_store %arg8[%swap3A_642, %swap3A_643], %swap3A_646 {strides = array<i32>} : memref<16x1024xf32, #tpu.memory_space<vmem>>, vector<1x16xf32>,
      %scan3A_647 = arith.constant 0 : i32
      scf.yield %scan3A_647 : i32
    }
    %scan3A_584 = arith.constant 64 : i32
    %scan3A_585 = arith.constant 0 : i32
    %scan3A_586 = arith.constant 0 : i32
    %scan3A_587 = arith.constant 64 : i32
    %scan3A_588 = arith.addi %scan3A_586, %scan3A_587 : i32
    %scan3A_589 = arith.constant 2 : i32
    %scan3A_590 = scf.for %scan3A_606 = %scan3A_586 to %scan3A_588 step %scan3A_589 iter_args(%scan3A_607 = %scan3A_585) -> (i32)  : i32 {
      %mul3A_608 = arith.constant 16 : i32
      %mul3A_609 = arith.muli %scan3A_606, %mul3A_608 : i32
      %get3A = arith.constant 15 : i32
      %get3A_610 = arith.index_cast %get3A : i32 to index
      %get3A_611 = arith.index_cast %mul3A_609 : i32 to index
      %get3A_612 = tpu.vector_load %arg8[%get3A_610, %get3A_611] {strides = array<i32>} : memref<16x1024xf32, #tpu.memory_space<vmem>>, vector<1x16xf32>,
      %get3A_613 = vector.shape_cast %get3A_612 : vector<1x16xf32> to vector<16xf32>
      %get3A_614 = arith.constant 15 : i32
      %get3A_615 = arith.index_cast %get3A_614 : i32 to index
      %get3A_616 = arith.index_cast %mul3A_609 : i32 to index
      %get3A_617 = tpu.vector_load %arg10[%get3A_615, %get3A_616] {strides = array<i32>} : memref<16x1024xf32, #tpu.memory_space<vmem>>, vector<1x16xf32>,
      %get3A_618 = vector.shape_cast %get3A_617 : vector<1x16xf32> to vector<16xf32>
      %add3A_619 = arith.addf %get3A_613, %get3A_618 : vector<16xf32>
      %swap3A = arith.constant 15 : i32
      %swap3A_620 = arith.index_cast %swap3A : i32 to index
      %swap3A_621 = arith.index_cast %mul3A_609 : i32 to index
      %swap3A_622 = tpu.vector_load %arg8[%swap3A_620, %swap3A_621] {strides = array<i32>} : memref<16x1024xf32, #tpu.memory_space<vmem>>, vector<1x16xf32>,
      %swap3A_623 = vector.shape_cast %swap3A_622 : vector<1x16xf32> to vector<16xf32>
      %swap3A_624 = vector.shape_cast %add3A_619 : vector<16xf32> to vector<1x16xf32>
      tpu.vector_store %arg8[%swap3A_620, %swap3A_621], %swap3A_624 {strides = array<i32>} : memref<16x1024xf32, #tpu.memory_space<vmem>>, vector<1x16xf32>,
      %scan3A_625 = arith.constant 0 : i32
      %scan3A_626 = arith.constant 1 : i32
      %scan3A_627 = arith.addi %scan3A_606, %scan3A_626 : i32
      %mul3A_628 = arith.constant 16 : i32
      %mul3A_629 = arith.muli %scan3A_627, %mul3A_628 : i32
      %get3A_630 = arith.constant 15 : i32
      %get3A_631 = arith.index_cast %get3A_630 : i32 to index
      %get3A_632 = arith.index_cast %mul3A_629 : i32 to index
      %get3A_633 = tpu.vector_load %arg8[%get3A_631, %get3A_632] {strides = array<i32>} : memref<16x1024xf32, #tpu.memory_space<vmem>>, vector<1x16xf32>,
      %get3A_634 = vector.shape_cast %get3A_633 : vector<1x16xf32> to vector<16xf32>
      %get3A_635 = arith.constant 15 : i32
      %get3A_636 = arith.index_cast %get3A_635 : i32 to index
      %get3A_637 = arith.index_cast %mul3A_629 : i32 to index
      %get3A_638 = tpu.vector_load %arg10[%get3A_636, %get3A_637] {strides = array<i32>} : memref<16x1024xf32, #tpu.memory_space<vmem>>, vector<1x16xf32>,
      %get3A_639 = vector.shape_cast %get3A_638 : vector<1x16xf32> to vector<16xf32>
      %add3A_640 = arith.addf %get3A_634, %get3A_639 : vector<16xf32>
      %swap3A_641 = arith.constant 15 : i32
      %swap3A_642 = arith.index_cast %swap3A_641 : i32 to index
      %swap3A_643 = arith.index_cast %mul3A_629 : i32 to index
      %swap3A_644 = tpu.vector_load %arg8[%swap3A_642, %swap3A_643] {strides = array<i32>} : memref<16x1024xf32, #tpu.memory_space<vmem>>, vector<1x16xf32>,
      %swap3A_645 = vector.shape_cast %swap3A_644 : vector<1x16xf32> to vector<16xf32>
      %swap3A_646 = vector.shape_cast %add3A_640 : vector<16xf32> to vector<1x16xf32>
      tpu.vector_store %arg8[%swap3A_642, %swap3A_643], %swap3A_646 {strides = array<i32>} : memref<16x1024xf32, #tpu.memory_space<vmem>>, vector<1x16xf32>,
      %scan3A_647 = arith.constant 0 : i32
      scf.yield %scan3A_647 : i32
    }
    %scan3A_591 = arith.constant 64 : i32
    %add3A_592 = arith.constant 48 : i32
    %add3A_593 = arith.addi %mul3A_2, %add3A_592 : i32
    %dma_start3A_594 = arith.constant 0 : i32
    %dma_start3A_595 = tpu.memref_slice %arg4[%add3A_593, %dma_start3A_594] : memref<2048x1024xf32, #tpu.memory_space<hbm>> -> memref<16x1024xf32, #tpu.memory_space<hbm>>
    %dma_start3A_596 = arith.constant 0 : i32
    %dma_start3A_597 = tpu.memref_slice %arg4[%add3A_593, %dma_start3A_596] : memref<2048x1024xf32, #tpu.memory_space<hbm>> -> memref<16x1024xf32, #tpu.memory_space<hbm>>
    tpu.enqueue_dma source(%arg8 : memref<16x1024xf32, #tpu.memory_space<vmem>>) target(%dma_start3A_597 : memref<16x1024xf32, #tpu.memory_space<hbm>>) target_semaphore(%arg16 : memref<!tpu.dma_semaphore, #tpu.memory_space<semaphore_mem>>)
    %dma_wait3A_598 = arith.constant 0 : i32
    %dma_wait3A_599 = tpu.memref_slice %arg4[%add3A_443, %dma_wait3A_598] : memref<2048x1024xf32, #tpu.memory_space<hbm>> -> memref<16x1024xf32, #tpu.memory_space<hbm>>
    %dma_wait3A_600 = arith.constant 0 : i32
    %dma_wait3A_601 = tpu.memref_slice %arg4[%add3A_443, %dma_wait3A_600] : memref<2048x1024xf32, #tpu.memory_space<hbm>> -> memref<16x1024xf32, #tpu.memory_space<hbm>>
    tpu.wait_dma2 semaphore(%arg15 : memref<!tpu.dma_semaphore, #tpu.memory_space<semaphore_mem>>) src(%arg7 : memref<16x1024xf32, #tpu.memory_space<vmem>>) dst(%dma_wait3A_601 : memref<16x1024xf32, #tpu.memory_space<hbm>>)
    %dma_wait3A_602 = arith.constant 0 : i32
    %dma_wait3A_603 = tpu.memref_slice %arg4[%add3A_593, %dma_wait3A_602] : memref<2048x1024xf32, #tpu.memory_space<hbm>> -> memref<16x1024xf32, #tpu.memory_space<hbm>>
    %dma_wait3A_604 = arith.constant 0 : i32
    %dma_wait3A_605 = tpu.memref_slice %arg4[%add3A_593, %dma_wait3A_604] : memref<2048x1024xf32, #tpu.memory_space<hbm>> -> memref<16x1024xf32, #tpu.memory_space<hbm>>
    tpu.wait_dma2 semaphore(%arg16 : memref<!tpu.dma_semaphore, #tpu.memory_space<semaphore_mem>>) src(%arg8 : memref<16x1024xf32, #tpu.memory_space<vmem>>) dst(%dma_wait3A_605 : memref<16x1024xf32, #tpu.memory_space<hbm>>)
    return
  }
}

module attributes {stable_mosaic.version = 14 : i64} {
  func.func @_route_body(%arg0: i32, %arg1: memref<2048x1024xf32, #tpu.memory_space<vmem>>, %arg2: memref<8x1024xf32, #tpu.memory_space<vmem>>, %arg3: memref<2x2048x1152xf32, #tpu.memory_space<vmem>>, %arg4: memref<2048x2xi32, #tpu.memory_space<vmem>>, %arg5: memref<1x25xi32, #tpu.memory_space<vmem>>) attributes {dimension_semantics = [#tpu.dimension_semantics<arbitrary>], iteration_bounds = array<i64: 1>, scalar_prefetch = 0 : i64, scratch_operands = 0 : i64, tpu.core_type = #tpu.core_type<tc>, window_params = [{pipeline_mode = #tpu.pipeline_mode<synchronous>, transform_indices = @transform_0, window_bounds = array<i64: 2048, 1024>}, {pipeline_mode = #tpu.pipeline_mode<synchronous>, transform_indices = @transform_1, window_bounds = array<i64: 8, 1024>}, {pipeline_mode = #tpu.pipeline_mode<synchronous>, transform_indices = @transform_2, window_bounds = array<i64: 2, 2048, 1152>}, {pipeline_mode = #tpu.pipeline_mode<synchronous>, transform_indices = @transform_3, window_bounds = array<i64: 2048, 2>}, {pipeline_mode = #tpu.pipeline_mode<synchronous>, transform_indices = @transform_4, window_bounds = array<i64: 1, 25>}]} {
    %get3A = arith.constant 0 : index
    %get3A_0 = arith.constant 0 : index
    %get3A_1 = vector.load %arg1[%get3A, %get3A_0] : memref<2048x1024xf32, #tpu.memory_space<vmem>>, vector<2048x1024xf32>
    %get3A_2 = arith.constant 0 : index
    %get3A_3 = arith.constant 0 : index
    %get3A_4 = vector.load %arg2[%get3A_2, %get3A_3] : memref<8x1024xf32, #tpu.memory_space<vmem>>, vector<8x1024xf32>
    %dot_general3A = arith.constant dense<0.000000e+00> : vector<2048x8xf32>
    %dot_general3A_5 = tpu.matmul %get3A_1, %get3A_4, %dot_general3A {dimension_numbers = #tpu.dot_dimension_numbers<[1], [1], [0], [0], [0, 0, 1, 0], [], []>, transpose_lhs_hint = false} : vector<2048x1024xf32>, vector<8x1024xf32>, vector<2048x8xf32> -> vector<2048x8xf32>
    %iota3A = tpu.iota {dimensions = array<i32: 1>} : vector<2048x8xi32>
    %convert_element_type3A = arith.sitofp %iota3A : vector<2048x8xi32> to vector<2048x8xf32>
    %reduce_max3A = arith.constant dense<0xFF800000> : vector<2048xf32>
    %reduce_max3A_6 = vector.multi_reduction <maximumf>, %dot_general3A_5, %reduce_max3A [1] : vector<2048x8xf32> to vector<2048xf32>
    %broadcast_in_dim3A = vector.shape_cast %reduce_max3A_6 : vector<2048xf32> to vector<2048x1xf32>
    %eq3A = vector.broadcast %broadcast_in_dim3A : vector<2048x1xf32> to vector<2048x8xf32>
    %eq3A_7 = arith.cmpf oeq, %dot_general3A_5, %eq3A : vector<2048x8xf32>
    %jit3A = arith.constant 8.000000e+00 : f32
    %broadcast_in_dim3A_8 = vector.broadcast %jit3A : f32 to vector<2048x8xf32>
    %select_n3A = arith.select %eq3A_7, %convert_element_type3A, %broadcast_in_dim3A_8 : vector<2048x8xi1>, vector<2048x8xf32>
    %reduce_min3A = arith.constant dense<0x7F800000> : vector<2048xf32>
    %reduce_min3A_9 = vector.multi_reduction <minimumf>, %select_n3A, %reduce_min3A [1] : vector<2048x8xf32> to vector<2048xf32>
    %broadcast_in_dim3A_10 = vector.shape_cast %reduce_min3A_9 : vector<2048xf32> to vector<2048x1xf32>
    %eq3A_11 = vector.broadcast %broadcast_in_dim3A_10 : vector<2048x1xf32> to vector<2048x8xf32>
    %eq3A_12 = arith.cmpf oeq, %convert_element_type3A, %eq3A_11 : vector<2048x8xf32>
    %jit3A_13 = arith.constant 0xFF800000 : f32
    %broadcast_in_dim3A_14 = vector.broadcast %jit3A_13 : f32 to vector<2048x8xf32>
    %select_n3A_15 = arith.select %eq3A_12, %broadcast_in_dim3A_14, %dot_general3A_5 : vector<2048x8xi1>, vector<2048x8xf32>
    %reduce_max3A_16 = arith.constant dense<0xFF800000> : vector<2048xf32>
    %reduce_max3A_17 = vector.multi_reduction <maximumf>, %select_n3A_15, %reduce_max3A_16 [1] : vector<2048x8xf32> to vector<2048xf32>
    %broadcast_in_dim3A_18 = vector.shape_cast %reduce_max3A_17 : vector<2048xf32> to vector<2048x1xf32>
    %eq3A_19 = vector.broadcast %broadcast_in_dim3A_18 : vector<2048x1xf32> to vector<2048x8xf32>
    %eq3A_20 = arith.cmpf oeq, %select_n3A_15, %eq3A_19 : vector<2048x8xf32>
    %jit3A_21 = arith.constant 8.000000e+00 : f32
    %broadcast_in_dim3A_22 = vector.broadcast %jit3A_21 : f32 to vector<2048x8xf32>
    %select_n3A_23 = arith.select %eq3A_20, %convert_element_type3A, %broadcast_in_dim3A_22 : vector<2048x8xi1>, vector<2048x8xf32>
    %reduce_min3A_24 = arith.constant dense<0x7F800000> : vector<2048xf32>
    %reduce_min3A_25 = vector.multi_reduction <minimumf>, %select_n3A_23, %reduce_min3A_24 [1] : vector<2048x8xf32> to vector<2048xf32>
    %broadcast_in_dim3A_26 = vector.shape_cast %reduce_min3A_25 : vector<2048xf32> to vector<2048x1xf32>
    %sub3A = arith.subf %broadcast_in_dim3A_18, %broadcast_in_dim3A : vector<2048x1xf32>
    %exp3A = math.exp %sub3A : vector<2048x1xf32>
    %add3A = arith.constant 1.000000e+00 : f32
    %add3A_27 = vector.broadcast %add3A : f32 to vector<2048x1xf32>
    %add3A_28 = arith.addf %add3A_27, %exp3A : vector<2048x1xf32>
    %div3A = arith.constant 1.000000e+00 : f32
    %div3A_29 = vector.broadcast %div3A : f32 to vector<2048x1xf32>
    %div3A_30 = arith.divf %div3A_29, %add3A_28 : vector<2048x1xf32>
    %div3A_31 = arith.divf %exp3A, %add3A_28 : vector<2048x1xf32>
    %eq3A_32 = vector.broadcast %broadcast_in_dim3A_10 : vector<2048x1xf32> to vector<2048x8xf32>
    %eq3A_33 = arith.cmpf oeq, %convert_element_type3A, %eq3A_32 : vector<2048x8xf32>
    %convert_element_type3A_34 = arith.extui %eq3A_33 : vector<2048x8xi1> to vector<2048x8xi32>
    %convert_element_type3A_35 = arith.sitofp %convert_element_type3A_34 : vector<2048x8xi32> to vector<2048x8xf32>
    %eq3A_36 = vector.broadcast %broadcast_in_dim3A_26 : vector<2048x1xf32> to vector<2048x8xf32>
    %eq3A_37 = arith.cmpf oeq, %convert_element_type3A, %eq3A_36 : vector<2048x8xf32>
    %convert_element_type3A_38 = arith.extui %eq3A_37 : vector<2048x8xi1> to vector<2048x8xi32>
    %convert_element_type3A_39 = arith.sitofp %convert_element_type3A_38 : vector<2048x8xi32> to vector<2048x8xf32>
    %iota3A_40 = tpu.iota {dimensions = array<i32: 1>} : vector<2048x128xi32>
    %eq3A_41 = arith.constant 0 : i32
    %eq3A_42 = vector.broadcast %eq3A_41 : i32 to vector<2048x128xi32>
    %eq3A_43 = arith.cmpi eq, %iota3A_40, %eq3A_42 : vector<2048x128xi32>
    %convert_element_type3A_44 = arith.extui %eq3A_43 : vector<2048x128xi1> to vector<2048x128xi32>
    %convert_element_type3A_45 = arith.sitofp %convert_element_type3A_44 : vector<2048x128xi32> to vector<2048x128xf32>
    %mul3A = vector.broadcast %div3A_30 : vector<2048x1xf32> to vector<2048x1024xf32>
    %mul3A_46 = arith.mulf %mul3A, %get3A_1 : vector<2048x1024xf32>
    %mul3A_47 = vector.broadcast %div3A_30 : vector<2048x1xf32> to vector<2048x128xf32>
    %mul3A_48 = arith.mulf %mul3A_47, %convert_element_type3A_45 : vector<2048x128xf32>
    %concatenate3A = tpu.concatenate %mul3A_46, %mul3A_48 in 1 : vector<2048x1024xf32>, vector<2048x128xf32> -> vector<2048x1152xf32>
    %swap3A = arith.constant 0 : index
    %swap3A_49 = arith.constant 0 : index
    %swap3A_50 = arith.constant 0 : index
    %swap3A_51 = vector.load %arg3[%swap3A, %swap3A_49, %swap3A_50] : memref<2x2048x1152xf32, #tpu.memory_space<vmem>>, vector<1x2048x1152xf32>
    %swap3A_52 = vector.shape_cast %swap3A_51 : vector<1x2048x1152xf32> to vector<2048x1152xf32>
    %swap3A_53 = vector.shape_cast %concatenate3A : vector<2048x1152xf32> to vector<1x2048x1152xf32>
    tpu.vector_store %arg3[%swap3A, %swap3A_49, %swap3A_50], %swap3A_53 {strides = array<i32>} : memref<2x2048x1152xf32, #tpu.memory_space<vmem>>, vector<1x2048x1152xf32>,
    %mul3A_54 = vector.broadcast %div3A_31 : vector<2048x1xf32> to vector<2048x1024xf32>
    %mul3A_55 = arith.mulf %mul3A_54, %get3A_1 : vector<2048x1024xf32>
    %mul3A_56 = vector.broadcast %div3A_31 : vector<2048x1xf32> to vector<2048x128xf32>
    %mul3A_57 = arith.mulf %mul3A_56, %convert_element_type3A_45 : vector<2048x128xf32>
    %concatenate3A_58 = tpu.concatenate %mul3A_55, %mul3A_57 in 1 : vector<2048x1024xf32>, vector<2048x128xf32> -> vector<2048x1152xf32>
    %swap3A_59 = arith.constant 1 : index
    %swap3A_60 = arith.constant 0 : index
    %swap3A_61 = arith.constant 0 : index
    %swap3A_62 = vector.load %arg3[%swap3A_59, %swap3A_60, %swap3A_61] : memref<2x2048x1152xf32, #tpu.memory_space<vmem>>, vector<1x2048x1152xf32>
    %swap3A_63 = vector.shape_cast %swap3A_62 : vector<1x2048x1152xf32> to vector<2048x1152xf32>
    %swap3A_64 = vector.shape_cast %concatenate3A_58 : vector<2048x1152xf32> to vector<1x2048x1152xf32>
    tpu.vector_store %arg3[%swap3A_59, %swap3A_60, %swap3A_61], %swap3A_64 {strides = array<i32>} : memref<2x2048x1152xf32, #tpu.memory_space<vmem>>, vector<1x2048x1152xf32>,
    %iota3A_65 = tpu.iota {dimensions = array<i32: 0>} : vector<512x512xi32>
    %iota3A_66 = tpu.iota {dimensions = array<i32: 1>} : vector<512x512xi32>
    %lt3A = arith.cmpi slt, %iota3A_66, %iota3A_65 : vector<512x512xi32>
    %convert_element_type3A_67 = arith.extui %lt3A : vector<512x512xi1> to vector<512x512xi32>
    %convert_element_type3A_68 = arith.sitofp %convert_element_type3A_67 : vector<512x512xi32> to vector<512x512xf32>
    %broadcast_in_dim3A_69 = arith.constant 0.000000e+00 : f32
    %broadcast_in_dim3A_70 = vector.broadcast %broadcast_in_dim3A_69 : f32 to vector<1x8xf32>
    %slice3A = vector.extract_strided_slice %convert_element_type3A_35 {offsets = [0, 0], sizes = [512, 8], strides = [1, 1]} : vector<2048x8xf32> to vector<512x8xf32>
    %dot_general3A_71 = arith.constant dense<0.000000e+00> : vector<512x8xf32>
    %dot_general3A_72 = tpu.matmul %convert_element_type3A_68, %slice3A, %dot_general3A_71 {dimension_numbers = #tpu.dot_dimension_numbers<[1], [0], [0], [1], [0, 0, 1, 1], [], []>, transpose_lhs_hint = false} : vector<512x512xf32>, vector<512x8xf32>, vector<512x8xf32> -> vector<512x8xf32>
    %add3A_73 = vector.broadcast %broadcast_in_dim3A_70 : vector<1x8xf32> to vector<512x8xf32>
    %add3A_74 = arith.addf %dot_general3A_72, %add3A_73 : vector<512x8xf32>
    %reduce_sum3A = arith.constant dense<0.000000e+00> : vector<8xf32>
    %reduce_sum3A_75 = vector.multi_reduction <add>, %slice3A, %reduce_sum3A [0] : vector<512x8xf32> to vector<8xf32>
    %broadcast_in_dim3A_76 = vector.shape_cast %reduce_sum3A_75 : vector<8xf32> to vector<1x8xf32>
    %add3A_77 = arith.addf %broadcast_in_dim3A_70, %broadcast_in_dim3A_76 : vector<1x8xf32>
    %slice3A_78 = vector.extract_strided_slice %convert_element_type3A_35 {offsets = [512, 0], sizes = [512, 8], strides = [1, 1]} : vector<2048x8xf32> to vector<512x8xf32>
    %dot_general3A_79 = arith.constant dense<0.000000e+00> : vector<512x8xf32>
    %dot_general3A_80 = tpu.matmul %convert_element_type3A_68, %slice3A_78, %dot_general3A_79 {dimension_numbers = #tpu.dot_dimension_numbers<[1], [0], [0], [1], [0, 0, 1, 1], [], []>, transpose_lhs_hint = false} : vector<512x512xf32>, vector<512x8xf32>, vector<512x8xf32> -> vector<512x8xf32>
    %add3A_81 = vector.broadcast %add3A_77 : vector<1x8xf32> to vector<512x8xf32>
    %add3A_82 = arith.addf %dot_general3A_80, %add3A_81 : vector<512x8xf32>
    %reduce_sum3A_83 = arith.constant dense<0.000000e+00> : vector<8xf32>
    %reduce_sum3A_84 = vector.multi_reduction <add>, %slice3A_78, %reduce_sum3A_83 [0] : vector<512x8xf32> to vector<8xf32>
    %broadcast_in_dim3A_85 = vector.shape_cast %reduce_sum3A_84 : vector<8xf32> to vector<1x8xf32>
    %add3A_86 = arith.addf %add3A_77, %broadcast_in_dim3A_85 : vector<1x8xf32>
    %slice3A_87 = vector.extract_strided_slice %convert_element_type3A_35 {offsets = [1024, 0], sizes = [512, 8], strides = [1, 1]} : vector<2048x8xf32> to vector<512x8xf32>
    %dot_general3A_88 = arith.constant dense<0.000000e+00> : vector<512x8xf32>
    %dot_general3A_89 = tpu.matmul %convert_element_type3A_68, %slice3A_87, %dot_general3A_88 {dimension_numbers = #tpu.dot_dimension_numbers<[1], [0], [0], [1], [0, 0, 1, 1], [], []>, transpose_lhs_hint = false} : vector<512x512xf32>, vector<512x8xf32>, vector<512x8xf32> -> vector<512x8xf32>
    %add3A_90 = vector.broadcast %add3A_86 : vector<1x8xf32> to vector<512x8xf32>
    %add3A_91 = arith.addf %dot_general3A_89, %add3A_90 : vector<512x8xf32>
    %reduce_sum3A_92 = arith.constant dense<0.000000e+00> : vector<8xf32>
    %reduce_sum3A_93 = vector.multi_reduction <add>, %slice3A_87, %reduce_sum3A_92 [0] : vector<512x8xf32> to vector<8xf32>
    %broadcast_in_dim3A_94 = vector.shape_cast %reduce_sum3A_93 : vector<8xf32> to vector<1x8xf32>
    %add3A_95 = arith.addf %add3A_86, %broadcast_in_dim3A_94 : vector<1x8xf32>
    %slice3A_96 = vector.extract_strided_slice %convert_element_type3A_35 {offsets = [1536, 0], sizes = [512, 8], strides = [1, 1]} : vector<2048x8xf32> to vector<512x8xf32>
    %dot_general3A_97 = arith.constant dense<0.000000e+00> : vector<512x8xf32>
    %dot_general3A_98 = tpu.matmul %convert_element_type3A_68, %slice3A_96, %dot_general3A_97 {dimension_numbers = #tpu.dot_dimension_numbers<[1], [0], [0], [1], [0, 0, 1, 1], [], []>, transpose_lhs_hint = false} : vector<512x512xf32>, vector<512x8xf32>, vector<512x8xf32> -> vector<512x8xf32>
    %add3A_99 = vector.broadcast %add3A_95 : vector<1x8xf32> to vector<512x8xf32>
    %add3A_100 = arith.addf %dot_general3A_98, %add3A_99 : vector<512x8xf32>
    %reduce_sum3A_101 = arith.constant dense<0.000000e+00> : vector<8xf32>
    %reduce_sum3A_102 = vector.multi_reduction <add>, %slice3A_96, %reduce_sum3A_101 [0] : vector<512x8xf32> to vector<8xf32>
    %broadcast_in_dim3A_103 = vector.shape_cast %reduce_sum3A_102 : vector<8xf32> to vector<1x8xf32>
    %add3A_104 = arith.addf %add3A_95, %broadcast_in_dim3A_103 : vector<1x8xf32>
    %slice3A_105 = vector.extract_strided_slice %convert_element_type3A_39 {offsets = [0, 0], sizes = [512, 8], strides = [1, 1]} : vector<2048x8xf32> to vector<512x8xf32>
    %dot_general3A_106 = arith.constant dense<0.000000e+00> : vector<512x8xf32>
    %dot_general3A_107 = tpu.matmul %convert_element_type3A_68, %slice3A_105, %dot_general3A_106 {dimension_numbers = #tpu.dot_dimension_numbers<[1], [0], [0], [1], [0, 0, 1, 1], [], []>, transpose_lhs_hint = false} : vector<512x512xf32>, vector<512x8xf32>, vector<512x8xf32> -> vector<512x8xf32>
    %add3A_108 = vector.broadcast %add3A_104 : vector<1x8xf32> to vector<512x8xf32>
    %add3A_109 = arith.addf %dot_general3A_107, %add3A_108 : vector<512x8xf32>
    %reduce_sum3A_110 = arith.constant dense<0.000000e+00> : vector<8xf32>
    %reduce_sum3A_111 = vector.multi_reduction <add>, %slice3A_105, %reduce_sum3A_110 [0] : vector<512x8xf32> to vector<8xf32>
    %broadcast_in_dim3A_112 = vector.shape_cast %reduce_sum3A_111 : vector<8xf32> to vector<1x8xf32>
    %add3A_113 = arith.addf %add3A_104, %broadcast_in_dim3A_112 : vector<1x8xf32>
    %slice3A_114 = vector.extract_strided_slice %convert_element_type3A_39 {offsets = [512, 0], sizes = [512, 8], strides = [1, 1]} : vector<2048x8xf32> to vector<512x8xf32>
    %dot_general3A_115 = arith.constant dense<0.000000e+00> : vector<512x8xf32>
    %dot_general3A_116 = tpu.matmul %convert_element_type3A_68, %slice3A_114, %dot_general3A_115 {dimension_numbers = #tpu.dot_dimension_numbers<[1], [0], [0], [1], [0, 0, 1, 1], [], []>, transpose_lhs_hint = false} : vector<512x512xf32>, vector<512x8xf32>, vector<512x8xf32> -> vector<512x8xf32>
    %add3A_117 = vector.broadcast %add3A_113 : vector<1x8xf32> to vector<512x8xf32>
    %add3A_118 = arith.addf %dot_general3A_116, %add3A_117 : vector<512x8xf32>
    %reduce_sum3A_119 = arith.constant dense<0.000000e+00> : vector<8xf32>
    %reduce_sum3A_120 = vector.multi_reduction <add>, %slice3A_114, %reduce_sum3A_119 [0] : vector<512x8xf32> to vector<8xf32>
    %broadcast_in_dim3A_121 = vector.shape_cast %reduce_sum3A_120 : vector<8xf32> to vector<1x8xf32>
    %add3A_122 = arith.addf %add3A_113, %broadcast_in_dim3A_121 : vector<1x8xf32>
    %slice3A_123 = vector.extract_strided_slice %convert_element_type3A_39 {offsets = [1024, 0], sizes = [512, 8], strides = [1, 1]} : vector<2048x8xf32> to vector<512x8xf32>
    %dot_general3A_124 = arith.constant dense<0.000000e+00> : vector<512x8xf32>
    %dot_general3A_125 = tpu.matmul %convert_element_type3A_68, %slice3A_123, %dot_general3A_124 {dimension_numbers = #tpu.dot_dimension_numbers<[1], [0], [0], [1], [0, 0, 1, 1], [], []>, transpose_lhs_hint = false} : vector<512x512xf32>, vector<512x8xf32>, vector<512x8xf32> -> vector<512x8xf32>
    %add3A_126 = vector.broadcast %add3A_122 : vector<1x8xf32> to vector<512x8xf32>
    %add3A_127 = arith.addf %dot_general3A_125, %add3A_126 : vector<512x8xf32>
    %reduce_sum3A_128 = arith.constant dense<0.000000e+00> : vector<8xf32>
    %reduce_sum3A_129 = vector.multi_reduction <add>, %slice3A_123, %reduce_sum3A_128 [0] : vector<512x8xf32> to vector<8xf32>
    %broadcast_in_dim3A_130 = vector.shape_cast %reduce_sum3A_129 : vector<8xf32> to vector<1x8xf32>
    %add3A_131 = arith.addf %add3A_122, %broadcast_in_dim3A_130 : vector<1x8xf32>
    %slice3A_132 = vector.extract_strided_slice %convert_element_type3A_39 {offsets = [1536, 0], sizes = [512, 8], strides = [1, 1]} : vector<2048x8xf32> to vector<512x8xf32>
    %dot_general3A_133 = arith.constant dense<0.000000e+00> : vector<512x8xf32>
    %dot_general3A_134 = tpu.matmul %convert_element_type3A_68, %slice3A_132, %dot_general3A_133 {dimension_numbers = #tpu.dot_dimension_numbers<[1], [0], [0], [1], [0, 0, 1, 1], [], []>, transpose_lhs_hint = false} : vector<512x512xf32>, vector<512x8xf32>, vector<512x8xf32> -> vector<512x8xf32>
    %add3A_135 = vector.broadcast %add3A_131 : vector<1x8xf32> to vector<512x8xf32>
    %add3A_136 = arith.addf %dot_general3A_134, %add3A_135 : vector<512x8xf32>
    %reduce_sum3A_137 = arith.constant dense<0.000000e+00> : vector<8xf32>
    %reduce_sum3A_138 = vector.multi_reduction <add>, %slice3A_132, %reduce_sum3A_137 [0] : vector<512x8xf32> to vector<8xf32>
    %broadcast_in_dim3A_139 = vector.shape_cast %reduce_sum3A_138 : vector<8xf32> to vector<1x8xf32>
    %add3A_140 = arith.addf %add3A_131, %broadcast_in_dim3A_139 : vector<1x8xf32>
    %concatenate3A_141 = tpu.concatenate %add3A_74, %add3A_82, %add3A_91, %add3A_100 in 0 : vector<512x8xf32>, vector<512x8xf32>, vector<512x8xf32>, vector<512x8xf32> -> vector<2048x8xf32>
    %concatenate3A_142 = tpu.concatenate %add3A_109, %add3A_118, %add3A_127, %add3A_136 in 0 : vector<512x8xf32>, vector<512x8xf32>, vector<512x8xf32>, vector<512x8xf32> -> vector<2048x8xf32>
    %convert_element_type3A_143 = arith.fptosi %add3A_140 : vector<1x8xf32> to vector<1x8xi32>
    %add3A_144 = arith.constant 255 : i32
    %add3A_145 = vector.broadcast %add3A_144 : i32 to vector<1x8xi32>
    %add3A_146 = arith.addi %convert_element_type3A_143, %add3A_145 : vector<1x8xi32>
    %shift_right_arithmetic3A = arith.constant 8 : i32
    %shift_right_arithmetic3A_147 = vector.broadcast %shift_right_arithmetic3A : i32 to vector<1x8xi32>
    %shift_right_arithmetic3A_148 = arith.shrsi %add3A_146, %shift_right_arithmetic3A_147 : vector<1x8xi32>
    %shift_left3A = arith.constant 8 : i32
    %shift_left3A_149 = vector.broadcast %shift_left3A : i32 to vector<1x8xi32>
    %shift_left3A_150 = arith.shli %shift_right_arithmetic3A_148, %shift_left3A_149 : vector<1x8xi32>
    %iota3A_151 = tpu.iota {dimensions = array<i32: 0>} : vector<8x8xi32>
    %iota3A_152 = tpu.iota {dimensions = array<i32: 1>} : vector<8x8xi32>
    %lt3A_153 = arith.cmpi slt, %iota3A_151, %iota3A_152 : vector<8x8xi32>
    %convert_element_type3A_154 = arith.extui %lt3A_153 : vector<8x8xi1> to vector<8x8xi32>
    %convert_element_type3A_155 = arith.sitofp %convert_element_type3A_154 : vector<8x8xi32> to vector<8x8xf32>
    %convert_element_type3A_156 = arith.sitofp %shift_left3A_150 : vector<1x8xi32> to vector<1x8xf32>
    %dot_general3A_157 = arith.constant dense<0.000000e+00> : vector<1x8xf32>
    %dot_general3A_158 = tpu.matmul %convert_element_type3A_156, %convert_element_type3A_155, %dot_general3A_157 {dimension_numbers = #tpu.dot_dimension_numbers<[1], [0], [0], [1], [0, 0, 1, 1], [], []>, transpose_lhs_hint = false} : vector<1x8xf32>, vector<8x8xf32>, vector<1x8xf32> -> vector<1x8xf32>
    %mul3A_159 = arith.mulf %convert_element_type3A_35, %concatenate3A_141 : vector<2048x8xf32>
    %reduce_sum3A_160 = arith.constant dense<0.000000e+00> : vector<2048xf32>
    %reduce_sum3A_161 = vector.multi_reduction <add>, %mul3A_159, %reduce_sum3A_160 [1] : vector<2048x8xf32> to vector<2048xf32>
    %broadcast_in_dim3A_162 = vector.shape_cast %reduce_sum3A_161 : vector<2048xf32> to vector<2048x1xf32>
    %mul3A_163 = arith.mulf %convert_element_type3A_39, %concatenate3A_142 : vector<2048x8xf32>
    %reduce_sum3A_164 = arith.constant dense<0.000000e+00> : vector<2048xf32>
    %reduce_sum3A_165 = vector.multi_reduction <add>, %mul3A_163, %reduce_sum3A_164 [1] : vector<2048x8xf32> to vector<2048xf32>
    %broadcast_in_dim3A_166 = vector.shape_cast %reduce_sum3A_165 : vector<2048xf32> to vector<2048x1xf32>
    %mul3A_167 = vector.broadcast %dot_general3A_158 : vector<1x8xf32> to vector<2048x8xf32>
    %mul3A_168 = arith.mulf %convert_element_type3A_35, %mul3A_167 : vector<2048x8xf32>
    %reduce_sum3A_169 = arith.constant dense<0.000000e+00> : vector<2048xf32>
    %reduce_sum3A_170 = vector.multi_reduction <add>, %mul3A_168, %reduce_sum3A_169 [1] : vector<2048x8xf32> to vector<2048xf32>
    %broadcast_in_dim3A_171 = vector.shape_cast %reduce_sum3A_170 : vector<2048xf32> to vector<2048x1xf32>
    %mul3A_172 = vector.broadcast %dot_general3A_158 : vector<1x8xf32> to vector<2048x8xf32>
    %mul3A_173 = arith.mulf %convert_element_type3A_39, %mul3A_172 : vector<2048x8xf32>
    %reduce_sum3A_174 = arith.constant dense<0.000000e+00> : vector<2048xf32>
    %reduce_sum3A_175 = vector.multi_reduction <add>, %mul3A_173, %reduce_sum3A_174 [1] : vector<2048x8xf32> to vector<2048xf32>
    %broadcast_in_dim3A_176 = vector.shape_cast %reduce_sum3A_175 : vector<2048xf32> to vector<2048x1xf32>
    %add3A_177 = arith.addf %broadcast_in_dim3A_171, %broadcast_in_dim3A_162 : vector<2048x1xf32>
    %convert_element_type3A_178 = arith.fptosi %add3A_177 : vector<2048x1xf32> to vector<2048x1xi32>
    %swap3A_179 = arith.constant 0 : index
    %swap3A_180 = arith.constant 0 : index
    %swap3A_181 = vector.load %arg4[%swap3A_179, %swap3A_180] : memref<2048x2xi32, #tpu.memory_space<vmem>>, vector<2048x1xi32>
    tpu.vector_store %arg4[%swap3A_179, %swap3A_180], %convert_element_type3A_178 {strides = array<i32>} : memref<2048x2xi32, #tpu.memory_space<vmem>>, vector<2048x1xi32>,
    %add3A_182 = arith.addf %broadcast_in_dim3A_176, %broadcast_in_dim3A_166 : vector<2048x1xf32>
    %convert_element_type3A_183 = arith.fptosi %add3A_182 : vector<2048x1xf32> to vector<2048x1xi32>
    %swap3A_184 = arith.constant 0 : index
    %swap3A_185 = arith.constant 1 : index
    %swap3A_186 = vector.load %arg4[%swap3A_184, %swap3A_185] : memref<2048x2xi32, #tpu.memory_space<vmem>>, vector<2048x1xi32>
    tpu.vector_store %arg4[%swap3A_184, %swap3A_185], %convert_element_type3A_183 {strides = array<i32>} : memref<2048x2xi32, #tpu.memory_space<vmem>>, vector<2048x1xi32>,
    %mul3A_187 = arith.constant 3.906250e-03 : f32
    %mul3A_188 = vector.broadcast %mul3A_187 : f32 to vector<1x8xf32>
    %mul3A_189 = arith.mulf %dot_general3A_158, %mul3A_188 : vector<1x8xf32>
    %iota3A_190 = tpu.iota {dimensions = array<i32: 1>} : vector<1x25xi32>
    %convert_element_type3A_191 = arith.sitofp %iota3A_190 : vector<1x25xi32> to vector<1x25xf32>
    %broadcast_in_dim3A_192 = arith.constant 0 : i32
    %broadcast_in_dim3A_193 = vector.broadcast %broadcast_in_dim3A_192 : i32 to vector<1x25xi32>
    %slice3A_194 = vector.extract_strided_slice %mul3A_189 {offsets = [0, 0], sizes = [1, 1], strides = [1, 1]} : vector<1x8xf32> to vector<1x1xf32>
    %ge3A = vector.broadcast %slice3A_194 : vector<1x1xf32> to vector<1x25xf32>
    %ge3A_195 = arith.cmpf oge, %convert_element_type3A_191, %ge3A : vector<1x25xf32>
    %convert_element_type3A_196 = arith.extui %ge3A_195 : vector<1x25xi1> to vector<1x25xi32>
    %add3A_197 = arith.addi %broadcast_in_dim3A_193, %convert_element_type3A_196 : vector<1x25xi32>
    %slice3A_198 = vector.extract_strided_slice %mul3A_189 {offsets = [0, 1], sizes = [1, 1], strides = [1, 1]} : vector<1x8xf32> to vector<1x1xf32>
    %ge3A_199 = vector.broadcast %slice3A_198 : vector<1x1xf32> to vector<1x25xf32>
    %ge3A_200 = arith.cmpf oge, %convert_element_type3A_191, %ge3A_199 : vector<1x25xf32>
    %convert_element_type3A_201 = arith.extui %ge3A_200 : vector<1x25xi1> to vector<1x25xi32>
    %add3A_202 = arith.addi %add3A_197, %convert_element_type3A_201 : vector<1x25xi32>
    %slice3A_203 = vector.extract_strided_slice %mul3A_189 {offsets = [0, 2], sizes = [1, 1], strides = [1, 1]} : vector<1x8xf32> to vector<1x1xf32>
    %ge3A_204 = vector.broadcast %slice3A_203 : vector<1x1xf32> to vector<1x25xf32>
    %ge3A_205 = arith.cmpf oge, %convert_element_type3A_191, %ge3A_204 : vector<1x25xf32>
    %convert_element_type3A_206 = arith.extui %ge3A_205 : vector<1x25xi1> to vector<1x25xi32>
    %add3A_207 = arith.addi %add3A_202, %convert_element_type3A_206 : vector<1x25xi32>
    %slice3A_208 = vector.extract_strided_slice %mul3A_189 {offsets = [0, 3], sizes = [1, 1], strides = [1, 1]} : vector<1x8xf32> to vector<1x1xf32>
    %ge3A_209 = vector.broadcast %slice3A_208 : vector<1x1xf32> to vector<1x25xf32>
    %ge3A_210 = arith.cmpf oge, %convert_element_type3A_191, %ge3A_209 : vector<1x25xf32>
    %convert_element_type3A_211 = arith.extui %ge3A_210 : vector<1x25xi1> to vector<1x25xi32>
    %add3A_212 = arith.addi %add3A_207, %convert_element_type3A_211 : vector<1x25xi32>
    %slice3A_213 = vector.extract_strided_slice %mul3A_189 {offsets = [0, 4], sizes = [1, 1], strides = [1, 1]} : vector<1x8xf32> to vector<1x1xf32>
    %ge3A_214 = vector.broadcast %slice3A_213 : vector<1x1xf32> to vector<1x25xf32>
    %ge3A_215 = arith.cmpf oge, %convert_element_type3A_191, %ge3A_214 : vector<1x25xf32>
    %convert_element_type3A_216 = arith.extui %ge3A_215 : vector<1x25xi1> to vector<1x25xi32>
    %add3A_217 = arith.addi %add3A_212, %convert_element_type3A_216 : vector<1x25xi32>
    %slice3A_218 = vector.extract_strided_slice %mul3A_189 {offsets = [0, 5], sizes = [1, 1], strides = [1, 1]} : vector<1x8xf32> to vector<1x1xf32>
    %ge3A_219 = vector.broadcast %slice3A_218 : vector<1x1xf32> to vector<1x25xf32>
    %ge3A_220 = arith.cmpf oge, %convert_element_type3A_191, %ge3A_219 : vector<1x25xf32>
    %convert_element_type3A_221 = arith.extui %ge3A_220 : vector<1x25xi1> to vector<1x25xi32>
    %add3A_222 = arith.addi %add3A_217, %convert_element_type3A_221 : vector<1x25xi32>
    %slice3A_223 = vector.extract_strided_slice %mul3A_189 {offsets = [0, 6], sizes = [1, 1], strides = [1, 1]} : vector<1x8xf32> to vector<1x1xf32>
    %ge3A_224 = vector.broadcast %slice3A_223 : vector<1x1xf32> to vector<1x25xf32>
    %ge3A_225 = arith.cmpf oge, %convert_element_type3A_191, %ge3A_224 : vector<1x25xf32>
    %convert_element_type3A_226 = arith.extui %ge3A_225 : vector<1x25xi1> to vector<1x25xi32>
    %add3A_227 = arith.addi %add3A_222, %convert_element_type3A_226 : vector<1x25xi32>
    %slice3A_228 = vector.extract_strided_slice %mul3A_189 {offsets = [0, 7], sizes = [1, 1], strides = [1, 1]} : vector<1x8xf32> to vector<1x1xf32>
    %ge3A_229 = vector.broadcast %slice3A_228 : vector<1x1xf32> to vector<1x25xf32>
    %ge3A_230 = arith.cmpf oge, %convert_element_type3A_191, %ge3A_229 : vector<1x25xf32>
    %convert_element_type3A_231 = arith.extui %ge3A_230 : vector<1x25xi1> to vector<1x25xi32>
    %add3A_232 = arith.addi %add3A_227, %convert_element_type3A_231 : vector<1x25xi32>
    %reduce_sum3A_233 = arith.constant dense<0> : vector<1xi32>
    %reduce_sum3A_234 = vector.multi_reduction <add>, %shift_left3A_150, %reduce_sum3A_233 [1] : vector<1x8xi32> to vector<1xi32>
    %broadcast_in_dim3A_235 = vector.shape_cast %reduce_sum3A_234 : vector<1xi32> to vector<1x1xi32>
    %shift_right_arithmetic3A_236 = arith.constant 8 : i32
    %shift_right_arithmetic3A_237 = vector.broadcast %shift_right_arithmetic3A_236 : i32 to vector<1x1xi32>
    %shift_right_arithmetic3A_238 = arith.shrsi %broadcast_in_dim3A_235, %shift_right_arithmetic3A_237 : vector<1x1xi32>
    %iota3A_239 = tpu.iota {dimensions = array<i32: 1>} : vector<1x25xi32>
    %eq3A_240 = arith.constant 24 : i32
    %eq3A_241 = vector.broadcast %eq3A_240 : i32 to vector<1x25xi32>
    %eq3A_242 = arith.cmpi eq, %iota3A_239, %eq3A_241 : vector<1x25xi32>
    %sub3A_243 = arith.constant 1 : i32
    %sub3A_244 = vector.broadcast %sub3A_243 : i32 to vector<1x25xi32>
    %sub3A_245 = arith.subi %add3A_232, %sub3A_244 : vector<1x25xi32>
    %broadcast_in_dim3A_246 = vector.shape_cast %shift_right_arithmetic3A_238 : vector<1x1xi32> to vector<1x1xi32>
    %broadcast_in_dim3A_247 = vector.broadcast %broadcast_in_dim3A_246 : vector<1x1xi32> to vector<1x25xi32>
    %select_n3A_248 = arith.select %eq3A_242, %broadcast_in_dim3A_247, %sub3A_245 : vector<1x25xi1>, vector<1x25xi32>
    %swap3A_249 = arith.constant 0 : index
    %swap3A_250 = arith.constant 0 : index
    %swap3A_251 = vector.load %arg5[%swap3A_249, %swap3A_250] : memref<1x25xi32, #tpu.memory_space<vmem>>, vector<1x25xi32>
    tpu.vector_store %arg5[%swap3A_249, %swap3A_250], %select_n3A_248 {strides = array<i32>} : memref<1x25xi32, #tpu.memory_space<vmem>>, vector<1x25xi32>,
    return
  }
  func.func @transform_0(%arg0: i32) -> (i32, i32) {
    %c0_i32 = arith.constant 0 : i32
    %c0_i32_0 = arith.constant 0 : i32
    %c0_i32_1 = arith.constant 0 : i32
    return %c0_i32, %c0_i32_0 : i32, i32
  }
  func.func @transform_1(%arg0: i32) -> (i32, i32) {
    %c0_i32 = arith.constant 0 : i32
    %c0_i32_0 = arith.constant 0 : i32
    %c0_i32_1 = arith.constant 0 : i32
    return %c0_i32, %c0_i32_0 : i32, i32
  }
  func.func @transform_2(%arg0: i32) -> (i32, i32, i32) {
    %c0_i32 = arith.constant 0 : i32
    %c0_i32_0 = arith.constant 0 : i32
    %c0_i32_1 = arith.constant 0 : i32
    %c0_i32_2 = arith.constant 0 : i32
    return %c0_i32, %c0_i32_0, %c0_i32_1 : i32, i32, i32
  }
  func.func @transform_3(%arg0: i32) -> (i32, i32) {
    %c0_i32 = arith.constant 0 : i32
    %c0_i32_0 = arith.constant 0 : i32
    %c0_i32_1 = arith.constant 0 : i32
    return %c0_i32, %c0_i32_0 : i32, i32
  }
  func.func @transform_4(%arg0: i32) -> (i32, i32) {
    %c0_i32 = arith.constant 0 : i32
    %c0_i32_0 = arith.constant 0 : i32
    %c0_i32_1 = arith.constant 0 : i32
    return %c0_i32, %c0_i32_0 : i32, i32
  }
}

module attributes {stable_mosaic.version = 14 : i64} {
  func.func @_gmm_body(%arg0: i32, %arg1: memref<25xi32, #tpu.memory_space<smem>>, %arg2: memref<256x1152xf32, #tpu.memory_space<vmem>>, %arg3: memref<1x1024x1024xf32, #tpu.memory_space<vmem>>, %arg4: memref<1x1x1024xf32, #tpu.memory_space<vmem>>, %arg5: memref<256x1024xf32, #tpu.memory_space<vmem>>) attributes {dimension_semantics = [#tpu.dimension_semantics<arbitrary>], iteration_bounds = array<i64: 24>, scalar_prefetch = 1 : i64, scratch_operands = 0 : i64, tpu.core_type = #tpu.core_type<tc>, window_params = [{transform_indices = @transform_0, window_bounds = array<i64: 256, 1152>}, {transform_indices = @transform_1, window_bounds = array<i64: 1, 1024, 1024>}, {transform_indices = @transform_2, window_bounds = array<i64: 1, 1, 1024>}, {transform_indices = @transform_3, window_bounds = array<i64: 256, 1024>}]} {
    %get3A = arith.constant 24 : index
    %get3A_0 = memref.load %arg1[%get3A] : memref<25xi32, #tpu.memory_space<smem>>
    %lt3A = arith.cmpi slt, %arg0, %get3A_0 : i32
    %convert_element_type3A = arith.extui %lt3A : i1 to i32
    %cond3A = arith.constant 0 : i32
    %cond3A_1 = arith.cmpi ne, %convert_element_type3A, %cond3A : i32
    scf.if %cond3A_1 {
      %get3A_2 = arith.constant 0 : index
      %get3A_3 = arith.constant 0 : index
      %get3A_4 = vector.load %arg2[%get3A_2, %get3A_3] : memref<256x1152xf32, #tpu.memory_space<vmem>>, vector<256x1152xf32>
      %slice3A = vector.extract_strided_slice %get3A_4 {offsets = [0, 0], sizes = [256, 1024], strides = [1, 1]} : vector<256x1152xf32> to vector<256x1024xf32>
      %get3A_5 = arith.constant 0 : index
      %get3A_6 = arith.constant 0 : index
      %get3A_7 = arith.constant 0 : index
      %get3A_8 = vector.load %arg3[%get3A_5, %get3A_6, %get3A_7] : memref<1x1024x1024xf32, #tpu.memory_space<vmem>>, vector<1x1024x1024xf32>
      %get3A_9 = vector.shape_cast %get3A_8 : vector<1x1024x1024xf32> to vector<1024x1024xf32>
      %dot_general3A = arith.constant dense<0.000000e+00> : vector<256x1024xf32>
      %dot_general3A_10 = tpu.matmul %slice3A, %get3A_9, %dot_general3A {dimension_numbers = #tpu.dot_dimension_numbers<[1], [1], [0], [0], [0, 0, 1, 0], [], []>, transpose_lhs_hint = false} : vector<256x1024xf32>, vector<1024x1024xf32>, vector<256x1024xf32> -> vector<256x1024xf32>
      %slice3A_11 = vector.extract_strided_slice %get3A_4 {offsets = [0, 1024], sizes = [256, 1], strides = [1, 1]} : vector<256x1152xf32> to vector<256x1xf32>
      %get3A_12 = arith.constant 0 : index
      %get3A_13 = arith.constant 0 : index
      %get3A_14 = arith.constant 0 : index
      %get3A_15 = vector.load %arg4[%get3A_12, %get3A_13, %get3A_14] : memref<1x1x1024xf32, #tpu.memory_space<vmem>>, vector<1x1x1024xf32>
      %get3A_16 = vector.shape_cast %get3A_15 : vector<1x1x1024xf32> to vector<1x1024xf32>
      %mul3A = vector.broadcast %slice3A_11 : vector<256x1xf32> to vector<256x1024xf32>
      %mul3A_17 = vector.broadcast %get3A_16 : vector<1x1024xf32> to vector<256x1024xf32>
      %mul3A_18 = arith.mulf %mul3A, %mul3A_17 : vector<256x1024xf32>
      %add3A = arith.addf %dot_general3A_10, %mul3A_18 : vector<256x1024xf32>
      %swap3A = arith.constant 0 : index
      %swap3A_19 = arith.constant 0 : index
      %swap3A_20 = vector.load %arg5[%swap3A, %swap3A_19] : memref<256x1024xf32, #tpu.memory_space<vmem>>, vector<256x1024xf32>
      tpu.vector_store %arg5[%swap3A, %swap3A_19], %add3A {strides = array<i32>} : memref<256x1024xf32, #tpu.memory_space<vmem>>, vector<256x1024xf32>,
    } else {
    }
    return
  }
  func.func @transform_0(%arg0: i32, %arg1: memref<25xi32, #tpu.memory_space<smem>>) -> (i32, i32) {
    %c0_i32 = arith.constant 0 : i32
    %c0_i32_0 = arith.constant 0 : i32
    return %arg0, %c0_i32 : i32, i32
  }
  func.func @transform_1(%arg0: i32, %arg1: memref<25xi32, #tpu.memory_space<smem>>) -> (i32, i32, i32) {
    %get3A = arith.index_cast %arg0 : i32 to index
    %get3A_0 = memref.load %arg1[%get3A] : memref<25xi32, #tpu.memory_space<smem>>
    %c0_i32 = arith.constant 0 : i32
    %c0_i32_1 = arith.constant 0 : i32
    %c0_i32_2 = arith.constant 0 : i32
    return %get3A_0, %c0_i32, %c0_i32_1 : i32, i32, i32
  }
  func.func @transform_2(%arg0: i32, %arg1: memref<25xi32, #tpu.memory_space<smem>>) -> (i32, i32, i32) {
    %get3A = arith.index_cast %arg0 : i32 to index
    %get3A_0 = memref.load %arg1[%get3A] : memref<25xi32, #tpu.memory_space<smem>>
    %c0_i32 = arith.constant 0 : i32
    %c0_i32_1 = arith.constant 0 : i32
    %c0_i32_2 = arith.constant 0 : i32
    return %get3A_0, %c0_i32, %c0_i32_1 : i32, i32, i32
  }
  func.func @transform_3(%arg0: i32, %arg1: memref<25xi32, #tpu.memory_space<smem>>) -> (i32, i32) {
    %c0_i32 = arith.constant 0 : i32
    %c0_i32_0 = arith.constant 0 : i32
    return %arg0, %c0_i32 : i32, i32
  }
}

</mosaic_0001>

<sc_bundles>
// kernel: kernel.6.cloned.1.call-start
scs
__scs_entry_jumppad:
0x0: {  	(pc) =	sbr.rel $0x88, $3  }
0x1: {  	(tag) =	ssettag $0x0;
	lr =	simm.s32 $0x1  }
0x2: {  	[smem:$0x3F9D] =	sst lr;
	_ =	strace $0xD0000000  }
0x3: {  	_ = 	snop  }
0x4: {  	_ = 	snop  }
0x5: {  	_ = 	snop  }
0x6: {  	_ = 	snop  }
0x7: {  	_ = 	snop  }
__scs_overlays_trampoline_lowered:
0x8: {  	[smem:$0x3FAC] =	sst s0  }
0x9: {  	[smem:$0x3FAD] =	sst s1  }
0xa: {  	[smem:$0x3FAE] =	sst s2  }
0xb: {  	[smem:$0x3FAF] =	sst s3  }
0xc: {  	[smem:$0x3FB0] =	sst s4  }
0xd: {  	[smem:$0x3FB1] =	sst s5  }
0xe: {  	[smem:$0x3FB2] =	sst s6  }
0xf: {  	[smem:$0x3FB3] =	sst s7  }
0x10: {  	[smem:$0x3FB4] =	sst s8  }
0x11: {  	[smem:$0x3FB5] =	sst s9;
	s0 =	simm.s32 @!p0 $0x0  }
0x12: {  	s1 =	sld [smem:$0x3F9B];
	s0 =	simm.s32 @p0 $0x1  }
0x13: {  	[smem:$0x3FB6] =	sst s0;
	s0 =	simm.s32 @!p1 $0x0  }
0x14: {  	s2 =	sld [smem:$0x3F9A];
	s0 =	simm.s32 @p1 $0x1  }
0x15: {  	[smem:$0x3FB7] =	sst s0;
	s0 =	simm.s32 @!p2 $0x0  }
0x16: {  	s3 =	sld [smem:$0x3FDB];
	s0 =	simm.s32 @p2 $0x1  }
0x17: {  	s4 =	simm.s32 $0x1BF5;
	[smem:$0x3FB9] =	sst s0  }
0x18: {  	s0 =	sld [smem:$0x3F9C];
	_ =	swait.ge [sflag:s4], $0x0  }
0x19: {  	s7 =	sld [smem:$0x3F9D]  }
0x1a: {  	s8 =	sadd.s32 $0xFFFFE003, lr  }
0x1b: {  	s9 =	sadd.s32 $0xFFFFFEF7, lr;
	s5 =	simm.s32 $0xFFFFFFFF;
	p2 =	slt.u32 s8, $0xFFFFF086  }
0x1c: {  	p1 =	slt.u32 s9, $0xF7A;
	s5 =	simm.s32 @!p2 $0x0  }
0x1d: {  	s5 =	simm.s32 @p1 $0x1;
	p0 =	seq.s32 s7, s2  }
0x1e: {  	s7 =	smul.u32 @!p0 $0xF7A, s2;
	p2 =	seq.s32 @!p0 s5, $0x0  }
0x1f: {  	s9 =	smul.u32 $0xF7A, s1;
	s8 =	simm.s32 @!p0 $0x1BF5;
	p2 =	por !p2, p0  }
0x20: {  	[sflag:s8] =	ssyncset.s32 @!p0 $0xFFFFF086;
	s6 =	sadd.s32 @!p0 s3, s7;
	s7 =	simm.s32 @!p0 $0x108  }
0x21: {  	s3 =	sadd.s32 s3, s9;
	s6 =	sadd.s32 @!p0 $0x88, s6;
	s7 =	simm.s32 @p2 $0x1082  }
0x22: {  	[simem:s7], [sflag:s8] =	dma.local @!p0 [hbm:s6], $0xF7A  }
0x23: {  	s9 =	sor.u32 $0xD0000000, s2;
	s6 =	simm.s32 $0x108;
	_ =	swait.ge @!p0 [sflag:s8], $0x0  }
0x24: {  	s3 =	sadd.s32 $0x88, s3;
	s6 =	simm.s32 @!p1 $0x1082;
	[sflag:s4] =	ssyncset.s32 $0xFFFFF086  }
0x25: {  	[simem:s6], [sflag:s4] =	dma.local [hbm:s3], $0xF7A  }
0x26: {  	[smem:$0x3F9D] =	sst s1;
	(tag) =	ssettag s2;
	_ =	strace s9  }
0x27: {  	s1 =	sld [smem:$0x3FAD]  }
0x28: {  	s2 =	sld [smem:$0x3FAE]  }
0x29: {  	s4 =	sld [smem:$0x3FB0]  }
0x2a: {  	p0 =	seq.s32 s5, $0x0;
	s5 =	sld [smem:$0x3FB1]  }
0x2b: {  	s6 =	sld [smem:$0x3FB2]  }
0x2c: {  	s7 =	sld [smem:$0x3FB3]  }
0x2d: {  	s3 =	simm.s32 $0x108;
	s8 =	sld [smem:$0x3FB4]  }
0x2e: {  	s3 =	simm.s32 @!p0 $0x1082;
	s9 =	sld [smem:$0x3FB5]  }
0x2f: {  	lr =	sadd.s32 s0, s3;
	s0 =	sld [smem:$0x3FAC]  }
0x30: {  	s3 =	sld [smem:$0x3FAF]  }
0x31: {  	[smem:$0x3FB8] =	sst s10  }
0x32: {  	s10 =	sld [smem:$0x3FB6];
	_ =	sdelay $0x3  }
0x33: {  	p0 =	seq.s32 s10, $0x1;
	s10 =	sld [smem:$0x3FB8];
	_ =	sdelay $0x3  }
0x34: {  	[smem:$0x3FB8] =	sst s10  }
0x35: {  	s10 =	sld [smem:$0x3FB7];
	_ =	sdelay $0x3  }
0x36: {  	p1 =	seq.s32 s10, $0x1;
	s10 =	sld [smem:$0x3FB8];
	_ =	sdelay $0x3  }
0x37: {  	[smem:$0x3FB8] =	sst s10  }
0x38: {  	s10 =	sld [smem:$0x3FB9]  }
0x39: {  	_ = 	snop;
	(pc) =	sbr.ind lr, $3  }
0x3a: {  	_ = 	snop  }
0x3b: {  	_ = 	snop  }
0x3c: {  	p2 =	seq.s32 s10, $0x1;
	s10 =	sld [smem:$0x3FB8]  }
0x3d: {  	_ =	shalt  }
0x3e: {  	_ =	shalt  }
0x3f: {  	_ =	shalt  }
0x40: {  	_ =	shalt  }
0x41: {  	_ =	shalt  }
0x42: {  	_ =	shalt  }
0x43: {  	_ =	shalt  }
0x44: {  	_ =	shalt  }
0x45: {  	_ =	shalt  }
0x46: {  	_ =	shalt  }
0x47: {  	_ =	shalt  }
0x48: {  	_ =	shalt  }
0x49: {  	_ =	shalt  }
0x4a: {  	_ =	shalt  }
0x4b: {  	_ =	shalt  }
0x4c: {  	_ =	shalt  }
0x4d: {  	_ =	shalt  }
0x4e: {  	_ =	shalt  }
0x4f: {  	_ =	shalt  }
0x50: {  	_ =	shalt  }
0x51: {  	_ =	shalt  }
0x52: {  	_ =	shalt  }
0x53: {  	_ =	shalt  }
0x54: {  	_ =	shalt  }
0x55: {  	_ =	shalt  }
0x56: {  	_ =	shalt  }
0x57: {  	_ =	shalt  }
0x58: {  	_ =	shalt  }
0x59: {  	_ =	shalt  }
0x5a: {  	_ =	shalt  }
0x5b: {  	_ =	shalt  }
0x5c: {  	_ =	shalt  }
0x5d: {  	_ =	shalt  }
0x5e: {  	_ =	shalt  }
0x5f: {  	_ =	shalt  }
0x60: {  	_ =	shalt  }
0x61: {  	_ =	shalt  }
0x62: {  	_ =	shalt  }
0x63: {  	_ =	shalt  }
0x64: {  	_ =	shalt  }
0x65: {  	_ =	shalt  }
0x66: {  	_ =	shalt  }
0x67: {  	_ =	shalt  }
0x68: {  	_ =	shalt  }
0x69: {  	_ =	shalt  }
0x6a: {  	_ =	shalt  }
0x6b: {  	_ =	shalt  }
0x6c: {  	_ =	shalt  }
0x6d: {  	_ =	shalt  }
0x6e: {  	_ =	shalt  }
0x6f: {  	_ =	shalt  }
0x70: {  	_ =	shalt  }
0x71: {  	_ =	shalt  }
0x72: {  	_ =	shalt  }
0x73: {  	_ =	shalt  }
0x74: {  	_ =	shalt  }
0x75: {  	_ =	shalt  }
0x76: {  	_ =	shalt  }
0x77: {  	_ =	shalt  }
0x78: {  	_ =	shalt  }
0x79: {  	_ =	shalt  }
0x7a: {  	_ =	shalt  }
0x7b: {  	_ =	shalt  }
0x7c: {  	_ =	shalt  }
0x7d: {  	_ =	shalt  }
0x7e: {  	_ =	shalt  }
0x7f: {  	_ =	shalt  }
0x80: {  	_ =	shalt  }
0x81: {  	_ =	shalt  }
0x82: {  	_ =	shalt  }
0x83: {  	_ =	shalt  }
0x84: {  	_ =	shalt  }
0x85: {  	_ =	shalt  }
0x86: {  	_ =	shalt  }
0x87: {  	_ =	shalt  }
.Lfunc_end0:
.L_simem_size_0:
called_computation_lowered:
.L_overlay_start_0:
0x88: {  	s2 =	sld [smem:$0x3FD9]  }
0x89: {  	s3 =	sld [smem:$0x3FFE];
	_ =	sdelay $0x1  }
0x8a: {  	s1 =	srdreg.scid  }
0x8b: {  	s0 =	sand.u32 $0x1, s1  }
0x8c: {  	s16 =	sshll.u32 s0, $0xA;
	s2 =	sadd.s32 s3, s2  }
0x8d: {  	s2 =	sadd.s32 s2, s16  }
0x8e: {  	[smem:$0x3FC4] =	sst s2  }
0x8f: {  	_ = 	snop  }
0x90: {  	(tm) =	ssettm $0x1  }
0x91: {  	s17 =	sld [smem:$0x3FFB];
	_ =	sdelay $0x3  }
0x92: {  	_ =	strace s17  }
0x93: {  	s2 =	sld [smem:$0x3FFC];
	_ =	sdelay $0x3  }
0x94: {  	_ =	strace s2  }
0x95: {  	s2 =	sld [smem:$0x3FFD];
	_ =	sdelay $0x3  }
0x96: {  	_ =	strace s2  }
0x97: {  	_ =	strace $0x8FFFFFFF  }
0x98: {  	s18 =	sld [smem:$0x3FDB];
	_ =	sdelay $0x1  }
0x99: {  	s19 =	simm.s32 $_scs_section_size  }
0x9a: {  	s4 =	simm.s32 $_size__tile_overlayer_lowered;
	s5 =	simm.s32 $_tile_overlayer_lowered  }
0x9b: {  	s22 =	simm.s32 $0x1BFF;
	s21 =	sshll.u32 s5, $0x1;
	s2 =	sadd.s32 s19, s18  }
0x9c: {  	s6 =	simm.s32 $0x0;
	s20 =	sshll.u32 s4, $0x1;
	s4 =	sadd.s32 s21, s2  }
0x9d: {  	[timem:s6], [sflag:s22] =	dma.local [hbm:s4], s20  }
0x9e: {  	_ =	swait.ge [sflag:s22], s20  }
0x9f: {  	s3 =	ssub.s32 $0x0, s20;
	[sflag:s22] =	ssyncset.done $0x0  }
0xa0: {  	[sflag:s22] =	ssyncadd.s32 s3;
	_ =	sdelay $0x1  }
0xa1: {  	s23 =	simm.s32 $0x1B8B  }
0xa2: {  	_ =	swait.ge [sflag:s23], $0x1  }
0xa3: {  	[sflag:s23] =	ssyncset.done $0x0  }
0xa4: {  	s25 =	simm.s32 $0x1B8E;
	s24 =	sld [smem:$0x3FFE];
	[sflag:s23] =	ssyncadd.s32 $0xFFFFFFFF  }
0xa5: {  	s26 =	simm.s32 $execute0_lowered;
	[smem:$0x3FD2] =	sst s25  }
0xa6: {  	s4 =	sshll.u32 s26, $0x1;
	_ =	strace $0x80000046;
	[dreg:$0x1] =	wrdreg $0xFFFFFFFF  }
0xa7: {  	s28 =	simm.s32 $_size_execute0_lowered;
	s2 =	sadd.s32 s2, s4;
	[dreg:$0x0] =	wrdreg $0x0  }
0xa8: {  	s4 =	sshll.u32 s28, $0x1;
	[dreg:$0x2] =	wrdreg s2  }
0xa9: {  	[dreg:$0x3] =	wrdreg s4  }
0xaa: {  	[dreg:$0x4] =	wrdreg $0xC0  }
0xab: {  	_ =	task [dreg:s6], $0x5FFFF  }
0xac: {  	[dreg:$0x1] =	wrdreg $0xFFFFFFFF  }
0xad: {  	[dreg:$0x0] =	wrdreg $0x60  }
0xae: {  	[dreg:$0x2] =	wrdreg s24  }
0xaf: {  	[dreg:$0x3] =	wrdreg $0x9  }
0xb0: {  	_ =	task.clear_ibuf [dreg:s6], $0x4FFFF;
	_ =	strace $0x90000046  }
0xb1: {  	s29 =	simm.s32 $0x9;
	_ =	strace $0x80000048  }
0xb2: {  	_ =	swait.ge [sflag:s29], $0x1  }
0xb3: {  	[sflag:s29] =	ssyncadd.s32 $0xFFFFFFFF  }
0xb4: {  	_ =	strace $0x90000048  }
0xb5: {  	_ =	sfence  }
0xb6: {  	s30 =	sld [smem:$0x0];
	_ =	sdelay $0x2  }
0xb7: {  	s31 =	sshll.u32 s1, $0xD;
	s1 =	sshrl.u32 s1, $0x2  }
0xb8: {  	s3 =	sand.u32 $0x4000, s31;
	s1 =	sadd.s32 s1, s30  }
0xb9: {  	s0 =	sor.u32 s3, s0;
	s1 =	sshll.u32 s1, $0x11  }
0xba: {  	s0 =	sor.u32 s1, s0  }
0xbb: {  	s0 =	sadd.s32 $0x8F2B, s0  }
0xbc: {  	[sflag:s0] =	ssyncadd.remote.s32 $0x1  }
0xbd: {  	_ =	sfence.sel $0xFFFF  }
0xbe: {  	[dreg:$0x0] =	wrdreg $0xFFFFFFFF;
	(pc) =	sbr.abs _section_cstart, $3  }
0xbf: {  	[dreg:$0x1] =	wrdreg $0xFFFFFFFF  }
0xc0: {  	_ =	task.clear_ibuf [dreg:s6], $0x2FFFF;
	_ =	strace $0x9FFFFFFF  }
0xc1: {  	(tm) =	ssettm $0x7FFFFFFF  }
tec
execute0_lowered:
.L_overlay_start_1:
0x0: {  	(tag) =	ssettag $0x1  }
0x1: {  	s0 =	rddreg [dreg:$0x0]  }
0x2: {  	s1 =	srdreg.scid;
	s4 =	stileid.u32  }
0x3: {  	s26 =	simm.s32 $0x200;
	s12 =	simm.s32 $0x4C00;
	s13 =	simm.s32 $0x9400  }
0x4: {  	s29 =	simm.s32 $0x1400;
	s30 =	simm.s32 $0x1C00;
	s31 =	simm.s32 $0x2400  }
0x5: {  	s15 =	simm.s32 $0x3800;
	s16 =	simm.s32 $0x2;
	s28 =	simm.s32 $0x6C00  }
0x6: {  	s1 =	sand.u32 $0x1, s1;
	s2 =	sshll.u32 s4, $0x1;
	s4 =	sshll.u32 s4, $0x7  }
0x7: {  	s3 =	sor.u32 s1, s2;
	s5 =	sshll.u32 s1, $0x6;
	s2 =	simm.s32 $0x0  }
0x8: {  	s1 =	ssub.s32 $0x2, s1;
	s3 =	smul.u32 $0x12000, s3;
	s4 =	sor.u32 s5, s4  }
0x9: {  	[smem:$0x7FF] =	sst s2;
	s22 =	sshrl.u32 s1, $0x1;
	s5 =	sadd.s32 $0x92200, s0  }
0xa: {  	s4 =	sadd.s32 s4, s0;
	_ =	strace $0x80000047;
	s1 =	ssub.s32 s1, s22  }
0xb: {  	[dreg:$0xc] =	wrdreg s26;
	s3 =	sshrl.u32 s3, $0x3;
	s17 =	sadd.s32 $0x91000, s4  }
0xc: {  	s18 =	sadd.s32 $0x91800, s4;
	s7 =	sadd.s32 s3, s0;
	[dreg:$0x2] =	wrdreg s17  }
0xd: {  	s22 =	simm.s32 $0x8000;
	[dreg:$0x3] =	wrdreg s18;
	s19 =	sadd.s32 $0x1000, s7  }
0xe: {  	s4 =	sadd.s32 $0x92100, s0;
	s20 =	sadd.s32 $0x1900, s7;
	[dreg:$0x4] =	wrdreg s19  }
0xf: {  	s14 =	smax.u32 s1, $0x1;
	s21 =	sadd.s32 $0x2200, s7;
	[dreg:$0x5] =	wrdreg s20  }
0x10: {  	s3 =	sadd.s32 $0x92000, s0;
	s23 =	sadd.s32 $0x2B00, s7;
	[dreg:$0x6] =	wrdreg s21  }
0x11: {  	s17 =	simm.s32 $0x4000;
	s24 =	sadd.s32 $0x49000, s7;
	[dreg:$0x7] =	wrdreg s23  }
0x12: {  	s18 =	simm.s32 $0x4800;
	s6 =	sadd.s32 $0x49900, s7;
	[dreg:$0x8] =	wrdreg s24  }
0x13: {  	s8 =	sadd.s32 $0x4A200, s7;
	s25 =	sadd.s32 $0x4AB00, s7;
	[dreg:$0x9] =	wrdreg s6  }
0x14: {  	v2 =	vlaneseq.u32;
	s7 =	sadd.s32 $0x92400, s0;
	s6 =	sadd.s32 $0x92300, s0;
	[dreg:$0xa] =	wrdreg s8  }
0x15: {  	vm0 =	vmmov $0xffff;
	vm1 =	vmmov $0xff;
	v1 =	vshrl.u32 v2, $0x3;
	[dreg:$0xb] =	wrdreg s25;
	s24 =	simm.s32 $0x1;
	s19 =	simm.s32 $0x5400  }
0x16: {  	v0 =	vand.u32 $0x7, v2;
	v2 =	vor.u32 $0x8, v2;
	v1 =	vmul.u32 $0x8, v1;
	s20 =	simm.s32 $0x7000;
	s21 =	simm.s32 $0x7800;
	s23 =	simm.s32 $0x8800  }
.LBB2_1:
0x17: {  	s25 =	rddreg [dreg:$0x2];
	s0 =	simm.s32 $0x9  }
0x18: {  	[tilespmem:s2], [sflag:$0x9] =	stream.linear.gather [hbm4b:s25+s2], $0x200, $0x38;
	[tilespmem:$0x12400] =	vst v63  }
0x19: {  	_ =	swait.ge [sflag:s0], $0x200  }
0x1a: {  	s11 =	rddreg [dreg:$0x3];
	[sflag:s0] =	ssyncset.done $0x0  }
0x1b: {  	s26 =	rddreg [dreg:$0xc];
	[sflag:s0] =	ssyncadd.s32 $0xFFFFFE00  }
0x1c: {  	[tilespmem:s26], [sflag:$0x9] =	stream.linear.gather [hbm4b:s11+s2], $0x200, $0x38;
	[tilespmem:$0x12400] =	vst v63  }
0x1d: {  	_ =	swait.ge [sflag:s0], $0x200  }
0x1e: {  	[sflag:s0] =	ssyncset.done $0x0  }
0x1f: {  	s11 =	simm.s32 $0x400;
	s1 =	rddreg [dreg:$0x4];
	[sflag:s0] =	ssyncadd.s32 $0xFFFFFE00  }
0x20: {  	[tilespmem:s11], [sflag:$0x1] =	stream.linear.gather [hbm4b:s1+s2], $0x4800, $0x38;
	[tilespmem:$0x12400] =	vst v63  }
0x21: {  	s8 =	rddreg [dreg:$0x5]  }
0x22: {  	[tilespmem:s12], [sflag:$0x2] =	stream.linear.gather [hbm4b:s8+s2], $0x4800, $0x38;
	[tilespmem:$0x12400] =	vst v63  }
0x23: {  	s9 =	rddreg [dreg:$0x6]  }
0x24: {  	[tilespmem:s13], [sflag:$0x3] =	stream.linear.gather [hbm4b:s9+s2], $0x4800, $0x38;
	[tilespmem:$0x12400] =	vst v63  }
0x25: {  	s25 =	simm.s32 $0xDC00;
	s10 =	rddreg [dreg:$0x7]  }
0x26: {  	[tilespmem:s25], [sflag:$0x4] =	stream.linear.gather [hbm4b:s10+s2], $0x4800, $0x38;
	[tilespmem:$0x12400] =	vst v63  }
0x27: {  	_ =	swait.ge [sflag:s24], $0x4800  }
0x28: {  	[sflag:s24] =	ssyncset.done $0x0  }
0x29: {  	[sflag:s24] =	ssyncadd.s32 $0xFFFFB800  }
0x2a: {  	v3 =	vld [tilespmem:$0x0];
	_ =	sdelay $0x4  }
0x2b: {  	v4 =	vshrl.u32 v3, $0x3  }
0x2c: {  	v4 =	vmul.u32 $0x48, v4  }
0x2d: {  	v3 =	vand.u32 $0x7, v3  }
0x2e: {  	v3 =	vor.u32 v3, v4  }
0x2f: {  	v4 =	vperm.xlane v3, v0;
	_ =	sdelay $0x1  }
0x30: {  	v4 =	vadd.s32 v1, v4;
	_ =	sdelay $0x4  }
0x31: {  	[hbm4b:s3+s2] =	stream.indirect_vreg.scatter [tilespmem:s11], [sflag:$0x5], $0x80, v4, vm0, $0xb8;
	[tilespmem:$0x12400] =	vst v63  }
0x32: {  	s26 =	simm.s32 $0xC00  }
0x33: {  	[hbm4b:s4+s2] =	stream.indirect_vreg.scatter [tilespmem:s26], [sflag:$0x5], $0x80, v4, vm0, $0xb8;
	[tilespmem:$0x12400] =	vst v63  }
0x34: {  	v3 =	vperm.xlane v3, v2  }
0x35: {  	[hbm4b:s5+s2] =	stream.indirect_vreg.scatter [tilespmem:s29], [sflag:$0x5], $0x80, v4, vm0, $0xb8;
	[tilespmem:$0x12400] =	vst v63  }
0x36: {  	v3 =	vadd.s32 v1, v3  }
0x37: {  	[hbm4b:s6+s2] =	stream.indirect_vreg.scatter [tilespmem:s30], [sflag:$0x5], $0x80, v4, vm0, $0xb8;
	[tilespmem:$0x12400] =	vst v63  }
0x38: {  	_ = 	snop  }
0x39: {  	[hbm4b:s7+s2] =	stream.indirect_vreg.scatter [tilespmem:s31], [sflag:$0x5], $0x80, v4, vm1, $0xb8;
	[tilespmem:$0x12400] =	vst v63  }
0x3a: {  	s9 =	simm.s32 $0x2800  }
0x3b: {  	[hbm4b:s3+s2] =	stream.indirect_vreg.scatter [tilespmem:s9], [sflag:$0x5], $0x80, v3, vm0, $0xb8;
	[tilespmem:$0x12400] =	vst v63  }
0x3c: {  	s10 =	simm.s32 $0x3000  }
0x3d: {  	[hbm4b:s4+s2] =	stream.indirect_vreg.scatter [tilespmem:s10], [sflag:$0x5], $0x80, v3, vm0, $0xb8;
	[tilespmem:$0x12400] =	vst v63  }
0x3e: {  	_ = 	snop  }
0x3f: {  	[hbm4b:s5+s2] =	stream.indirect_vreg.scatter [tilespmem:s15], [sflag:$0x5], $0x80, v3, vm0, $0xb8;
	[tilespmem:$0x12400] =	vst v63  }
0x40: {  	_ = 	snop  }
0x41: {  	[hbm4b:s6+s2] =	stream.indirect_vreg.scatter [tilespmem:s17], [sflag:$0x5], $0x80, v3, vm0, $0xb8;
	[tilespmem:$0x12400] =	vst v63  }
0x42: {  	_ = 	snop  }
0x43: {  	[hbm4b:s7+s2] =	stream.indirect_vreg.scatter [tilespmem:s18], [sflag:$0x5], $0x80, v3, vm1, $0xb8;
	[tilespmem:$0x12400] =	vst v63  }
0x44: {  	_ =	swait.ge [sflag:s16], $0x4800  }
0x45: {  	[sflag:s16] =	ssyncset.done $0x0  }
0x46: {  	[sflag:s16] =	ssyncadd.s32 $0xFFFFB800  }
0x47: {  	v3 =	vld [tilespmem:$0x80];
	_ =	sdelay $0x4  }
0x48: {  	v57 =	vshrl.u32 v3, $0x3  }
0x49: {  	v4 =	vmul.u32 $0x48, v57  }
0x4a: {  	v3 =	vand.u32 $0x7, v3  }
0x4b: {  	v3 =	vor.u32 v3, v4  }
0x4c: {  	v4 =	vperm.xlane v3, v0;
	_ =	sdelay $0x1  }
0x4d: {  	v4 =	vadd.s32 v1, v4;
	_ =	sdelay $0x4  }
0x4e: {  	[hbm4b:s3+s2] =	stream.indirect_vreg.scatter [tilespmem:s12], [sflag:$0x6], $0x80, v4, vm0, $0xb8;
	[tilespmem:$0x12400] =	vst v63  }
0x4f: {  	_ = 	snop  }
0x50: {  	[hbm4b:s4+s2] =	stream.indirect_vreg.scatter [tilespmem:s19], [sflag:$0x6], $0x80, v4, vm0, $0xb8;
	[tilespmem:$0x12400] =	vst v63  }
0x51: {  	s1 =	simm.s32 $0x5C00;
	v3 =	vperm.xlane v3, v2  }
0x52: {  	[hbm4b:s5+s2] =	stream.indirect_vreg.scatter [tilespmem:s1], [sflag:$0x6], $0x80, v4, vm0, $0xb8;
	[tilespmem:$0x12400] =	vst v63  }
0x53: {  	s25 =	simm.s32 $0x6400;
	v3 =	vadd.s32 v1, v3  }
0x54: {  	[hbm4b:s6+s2] =	stream.indirect_vreg.scatter [tilespmem:s25], [sflag:$0x6], $0x80, v4, vm0, $0xb8;
	[tilespmem:$0x12400] =	vst v63  }
0x55: {  	_ = 	snop  }
0x56: {  	[hbm4b:s7+s2] =	stream.indirect_vreg.scatter [tilespmem:s28], [sflag:$0x6], $0x80, v4, vm1, $0xb8;
	[tilespmem:$0x12400] =	vst v63  }
0x57: {  	_ = 	snop  }
0x58: {  	[hbm4b:s3+s2] =	stream.indirect_vreg.scatter [tilespmem:s20], [sflag:$0x6], $0x80, v3, vm0, $0xb8;
	[tilespmem:$0x12400] =	vst v63  }
0x59: {  	_ = 	snop  }
0x5a: {  	[hbm4b:s4+s2] =	stream.indirect_vreg.scatter [tilespmem:s21], [sflag:$0x6], $0x80, v3, vm0, $0xb8;
	[tilespmem:$0x12400] =	vst v63  }
0x5b: {  	_ = 	snop  }
0x5c: {  	[hbm4b:s5+s2] =	stream.indirect_vreg.scatter [tilespmem:s22], [sflag:$0x6], $0x80, v3, vm0, $0xb8;
	[tilespmem:$0x12400] =	vst v63  }
0x5d: {  	_ = 	snop  }
0x5e: {  	[hbm4b:s6+s2] =	stream.indirect_vreg.scatter [tilespmem:s23], [sflag:$0x6], $0x80, v3, vm0, $0xb8;
	[tilespmem:$0x12400] =	vst v63  }
0x5f: {  	s0 =	simm.s32 $0x3;
	s1 =	simm.s32 $0x9000  }
0x60: {  	[hbm4b:s7+s2] =	stream.indirect_vreg.scatter [tilespmem:s1], [sflag:$0x6], $0x80, v3, vm1, $0xb8;
	[tilespmem:$0x12400] =	vst v63  }
0x61: {  	_ =	swait.ge [sflag:s0], $0x4800  }
0x62: {  	[sflag:s0] =	ssyncset.done $0x0  }
0x63: {  	[sflag:s0] =	ssyncadd.s32 $0xFFFFB800  }
0x64: {  	v3 =	vld [tilespmem:$0x100];
	_ =	sdelay $0x4  }
0x65: {  	v58 =	vshrl.u32 v3, $0x3  }
0x66: {  	v4 =	vmul.u32 $0x48, v58  }
0x67: {  	v3 =	vand.u32 $0x7, v3  }
0x68: {  	v3 =	vor.u32 v3, v4  }
0x69: {  	v4 =	vperm.xlane v3, v0;
	_ =	sdelay $0x1  }
0x6a: {  	v4 =	vadd.s32 v1, v4;
	_ =	sdelay $0x4  }
0x6b: {  	[hbm4b:s3+s2] =	stream.indirect_vreg.scatter [tilespmem:s13], [sflag:$0x7], $0x80, v4, vm0, $0xb8;
	[tilespmem:$0x12400] =	vst v63  }
0x6c: {  	s1 =	simm.s32 $0x9C00  }
0x6d: {  	[hbm4b:s4+s2] =	stream.indirect_vreg.scatter [tilespmem:s1], [sflag:$0x7], $0x80, v4, vm0, $0xb8;
	[tilespmem:$0x12400] =	vst v63  }
0x6e: {  	s25 =	simm.s32 $0xA400;
	v3 =	vperm.xlane v3, v2  }
0x6f: {  	[hbm4b:s5+s2] =	stream.indirect_vreg.scatter [tilespmem:s25], [sflag:$0x7], $0x80, v4, vm0, $0xb8;
	[tilespmem:$0x12400] =	vst v63  }
0x70: {  	v3 =	vadd.s32 v1, v3;
	s25 =	simm.s32 $0xAC00  }
0x71: {  	[hbm4b:s6+s2] =	stream.indirect_vreg.scatter [tilespmem:s25], [sflag:$0x7], $0x80, v4, vm0, $0xb8;
	[tilespmem:$0x12400] =	vst v63  }
0x72: {  	s25 =	simm.s32 $0xB400  }
0x73: {  	[hbm4b:s7+s2] =	stream.indirect_vreg.scatter [tilespmem:s25], [sflag:$0x7], $0x80, v4, vm1, $0xb8;
	[tilespmem:$0x12400] =	vst v63  }
0x74: {  	s25 =	simm.s32 $0xB800  }
0x75: {  	[hbm4b:s3+s2] =	stream.indirect_vreg.scatter [tilespmem:s25], [sflag:$0x7], $0x80, v3, vm0, $0xb8;
	[tilespmem:$0x12400] =	vst v63  }
0x76: {  	s25 =	simm.s32 $0xC000  }
0x77: {  	[hbm4b:s4+s2] =	stream.indirect_vreg.scatter [tilespmem:s25], [sflag:$0x7], $0x80, v3, vm0, $0xb8;
	[tilespmem:$0x12400] =	vst v63  }
0x78: {  	s25 =	simm.s32 $0xC800  }
0x79: {  	[hbm4b:s5+s2] =	stream.indirect_vreg.scatter [tilespmem:s25], [sflag:$0x7], $0x80, v3, vm0, $0xb8;
	[tilespmem:$0x12400] =	vst v63  }
0x7a: {  	s25 =	simm.s32 $0xD000  }
0x7b: {  	[hbm4b:s6+s2] =	stream.indirect_vreg.scatter [tilespmem:s25], [sflag:$0x7], $0x80, v3, vm0, $0xb8;
	[tilespmem:$0x12400] =	vst v63  }
0x7c: {  	s1 =	simm.s32 $0x4;
	s25 =	simm.s32 $0xD800  }
0x7d: {  	[hbm4b:s7+s2] =	stream.indirect_vreg.scatter [tilespmem:s25], [sflag:$0x7], $0x80, v3, vm1, $0xb8;
	[tilespmem:$0x12400] =	vst v63  }
0x7e: {  	_ =	swait.ge [sflag:s1], $0x4800  }
0x7f: {  	[sflag:s1] =	ssyncset.done $0x0  }
0x80: {  	[sflag:s1] =	ssyncadd.s32 $0xFFFFB800  }
0x81: {  	v3 =	vld [tilespmem:$0x180];
	_ =	sdelay $0x4  }
0x82: {  	v59 =	vshrl.u32 v3, $0x3  }
0x83: {  	v4 =	vmul.u32 $0x48, v59  }
0x84: {  	v3 =	vand.u32 $0x7, v3  }
0x85: {  	v3 =	vor.u32 v3, v4  }
0x86: {  	v4 =	vperm.xlane v3, v0;
	_ =	sdelay $0x1  }
0x87: {  	v4 =	vadd.s32 v1, v4;
	_ =	sdelay $0x3  }
0x88: {  	s8 =	simm.s32 $0xDC00  }
0x89: {  	[hbm4b:s3+s2] =	stream.indirect_vreg.scatter [tilespmem:s8], [sflag:$0x8], $0x80, v4, vm0, $0xb8;
	[tilespmem:$0x12400] =	vst v63  }
0x8a: {  	s25 =	simm.s32 $0xE400  }
0x8b: {  	[hbm4b:s4+s2] =	stream.indirect_vreg.scatter [tilespmem:s25], [sflag:$0x8], $0x80, v4, vm0, $0xb8;
	[tilespmem:$0x12400] =	vst v63  }
0x8c: {  	v3 =	vperm.xlane v3, v2;
	s25 =	simm.s32 $0xEC00  }
0x8d: {  	[hbm4b:s5+s2] =	stream.indirect_vreg.scatter [tilespmem:s25], [sflag:$0x8], $0x80, v4, vm0, $0xb8;
	[tilespmem:$0x12400] =	vst v63  }
0x8e: {  	v3 =	vadd.s32 v1, v3;
	s25 =	simm.s32 $0xF400  }
0x8f: {  	[hbm4b:s6+s2] =	stream.indirect_vreg.scatter [tilespmem:s25], [sflag:$0x8], $0x80, v4, vm0, $0xb8;
	[tilespmem:$0x12400] =	vst v63  }
0x90: {  	s25 =	simm.s32 $0xFC00  }
0x91: {  	[hbm4b:s7+s2] =	stream.indirect_vreg.scatter [tilespmem:s25], [sflag:$0x8], $0x80, v4, vm1, $0xb8;
	[tilespmem:$0x12400] =	vst v63  }
0x92: {  	s25 =	simm.s32 $0x10000  }
0x93: {  	[hbm4b:s3+s2] =	stream.indirect_vreg.scatter [tilespmem:s25], [sflag:$0x8], $0x80, v3, vm0, $0xb8;
	[tilespmem:$0x12400] =	vst v63  }
0x94: {  	s25 =	simm.s32 $0x10800  }
0x95: {  	[hbm4b:s4+s2] =	stream.indirect_vreg.scatter [tilespmem:s25], [sflag:$0x8], $0x80, v3, vm0, $0xb8;
	[tilespmem:$0x12400] =	vst v63  }
0x96: {  	s25 =	simm.s32 $0x11000  }
0x97: {  	[hbm4b:s5+s2] =	stream.indirect_vreg.scatter [tilespmem:s25], [sflag:$0x8], $0x80, v3, vm0, $0xb8;
	[tilespmem:$0x12400] =	vst v63  }
0x98: {  	s25 =	simm.s32 $0x11800  }
0x99: {  	[hbm4b:s6+s2] =	stream.indirect_vreg.scatter [tilespmem:s25], [sflag:$0x8], $0x80, v3, vm0, $0xb8;
	[tilespmem:$0x12400] =	vst v63  }
0x9a: {  	s8 =	simm.s32 $0x5;
	s25 =	simm.s32 $0x12000  }
0x9b: {  	[hbm4b:s7+s2] =	stream.indirect_vreg.scatter [tilespmem:s25], [sflag:$0x8], $0x80, v3, vm1, $0xb8;
	[tilespmem:$0x12400] =	vst v63  }
0x9c: {  	_ =	swait.ge [sflag:s8], $0x4800  }
0x9d: {  	[sflag:s8] =	ssyncset.done $0x0  }
0x9e: {  	s25 =	rddreg [dreg:$0x8];
	[sflag:s8] =	ssyncadd.s32 $0xFFFFB800  }
0x9f: {  	[tilespmem:s11], [sflag:$0x1] =	stream.linear.gather [hbm4b:s25+s2], $0x4800, $0x38;
	[tilespmem:$0x12400] =	vst v63  }
0xa0: {  	_ =	swait.ge [sflag:s24], $0x4800  }
0xa1: {  	[sflag:s24] =	ssyncset.done $0x0  }
0xa2: {  	[sflag:s24] =	ssyncadd.s32 $0xFFFFB800  }
0xa3: {  	v3 =	vld [tilespmem:$0x200];
	_ =	sdelay $0x4  }
0xa4: {  	v60 =	vshrl.u32 v3, $0x3  }
0xa5: {  	v4 =	vmul.u32 $0x48, v60  }
0xa6: {  	v3 =	vand.u32 $0x7, v3  }
0xa7: {  	v3 =	vor.u32 v3, v4  }
0xa8: {  	v4 =	vperm.xlane v3, v0;
	_ =	sdelay $0x1  }
0xa9: {  	v4 =	vadd.s32 v1, v4;
	_ =	sdelay $0x4  }
0xaa: {  	[hbm4b:s3+s2] =	stream.indirect_vreg.scatter [tilespmem:s11], [sflag:$0x5], $0x80, v4, vm0, $0xb8;
	[tilespmem:$0x12400] =	vst v63  }
0xab: {  	_ = 	snop  }
0xac: {  	[hbm4b:s4+s2] =	stream.indirect_vreg.scatter [tilespmem:s26], [sflag:$0x5], $0x80, v4, vm0, $0xb8;
	[tilespmem:$0x12400] =	vst v63  }
0xad: {  	v3 =	vperm.xlane v3, v2  }
0xae: {  	[hbm4b:s5+s2] =	stream.indirect_vreg.scatter [tilespmem:s29], [sflag:$0x5], $0x80, v4, vm0, $0xb8;
	[tilespmem:$0x12400] =	vst v63  }
0xaf: {  	v3 =	vadd.s32 v1, v3  }
0xb0: {  	[hbm4b:s6+s2] =	stream.indirect_vreg.scatter [tilespmem:s30], [sflag:$0x5], $0x80, v4, vm0, $0xb8;
	[tilespmem:$0x12400] =	vst v63  }
0xb1: {  	_ = 	snop  }
0xb2: {  	[hbm4b:s7+s2] =	stream.indirect_vreg.scatter [tilespmem:s31], [sflag:$0x5], $0x80, v4, vm1, $0xb8;
	[tilespmem:$0x12400] =	vst v63  }
0xb3: {  	_ = 	snop  }
0xb4: {  	[hbm4b:s3+s2] =	stream.indirect_vreg.scatter [tilespmem:s9], [sflag:$0x5], $0x80, v3, vm0, $0xb8;
	[tilespmem:$0x12400] =	vst v63  }
0xb5: {  	_ = 	snop  }
0xb6: {  	[hbm4b:s4+s2] =	stream.indirect_vreg.scatter [tilespmem:s10], [sflag:$0x5], $0x80, v3, vm0, $0xb8;
	[tilespmem:$0x12400] =	vst v63  }
0xb7: {  	_ = 	snop  }
0xb8: {  	[hbm4b:s5+s2] =	stream.indirect_vreg.scatter [tilespmem:s15], [sflag:$0x5], $0x80, v3, vm0, $0xb8;
	[tilespmem:$0x12400] =	vst v63  }
0xb9: {  	_ = 	snop  }
0xba: {  	[hbm4b:s6+s2] =	stream.indirect_vreg.scatter [tilespmem:s17], [sflag:$0x5], $0x80, v3, vm0, $0xb8;
	[tilespmem:$0x12400] =	vst v63  }
0xbb: {  	s9 =	simm.s32 $0x6  }
0xbc: {  	[hbm4b:s7+s2] =	stream.indirect_vreg.scatter [tilespmem:s18], [sflag:$0x5], $0x80, v3, vm1, $0xb8;
	[tilespmem:$0x12400] =	vst v63  }
0xbd: {  	_ =	swait.ge [sflag:s9], $0x4800  }
0xbe: {  	[sflag:s9] =	ssyncset.done $0x0  }
0xbf: {  	s11 =	rddreg [dreg:$0x9];
	[sflag:s9] =	ssyncadd.s32 $0xFFFFB800  }
0xc0: {  	[tilespmem:s12], [sflag:$0x2] =	stream.linear.gather [hbm4b:s11+s2], $0x4800, $0x38;
	[tilespmem:$0x12400] =	vst v63  }
0xc1: {  	_ =	swait.ge [sflag:s16], $0x4800  }
0xc2: {  	[sflag:s16] =	ssyncset.done $0x0  }
0xc3: {  	[sflag:s16] =	ssyncadd.s32 $0xFFFFB800  }
0xc4: {  	v3 =	vld [tilespmem:$0x280];
	_ =	sdelay $0x4  }
0xc5: {  	v61 =	vshrl.u32 v3, $0x3  }
0xc6: {  	v4 =	vmul.u32 $0x48, v61  }
0xc7: {  	v3 =	vand.u32 $0x7, v3  }
0xc8: {  	v3 =	vor.u32 v3, v4  }
0xc9: {  	v4 =	vperm.xlane v3, v0;
	_ =	sdelay $0x1  }
0xca: {  	v4 =	vadd.s32 v1, v4;
	_ =	sdelay $0x4  }
0xcb: {  	[hbm4b:s3+s2] =	stream.indirect_vreg.scatter [tilespmem:s12], [sflag:$0x6], $0x80, v4, vm0, $0xb8;
	[tilespmem:$0x12400] =	vst v63  }
0xcc: {  	_ = 	snop  }
0xcd: {  	[hbm4b:s4+s2] =	stream.indirect_vreg.scatter [tilespmem:s19], [sflag:$0x6], $0x80, v4, vm0, $0xb8;
	[tilespmem:$0x12400] =	vst v63  }
0xce: {  	s26 =	simm.s32 $0x5C00;
	v3 =	vperm.xlane v3, v2  }
0xcf: {  	[hbm4b:s5+s2] =	stream.indirect_vreg.scatter [tilespmem:s26], [sflag:$0x6], $0x80, v4, vm0, $0xb8;
	[tilespmem:$0x12400] =	vst v63  }
0xd0: {  	s11 =	simm.s32 $0x6400;
	v3 =	vadd.s32 v1, v3  }
0xd1: {  	[hbm4b:s6+s2] =	stream.indirect_vreg.scatter [tilespmem:s11], [sflag:$0x6], $0x80, v4, vm0, $0xb8;
	[tilespmem:$0x12400] =	vst v63  }
0xd2: {  	_ = 	snop  }
0xd3: {  	[hbm4b:s7+s2] =	stream.indirect_vreg.scatter [tilespmem:s28], [sflag:$0x6], $0x80, v4, vm1, $0xb8;
	[tilespmem:$0x12400] =	vst v63  }
0xd4: {  	_ = 	snop  }
0xd5: {  	[hbm4b:s3+s2] =	stream.indirect_vreg.scatter [tilespmem:s20], [sflag:$0x6], $0x80, v3, vm0, $0xb8;
	[tilespmem:$0x12400] =	vst v63  }
0xd6: {  	_ = 	snop  }
0xd7: {  	[hbm4b:s4+s2] =	stream.indirect_vreg.scatter [tilespmem:s21], [sflag:$0x6], $0x80, v3, vm0, $0xb8;
	[tilespmem:$0x12400] =	vst v63  }
0xd8: {  	_ = 	snop  }
0xd9: {  	[hbm4b:s5+s2] =	stream.indirect_vreg.scatter [tilespmem:s22], [sflag:$0x6], $0x80, v3, vm0, $0xb8;
	[tilespmem:$0x12400] =	vst v63  }
0xda: {  	_ = 	snop  }
0xdb: {  	[hbm4b:s6+s2] =	stream.indirect_vreg.scatter [tilespmem:s23], [sflag:$0x6], $0x80, v3, vm0, $0xb8;
	[tilespmem:$0x12400] =	vst v63  }
0xdc: {  	s25 =	simm.s32 $0x9000;
	s10 =	simm.s32 $0x7  }
0xdd: {  	[hbm4b:s7+s2] =	stream.indirect_vreg.scatter [tilespmem:s25], [sflag:$0x6], $0x80, v3, vm1, $0xb8;
	[tilespmem:$0x12400] =	vst v63  }
0xde: {  	_ =	swait.ge [sflag:s10], $0x4800  }
0xdf: {  	[sflag:s10] =	ssyncset.done $0x0  }
0xe0: {  	s26 =	rddreg [dreg:$0xa];
	[sflag:s10] =	ssyncadd.s32 $0xFFFFB800  }
0xe1: {  	[tilespmem:s13], [sflag:$0x3] =	stream.linear.gather [hbm4b:s26+s2], $0x4800, $0x38;
	[tilespmem:$0x12400] =	vst v63  }
0xe2: {  	_ =	swait.ge [sflag:s0], $0x4800  }
0xe3: {  	[sflag:s0] =	ssyncset.done $0x0  }
0xe4: {  	[sflag:s0] =	ssyncadd.s32 $0xFFFFB800  }
0xe5: {  	v3 =	vld [tilespmem:$0x300];
	_ =	sdelay $0x4  }
0xe6: {  	v62 =	vshrl.u32 v3, $0x3  }
0xe7: {  	v4 =	vmul.u32 $0x48, v62  }
0xe8: {  	v3 =	vand.u32 $0x7, v3  }
0xe9: {  	v3 =	vor.u32 v3, v4  }
0xea: {  	v4 =	vperm.xlane v3, v0;
	_ =	sdelay $0x1  }
0xeb: {  	v4 =	vadd.s32 v1, v4;
	_ =	sdelay $0x4  }
0xec: {  	[hbm4b:s3+s2] =	stream.indirect_vreg.scatter [tilespmem:s13], [sflag:$0x7], $0x80, v4, vm0, $0xb8;
	[tilespmem:$0x12400] =	vst v63  }
0xed: {  	s11 =	simm.s32 $0x9C00  }
0xee: {  	[hbm4b:s4+s2] =	stream.indirect_vreg.scatter [tilespmem:s11], [sflag:$0x7], $0x80, v4, vm0, $0xb8;
	[tilespmem:$0x12400] =	vst v63  }
0xef: {  	s25 =	simm.s32 $0xA400;
	v3 =	vperm.xlane v3, v2  }
0xf0: {  	[hbm4b:s5+s2] =	stream.indirect_vreg.scatter [tilespmem:s25], [sflag:$0x7], $0x80, v4, vm0, $0xb8;
	[tilespmem:$0x12400] =	vst v63  }
0xf1: {  	s26 =	simm.s32 $0xAC00;
	v3 =	vadd.s32 v1, v3  }
0xf2: {  	[hbm4b:s6+s2] =	stream.indirect_vreg.scatter [tilespmem:s26], [sflag:$0x7], $0x80, v4, vm0, $0xb8;
	[tilespmem:$0x12400] =	vst v63  }
0xf3: {  	s11 =	simm.s32 $0xB400  }
0xf4: {  	[hbm4b:s7+s2] =	stream.indirect_vreg.scatter [tilespmem:s11], [sflag:$0x7], $0x80, v4, vm1, $0xb8;
	[tilespmem:$0x12400] =	vst v63  }
0xf5: {  	s25 =	simm.s32 $0xB800  }
0xf6: {  	[hbm4b:s3+s2] =	stream.indirect_vreg.scatter [tilespmem:s25], [sflag:$0x7], $0x80, v3, vm0, $0xb8;
	[tilespmem:$0x12400] =	vst v63  }
0xf7: {  	s26 =	simm.s32 $0xC000  }
0xf8: {  	[hbm4b:s4+s2] =	stream.indirect_vreg.scatter [tilespmem:s26], [sflag:$0x7], $0x80, v3, vm0, $0xb8;
	[tilespmem:$0x12400] =	vst v63  }
0xf9: {  	s11 =	simm.s32 $0xC800  }
0xfa: {  	[hbm4b:s5+s2] =	stream.indirect_vreg.scatter [tilespmem:s11], [sflag:$0x7], $0x80, v3, vm0, $0xb8;
	[tilespmem:$0x12400] =	vst v63  }
0xfb: {  	s25 =	simm.s32 $0xD000  }
0xfc: {  	[hbm4b:s6+s2] =	stream.indirect_vreg.scatter [tilespmem:s25], [sflag:$0x7], $0x80, v3, vm0, $0xb8;
	[tilespmem:$0x12400] =	vst v63  }
0xfd: {  	s0 =	simm.s32 $0x8;
	s26 =	simm.s32 $0xD800  }
0xfe: {  	[hbm4b:s7+s2] =	stream.indirect_vreg.scatter [tilespmem:s26], [sflag:$0x7], $0x80, v3, vm1, $0xb8;
	[tilespmem:$0x12400] =	vst v63  }
0xff: {  	_ =	swait.ge [sflag:s0], $0x4800  }
0x100: {  	[sflag:s0] =	ssyncset.done $0x0  }
0x101: {  	s26 =	simm.s32 $0xDC00;
	s11 =	rddreg [dreg:$0xb];
	[sflag:s0] =	ssyncadd.s32 $0xFFFFB800  }
0x102: {  	[tilespmem:s26], [sflag:$0x4] =	stream.linear.gather [hbm4b:s11+s2], $0x4800, $0x38;
	[tilespmem:$0x12400] =	vst v63  }
0x103: {  	_ =	swait.ge [sflag:s1], $0x4800  }
0x104: {  	[sflag:s1] =	ssyncset.done $0x0  }
0x105: {  	[sflag:s1] =	ssyncadd.s32 $0xFFFFB800  }
0x106: {  	v3 =	vld [tilespmem:$0x380];
	_ =	sdelay $0x4  }
0x107: {  	v63 =	vshrl.u32 v3, $0x3  }
0x108: {  	v4 =	vmul.u32 $0x48, v63  }
0x109: {  	v3 =	vand.u32 $0x7, v3  }
0x10a: {  	v3 =	vor.u32 v3, v4  }
0x10b: {  	v4 =	vperm.xlane v3, v0;
	_ =	sdelay $0x1  }
0x10c: {  	v4 =	vadd.s32 v1, v4;
	_ =	sdelay $0x4  }
0x10d: {  	[hbm4b:s3+s2] =	stream.indirect_vreg.scatter [tilespmem:s26], [sflag:$0x8], $0x80, v4, vm0, $0xb8;
	[tilespmem:$0x12400] =	vst v63  }
0x10e: {  	s11 =	simm.s32 $0xE400  }
0x10f: {  	[hbm4b:s4+s2] =	stream.indirect_vreg.scatter [tilespmem:s11], [sflag:$0x8], $0x80, v4, vm0, $0xb8;
	[tilespmem:$0x12400] =	vst v63  }
0x110: {  	s25 =	simm.s32 $0xEC00;
	v3 =	vperm.xlane v3, v2  }
0x111: {  	[hbm4b:s5+s2] =	stream.indirect_vreg.scatter [tilespmem:s25], [sflag:$0x8], $0x80, v4, vm0, $0xb8;
	[tilespmem:$0x12400] =	vst v63  }
0x112: {  	v3 =	vadd.s32 v1, v3;
	s26 =	simm.s32 $0xF400  }
0x113: {  	[hbm4b:s6+s2] =	stream.indirect_vreg.scatter [tilespmem:s26], [sflag:$0x8], $0x80, v4, vm0, $0xb8;
	[tilespmem:$0x12400] =	vst v63  }
0x114: {  	s11 =	simm.s32 $0xFC00  }
0x115: {  	[hbm4b:s7+s2] =	stream.indirect_vreg.scatter [tilespmem:s11], [sflag:$0x8], $0x80, v4, vm1, $0xb8;
	[tilespmem:$0x12400] =	vst v63  }
0x116: {  	s25 =	simm.s32 $0x10000  }
0x117: {  	[hbm4b:s3+s2] =	stream.indirect_vreg.scatter [tilespmem:s25], [sflag:$0x8], $0x80, v3, vm0, $0xb8;
	[tilespmem:$0x12400] =	vst v63  }
0x118: {  	s26 =	simm.s32 $0x10800  }
0x119: {  	[hbm4b:s4+s2] =	stream.indirect_vreg.scatter [tilespmem:s26], [sflag:$0x8], $0x80, v3, vm0, $0xb8;
	[tilespmem:$0x12400] =	vst v63  }
0x11a: {  	s11 =	simm.s32 $0x11000  }
0x11b: {  	[hbm4b:s5+s2] =	stream.indirect_vreg.scatter [tilespmem:s11], [sflag:$0x8], $0x80, v3, vm0, $0xb8;
	[tilespmem:$0x12400] =	vst v63  }
0x11c: {  	s25 =	simm.s32 $0x11800  }
0x11d: {  	[hbm4b:s6+s2] =	stream.indirect_vreg.scatter [tilespmem:s25], [sflag:$0x8], $0x80, v3, vm0, $0xb8;
	[tilespmem:$0x12400] =	vst v63  }
0x11e: {  	s26 =	simm.s32 $0x12000  }
0x11f: {  	[hbm4b:s7+s2] =	stream.indirect_vreg.scatter [tilespmem:s26], [sflag:$0x8], $0x80, v3, vm1, $0xb8;
	[tilespmem:$0x12400] =	vst v63  }
0x120: {  	_ =	swait.ge [sflag:s8], $0x4800  }
0x121: {  	[sflag:s8] =	ssyncset.done $0x0  }
0x122: {  	[sflag:s8] =	ssyncadd.s32 $0xFFFFB800  }
0x123: {  	_ =	swait.ge [sflag:s9], $0x4800  }
0x124: {  	[sflag:s9] =	ssyncset.done $0x0  }
0x125: {  	[sflag:s9] =	ssyncadd.s32 $0xFFFFB800  }
0x126: {  	p0 =	sne.s32 s14, $0x1;
	_ =	swait.ge [sflag:s10], $0x4800  }
.Ltmp0:
0x127: {  	[sflag:s10] =	ssyncset.done $0x0;
	(pc) =	sbr.rel @p0 .LBB2_1-.Ltmp0, $4  }
0x128: {  	[sflag:s10] =	ssyncadd.s32 $0xFFFFB800  }
0x129: {  	_ =	swait.ge [sflag:s0], $0x4800  }
0x12a: {  	[sflag:s0] =	ssyncset.done $0x0  }
0x12b: {  	s14 =	sadd.s32 $0xFFFFFFFF, s14;
	[sflag:s0] =	ssyncadd.s32 $0xFFFFB800  }
0x12c: {  	_ =	sfence.sel $0x180000  }
0x12d: {  	[bflag:$0x0] =	sbarrier.arrive $0xFFFF  }
0x12e: {  	_ =	strace $0x90000047  }
0x12f: {  	s0 =	stileid.u32;
	[bflag:$0x2] =	sbarrier.arrive $0xFFFF  }
0x130: {  	p0 =	sne.s32 s0, $0x0;
	s0 =	rddreg [dreg:$0x1]  }
0x131: {  	s0 =	sadd.s32 @!p0 $0x100000, s0  }
0x132: {  	[sflag:s0] =	ssyncadd.tile.s32 @!p0 $0x1;
	_ =	shalt  }
.Lfunc_end2:
_tile_overlayer_lowered:
.L_overlay_start_2:
0x133: {  	(tag) =	ssettag $0x2  }
0x134: {  	s0 =	rddreg [dreg:$0x0];
	s2 =	stileid.u32  }
0x135: {  	s1 =	rddreg [dreg:$0x1];
	p0 =	sne.s32 s2, $0x0  }
0x136: {  	s3 =	rddreg [dreg:$0x2];
	[bflag:$0x3] =	sbarrier.arrive $0xFFFF;
	s2 =	simm.s32 @!p0 $0x1C09  }
0x137: {  	[timem:s3], [sflag:s2] =	dma.local @!p0 [hbm:s0], s1  }
0x138: {  	s0 =	simm.s32 @!p0 $0x9  }
0x139: {  	_ =	swait.ge @!p0 [sflag:s0], s1  }
0x13a: {  	s1 =	ssub.s32 @!p0 $0x0, s1;
	[sflag:s0] =	ssyncset.done @!p0 $0x0  }
0x13b: {  	[sflag:s0] =	ssyncadd.s32 @!p0 s1  }
0x13c: {  	[bflag:$0x3] =	sbarrier.arrive $0xFFFF  }
0x13d: {  	_ =	shalt  }

// kernel: kernel.9.cloned.1.call-start
scs
__scs_entry_jumppad:
0x0: {  	(pc) =	sbr.rel $0x88, $3  }
0x1: {  	(tag) =	ssettag $0x0;
	lr =	simm.s32 $0x1  }
0x2: {  	[smem:$0x3F9D] =	sst lr;
	_ =	strace $0xD0000000  }
0x3: {  	_ = 	snop  }
0x4: {  	_ = 	snop  }
0x5: {  	_ = 	snop  }
0x6: {  	_ = 	snop  }
0x7: {  	_ = 	snop  }
__scs_overlays_trampoline_lowered:
0x8: {  	[smem:$0x3FAC] =	sst s0  }
0x9: {  	[smem:$0x3FAD] =	sst s1  }
0xa: {  	[smem:$0x3FAE] =	sst s2  }
0xb: {  	[smem:$0x3FAF] =	sst s3  }
0xc: {  	[smem:$0x3FB0] =	sst s4  }
0xd: {  	[smem:$0x3FB1] =	sst s5  }
0xe: {  	[smem:$0x3FB2] =	sst s6  }
0xf: {  	[smem:$0x3FB3] =	sst s7  }
0x10: {  	[smem:$0x3FB4] =	sst s8  }
0x11: {  	[smem:$0x3FB5] =	sst s9;
	s0 =	simm.s32 @!p0 $0x0  }
0x12: {  	s1 =	sld [smem:$0x3F9B];
	s0 =	simm.s32 @p0 $0x1  }
0x13: {  	[smem:$0x3FB6] =	sst s0;
	s0 =	simm.s32 @!p1 $0x0  }
0x14: {  	s2 =	sld [smem:$0x3F9A];
	s0 =	simm.s32 @p1 $0x1  }
0x15: {  	[smem:$0x3FB7] =	sst s0;
	s0 =	simm.s32 @!p2 $0x0  }
0x16: {  	s3 =	sld [smem:$0x3FDB];
	s0 =	simm.s32 @p2 $0x1  }
0x17: {  	s4 =	simm.s32 $0x1BF5;
	[smem:$0x3FB9] =	sst s0  }
0x18: {  	s0 =	sld [smem:$0x3F9C];
	_ =	swait.ge [sflag:s4], $0x0  }
0x19: {  	s7 =	sld [smem:$0x3F9D]  }
0x1a: {  	s8 =	sadd.s32 $0xFFFFE003, lr  }
0x1b: {  	s9 =	sadd.s32 $0xFFFFFEF7, lr;
	s5 =	simm.s32 $0xFFFFFFFF;
	p2 =	slt.u32 s8, $0xFFFFF086  }
0x1c: {  	p1 =	slt.u32 s9, $0xF7A;
	s5 =	simm.s32 @!p2 $0x0  }
0x1d: {  	s5 =	simm.s32 @p1 $0x1;
	p0 =	seq.s32 s7, s2  }
0x1e: {  	s7 =	smul.u32 @!p0 $0xF7A, s2;
	p2 =	seq.s32 @!p0 s5, $0x0  }
0x1f: {  	s9 =	smul.u32 $0xF7A, s1;
	s8 =	simm.s32 @!p0 $0x1BF5;
	p2 =	por !p2, p0  }
0x20: {  	[sflag:s8] =	ssyncset.s32 @!p0 $0xFFFFF086;
	s6 =	sadd.s32 @!p0 s3, s7;
	s7 =	simm.s32 @!p0 $0x108  }
0x21: {  	s3 =	sadd.s32 s3, s9;
	s6 =	sadd.s32 @!p0 $0x88, s6;
	s7 =	simm.s32 @p2 $0x1082  }
0x22: {  	[simem:s7], [sflag:s8] =	dma.local @!p0 [hbm:s6], $0xF7A  }
0x23: {  	s9 =	sor.u32 $0xD0000000, s2;
	s6 =	simm.s32 $0x108;
	_ =	swait.ge @!p0 [sflag:s8], $0x0  }
0x24: {  	s3 =	sadd.s32 $0x88, s3;
	s6 =	simm.s32 @!p1 $0x1082;
	[sflag:s4] =	ssyncset.s32 $0xFFFFF086  }
0x25: {  	[simem:s6], [sflag:s4] =	dma.local [hbm:s3], $0xF7A  }
0x26: {  	[smem:$0x3F9D] =	sst s1;
	(tag) =	ssettag s2;
	_ =	strace s9  }
0x27: {  	s1 =	sld [smem:$0x3FAD]  }
0x28: {  	s2 =	sld [smem:$0x3FAE]  }
0x29: {  	s4 =	sld [smem:$0x3FB0]  }
0x2a: {  	p0 =	seq.s32 s5, $0x0;
	s5 =	sld [smem:$0x3FB1]  }
0x2b: {  	s6 =	sld [smem:$0x3FB2]  }
0x2c: {  	s7 =	sld [smem:$0x3FB3]  }
0x2d: {  	s3 =	simm.s32 $0x108;
	s8 =	sld [smem:$0x3FB4]  }
0x2e: {  	s3 =	simm.s32 @!p0 $0x1082;
	s9 =	sld [smem:$0x3FB5]  }
0x2f: {  	lr =	sadd.s32 s0, s3;
	s0 =	sld [smem:$0x3FAC]  }
0x30: {  	s3 =	sld [smem:$0x3FAF]  }
0x31: {  	[smem:$0x3FB8] =	sst s10  }
0x32: {  	s10 =	sld [smem:$0x3FB6];
	_ =	sdelay $0x3  }
0x33: {  	p0 =	seq.s32 s10, $0x1;
	s10 =	sld [smem:$0x3FB8];
	_ =	sdelay $0x3  }
0x34: {  	[smem:$0x3FB8] =	sst s10  }
0x35: {  	s10 =	sld [smem:$0x3FB7];
	_ =	sdelay $0x3  }
0x36: {  	p1 =	seq.s32 s10, $0x1;
	s10 =	sld [smem:$0x3FB8];
	_ =	sdelay $0x3  }
0x37: {  	[smem:$0x3FB8] =	sst s10  }
0x38: {  	s10 =	sld [smem:$0x3FB9]  }
0x39: {  	_ = 	snop;
	(pc) =	sbr.ind lr, $3  }
0x3a: {  	_ = 	snop  }
0x3b: {  	_ = 	snop  }
0x3c: {  	p2 =	seq.s32 s10, $0x1;
	s10 =	sld [smem:$0x3FB8]  }
0x3d: {  	_ =	shalt  }
0x3e: {  	_ =	shalt  }
0x3f: {  	_ =	shalt  }
0x40: {  	_ =	shalt  }
0x41: {  	_ =	shalt  }
0x42: {  	_ =	shalt  }
0x43: {  	_ =	shalt  }
0x44: {  	_ =	shalt  }
0x45: {  	_ =	shalt  }
0x46: {  	_ =	shalt  }
0x47: {  	_ =	shalt  }
0x48: {  	_ =	shalt  }
0x49: {  	_ =	shalt  }
0x4a: {  	_ =	shalt  }
0x4b: {  	_ =	shalt  }
0x4c: {  	_ =	shalt  }
0x4d: {  	_ =	shalt  }
0x4e: {  	_ =	shalt  }
0x4f: {  	_ =	shalt  }
0x50: {  	_ =	shalt  }
0x51: {  	_ =	shalt  }
0x52: {  	_ =	shalt  }
0x53: {  	_ =	shalt  }
0x54: {  	_ =	shalt  }
0x55: {  	_ =	shalt  }
0x56: {  	_ =	shalt  }
0x57: {  	_ =	shalt  }
0x58: {  	_ =	shalt  }
0x59: {  	_ =	shalt  }
0x5a: {  	_ =	shalt  }
0x5b: {  	_ =	shalt  }
0x5c: {  	_ =	shalt  }
0x5d: {  	_ =	shalt  }
0x5e: {  	_ =	shalt  }
0x5f: {  	_ =	shalt  }
0x60: {  	_ =	shalt  }
0x61: {  	_ =	shalt  }
0x62: {  	_ =	shalt  }
0x63: {  	_ =	shalt  }
0x64: {  	_ =	shalt  }
0x65: {  	_ =	shalt  }
0x66: {  	_ =	shalt  }
0x67: {  	_ =	shalt  }
0x68: {  	_ =	shalt  }
0x69: {  	_ =	shalt  }
0x6a: {  	_ =	shalt  }
0x6b: {  	_ =	shalt  }
0x6c: {  	_ =	shalt  }
0x6d: {  	_ =	shalt  }
0x6e: {  	_ =	shalt  }
0x6f: {  	_ =	shalt  }
0x70: {  	_ =	shalt  }
0x71: {  	_ =	shalt  }
0x72: {  	_ =	shalt  }
0x73: {  	_ =	shalt  }
0x74: {  	_ =	shalt  }
0x75: {  	_ =	shalt  }
0x76: {  	_ =	shalt  }
0x77: {  	_ =	shalt  }
0x78: {  	_ =	shalt  }
0x79: {  	_ =	shalt  }
0x7a: {  	_ =	shalt  }
0x7b: {  	_ =	shalt  }
0x7c: {  	_ =	shalt  }
0x7d: {  	_ =	shalt  }
0x7e: {  	_ =	shalt  }
0x7f: {  	_ =	shalt  }
0x80: {  	_ =	shalt  }
0x81: {  	_ =	shalt  }
0x82: {  	_ =	shalt  }
0x83: {  	_ =	shalt  }
0x84: {  	_ =	shalt  }
0x85: {  	_ =	shalt  }
0x86: {  	_ =	shalt  }
0x87: {  	_ =	shalt  }
.Lfunc_end0:
.L_simem_size_0:
called_computation.1_lowered:
.L_overlay_start_0:
0x88: {  	s2 =	sld [smem:$0x3FD9]  }
0x89: {  	s3 =	sld [smem:$0x3FFE];
	_ =	sdelay $0x1  }
0x8a: {  	s1 =	srdreg.scid  }
0x8b: {  	s0 =	sand.u32 $0x1, s1  }
0x8c: {  	s17 =	sshll.u32 s0, $0xA;
	s2 =	sadd.s32 s3, s2  }
0x8d: {  	s2 =	sadd.s32 s2, s17  }
0x8e: {  	[smem:$0x3FC4] =	sst s2  }
0x8f: {  	_ = 	snop  }
0x90: {  	s2 =	sld [smem:$0x3FD0];
	(tm) =	ssettm $0x1  }
0x91: {  	s18 =	sld [smem:$0x3FFB];
	_ =	sdelay $0x3  }
0x92: {  	_ =	strace s18  }
0x93: {  	s3 =	sld [smem:$0x3FFC];
	_ =	sdelay $0x3  }
0x94: {  	_ =	strace s3  }
0x95: {  	s3 =	sld [smem:$0x3FFD];
	_ =	sdelay $0x3  }
0x96: {  	_ =	strace s3  }
0x97: {  	_ =	strace $0x8FFFFFFF  }
0x98: {  	s19 =	sld [smem:$0x3FDB];
	_ =	sdelay $0x1  }
0x99: {  	s4 =	simm.s32 $_scs_section_size  }
0x9a: {  	s5 =	simm.s32 $_size__tile_overlayer_lowered;
	s6 =	simm.s32 $_tile_overlayer_lowered  }
0x9b: {  	s22 =	simm.s32 $0x1BFF;
	s21 =	sshll.u32 s6, $0x1;
	s3 =	sadd.s32 s4, s19  }
0x9c: {  	s7 =	simm.s32 $0x0;
	s20 =	sshll.u32 s5, $0x1;
	s5 =	sadd.s32 s21, s3  }
0x9d: {  	[timem:s7], [sflag:s22] =	dma.local [hbm:s5], s20  }
0x9e: {  	_ =	swait.ge [sflag:s22], s20  }
0x9f: {  	s4 =	ssub.s32 $0x0, s20;
	[sflag:s22] =	ssyncset.done $0x0  }
0xa0: {  	[sflag:s22] =	ssyncadd.s32 s4;
	_ =	sdelay $0x1  }
0xa1: {  	s23 =	simm.s32 $0x1B8B  }
0xa2: {  	_ =	swait.ge [sflag:s23], $0x1  }
0xa3: {  	[sflag:s23] =	ssyncset.done $0x0  }
0xa4: {  	s25 =	simm.s32 $0x1B8E;
	s24 =	sld [smem:$0x3FFE];
	[sflag:s23] =	ssyncadd.s32 $0xFFFFFFFF  }
0xa5: {  	s26 =	simm.s32 $execute0_lowered;
	[smem:$0x3FD2] =	sst s25  }
0xa6: {  	s5 =	sshll.u32 s26, $0x1;
	_ =	strace $0x80000049;
	[dreg:$0x1] =	wrdreg $0xFFFFFFFF  }
0xa7: {  	s28 =	simm.s32 $_size_execute0_lowered;
	s3 =	sadd.s32 s3, s5;
	[dreg:$0x0] =	wrdreg $0x0  }
0xa8: {  	s5 =	sshll.u32 s28, $0x1;
	[dreg:$0x2] =	wrdreg s3  }
0xa9: {  	[dreg:$0x3] =	wrdreg s5  }
0xaa: {  	[dreg:$0x4] =	wrdreg $0xC0  }
0xab: {  	_ =	task [dreg:s7], $0x5FFFF  }
0xac: {  	[dreg:$0x1] =	wrdreg $0xFFFFFFFF  }
0xad: {  	[dreg:$0x0] =	wrdreg $0x60  }
0xae: {  	[dreg:$0x2] =	wrdreg s24  }
0xaf: {  	[dreg:$0x3] =	wrdreg s2  }
0xb0: {  	[dreg:$0x4] =	wrdreg $0x9  }
0xb1: {  	_ =	task.clear_ibuf [dreg:s7], $0x5FFFF;
	_ =	strace $0x90000049  }
0xb2: {  	s29 =	simm.s32 $0x9;
	_ =	strace $0x8000004B  }
0xb3: {  	_ =	swait.ge [sflag:s29], $0x1  }
0xb4: {  	[sflag:s29] =	ssyncadd.s32 $0xFFFFFFFF  }
0xb5: {  	_ =	strace $0x9000004B  }
0xb6: {  	_ =	sfence  }
0xb7: {  	s30 =	sld [smem:$0x0];
	_ =	sdelay $0x2  }
0xb8: {  	s31 =	sshll.u32 s1, $0xD;
	s1 =	sshrl.u32 s1, $0x2  }
0xb9: {  	s3 =	sand.u32 $0x4000, s31;
	s1 =	sadd.s32 s1, s30  }
0xba: {  	s0 =	sor.u32 s3, s0;
	s1 =	sshll.u32 s1, $0x11  }
0xbb: {  	s0 =	sor.u32 s1, s0  }
0xbc: {  	s0 =	sadd.s32 $0x8F2B, s0  }
0xbd: {  	[sflag:s0] =	ssyncadd.remote.s32 $0x1  }
0xbe: {  	_ =	sfence.sel $0xFFFF  }
0xbf: {  	[dreg:$0x0] =	wrdreg $0xFFFFFFFF;
	(pc) =	sbr.abs _section_cstart, $3  }
0xc0: {  	[dreg:$0x1] =	wrdreg $0xFFFFFFFF  }
0xc1: {  	_ =	task.clear_ibuf [dreg:s7], $0x2FFFF;
	_ =	strace $0x9FFFFFFF  }
0xc2: {  	(tm) =	ssettm $0x7FFFFFFF  }
0xc3: {  	_ =	shalt  }
tec
execute0_lowered:
.L_overlay_start_1:
0x0: {  	(tag) =	ssettag $0x1  }
0x1: {  	s0 =	rddreg [dreg:$0x0]  }
0x2: {  	s1 =	rddreg [dreg:$0x1];
	s2 =	simm.s32 $0x0;
	s3 =	srdreg.scid  }
0x3: {  	s9 =	stileid.u32;
	s14 =	simm.s32 $0x7;
	s16 =	simm.s32 $0x400  }
0x4: {  	s31 =	simm.s32 $0xFC00;
	s15 =	simm.s32 $0x3;
	s17 =	simm.s32 $0x2  }
0x5: {  	s18 =	simm.s32 $0x4;
	s19 =	simm.s32 $0x5;
	s20 =	simm.s32 $0x6  }
0x6: {  	s21 =	simm.s32 $0x0;
	[smem:$0x7FF] =	sst s2;
	s5 =	sand.u32 $0x1, s3  }
0x7: {  	s28 =	sshll.u32 s9, $0x7;
	s3 =	sadd.s32 $0x16A000, s0;
	s29 =	sshll.u32 s9, $0xE  }
0x8: {  	s4 =	sshll.u32 s5, $0x6;
	s6 =	ssub.s32 $0x2, s5;
	_ =	strace $0x8000004A  }
0x9: {  	s30 =	sshll.u32 s5, $0xD;
	s4 =	sor.u32 s4, s28;
	s7 =	sshrl.u32 s6, $0x1  }
0xa: {  	s9 =	sor.u32 s30, s29;
	s8 =	sadd.s32 s4, s0;
	s13 =	ssub.s32 s6, s7  }
0xb: {  	s6 =	sadd.s32 $0x16A100, s0;
	s7 =	sadd.s32 $0x16A200, s0;
	s9 =	sadd.s32 s1, s9  }
0xc: {  	v2 =	vlaneseq.u32;
	s1 =	simm.s32 $0x4400;
	s4 =	sadd.s32 $0x91000, s8;
	s5 =	sadd.s32 $0x91800, s8  }
0xd: {  	vm0 =	vmmov $0xffff;
	v1 =	vshrl.u32 v2, $0x3;
	s8 =	sadd.s32 $0x16A300, s0;
	s10 =	sadd.s32 $0x800, s9;
	s11 =	sadd.s32 $0x1000, s9  }
0xe: {  	v0 =	vand.u32 $0x7, v2;
	v2 =	vor.u32 $0x8, v2;
	v1 =	vmul.u32 $0x8, v1;
	s12 =	sadd.s32 $0x1800, s9;
	s13 =	smax.u32 s13, $0x1;
	s0 =	simm.s32 $0x1  }
.LBB2_1:
0xf: {  	[tilespmem:s2], [sflag:$0x7] =	stream.linear.gather [hbm4b:s4+s2], $0x200, $0x38;
	[tilespmem:$0x10400] =	vst v63  }
0x10: {  	_ =	swait.ge [sflag:s14], $0x200  }
0x11: {  	[sflag:s14] =	ssyncset.done $0x0  }
0x12: {  	s22 =	simm.s32 $0x200;
	[sflag:s14] =	ssyncadd.s32 $0xFFFFFE00  }
0x13: {  	[tilespmem:s22], [sflag:$0x7] =	stream.linear.gather [hbm4b:s5+s2], $0x200, $0x38;
	[tilespmem:$0x10400] =	vst v63  }
0x14: {  	_ =	swait.ge [sflag:s14], $0x200  }
0x15: {  	[sflag:s14] =	ssyncset.done $0x0  }
0x16: {  	[sflag:s14] =	ssyncadd.s32 $0xFFFFFE00  }
0x17: {  	v3 =	vld [tilespmem:$0x0];
	_ =	sdelay $0x4  }
0x18: {  	v4 =	vshll.u32 v3, $0x3  }
0x19: {  	v3 =	vand.u32 $0x7, v3;
	v4 =	vand.u32 $0xFFFFFFC0, v4  }
0x1a: {  	v3 =	vor.u32 v3, v4  }
0x1b: {  	v4 =	vperm.xlane v3, v0;
	_ =	sdelay $0x1  }
0x1c: {  	v4 =	vadd.s32 v1, v4;
	_ =	sdelay $0x4  }
0x1d: {  	[tilespmem:s16], [sflag:$0x1] =	stream.indirect_vreg.gather [hbm4b:s3+s2], $0x80, v4, vm0, $0xb8;
	[tilespmem:$0x10400] =	vst v63  }
0x1e: {  	s29 =	simm.s32 $0xC00;
	v3 =	vperm.xlane v3, v2  }
0x1f: {  	[tilespmem:s29], [sflag:$0x1] =	stream.indirect_vreg.gather [hbm4b:s6+s2], $0x80, v4, vm0, $0xb8;
	[tilespmem:$0x10400] =	vst v63  }
0x20: {  	s30 =	simm.s32 $0x1400;
	v3 =	vadd.s32 v1, v3  }
0x21: {  	[tilespmem:s30], [sflag:$0x1] =	stream.indirect_vreg.gather [hbm4b:s7+s2], $0x80, v4, vm0, $0xb8;
	[tilespmem:$0x10400] =	vst v63  }
0x22: {  	s23 =	simm.s32 $0x1C00  }
0x23: {  	[tilespmem:s23], [sflag:$0x1] =	stream.indirect_vreg.gather [hbm4b:s8+s2], $0x80, v4, vm0, $0xb8;
	[tilespmem:$0x10400] =	vst v63  }
0x24: {  	s24 =	simm.s32 $0x2400  }
0x25: {  	[tilespmem:s24], [sflag:$0x1] =	stream.indirect_vreg.gather [hbm4b:s3+s2], $0x80, v3, vm0, $0xb8;
	[tilespmem:$0x10400] =	vst v63  }
0x26: {  	s25 =	simm.s32 $0x2C00  }
0x27: {  	[tilespmem:s25], [sflag:$0x1] =	stream.indirect_vreg.gather [hbm4b:s6+s2], $0x80, v3, vm0, $0xb8;
	[tilespmem:$0x10400] =	vst v63  }
0x28: {  	s26 =	simm.s32 $0x3400  }
0x29: {  	[tilespmem:s26], [sflag:$0x1] =	stream.indirect_vreg.gather [hbm4b:s7+s2], $0x80, v3, vm0, $0xb8;
	[tilespmem:$0x10400] =	vst v63  }
0x2a: {  	s28 =	simm.s32 $0x3C00  }
0x2b: {  	[tilespmem:s28], [sflag:$0x1] =	stream.indirect_vreg.gather [hbm4b:s8+s2], $0x80, v3, vm0, $0xb8;
	[tilespmem:$0x10400] =	vst v63  }
0x2c: {  	v3 =	vld [tilespmem:$0x200];
	_ =	sdelay $0x4  }
0x2d: {  	v4 =	vshll.u32 v3, $0x3  }
0x2e: {  	v3 =	vand.u32 $0x7, v3;
	v4 =	vand.u32 $0xFFFFFFC0, v4  }
0x2f: {  	v3 =	vor.u32 v3, v4  }
0x30: {  	v4 =	vperm.xlane v3, v0;
	_ =	sdelay $0x1  }
0x31: {  	v4 =	vadd.s32 v1, v4;
	_ =	sdelay $0x3  }
0x32: {  	s29 =	simm.s32 $0x8400  }
0x33: {  	[tilespmem:s29], [sflag:$0x3] =	stream.indirect_vreg.gather [hbm4b:s3+s2], $0x80, v4, vm0, $0xb8;
	[tilespmem:$0x10400] =	vst v63  }
0x34: {  	s30 =	simm.s32 $0x8C00;
	v3 =	vperm.xlane v3, v2  }
0x35: {  	[tilespmem:s30], [sflag:$0x3] =	stream.indirect_vreg.gather [hbm4b:s6+s2], $0x80, v4, vm0, $0xb8;
	[tilespmem:$0x10400] =	vst v63  }
0x36: {  	s23 =	simm.s32 $0x9400;
	v3 =	vadd.s32 v1, v3  }
0x37: {  	[tilespmem:s23], [sflag:$0x3] =	stream.indirect_vreg.gather [hbm4b:s7+s2], $0x80, v4, vm0, $0xb8;
	[tilespmem:$0x10400] =	vst v63  }
0x38: {  	s24 =	simm.s32 $0x9C00  }
0x39: {  	[tilespmem:s24], [sflag:$0x3] =	stream.indirect_vreg.gather [hbm4b:s8+s2], $0x80, v4, vm0, $0xb8;
	[tilespmem:$0x10400] =	vst v63  }
0x3a: {  	s25 =	simm.s32 $0xA400  }
0x3b: {  	[tilespmem:s25], [sflag:$0x3] =	stream.indirect_vreg.gather [hbm4b:s3+s2], $0x80, v3, vm0, $0xb8;
	[tilespmem:$0x10400] =	vst v63  }
0x3c: {  	s26 =	simm.s32 $0xAC00  }
0x3d: {  	[tilespmem:s26], [sflag:$0x3] =	stream.indirect_vreg.gather [hbm4b:s6+s2], $0x80, v3, vm0, $0xb8;
	[tilespmem:$0x10400] =	vst v63  }
0x3e: {  	s28 =	simm.s32 $0xB400  }
0x3f: {  	[tilespmem:s28], [sflag:$0x3] =	stream.indirect_vreg.gather [hbm4b:s7+s2], $0x80, v3, vm0, $0xb8;
	[tilespmem:$0x10400] =	vst v63  }
0x40: {  	s29 =	simm.s32 $0xBC00  }
0x41: {  	[tilespmem:s29], [sflag:$0x3] =	stream.indirect_vreg.gather [hbm4b:s8+s2], $0x80, v3, vm0, $0xb8;
	[tilespmem:$0x10400] =	vst v63  }
0x42: {  	v3 =	vld [tilespmem:$0x80];
	_ =	sdelay $0x4  }
0x43: {  	v4 =	vshll.u32 v3, $0x3  }
0x44: {  	v3 =	vand.u32 $0x7, v3;
	v4 =	vand.u32 $0xFFFFFFC0, v4  }
0x45: {  	v3 =	vor.u32 v3, v4  }
0x46: {  	v4 =	vperm.xlane v3, v0;
	_ =	sdelay $0x1  }
0x47: {  	v4 =	vadd.s32 v1, v4;
	_ =	sdelay $0x4  }
0x48: {  	[tilespmem:s1], [sflag:$0x2] =	stream.indirect_vreg.gather [hbm4b:s3+s2], $0x80, v4, vm0, $0xb8;
	[tilespmem:$0x10400] =	vst v63  }
0x49: {  	s30 =	simm.s32 $0x4C00;
	v3 =	vperm.xlane v3, v2  }
0x4a: {  	[tilespmem:s30], [sflag:$0x2] =	stream.indirect_vreg.gather [hbm4b:s6+s2], $0x80, v4, vm0, $0xb8;
	[tilespmem:$0x10400] =	vst v63  }
0x4b: {  	s23 =	simm.s32 $0x5400;
	v3 =	vadd.s32 v1, v3  }
0x4c: {  	[tilespmem:s23], [sflag:$0x2] =	stream.indirect_vreg.gather [hbm4b:s7+s2], $0x80, v4, vm0, $0xb8;
	[tilespmem:$0x10400] =	vst v63  }
0x4d: {  	s24 =	simm.s32 $0x5C00  }
0x4e: {  	[tilespmem:s24], [sflag:$0x2] =	stream.indirect_vreg.gather [hbm4b:s8+s2], $0x80, v4, vm0, $0xb8;
	[tilespmem:$0x10400] =	vst v63  }
0x4f: {  	s25 =	simm.s32 $0x6400  }
0x50: {  	[tilespmem:s25], [sflag:$0x2] =	stream.indirect_vreg.gather [hbm4b:s3+s2], $0x80, v3, vm0, $0xb8;
	[tilespmem:$0x10400] =	vst v63  }
0x51: {  	s26 =	simm.s32 $0x6C00  }
0x52: {  	[tilespmem:s26], [sflag:$0x2] =	stream.indirect_vreg.gather [hbm4b:s6+s2], $0x80, v3, vm0, $0xb8;
	[tilespmem:$0x10400] =	vst v63  }
0x53: {  	s28 =	simm.s32 $0x7400  }
0x54: {  	[tilespmem:s28], [sflag:$0x2] =	stream.indirect_vreg.gather [hbm4b:s7+s2], $0x80, v3, vm0, $0xb8;
	[tilespmem:$0x10400] =	vst v63  }
0x55: {  	s29 =	simm.s32 $0x7C00  }
0x56: {  	[tilespmem:s29], [sflag:$0x2] =	stream.indirect_vreg.gather [hbm4b:s8+s2], $0x80, v3, vm0, $0xb8;
	[tilespmem:$0x10400] =	vst v63  }
0x57: {  	v3 =	vld [tilespmem:$0x280];
	_ =	sdelay $0x4  }
0x58: {  	v4 =	vshll.u32 v3, $0x3  }
0x59: {  	v3 =	vand.u32 $0x7, v3;
	v4 =	vand.u32 $0xFFFFFFC0, v4  }
0x5a: {  	v3 =	vor.u32 v3, v4  }
0x5b: {  	v4 =	vperm.xlane v3, v0;
	_ =	sdelay $0x1  }
0x5c: {  	v4 =	vadd.s32 v1, v4;
	_ =	sdelay $0x3  }
0x5d: {  	s30 =	simm.s32 $0xC400  }
0x5e: {  	[tilespmem:s30], [sflag:$0x4] =	stream.indirect_vreg.gather [hbm4b:s3+s2], $0x80, v4, vm0, $0xb8;
	[tilespmem:$0x10400] =	vst v63  }
0x5f: {  	s23 =	simm.s32 $0xCC00;
	v3 =	vperm.xlane v3, v2  }
0x60: {  	[tilespmem:s23], [sflag:$0x4] =	stream.indirect_vreg.gather [hbm4b:s6+s2], $0x80, v4, vm0, $0xb8;
	[tilespmem:$0x10400] =	vst v63  }
0x61: {  	s24 =	simm.s32 $0xD400;
	v3 =	vadd.s32 v1, v3  }
0x62: {  	[tilespmem:s24], [sflag:$0x4] =	stream.indirect_vreg.gather [hbm4b:s7+s2], $0x80, v4, vm0, $0xb8;
	[tilespmem:$0x10400] =	vst v63  }
0x63: {  	s25 =	simm.s32 $0xDC00  }
0x64: {  	[tilespmem:s25], [sflag:$0x4] =	stream.indirect_vreg.gather [hbm4b:s8+s2], $0x80, v4, vm0, $0xb8;
	[tilespmem:$0x10400] =	vst v63  }
0x65: {  	s26 =	simm.s32 $0xE400  }
0x66: {  	[tilespmem:s26], [sflag:$0x4] =	stream.indirect_vreg.gather [hbm4b:s3+s2], $0x80, v3, vm0, $0xb8;
	[tilespmem:$0x10400] =	vst v63  }
0x67: {  	s28 =	simm.s32 $0xEC00  }
0x68: {  	[tilespmem:s28], [sflag:$0x4] =	stream.indirect_vreg.gather [hbm4b:s6+s2], $0x80, v3, vm0, $0xb8;
	[tilespmem:$0x10400] =	vst v63  }
0x69: {  	s29 =	simm.s32 $0xF400  }
0x6a: {  	[tilespmem:s29], [sflag:$0x4] =	stream.indirect_vreg.gather [hbm4b:s7+s2], $0x80, v3, vm0, $0xb8;
	[tilespmem:$0x10400] =	vst v63  }
0x6b: {  	_ = 	snop  }
0x6c: {  	[tilespmem:s31], [sflag:$0x4] =	stream.indirect_vreg.gather [hbm4b:s8+s2], $0x80, v3, vm0, $0xb8;
	[tilespmem:$0x10400] =	vst v63  }
0x6d: {  	_ =	swait.ge [sflag:s0], $0x4000  }
0x6e: {  	[sflag:s0] =	ssyncset.done $0x0  }
0x6f: {  	[sflag:s0] =	ssyncadd.s32 $0xFFFFC000  }
0x70: {  	_ =	swait.ge [sflag:s15], $0x4000  }
0x71: {  	s30 =	sand.u32 $0x60, s2;
	s23 =	sand.u32 $0x1C00, s2;
	[sflag:s15] =	ssyncset.done $0x0  }
0x72: {  	s22 =	sor.u32 s30, s23;
	[sflag:s15] =	ssyncadd.s32 $0xFFFFC000  }
0x73: {  	v3 =	vld [tilespmem:s22+$0x8400]  }
0x74: {  	v4 =	vld [tilespmem:s22+$0x8410]  }
0x75: {  	v5 =	vld [tilespmem:s22+$0x400]  }
0x76: {  	v6 =	vld [tilespmem:s22+$0x410];
	_ =	sdelay $0x1  }
0x77: {  	s23 =	simm.s32 $0x0;
	s24 =	simm.s32 $0x100;
	s25 =	simm.s32 $0x20  }
.LBB2_2:
0x78: {  	s26 =	sand.u32 $0x60, s25;
	s28 =	sand.u32 $0x1C00, s24  }
0x79: {  	s23 =	sadd.s32 $0x2, s23;
	s26 =	sor.u32 s26, s28;
	v5 =	vadd.f32 v3, v5  }
0x7a: {  	p0 =	slt.u32 s23, $0x3E;
	v3 =	vld [tilespmem:s26+$0x8400];
	v6 =	vadd.f32 v4, v6  }
.Ltmp0:
0x7b: {  	v4 =	vld [tilespmem:s26+$0x8410];
	[tilespmem:s22+$0x400] =	vst v5;
	(pc) =	sbr.rel @p0 .LBB2_2-.Ltmp0, $3  }
0x7c: {  	v5 =	vld [tilespmem:s26+$0x400];
	[tilespmem:s22+$0x410] =	vst v6;
	s22 =	smov.u32 s26  }
0x7d: {  	v6 =	vld [tilespmem:s22+$0x410];
	_ =	sdelay $0x1  }
0x7e: {  	s24 =	sadd.s32 $0x100, s24;
	s25 =	sadd.s32 $0x20, s25  }
0x7f: {  	_ = 	snop  }
0x80: {  	v3 =	vadd.f32 v3, v5  }
0x81: {  	s23 =	simm.s32 $0x0;
	v4 =	vadd.f32 v4, v6  }
0x82: {  	s24 =	sand.u32 $0x60, s23;
	s23 =	sand.u32 $0x1C00, s23;
	[tilespmem:s22+$0x400] =	vst v3  }
0x83: {  	[tilespmem:s22+$0x410] =	vst v4;
	s22 =	sor.u32 s24, s23  }
0x84: {  	v3 =	vld [tilespmem:s22+$0x8480]  }
0x85: {  	v4 =	vld [tilespmem:s22+$0x8490]  }
0x86: {  	v5 =	vld [tilespmem:s22+$0x480]  }
0x87: {  	v6 =	vld [tilespmem:s22+$0x490]  }
0x88: {  	s25 =	simm.s32 $0x100  }
0x89: {  	s26 =	simm.s32 $0x20;
	s23 =	simm.s32 $0x0;
	s24 =	smov.u32 s22  }
.LBB2_4:
0x8a: {  	s28 =	sand.u32 $0x60, s26;
	s29 =	sand.u32 $0x1C00, s25  }
0x8b: {  	s23 =	sadd.s32 $0x2, s23;
	s28 =	sor.u32 s28, s29;
	v5 =	vadd.f32 v3, v5  }
0x8c: {  	p0 =	slt.u32 s23, $0x3E;
	v3 =	vld [tilespmem:s28+$0x8480];
	v6 =	vadd.f32 v4, v6  }
.Ltmp1:
0x8d: {  	v4 =	vld [tilespmem:s28+$0x8490];
	[tilespmem:s24+$0x480] =	vst v5;
	(pc) =	sbr.rel @p0 .LBB2_4-.Ltmp1, $3  }
0x8e: {  	v5 =	vld [tilespmem:s28+$0x480];
	[tilespmem:s24+$0x490] =	vst v6;
	s24 =	smov.u32 s28  }
0x8f: {  	v6 =	vld [tilespmem:s24+$0x490];
	_ =	sdelay $0x1  }
0x90: {  	s25 =	sadd.s32 $0x100, s25;
	s26 =	sadd.s32 $0x20, s26  }
0x91: {  	_ = 	snop  }
0x92: {  	v3 =	vadd.f32 v3, v5  }
0x93: {  	v4 =	vadd.f32 v4, v6  }
0x94: {  	[tilespmem:s24+$0x480] =	vst v3  }
0x95: {  	[tilespmem:s24+$0x490] =	vst v4  }
0x96: {  	v3 =	vld [tilespmem:s22+$0x8500]  }
0x97: {  	v4 =	vld [tilespmem:s22+$0x8510]  }
0x98: {  	v5 =	vld [tilespmem:s22+$0x500]  }
0x99: {  	v6 =	vld [tilespmem:s22+$0x510];
	_ =	sdelay $0x1  }
0x9a: {  	s23 =	simm.s32 $0x0;
	s25 =	simm.s32 $0x20;
	s24 =	simm.s32 $0x100  }
.LBB2_6:
0x9b: {  	s26 =	sand.u32 $0x60, s25;
	s28 =	sand.u32 $0x1C00, s24  }
0x9c: {  	s23 =	sadd.s32 $0x2, s23;
	s26 =	sor.u32 s26, s28;
	v5 =	vadd.f32 v3, v5  }
0x9d: {  	p0 =	slt.u32 s23, $0x3E;
	v3 =	vld [tilespmem:s26+$0x8500];
	v6 =	vadd.f32 v4, v6  }
.Ltmp2:
0x9e: {  	v4 =	vld [tilespmem:s26+$0x8510];
	[tilespmem:s22+$0x500] =	vst v5;
	(pc) =	sbr.rel @p0 .LBB2_6-.Ltmp2, $3  }
0x9f: {  	v5 =	vld [tilespmem:s26+$0x500];
	[tilespmem:s22+$0x510] =	vst v6;
	s22 =	smov.u32 s26  }
0xa0: {  	v6 =	vld [tilespmem:s22+$0x510];
	_ =	sdelay $0x1  }
0xa1: {  	s24 =	sadd.s32 $0x100, s24;
	s25 =	sadd.s32 $0x20, s25  }
0xa2: {  	_ = 	snop  }
0xa3: {  	v3 =	vadd.f32 v3, v5  }
0xa4: {  	s23 =	simm.s32 $0x0;
	v4 =	vadd.f32 v4, v6  }
0xa5: {  	s24 =	sand.u32 $0x60, s23;
	s23 =	sand.u32 $0x1C00, s23;
	[tilespmem:s22+$0x500] =	vst v3  }
0xa6: {  	[tilespmem:s22+$0x510] =	vst v4;
	s22 =	sor.u32 s24, s23  }
0xa7: {  	v3 =	vld [tilespmem:s22+$0x8580]  }
0xa8: {  	v4 =	vld [tilespmem:s22+$0x8590]  }
0xa9: {  	v5 =	vld [tilespmem:s22+$0x580]  }
0xaa: {  	v6 =	vld [tilespmem:s22+$0x590]  }
0xab: {  	s25 =	simm.s32 $0x100  }
0xac: {  	s26 =	simm.s32 $0x20;
	s23 =	simm.s32 $0x0;
	s24 =	smov.u32 s22  }
.LBB2_8:
0xad: {  	s28 =	sand.u32 $0x60, s26;
	s29 =	sand.u32 $0x1C00, s25  }
0xae: {  	s23 =	sadd.s32 $0x2, s23;
	s28 =	sor.u32 s28, s29;
	v5 =	vadd.f32 v3, v5  }
0xaf: {  	p0 =	slt.u32 s23, $0x3E;
	v3 =	vld [tilespmem:s28+$0x8580];
	v6 =	vadd.f32 v4, v6  }
.Ltmp3:
0xb0: {  	v4 =	vld [tilespmem:s28+$0x8590];
	[tilespmem:s24+$0x580] =	vst v5;
	(pc) =	sbr.rel @p0 .LBB2_8-.Ltmp3, $3  }
0xb1: {  	v5 =	vld [tilespmem:s28+$0x580];
	[tilespmem:s24+$0x590] =	vst v6;
	s24 =	smov.u32 s28  }
0xb2: {  	v6 =	vld [tilespmem:s24+$0x590];
	_ =	sdelay $0x1  }
0xb3: {  	s25 =	sadd.s32 $0x100, s25;
	s26 =	sadd.s32 $0x20, s26  }
0xb4: {  	_ = 	snop  }
0xb5: {  	v3 =	vadd.f32 v3, v5  }
0xb6: {  	v4 =	vadd.f32 v4, v6  }
0xb7: {  	[tilespmem:s24+$0x580] =	vst v3  }
0xb8: {  	[tilespmem:s24+$0x590] =	vst v4  }
0xb9: {  	v3 =	vld [tilespmem:s22+$0x8600]  }
0xba: {  	v4 =	vld [tilespmem:s22+$0x8610]  }
0xbb: {  	v5 =	vld [tilespmem:s22+$0x600]  }
0xbc: {  	v6 =	vld [tilespmem:s22+$0x610];
	_ =	sdelay $0x1  }
0xbd: {  	s23 =	simm.s32 $0x0;
	s25 =	simm.s32 $0x20;
	s24 =	simm.s32 $0x100  }
.LBB2_10:
0xbe: {  	s26 =	sand.u32 $0x60, s25;
	s28 =	sand.u32 $0x1C00, s24  }
0xbf: {  	s23 =	sadd.s32 $0x2, s23;
	s26 =	sor.u32 s26, s28;
	v5 =	vadd.f32 v3, v5  }
0xc0: {  	p0 =	slt.u32 s23, $0x3E;
	v3 =	vld [tilespmem:s26+$0x8600];
	v6 =	vadd.f32 v4, v6  }
.Ltmp4:
0xc1: {  	v4 =	vld [tilespmem:s26+$0x8610];
	[tilespmem:s22+$0x600] =	vst v5;
	(pc) =	sbr.rel @p0 .LBB2_10-.Ltmp4, $3  }
0xc2: {  	v5 =	vld [tilespmem:s26+$0x600];
	[tilespmem:s22+$0x610] =	vst v6;
	s22 =	smov.u32 s26  }
0xc3: {  	v6 =	vld [tilespmem:s22+$0x610];
	_ =	sdelay $0x1  }
0xc4: {  	s24 =	sadd.s32 $0x100, s24;
	s25 =	sadd.s32 $0x20, s25  }
0xc5: {  	_ = 	snop  }
0xc6: {  	v3 =	vadd.f32 v3, v5  }
0xc7: {  	s23 =	simm.s32 $0x0;
	v4 =	vadd.f32 v4, v6  }
0xc8: {  	s24 =	sand.u32 $0x60, s23;
	s25 =	sand.u32 $0x1C00, s23;
	[tilespmem:s22+$0x600] =	vst v3  }
0xc9: {  	[tilespmem:s22+$0x610] =	vst v4;
	s22 =	sor.u32 s24, s25  }
0xca: {  	v4 =	vld [tilespmem:s22+$0x8680]  }
0xcb: {  	v3 =	vld [tilespmem:s22+$0x8690]  }
0xcc: {  	v5 =	vld [tilespmem:s22+$0x680]  }
0xcd: {  	v6 =	vld [tilespmem:s22+$0x690];
	_ =	sdelay $0x1  }
0xce: {  	s26 =	simm.s32 $0x20;
	s24 =	simm.s32 $0x0;
	s25 =	simm.s32 $0x100  }
.LBB2_12:
0xcf: {  	s28 =	sand.u32 $0x60, s26;
	s29 =	sand.u32 $0x1C00, s25  }
0xd0: {  	s24 =	sadd.s32 $0x2, s24;
	s28 =	sor.u32 s28, s29;
	v5 =	vadd.f32 v4, v5  }
0xd1: {  	p0 =	slt.u32 s24, $0x3E;
	v4 =	vld [tilespmem:s28+$0x8680];
	v6 =	vadd.f32 v3, v6  }
.Ltmp5:
0xd2: {  	v3 =	vld [tilespmem:s28+$0x8690];
	[tilespmem:s22+$0x680] =	vst v5;
	(pc) =	sbr.rel @p0 .LBB2_12-.Ltmp5, $3  }
0xd3: {  	v5 =	vld [tilespmem:s28+$0x680];
	[tilespmem:s22+$0x690] =	vst v6;
	s22 =	smov.u32 s28  }
0xd4: {  	v6 =	vld [tilespmem:s22+$0x690];
	_ =	sdelay $0x1  }
0xd5: {  	s25 =	sadd.s32 $0x100, s25;
	s26 =	sadd.s32 $0x20, s26  }
0xd6: {  	_ = 	snop  }
0xd7: {  	s24 =	sand.u32 $0x3, s23;
	v4 =	vadd.f32 v4, v5  }
0xd8: {  	s24 =	sshll.u32 s24, $0x5;
	v3 =	vadd.f32 v3, v6  }
0xd9: {  	s24 =	sadd.s32 $0x0, s24;
	[tilespmem:s22+$0x680] =	vst v4  }
0xda: {  	s30 =	sor.u32 $0x300, s24;
	[tilespmem:s22+$0x690] =	vst v3  }
0xdb: {  	v3 =	vld [tilespmem:s30+$0x400]  }
0xdc: {  	v4 =	vld [tilespmem:s30+$0x8400];
	_ =	sdelay $0x4  }
0xdd: {  	v3 =	vadd.f32 v4, v3;
	_ =	sdelay $0x1  }
0xde: {  	s26 =	sor.u32 $0x310, s24;
	[tilespmem:s30+$0x400] =	vst v3  }
0xdf: {  	v3 =	vld [tilespmem:s26+$0x400]  }
0xe0: {  	v4 =	vld [tilespmem:s26+$0x8400];
	_ =	sdelay $0x2  }
0xe1: {  	s24 =	simm.s32 $0x1  }
0xe2: {  	s25 =	simm.s32 $0x2;
	s22 =	simm.s32 $0x0;
	s28 =	sand.u32 $0x3, s24  }
.LBB2_14:
0xe3: {  	s25 =	sadd.s32 $0x2, s25;
	s28 =	sshll.u32 s28, $0x5;
	v3 =	vadd.f32 v4, v3;
	s23 =	sadd.s32 $0x100, s23  }
0xe4: {  	p0 =	slt.u32 s25, $0x3E;
	s28 =	sadd.s32 s28, s23  }
0xe5: {  	s29 =	sor.u32 $0x300, s28;
	[tilespmem:s26+$0x400] =	vst v3  }
0xe6: {  	v3 =	vld [tilespmem:s29+$0x400]  }
0xe7: {  	v4 =	vld [tilespmem:s29+$0x8400];
	_ =	sdelay $0x4  }
0xe8: {  	v3 =	vadd.f32 v4, v3;
	_ =	sdelay $0x1  }
0xe9: {  	s26 =	sor.u32 $0x310, s28;
	[tilespmem:s29+$0x400] =	vst v3  }
0xea: {  	v3 =	vld [tilespmem:s26+$0x400]  }
.Ltmp6:
0xeb: {  	v4 =	vld [tilespmem:s26+$0x8400];
	(pc) =	sbr.rel @p0 .LBB2_14-.Ltmp6, $3  }
0xec: {  	_ =	sdelay $0x1  }
0xed: {  	s24 =	sadd.s32 $0x1, s24  }
0xee: {  	s28 =	sand.u32 $0x3, s24  }
0xef: {  	s24 =	sshll.u32 s28, $0x5;
	v3 =	vadd.f32 v4, v3;
	s23 =	sadd.s32 $0x100, s23  }
0xf0: {  	s23 =	sadd.s32 s24, s23  }
0xf1: {  	s24 =	sor.u32 $0x300, s23;
	[tilespmem:s26+$0x400] =	vst v3  }
0xf2: {  	v3 =	vld [tilespmem:s24+$0x400]  }
0xf3: {  	v4 =	vld [tilespmem:s24+$0x8400];
	_ =	sdelay $0x4  }
0xf4: {  	v3 =	vadd.f32 v4, v3;
	_ =	sdelay $0x1  }
0xf5: {  	s29 =	sor.u32 $0x310, s23;
	[tilespmem:s24+$0x400] =	vst v3  }
0xf6: {  	v3 =	vld [tilespmem:s29+$0x400]  }
0xf7: {  	v4 =	vld [tilespmem:s29+$0x8400];
	_ =	sdelay $0x4  }
0xf8: {  	s23 =	simm.s32 $0x0;
	v3 =	vadd.f32 v4, v3  }
0xf9: {  	s25 =	sor.u32 s23, s23  }
0xfa: {  	s30 =	sor.u32 $0x380, s25;
	[tilespmem:s29+$0x400] =	vst v3  }
0xfb: {  	v3 =	vld [tilespmem:s30+$0x400]  }
0xfc: {  	v4 =	vld [tilespmem:s30+$0x8400];
	_ =	sdelay $0x4  }
0xfd: {  	v3 =	vadd.f32 v4, v3;
	_ =	sdelay $0x1  }
0xfe: {  	s26 =	sor.u32 $0x390, s25;
	[tilespmem:s30+$0x400] =	vst v3  }
0xff: {  	v3 =	vld [tilespmem:s26+$0x400]  }
0x100: {  	v4 =	vld [tilespmem:s26+$0x8400];
	_ =	sdelay $0x3  }
0x101: {  	s25 =	simm.s32 $0x0;
	s24 =	simm.s32 $0x0  }
.LBB2_16:
0x102: {  	s22 =	sadd.s32 $0x2, s22;
	v3 =	vadd.f32 v4, v3;
	s24 =	sadd.s32 $0x100, s24;
	s25 =	sadd.s32 $0x20, s25  }
0x103: {  	s28 =	sor.u32 s25, s24;
	p0 =	slt.u32 s22, $0x3E  }
0x104: {  	s29 =	sor.u32 $0x380, s28;
	[tilespmem:s26+$0x400] =	vst v3  }
0x105: {  	v3 =	vld [tilespmem:s29+$0x400]  }
0x106: {  	v4 =	vld [tilespmem:s29+$0x8400];
	_ =	sdelay $0x4  }
0x107: {  	v3 =	vadd.f32 v4, v3;
	_ =	sdelay $0x1  }
0x108: {  	s26 =	sor.u32 $0x390, s28;
	[tilespmem:s29+$0x400] =	vst v3  }
0x109: {  	v3 =	vld [tilespmem:s26+$0x400]  }
.Ltmp7:
0x10a: {  	v4 =	vld [tilespmem:s26+$0x8400];
	(pc) =	sbr.rel @p0 .LBB2_16-.Ltmp7, $1  }
0x10b: {  	_ =	sdelay $0x3  }
0x10c: {  	v3 =	vadd.f32 v4, v3  }
0x10d: {  	s22 =	sand.u32 $0x60, s23;
	s30 =	sand.u32 $0x1C00, s23  }
0x10e: {  	s22 =	sor.u32 s22, s30;
	[tilespmem:s26+$0x400] =	vst v3  }
0x10f: {  	v3 =	vld [tilespmem:s22+$0xA400]  }
0x110: {  	v4 =	vld [tilespmem:s22+$0xA410]  }
0x111: {  	v5 =	vld [tilespmem:s22+$0x2400]  }
0x112: {  	v6 =	vld [tilespmem:s22+$0x2410];
	_ =	sdelay $0x1  }
0x113: {  	s23 =	simm.s32 $0x0;
	s24 =	simm.s32 $0x100;
	s25 =	simm.s32 $0x20  }
.LBB2_18:
0x114: {  	s26 =	sand.u32 $0x60, s25;
	s28 =	sand.u32 $0x1C00, s24  }
0x115: {  	s23 =	sadd.s32 $0x2, s23;
	s26 =	sor.u32 s26, s28;
	v5 =	vadd.f32 v3, v5  }
0x116: {  	p0 =	slt.u32 s23, $0x3E;
	v3 =	vld [tilespmem:s26+$0xA400];
	v6 =	vadd.f32 v4, v6  }
.Ltmp8:
0x117: {  	v4 =	vld [tilespmem:s26+$0xA410];
	[tilespmem:s22+$0x2400] =	vst v5;
	(pc) =	sbr.rel @p0 .LBB2_18-.Ltmp8, $3  }
0x118: {  	v5 =	vld [tilespmem:s26+$0x2400];
	[tilespmem:s22+$0x2410] =	vst v6;
	s22 =	smov.u32 s26  }
0x119: {  	v6 =	vld [tilespmem:s22+$0x2410];
	_ =	sdelay $0x1  }
0x11a: {  	s24 =	sadd.s32 $0x100, s24;
	s25 =	sadd.s32 $0x20, s25  }
0x11b: {  	_ = 	snop  }
0x11c: {  	v3 =	vadd.f32 v3, v5  }
0x11d: {  	s23 =	simm.s32 $0x0;
	v4 =	vadd.f32 v4, v6  }
0x11e: {  	s24 =	sand.u32 $0x60, s23;
	s23 =	sand.u32 $0x1C00, s23;
	[tilespmem:s22+$0x2400] =	vst v3  }
0x11f: {  	[tilespmem:s22+$0x2410] =	vst v4;
	s22 =	sor.u32 s24, s23  }
0x120: {  	v3 =	vld [tilespmem:s22+$0xA480]  }
0x121: {  	v4 =	vld [tilespmem:s22+$0xA490]  }
0x122: {  	v5 =	vld [tilespmem:s22+$0x2480]  }
0x123: {  	v6 =	vld [tilespmem:s22+$0x2490]  }
0x124: {  	s25 =	simm.s32 $0x100  }
0x125: {  	s26 =	simm.s32 $0x20;
	s23 =	simm.s32 $0x0;
	s24 =	smov.u32 s22  }
.LBB2_20:
0x126: {  	s28 =	sand.u32 $0x60, s26;
	s29 =	sand.u32 $0x1C00, s25  }
0x127: {  	s23 =	sadd.s32 $0x2, s23;
	s28 =	sor.u32 s28, s29;
	v5 =	vadd.f32 v3, v5  }
0x128: {  	p0 =	slt.u32 s23, $0x3E;
	v3 =	vld [tilespmem:s28+$0xA480];
	v6 =	vadd.f32 v4, v6  }
.Ltmp9:
0x129: {  	v4 =	vld [tilespmem:s28+$0xA490];
	[tilespmem:s24+$0x2480] =	vst v5;
	(pc) =	sbr.rel @p0 .LBB2_20-.Ltmp9, $3  }
0x12a: {  	v5 =	vld [tilespmem:s28+$0x2480];
	[tilespmem:s24+$0x2490] =	vst v6;
	s24 =	smov.u32 s28  }
0x12b: {  	v6 =	vld [tilespmem:s24+$0x2490];
	_ =	sdelay $0x1  }
0x12c: {  	s25 =	sadd.s32 $0x100, s25;
	s26 =	sadd.s32 $0x20, s26  }
0x12d: {  	_ = 	snop  }
0x12e: {  	v3 =	vadd.f32 v3, v5  }
0x12f: {  	v4 =	vadd.f32 v4, v6  }
0x130: {  	[tilespmem:s24+$0x2480] =	vst v3  }
0x131: {  	[tilespmem:s24+$0x2490] =	vst v4  }
0x132: {  	v3 =	vld [tilespmem:s22+$0xA500]  }
0x133: {  	v4 =	vld [tilespmem:s22+$0xA510]  }
0x134: {  	v5 =	vld [tilespmem:s22+$0x2500]  }
0x135: {  	v6 =	vld [tilespmem:s22+$0x2510];
	_ =	sdelay $0x1  }
0x136: {  	s23 =	simm.s32 $0x0;
	s25 =	simm.s32 $0x20;
	s24 =	simm.s32 $0x100  }
.LBB2_22:
0x137: {  	s26 =	sand.u32 $0x60, s25;
	s28 =	sand.u32 $0x1C00, s24  }
0x138: {  	s23 =	sadd.s32 $0x2, s23;
	s26 =	sor.u32 s26, s28;
	v5 =	vadd.f32 v3, v5  }
0x139: {  	p0 =	slt.u32 s23, $0x3E;
	v3 =	vld [tilespmem:s26+$0xA500];
	v6 =	vadd.f32 v4, v6  }
.Ltmp10:
0x13a: {  	v4 =	vld [tilespmem:s26+$0xA510];
	[tilespmem:s22+$0x2500] =	vst v5;
	(pc) =	sbr.rel @p0 .LBB2_22-.Ltmp10, $3  }
0x13b: {  	v5 =	vld [tilespmem:s26+$0x2500];
	[tilespmem:s22+$0x2510] =	vst v6;
	s22 =	smov.u32 s26  }
0x13c: {  	v6 =	vld [tilespmem:s22+$0x2510];
	_ =	sdelay $0x1  }
0x13d: {  	s24 =	sadd.s32 $0x100, s24;
	s25 =	sadd.s32 $0x20, s25  }
0x13e: {  	_ = 	snop  }
0x13f: {  	v3 =	vadd.f32 v3, v5  }
0x140: {  	s23 =	simm.s32 $0x0;
	v4 =	vadd.f32 v4, v6  }
0x141: {  	s24 =	sand.u32 $0x60, s23;
	s23 =	sand.u32 $0x1C00, s23;
	[tilespmem:s22+$0x2500] =	vst v3  }
0x142: {  	s23 =	sor.u32 s24, s23;
	[tilespmem:s22+$0x2510] =	vst v4  }
0x143: {  	v3 =	vld [tilespmem:s23+$0xA580]  }
0x144: {  	v4 =	vld [tilespmem:s23+$0xA590]  }
0x145: {  	v5 =	vld [tilespmem:s23+$0x2580]  }
0x146: {  	v6 =	vld [tilespmem:s23+$0x2590]  }
0x147: {  	s25 =	simm.s32 $0x100  }
0x148: {  	s26 =	simm.s32 $0x20;
	s24 =	smov.u32 s23;
	s22 =	simm.s32 $0x0  }
.LBB2_24:
0x149: {  	s28 =	sand.u32 $0x60, s26;
	s29 =	sand.u32 $0x1C00, s25  }
0x14a: {  	s22 =	sadd.s32 $0x2, s22;
	s28 =	sor.u32 s28, s29;
	v5 =	vadd.f32 v3, v5  }
0x14b: {  	p0 =	slt.u32 s22, $0x3E;
	v3 =	vld [tilespmem:s28+$0xA580];
	v6 =	vadd.f32 v4, v6  }
.Ltmp11:
0x14c: {  	v4 =	vld [tilespmem:s28+$0xA590];
	[tilespmem:s24+$0x2580] =	vst v5;
	(pc) =	sbr.rel @p0 .LBB2_24-.Ltmp11, $3  }
0x14d: {  	v5 =	vld [tilespmem:s28+$0x2580];
	[tilespmem:s24+$0x2590] =	vst v6;
	s24 =	smov.u32 s28  }
0x14e: {  	v6 =	vld [tilespmem:s24+$0x2590];
	_ =	sdelay $0x1  }
0x14f: {  	s25 =	sadd.s32 $0x100, s25;
	s26 =	sadd.s32 $0x20, s26  }
0x150: {  	_ = 	snop  }
0x151: {  	v3 =	vadd.f32 v3, v5  }
0x152: {  	v4 =	vadd.f32 v4, v6  }
0x153: {  	[tilespmem:s24+$0x2580] =	vst v3  }
0x154: {  	[tilespmem:s24+$0x2590] =	vst v4  }
0x155: {  	v3 =	vld [tilespmem:s23+$0xA600]  }
0x156: {  	v4 =	vld [tilespmem:s23+$0xA610]  }
0x157: {  	v5 =	vld [tilespmem:s23+$0x2600]  }
0x158: {  	v6 =	vld [tilespmem:s23+$0x2610];
	_ =	sdelay $0x1  }
0x159: {  	s22 =	simm.s32 $0x0;
	s25 =	simm.s32 $0x20;
	s24 =	simm.s32 $0x100  }
.LBB2_26:
0x15a: {  	s26 =	sand.u32 $0x60, s25;
	s28 =	sand.u32 $0x1C00, s24  }
0x15b: {  	s22 =	sadd.s32 $0x2, s22;
	s26 =	sor.u32 s26, s28;
	v5 =	vadd.f32 v3, v5  }
0x15c: {  	p0 =	slt.u32 s22, $0x3E;
	v3 =	vld [tilespmem:s26+$0xA600];
	v6 =	vadd.f32 v4, v6  }
.Ltmp12:
0x15d: {  	v4 =	vld [tilespmem:s26+$0xA610];
	[tilespmem:s23+$0x2600] =	vst v5;
	(pc) =	sbr.rel @p0 .LBB2_26-.Ltmp12, $3  }
0x15e: {  	v5 =	vld [tilespmem:s26+$0x2600];
	[tilespmem:s23+$0x2610] =	vst v6;
	s23 =	smov.u32 s26  }
0x15f: {  	v6 =	vld [tilespmem:s23+$0x2610];
	_ =	sdelay $0x1  }
0x160: {  	s24 =	sadd.s32 $0x100, s24;
	s25 =	sadd.s32 $0x20, s25  }
0x161: {  	_ = 	snop  }
0x162: {  	v3 =	vadd.f32 v3, v5  }
0x163: {  	s22 =	simm.s32 $0x0;
	v4 =	vadd.f32 v4, v6  }
0x164: {  	s24 =	sand.u32 $0x60, s22;
	s25 =	sand.u32 $0x1C00, s22;
	[tilespmem:s23+$0x2600] =	vst v3  }
0x165: {  	[tilespmem:s23+$0x2610] =	vst v4;
	s23 =	sor.u32 s24, s25  }
0x166: {  	v4 =	vld [tilespmem:s23+$0xA680]  }
0x167: {  	v3 =	vld [tilespmem:s23+$0xA690]  }
0x168: {  	v5 =	vld [tilespmem:s23+$0x2680]  }
0x169: {  	v6 =	vld [tilespmem:s23+$0x2690];
	_ =	sdelay $0x1  }
0x16a: {  	s26 =	simm.s32 $0x20;
	s24 =	simm.s32 $0x0;
	s25 =	simm.s32 $0x100  }
.LBB2_28:
0x16b: {  	s28 =	sand.u32 $0x60, s26;
	s29 =	sand.u32 $0x1C00, s25  }
0x16c: {  	s24 =	sadd.s32 $0x2, s24;
	s28 =	sor.u32 s28, s29;
	v5 =	vadd.f32 v4, v5  }
0x16d: {  	p0 =	slt.u32 s24, $0x3E;
	v4 =	vld [tilespmem:s28+$0xA680];
	v6 =	vadd.f32 v3, v6  }
.Ltmp13:
0x16e: {  	v3 =	vld [tilespmem:s28+$0xA690];
	[tilespmem:s23+$0x2680] =	vst v5;
	(pc) =	sbr.rel @p0 .LBB2_28-.Ltmp13, $3  }
0x16f: {  	v5 =	vld [tilespmem:s28+$0x2680];
	[tilespmem:s23+$0x2690] =	vst v6;
	s23 =	smov.u32 s28  }
0x170: {  	v6 =	vld [tilespmem:s23+$0x2690];
	_ =	sdelay $0x1  }
0x171: {  	s25 =	sadd.s32 $0x100, s25;
	s26 =	sadd.s32 $0x20, s26  }
0x172: {  	_ = 	snop  }
0x173: {  	s24 =	sand.u32 $0x3, s22;
	v4 =	vadd.f32 v4, v5  }
0x174: {  	s24 =	sshll.u32 s24, $0x5;
	v3 =	vadd.f32 v3, v6  }
0x175: {  	s24 =	sadd.s32 $0x0, s24;
	[tilespmem:s23+$0x2680] =	vst v4  }
0x176: {  	s30 =	sor.u32 $0x2300, s24;
	[tilespmem:s23+$0x2690] =	vst v3  }
0x177: {  	v3 =	vld [tilespmem:s30+$0x400]  }
0x178: {  	v4 =	vld [tilespmem:s30+$0x8400];
	_ =	sdelay $0x4  }
0x179: {  	v3 =	vadd.f32 v4, v3;
	_ =	sdelay $0x1  }
0x17a: {  	s26 =	sor.u32 $0x2310, s24;
	[tilespmem:s30+$0x400] =	vst v3  }
0x17b: {  	v3 =	vld [tilespmem:s26+$0x400]  }
0x17c: {  	v4 =	vld [tilespmem:s26+$0x8400];
	_ =	sdelay $0x2  }
0x17d: {  	s24 =	simm.s32 $0x1  }
0x17e: {  	s25 =	simm.s32 $0x2;
	s23 =	simm.s32 $0x0;
	s28 =	sand.u32 $0x3, s24  }
.LBB2_30:
0x17f: {  	s25 =	sadd.s32 $0x2, s25;
	s28 =	sshll.u32 s28, $0x5;
	v3 =	vadd.f32 v4, v3;
	s22 =	sadd.s32 $0x100, s22  }
0x180: {  	p0 =	slt.u32 s25, $0x3E;
	s28 =	sadd.s32 s28, s22  }
0x181: {  	s29 =	sor.u32 $0x2300, s28;
	[tilespmem:s26+$0x400] =	vst v3  }
0x182: {  	v3 =	vld [tilespmem:s29+$0x400]  }
0x183: {  	v4 =	vld [tilespmem:s29+$0x8400];
	_ =	sdelay $0x4  }
0x184: {  	v3 =	vadd.f32 v4, v3;
	_ =	sdelay $0x1  }
0x185: {  	s26 =	sor.u32 $0x2310, s28;
	[tilespmem:s29+$0x400] =	vst v3  }
0x186: {  	v3 =	vld [tilespmem:s26+$0x400]  }
.Ltmp14:
0x187: {  	v4 =	vld [tilespmem:s26+$0x8400];
	(pc) =	sbr.rel @p0 .LBB2_30-.Ltmp14, $3  }
0x188: {  	_ =	sdelay $0x1  }
0x189: {  	s24 =	sadd.s32 $0x1, s24  }
0x18a: {  	s28 =	sand.u32 $0x3, s24  }
0x18b: {  	s24 =	sshll.u32 s28, $0x5;
	v3 =	vadd.f32 v4, v3;
	s22 =	sadd.s32 $0x100, s22  }
0x18c: {  	s22 =	sadd.s32 s24, s22  }
0x18d: {  	s24 =	sor.u32 $0x2300, s22;
	[tilespmem:s26+$0x400] =	vst v3  }
0x18e: {  	v3 =	vld [tilespmem:s24+$0x400]  }
0x18f: {  	v4 =	vld [tilespmem:s24+$0x8400];
	_ =	sdelay $0x4  }
0x190: {  	v3 =	vadd.f32 v4, v3;
	_ =	sdelay $0x1  }
0x191: {  	s29 =	sor.u32 $0x2310, s22;
	[tilespmem:s24+$0x400] =	vst v3  }
0x192: {  	v3 =	vld [tilespmem:s29+$0x400]  }
0x193: {  	v4 =	vld [tilespmem:s29+$0x8400];
	_ =	sdelay $0x4  }
0x194: {  	s22 =	simm.s32 $0x0;
	v3 =	vadd.f32 v4, v3  }
0x195: {  	s25 =	sor.u32 s22, s22  }
0x196: {  	s30 =	sor.u32 $0x2380, s25;
	[tilespmem:s29+$0x400] =	vst v3  }
0x197: {  	v3 =	vld [tilespmem:s30+$0x400]  }
0x198: {  	v4 =	vld [tilespmem:s30+$0x8400];
	_ =	sdelay $0x4  }
0x199: {  	v3 =	vadd.f32 v4, v3;
	_ =	sdelay $0x1  }
0x19a: {  	s25 =	sor.u32 $0x2390, s25;
	[tilespmem:s30+$0x400] =	vst v3  }
0x19b: {  	v3 =	vld [tilespmem:s25+$0x400]  }
0x19c: {  	s24 =	simm.s32 $0x0;
	v4 =	vld [tilespmem:s25+$0x8400]  }
.LBB2_32:
0x19d: {  	_ =	sdelay $0x3  }
0x19e: {  	s23 =	sadd.s32 $0x2, s23;
	s22 =	sadd.s32 $0x100, s22;
	s24 =	sadd.s32 $0x20, s24;
	v3 =	vadd.f32 v4, v3  }
0x19f: {  	s26 =	sor.u32 s24, s22;
	p0 =	slt.u32 s23, $0x3E  }
0x1a0: {  	s28 =	sor.u32 $0x2380, s26;
	[tilespmem:s25+$0x400] =	vst v3  }
0x1a1: {  	v3 =	vld [tilespmem:s28+$0x400]  }
0x1a2: {  	v4 =	vld [tilespmem:s28+$0x8400];
	_ =	sdelay $0x4  }
.Ltmp15:
0x1a3: {  	v3 =	vadd.f32 v4, v3;
	(pc) =	sbr.rel @p0 .LBB2_32-.Ltmp15, $4  }
0x1a4: {  	_ = 	snop  }
0x1a5: {  	s25 =	sor.u32 $0x2390, s26;
	[tilespmem:s28+$0x400] =	vst v3  }
0x1a6: {  	v3 =	vld [tilespmem:s25+$0x400]  }
0x1a7: {  	v4 =	vld [tilespmem:s25+$0x8400]  }
0x1a8: {  	_ =	sdelay $0x3  }
0x1a9: {  	v3 =	vadd.f32 v4, v3;
	_ =	sdelay $0x1  }
0x1aa: {  	s22 =	simm.s32 $0x0;
	[tilespmem:s25+$0x400] =	vst v3  }
0x1ab: {  	[hbm4b:s9+s22] =	stream.linear.scatter [tilespmem:s16], [sflag:$0x5], $0x4000, $0x38;
	[tilespmem:$0x10400] =	vst v63  }
0x1ac: {  	_ =	swait.ge [sflag:s17], $0x4000  }
0x1ad: {  	[sflag:s17] =	ssyncset.done $0x0  }
0x1ae: {  	[sflag:s17] =	ssyncadd.s32 $0xFFFFC000  }
0x1af: {  	_ =	swait.ge [sflag:s18], $0x4000  }
0x1b0: {  	s23 =	sand.u32 $0x60, s22;
	s22 =	sand.u32 $0x1C00, s22;
	[sflag:s18] =	ssyncset.done $0x0  }
0x1b1: {  	s22 =	sor.u32 s23, s22;
	[sflag:s18] =	ssyncadd.s32 $0xFFFFC000  }
0x1b2: {  	v3 =	vld [tilespmem:s22+$0xC400]  }
0x1b3: {  	v4 =	vld [tilespmem:s22+$0xC410]  }
0x1b4: {  	v5 =	vld [tilespmem:s22+$0x4400]  }
0x1b5: {  	v6 =	vld [tilespmem:s22+$0x4410]  }
0x1b6: {  	s26 =	simm.s32 $0x20  }
0x1b7: {  	s25 =	simm.s32 $0x100;
	s23 =	simm.s32 $0x0;
	s24 =	smov.u32 s22  }
.LBB2_34:
0x1b8: {  	s28 =	sand.u32 $0x60, s26;
	s29 =	sand.u32 $0x1C00, s25  }
0x1b9: {  	s23 =	sadd.s32 $0x2, s23;
	s28 =	sor.u32 s28, s29;
	v5 =	vadd.f32 v3, v5  }
0x1ba: {  	p0 =	slt.u32 s23, $0x3E;
	v3 =	vld [tilespmem:s28+$0xC400];
	v6 =	vadd.f32 v4, v6  }
.Ltmp16:
0x1bb: {  	v4 =	vld [tilespmem:s28+$0xC410];
	[tilespmem:s24+$0x4400] =	vst v5;
	(pc) =	sbr.rel @p0 .LBB2_34-.Ltmp16, $3  }
0x1bc: {  	v5 =	vld [tilespmem:s28+$0x4400];
	[tilespmem:s24+$0x4410] =	vst v6;
	s24 =	smov.u32 s28  }
0x1bd: {  	v6 =	vld [tilespmem:s24+$0x4410];
	_ =	sdelay $0x1  }
0x1be: {  	s25 =	sadd.s32 $0x100, s25;
	s26 =	sadd.s32 $0x20, s26  }
0x1bf: {  	_ = 	snop  }
0x1c0: {  	v3 =	vadd.f32 v3, v5  }
0x1c1: {  	v4 =	vadd.f32 v4, v6  }
0x1c2: {  	[tilespmem:s24+$0x4400] =	vst v3  }
0x1c3: {  	[tilespmem:s24+$0x4410] =	vst v4  }
0x1c4: {  	v3 =	vld [tilespmem:s22+$0xC480]  }
0x1c5: {  	v4 =	vld [tilespmem:s22+$0xC490]  }
0x1c6: {  	v5 =	vld [tilespmem:s22+$0x4480]  }
0x1c7: {  	v6 =	vld [tilespmem:s22+$0x4490];
	_ =	sdelay $0x1  }
0x1c8: {  	s23 =	simm.s32 $0x0;
	s25 =	simm.s32 $0x20;
	s24 =	simm.s32 $0x100  }
.LBB2_36:
0x1c9: {  	s26 =	sand.u32 $0x60, s25;
	s28 =	sand.u32 $0x1C00, s24  }
0x1ca: {  	s23 =	sadd.s32 $0x2, s23;
	s26 =	sor.u32 s26, s28;
	v5 =	vadd.f32 v3, v5  }
0x1cb: {  	p0 =	slt.u32 s23, $0x3E;
	v3 =	vld [tilespmem:s26+$0xC480];
	v6 =	vadd.f32 v4, v6  }
.Ltmp17:
0x1cc: {  	v4 =	vld [tilespmem:s26+$0xC490];
	[tilespmem:s22+$0x4480] =	vst v5;
	(pc) =	sbr.rel @p0 .LBB2_36-.Ltmp17, $3  }
0x1cd: {  	v5 =	vld [tilespmem:s26+$0x4480];
	[tilespmem:s22+$0x4490] =	vst v6  }
0x1ce: {  	s22 =	smov.u32 s26;
	v6 =	vld [tilespmem:s26+$0x4490];
	_ =	sdelay $0x1  }
0x1cf: {  	s24 =	sadd.s32 $0x100, s24;
	s25 =	sadd.s32 $0x20, s25  }
0x1d0: {  	_ = 	snop  }
0x1d1: {  	v3 =	vadd.f32 v3, v5  }
0x1d2: {  	s23 =	simm.s32 $0x0;
	v4 =	vadd.f32 v4, v6  }
0x1d3: {  	s24 =	sand.u32 $0x60, s23;
	s23 =	sand.u32 $0x1C00, s23;
	[tilespmem:s22+$0x4480] =	vst v3  }
0x1d4: {  	[tilespmem:s22+$0x4490] =	vst v4;
	s22 =	sor.u32 s24, s23  }
0x1d5: {  	v3 =	vld [tilespmem:s22+$0xC500]  }
0x1d6: {  	v4 =	vld [tilespmem:s22+$0xC510]  }
0x1d7: {  	v5 =	vld [tilespmem:s22+$0x4500]  }
0x1d8: {  	v6 =	vld [tilespmem:s22+$0x4510]  }
0x1d9: {  	s25 =	simm.s32 $0x100  }
0x1da: {  	s26 =	simm.s32 $0x20;
	s23 =	simm.s32 $0x0;
	s24 =	smov.u32 s22  }
.LBB2_38:
0x1db: {  	s28 =	sand.u32 $0x60, s26;
	s29 =	sand.u32 $0x1C00, s25  }
0x1dc: {  	s23 =	sadd.s32 $0x2, s23;
	s28 =	sor.u32 s28, s29;
	v5 =	vadd.f32 v3, v5  }
0x1dd: {  	p0 =	slt.u32 s23, $0x3E;
	v3 =	vld [tilespmem:s28+$0xC500];
	v6 =	vadd.f32 v4, v6  }
.Ltmp18:
0x1de: {  	v4 =	vld [tilespmem:s28+$0xC510];
	[tilespmem:s24+$0x4500] =	vst v5;
	(pc) =	sbr.rel @p0 .LBB2_38-.Ltmp18, $3  }
0x1df: {  	v5 =	vld [tilespmem:s28+$0x4500];
	[tilespmem:s24+$0x4510] =	vst v6;
	s24 =	smov.u32 s28  }
0x1e0: {  	v6 =	vld [tilespmem:s24+$0x4510];
	_ =	sdelay $0x1  }
0x1e1: {  	s25 =	sadd.s32 $0x100, s25;
	s26 =	sadd.s32 $0x20, s26  }
0x1e2: {  	_ = 	snop  }
0x1e3: {  	v3 =	vadd.f32 v3, v5  }
0x1e4: {  	v4 =	vadd.f32 v4, v6  }
0x1e5: {  	[tilespmem:s24+$0x4500] =	vst v3  }
0x1e6: {  	[tilespmem:s24+$0x4510] =	vst v4  }
0x1e7: {  	v3 =	vld [tilespmem:s22+$0xC580]  }
0x1e8: {  	v4 =	vld [tilespmem:s22+$0xC590]  }
0x1e9: {  	v5 =	vld [tilespmem:s22+$0x4580]  }
0x1ea: {  	v6 =	vld [tilespmem:s22+$0x4590];
	_ =	sdelay $0x1  }
0x1eb: {  	s23 =	simm.s32 $0x0;
	s25 =	simm.s32 $0x20;
	s24 =	simm.s32 $0x100  }
.LBB2_40:
0x1ec: {  	s26 =	sand.u32 $0x60, s25;
	s28 =	sand.u32 $0x1C00, s24  }
0x1ed: {  	s23 =	sadd.s32 $0x2, s23;
	s26 =	sor.u32 s26, s28;
	v5 =	vadd.f32 v3, v5  }
0x1ee: {  	p0 =	slt.u32 s23, $0x3E;
	v3 =	vld [tilespmem:s26+$0xC580];
	v6 =	vadd.f32 v4, v6  }
.Ltmp19:
0x1ef: {  	v4 =	vld [tilespmem:s26+$0xC590];
	[tilespmem:s22+$0x4580] =	vst v5;
	(pc) =	sbr.rel @p0 .LBB2_40-.Ltmp19, $3  }
0x1f0: {  	v5 =	vld [tilespmem:s26+$0x4580];
	[tilespmem:s22+$0x4590] =	vst v6  }
0x1f1: {  	s22 =	smov.u32 s26;
	v6 =	vld [tilespmem:s26+$0x4590];
	_ =	sdelay $0x1  }
0x1f2: {  	s24 =	sadd.s32 $0x100, s24;
	s25 =	sadd.s32 $0x20, s25  }
0x1f3: {  	_ = 	snop  }
0x1f4: {  	v3 =	vadd.f32 v3, v5  }
0x1f5: {  	s23 =	simm.s32 $0x0;
	v4 =	vadd.f32 v4, v6  }
0x1f6: {  	s24 =	sand.u32 $0x60, s23;
	s23 =	sand.u32 $0x1C00, s23;
	[tilespmem:s22+$0x4580] =	vst v3  }
0x1f7: {  	s23 =	sor.u32 s24, s23;
	[tilespmem:s22+$0x4590] =	vst v4  }
0x1f8: {  	v3 =	vld [tilespmem:s23+$0xC600]  }
0x1f9: {  	v4 =	vld [tilespmem:s23+$0xC610]  }
0x1fa: {  	v5 =	vld [tilespmem:s23+$0x4600]  }
0x1fb: {  	v6 =	vld [tilespmem:s23+$0x4610]  }
0x1fc: {  	s25 =	simm.s32 $0x100  }
0x1fd: {  	s26 =	simm.s32 $0x20;
	s24 =	smov.u32 s23;
	s22 =	simm.s32 $0x0  }
.LBB2_42:
0x1fe: {  	s28 =	sand.u32 $0x60, s26;
	s29 =	sand.u32 $0x1C00, s25  }
0x1ff: {  	s22 =	sadd.s32 $0x2, s22;
	s28 =	sor.u32 s28, s29;
	v5 =	vadd.f32 v3, v5  }
0x200: {  	p0 =	slt.u32 s22, $0x3E;
	v3 =	vld [tilespmem:s28+$0xC600];
	v6 =	vadd.f32 v4, v6  }
.Ltmp20:
0x201: {  	v4 =	vld [tilespmem:s28+$0xC610];
	[tilespmem:s24+$0x4600] =	vst v5;
	(pc) =	sbr.rel @p0 .LBB2_42-.Ltmp20, $3  }
0x202: {  	v5 =	vld [tilespmem:s28+$0x4600];
	[tilespmem:s24+$0x4610] =	vst v6;
	s24 =	smov.u32 s28  }
0x203: {  	v6 =	vld [tilespmem:s24+$0x4610];
	_ =	sdelay $0x1  }
0x204: {  	s25 =	sadd.s32 $0x100, s25;
	s26 =	sadd.s32 $0x20, s26  }
0x205: {  	_ = 	snop  }
0x206: {  	v3 =	vadd.f32 v3, v5  }
0x207: {  	v4 =	vadd.f32 v4, v6  }
0x208: {  	[tilespmem:s24+$0x4600] =	vst v3  }
0x209: {  	[tilespmem:s24+$0x4610] =	vst v4  }
0x20a: {  	v4 =	vld [tilespmem:s23+$0xC680]  }
0x20b: {  	v3 =	vld [tilespmem:s23+$0xC690]  }
0x20c: {  	v5 =	vld [tilespmem:s23+$0x4680]  }
0x20d: {  	v6 =	vld [tilespmem:s23+$0x4690];
	_ =	sdelay $0x1  }
0x20e: {  	s22 =	simm.s32 $0x0;
	s25 =	simm.s32 $0x20;
	s24 =	simm.s32 $0x100  }
.LBB2_44:
0x20f: {  	s26 =	sand.u32 $0x60, s25;
	s28 =	sand.u32 $0x1C00, s24  }
0x210: {  	s22 =	sadd.s32 $0x2, s22;
	s26 =	sor.u32 s26, s28;
	v5 =	vadd.f32 v4, v5  }
0x211: {  	p0 =	slt.u32 s22, $0x3E;
	v4 =	vld [tilespmem:s26+$0xC680];
	v6 =	vadd.f32 v3, v6  }
.Ltmp21:
0x212: {  	v3 =	vld [tilespmem:s26+$0xC690];
	[tilespmem:s23+$0x4680] =	vst v5;
	(pc) =	sbr.rel @p0 .LBB2_44-.Ltmp21, $3  }
0x213: {  	v5 =	vld [tilespmem:s26+$0x4680];
	[tilespmem:s23+$0x4690] =	vst v6  }
0x214: {  	s23 =	smov.u32 s26;
	v6 =	vld [tilespmem:s26+$0x4690];
	_ =	sdelay $0x1  }
0x215: {  	s24 =	sadd.s32 $0x100, s24;
	s25 =	sadd.s32 $0x20, s25  }
0x216: {  	s22 =	simm.s32 $0x0  }
0x217: {  	v4 =	vadd.f32 v4, v5;
	s24 =	sand.u32 $0x3, s22  }
0x218: {  	v3 =	vadd.f32 v3, v6;
	s24 =	sshll.u32 s24, $0x5  }
0x219: {  	[tilespmem:s23+$0x4680] =	vst v4;
	s24 =	sadd.s32 $0x0, s24  }
0x21a: {  	[tilespmem:s23+$0x4690] =	vst v3;
	s30 =	sor.u32 $0x300, s24  }
0x21b: {  	v3 =	vld [tilespmem:s30+$0x4400]  }
0x21c: {  	v4 =	vld [tilespmem:s30+$0xC400];
	_ =	sdelay $0x4  }
0x21d: {  	v3 =	vadd.f32 v4, v3;
	_ =	sdelay $0x1  }
0x21e: {  	s28 =	sor.u32 $0x310, s24;
	[tilespmem:s30+$0x4400] =	vst v3  }
0x21f: {  	v3 =	vld [tilespmem:s28+$0x4400]  }
0x220: {  	v4 =	vld [tilespmem:s28+$0xC400];
	_ =	sdelay $0x2  }
0x221: {  	s26 =	simm.s32 $0x2;
	s24 =	simm.s32 $0x1  }
0x222: {  	s25 =	simm.s32 $0x0;
	s23 =	simm.s32 $0x0;
	s29 =	sand.u32 $0x3, s24  }
.LBB2_46:
0x223: {  	s26 =	sadd.s32 $0x2, s26;
	s29 =	sshll.u32 s29, $0x5;
	v3 =	vadd.f32 v4, v3;
	s25 =	sadd.s32 $0x100, s25  }
0x224: {  	p0 =	slt.u32 s26, $0x3E;
	s29 =	sadd.s32 s29, s25  }
0x225: {  	s30 =	sor.u32 $0x300, s29;
	[tilespmem:s28+$0x4400] =	vst v3  }
0x226: {  	v3 =	vld [tilespmem:s30+$0x4400]  }
0x227: {  	v4 =	vld [tilespmem:s30+$0xC400];
	_ =	sdelay $0x4  }
0x228: {  	v3 =	vadd.f32 v4, v3;
	_ =	sdelay $0x1  }
0x229: {  	s28 =	sor.u32 $0x310, s29;
	[tilespmem:s30+$0x4400] =	vst v3  }
0x22a: {  	v3 =	vld [tilespmem:s28+$0x4400]  }
.Ltmp22:
0x22b: {  	v4 =	vld [tilespmem:s28+$0xC400];
	(pc) =	sbr.rel @p0 .LBB2_46-.Ltmp22, $3  }
0x22c: {  	_ =	sdelay $0x1  }
0x22d: {  	s24 =	sadd.s32 $0x1, s24  }
0x22e: {  	s29 =	sand.u32 $0x3, s24  }
0x22f: {  	s24 =	sshll.u32 s29, $0x5;
	v3 =	vadd.f32 v4, v3;
	s25 =	sadd.s32 $0x100, s25  }
0x230: {  	s24 =	sadd.s32 s24, s25  }
0x231: {  	s25 =	sor.u32 $0x300, s24;
	[tilespmem:s28+$0x4400] =	vst v3  }
0x232: {  	v3 =	vld [tilespmem:s25+$0x4400]  }
0x233: {  	v4 =	vld [tilespmem:s25+$0xC400];
	_ =	sdelay $0x4  }
0x234: {  	v3 =	vadd.f32 v4, v3;
	_ =	sdelay $0x1  }
0x235: {  	s24 =	sor.u32 $0x310, s24;
	[tilespmem:s25+$0x4400] =	vst v3  }
0x236: {  	v3 =	vld [tilespmem:s24+$0x4400]  }
0x237: {  	v4 =	vld [tilespmem:s24+$0xC400];
	_ =	sdelay $0x4  }
0x238: {  	v3 =	vadd.f32 v4, v3  }
0x239: {  	s29 =	sor.u32 s22, s22  }
0x23a: {  	s30 =	sor.u32 $0x380, s29;
	[tilespmem:s24+$0x4400] =	vst v3  }
0x23b: {  	v3 =	vld [tilespmem:s30+$0x4400]  }
0x23c: {  	v4 =	vld [tilespmem:s30+$0xC400];
	_ =	sdelay $0x4  }
0x23d: {  	v3 =	vadd.f32 v4, v3;
	_ =	sdelay $0x1  }
0x23e: {  	s25 =	sor.u32 $0x390, s29;
	[tilespmem:s30+$0x4400] =	vst v3  }
0x23f: {  	v3 =	vld [tilespmem:s25+$0x4400]  }
0x240: {  	v4 =	vld [tilespmem:s25+$0xC400];
	_ =	sdelay $0x3  }
0x241: {  	s24 =	simm.s32 $0x0  }
.LBB2_48:
0x242: {  	s23 =	sadd.s32 $0x2, s23;
	v3 =	vadd.f32 v4, v3;
	s22 =	sadd.s32 $0x100, s22;
	s24 =	sadd.s32 $0x20, s24  }
0x243: {  	s26 =	sor.u32 s24, s22;
	p0 =	slt.u32 s23, $0x3E  }
0x244: {  	s28 =	sor.u32 $0x380, s26;
	[tilespmem:s25+$0x4400] =	vst v3  }
0x245: {  	v3 =	vld [tilespmem:s28+$0x4400]  }
0x246: {  	v4 =	vld [tilespmem:s28+$0xC400];
	_ =	sdelay $0x4  }
0x247: {  	v3 =	vadd.f32 v4, v3;
	_ =	sdelay $0x1  }
0x248: {  	s25 =	sor.u32 $0x390, s26;
	[tilespmem:s28+$0x4400] =	vst v3  }
0x249: {  	v3 =	vld [tilespmem:s25+$0x4400]  }
.Ltmp23:
0x24a: {  	v4 =	vld [tilespmem:s25+$0xC400];
	(pc) =	sbr.rel @p0 .LBB2_48-.Ltmp23, $2  }
0x24b: {  	_ =	sdelay $0x2  }
0x24c: {  	s26 =	simm.s32 $0x0  }
0x24d: {  	v3 =	vadd.f32 v4, v3  }
0x24e: {  	s22 =	sand.u32 $0x60, s26;
	s23 =	sand.u32 $0x1C00, s26  }
0x24f: {  	s22 =	sor.u32 s22, s23;
	[tilespmem:s25+$0x4400] =	vst v3  }
0x250: {  	v3 =	vld [tilespmem:s22+$0xE400]  }
0x251: {  	v4 =	vld [tilespmem:s22+$0xE410]  }
0x252: {  	v5 =	vld [tilespmem:s22+$0x6400]  }
0x253: {  	v6 =	vld [tilespmem:s22+$0x6410]  }
0x254: {  	s26 =	simm.s32 $0x20  }
0x255: {  	s23 =	simm.s32 $0x0;
	s25 =	simm.s32 $0x100;
	s24 =	smov.u32 s22  }
.LBB2_50:
0x256: {  	s28 =	sand.u32 $0x60, s26;
	s29 =	sand.u32 $0x1C00, s25  }
0x257: {  	s23 =	sadd.s32 $0x2, s23;
	s28 =	sor.u32 s28, s29;
	v5 =	vadd.f32 v3, v5  }
0x258: {  	p0 =	slt.u32 s23, $0x3E;
	v3 =	vld [tilespmem:s28+$0xE400];
	v6 =	vadd.f32 v4, v6  }
.Ltmp24:
0x259: {  	v4 =	vld [tilespmem:s28+$0xE410];
	[tilespmem:s24+$0x6400] =	vst v5;
	(pc) =	sbr.rel @p0 .LBB2_50-.Ltmp24, $3  }
0x25a: {  	v5 =	vld [tilespmem:s28+$0x6400];
	[tilespmem:s24+$0x6410] =	vst v6;
	s24 =	smov.u32 s28  }
0x25b: {  	v6 =	vld [tilespmem:s24+$0x6410];
	_ =	sdelay $0x1  }
0x25c: {  	s25 =	sadd.s32 $0x100, s25;
	s26 =	sadd.s32 $0x20, s26  }
0x25d: {  	_ = 	snop  }
0x25e: {  	v3 =	vadd.f32 v3, v5  }
0x25f: {  	v4 =	vadd.f32 v4, v6  }
0x260: {  	[tilespmem:s24+$0x6400] =	vst v3  }
0x261: {  	[tilespmem:s24+$0x6410] =	vst v4  }
0x262: {  	v3 =	vld [tilespmem:s22+$0xE480]  }
0x263: {  	v4 =	vld [tilespmem:s22+$0xE490]  }
0x264: {  	v5 =	vld [tilespmem:s22+$0x6480]  }
0x265: {  	v6 =	vld [tilespmem:s22+$0x6490];
	_ =	sdelay $0x1  }
0x266: {  	s23 =	simm.s32 $0x0;
	s25 =	simm.s32 $0x20;
	s24 =	simm.s32 $0x100  }
.LBB2_52:
0x267: {  	s26 =	sand.u32 $0x60, s25;
	s28 =	sand.u32 $0x1C00, s24  }
0x268: {  	s23 =	sadd.s32 $0x2, s23;
	s26 =	sor.u32 s26, s28;
	v5 =	vadd.f32 v3, v5  }
0x269: {  	p0 =	slt.u32 s23, $0x3E;
	v3 =	vld [tilespmem:s26+$0xE480];
	v6 =	vadd.f32 v4, v6  }
.Ltmp25:
0x26a: {  	v4 =	vld [tilespmem:s26+$0xE490];
	[tilespmem:s22+$0x6480] =	vst v5;
	(pc) =	sbr.rel @p0 .LBB2_52-.Ltmp25, $3  }
0x26b: {  	v5 =	vld [tilespmem:s26+$0x6480];
	[tilespmem:s22+$0x6490] =	vst v6  }
0x26c: {  	s22 =	smov.u32 s26;
	v6 =	vld [tilespmem:s26+$0x6490];
	_ =	sdelay $0x1  }
0x26d: {  	s24 =	sadd.s32 $0x100, s24;
	s25 =	sadd.s32 $0x20, s25  }
0x26e: {  	_ = 	snop  }
0x26f: {  	v3 =	vadd.f32 v3, v5  }
0x270: {  	s23 =	simm.s32 $0x0;
	v4 =	vadd.f32 v4, v6  }
0x271: {  	s24 =	sand.u32 $0x60, s23;
	s23 =	sand.u32 $0x1C00, s23;
	[tilespmem:s22+$0x6480] =	vst v3  }
0x272: {  	[tilespmem:s22+$0x6490] =	vst v4;
	s22 =	sor.u32 s24, s23  }
0x273: {  	v3 =	vld [tilespmem:s22+$0xE500]  }
0x274: {  	v4 =	vld [tilespmem:s22+$0xE510]  }
0x275: {  	v5 =	vld [tilespmem:s22+$0x6500]  }
0x276: {  	v6 =	vld [tilespmem:s22+$0x6510]  }
0x277: {  	s25 =	simm.s32 $0x100  }
0x278: {  	s26 =	simm.s32 $0x20;
	s23 =	simm.s32 $0x0;
	s24 =	smov.u32 s22  }
.LBB2_54:
0x279: {  	s28 =	sand.u32 $0x60, s26;
	s29 =	sand.u32 $0x1C00, s25  }
0x27a: {  	s23 =	sadd.s32 $0x2, s23;
	s28 =	sor.u32 s28, s29;
	v5 =	vadd.f32 v3, v5  }
0x27b: {  	p0 =	slt.u32 s23, $0x3E;
	v3 =	vld [tilespmem:s28+$0xE500];
	v6 =	vadd.f32 v4, v6  }
.Ltmp26:
0x27c: {  	v4 =	vld [tilespmem:s28+$0xE510];
	[tilespmem:s24+$0x6500] =	vst v5;
	(pc) =	sbr.rel @p0 .LBB2_54-.Ltmp26, $3  }
0x27d: {  	v5 =	vld [tilespmem:s28+$0x6500];
	[tilespmem:s24+$0x6510] =	vst v6;
	s24 =	smov.u32 s28  }
0x27e: {  	v6 =	vld [tilespmem:s24+$0x6510];
	_ =	sdelay $0x1  }
0x27f: {  	s25 =	sadd.s32 $0x100, s25;
	s26 =	sadd.s32 $0x20, s26  }
0x280: {  	_ = 	snop  }
0x281: {  	v3 =	vadd.f32 v3, v5  }
0x282: {  	v4 =	vadd.f32 v4, v6  }
0x283: {  	[tilespmem:s24+$0x6500] =	vst v3  }
0x284: {  	[tilespmem:s24+$0x6510] =	vst v4  }
0x285: {  	v3 =	vld [tilespmem:s22+$0xE580]  }
0x286: {  	v4 =	vld [tilespmem:s22+$0xE590]  }
0x287: {  	v5 =	vld [tilespmem:s22+$0x6580]  }
0x288: {  	v6 =	vld [tilespmem:s22+$0x6590];
	_ =	sdelay $0x1  }
0x289: {  	s23 =	simm.s32 $0x0;
	s25 =	simm.s32 $0x20;
	s24 =	simm.s32 $0x100  }
.LBB2_56:
0x28a: {  	s26 =	sand.u32 $0x60, s25;
	s28 =	sand.u32 $0x1C00, s24  }
0x28b: {  	s23 =	sadd.s32 $0x2, s23;
	s26 =	sor.u32 s26, s28;
	v5 =	vadd.f32 v3, v5  }
0x28c: {  	p0 =	slt.u32 s23, $0x3E;
	v3 =	vld [tilespmem:s26+$0xE580];
	v6 =	vadd.f32 v4, v6  }
.Ltmp27:
0x28d: {  	v4 =	vld [tilespmem:s26+$0xE590];
	[tilespmem:s22+$0x6580] =	vst v5;
	(pc) =	sbr.rel @p0 .LBB2_56-.Ltmp27, $3  }
0x28e: {  	v5 =	vld [tilespmem:s26+$0x6580];
	[tilespmem:s22+$0x6590] =	vst v6  }
0x28f: {  	s22 =	smov.u32 s26;
	v6 =	vld [tilespmem:s26+$0x6590];
	_ =	sdelay $0x1  }
0x290: {  	s24 =	sadd.s32 $0x100, s24;
	s25 =	sadd.s32 $0x20, s25  }
0x291: {  	_ = 	snop  }
0x292: {  	v3 =	vadd.f32 v3, v5  }
0x293: {  	s23 =	simm.s32 $0x0;
	v4 =	vadd.f32 v4, v6  }
0x294: {  	s24 =	sand.u32 $0x60, s23;
	s23 =	sand.u32 $0x1C00, s23;
	[tilespmem:s22+$0x6580] =	vst v3  }
0x295: {  	s23 =	sor.u32 s24, s23;
	[tilespmem:s22+$0x6590] =	vst v4  }
0x296: {  	v3 =	vld [tilespmem:s23+$0xE600]  }
0x297: {  	v4 =	vld [tilespmem:s23+$0xE610]  }
0x298: {  	v5 =	vld [tilespmem:s23+$0x6600]  }
0x299: {  	v6 =	vld [tilespmem:s23+$0x6610]  }
0x29a: {  	s25 =	simm.s32 $0x100  }
0x29b: {  	s26 =	simm.s32 $0x20;
	s24 =	smov.u32 s23;
	s22 =	simm.s32 $0x0  }
.LBB2_58:
0x29c: {  	s28 =	sand.u32 $0x60, s26;
	s29 =	sand.u32 $0x1C00, s25  }
0x29d: {  	s22 =	sadd.s32 $0x2, s22;
	s28 =	sor.u32 s28, s29;
	v5 =	vadd.f32 v3, v5  }
0x29e: {  	p0 =	slt.u32 s22, $0x3E;
	v3 =	vld [tilespmem:s28+$0xE600];
	v6 =	vadd.f32 v4, v6  }
.Ltmp28:
0x29f: {  	v4 =	vld [tilespmem:s28+$0xE610];
	[tilespmem:s24+$0x6600] =	vst v5;
	(pc) =	sbr.rel @p0 .LBB2_58-.Ltmp28, $3  }
0x2a0: {  	v5 =	vld [tilespmem:s28+$0x6600];
	[tilespmem:s24+$0x6610] =	vst v6;
	s24 =	smov.u32 s28  }
0x2a1: {  	v6 =	vld [tilespmem:s24+$0x6610];
	_ =	sdelay $0x1  }
0x2a2: {  	s25 =	sadd.s32 $0x100, s25;
	s26 =	sadd.s32 $0x20, s26  }
0x2a3: {  	_ = 	snop  }
0x2a4: {  	v3 =	vadd.f32 v3, v5  }
0x2a5: {  	v4 =	vadd.f32 v4, v6  }
0x2a6: {  	[tilespmem:s24+$0x6600] =	vst v3  }
0x2a7: {  	[tilespmem:s24+$0x6610] =	vst v4  }
0x2a8: {  	v4 =	vld [tilespmem:s23+$0xE680]  }
0x2a9: {  	v3 =	vld [tilespmem:s23+$0xE690]  }
0x2aa: {  	v5 =	vld [tilespmem:s23+$0x6680]  }
0x2ab: {  	v6 =	vld [tilespmem:s23+$0x6690];
	_ =	sdelay $0x1  }
0x2ac: {  	s22 =	simm.s32 $0x0;
	s25 =	simm.s32 $0x20;
	s24 =	simm.s32 $0x100  }
.LBB2_60:
0x2ad: {  	s26 =	sand.u32 $0x60, s25;
	s28 =	sand.u32 $0x1C00, s24  }
0x2ae: {  	s22 =	sadd.s32 $0x2, s22;
	s26 =	sor.u32 s26, s28;
	v5 =	vadd.f32 v4, v5  }
0x2af: {  	p0 =	slt.u32 s22, $0x3E;
	v4 =	vld [tilespmem:s26+$0xE680];
	v6 =	vadd.f32 v3, v6  }
.Ltmp29:
0x2b0: {  	v3 =	vld [tilespmem:s26+$0xE690];
	[tilespmem:s23+$0x6680] =	vst v5;
	(pc) =	sbr.rel @p0 .LBB2_60-.Ltmp29, $3  }
0x2b1: {  	v5 =	vld [tilespmem:s26+$0x6680];
	[tilespmem:s23+$0x6690] =	vst v6  }
0x2b2: {  	s23 =	smov.u32 s26;
	v6 =	vld [tilespmem:s26+$0x6690];
	_ =	sdelay $0x1  }
0x2b3: {  	s24 =	sadd.s32 $0x100, s24;
	s25 =	sadd.s32 $0x20, s25  }
0x2b4: {  	s22 =	simm.s32 $0x0  }
0x2b5: {  	v4 =	vadd.f32 v4, v5;
	s24 =	sand.u32 $0x3, s22  }
0x2b6: {  	v3 =	vadd.f32 v3, v6;
	s24 =	sshll.u32 s24, $0x5  }
0x2b7: {  	[tilespmem:s23+$0x6680] =	vst v4;
	s24 =	sadd.s32 $0x0, s24  }
0x2b8: {  	[tilespmem:s23+$0x6690] =	vst v3;
	s30 =	sor.u32 $0x2300, s24  }
0x2b9: {  	v3 =	vld [tilespmem:s30+$0x4400]  }
0x2ba: {  	v4 =	vld [tilespmem:s30+$0xC400];
	_ =	sdelay $0x4  }
0x2bb: {  	v3 =	vadd.f32 v4, v3;
	_ =	sdelay $0x1  }
0x2bc: {  	s28 =	sor.u32 $0x2310, s24;
	[tilespmem:s30+$0x4400] =	vst v3  }
0x2bd: {  	v3 =	vld [tilespmem:s28+$0x4400]  }
0x2be: {  	v4 =	vld [tilespmem:s28+$0xC400];
	_ =	sdelay $0x2  }
0x2bf: {  	s26 =	simm.s32 $0x2;
	s24 =	simm.s32 $0x1  }
0x2c0: {  	s25 =	simm.s32 $0x0;
	s23 =	simm.s32 $0x0;
	s29 =	sand.u32 $0x3, s24  }
.LBB2_62:
0x2c1: {  	s26 =	sadd.s32 $0x2, s26;
	s29 =	sshll.u32 s29, $0x5;
	v3 =	vadd.f32 v4, v3;
	s25 =	sadd.s32 $0x100, s25  }
0x2c2: {  	p0 =	slt.u32 s26, $0x3E;
	s29 =	sadd.s32 s29, s25  }
0x2c3: {  	s30 =	sor.u32 $0x2300, s29;
	[tilespmem:s28+$0x4400] =	vst v3  }
0x2c4: {  	v3 =	vld [tilespmem:s30+$0x4400]  }
0x2c5: {  	v4 =	vld [tilespmem:s30+$0xC400];
	_ =	sdelay $0x4  }
0x2c6: {  	v3 =	vadd.f32 v4, v3;
	_ =	sdelay $0x1  }
0x2c7: {  	s28 =	sor.u32 $0x2310, s29;
	[tilespmem:s30+$0x4400] =	vst v3  }
0x2c8: {  	v3 =	vld [tilespmem:s28+$0x4400]  }
.Ltmp30:
0x2c9: {  	v4 =	vld [tilespmem:s28+$0xC400];
	(pc) =	sbr.rel @p0 .LBB2_62-.Ltmp30, $3  }
0x2ca: {  	_ =	sdelay $0x1  }
0x2cb: {  	s24 =	sadd.s32 $0x1, s24  }
0x2cc: {  	s29 =	sand.u32 $0x3, s24  }
0x2cd: {  	s24 =	sshll.u32 s29, $0x5;
	v3 =	vadd.f32 v4, v3;
	s25 =	sadd.s32 $0x100, s25  }
0x2ce: {  	s24 =	sadd.s32 s24, s25  }
0x2cf: {  	s25 =	sor.u32 $0x2300, s24;
	[tilespmem:s28+$0x4400] =	vst v3  }
0x2d0: {  	v3 =	vld [tilespmem:s25+$0x4400]  }
0x2d1: {  	v4 =	vld [tilespmem:s25+$0xC400];
	_ =	sdelay $0x4  }
0x2d2: {  	v3 =	vadd.f32 v4, v3;
	_ =	sdelay $0x1  }
0x2d3: {  	s24 =	sor.u32 $0x2310, s24;
	[tilespmem:s25+$0x4400] =	vst v3  }
0x2d4: {  	v3 =	vld [tilespmem:s24+$0x4400]  }
0x2d5: {  	v4 =	vld [tilespmem:s24+$0xC400];
	_ =	sdelay $0x4  }
0x2d6: {  	v3 =	vadd.f32 v4, v3  }
0x2d7: {  	s29 =	sor.u32 s22, s22  }
0x2d8: {  	s30 =	sor.u32 $0x2380, s29;
	[tilespmem:s24+$0x4400] =	vst v3  }
0x2d9: {  	v3 =	vld [tilespmem:s30+$0x4400]  }
0x2da: {  	v4 =	vld [tilespmem:s30+$0xC400];
	_ =	sdelay $0x4  }
0x2db: {  	v3 =	vadd.f32 v4, v3;
	_ =	sdelay $0x1  }
0x2dc: {  	s25 =	sor.u32 $0x2390, s29;
	[tilespmem:s30+$0x4400] =	vst v3  }
0x2dd: {  	v3 =	vld [tilespmem:s25+$0x4400]  }
0x2de: {  	s24 =	simm.s32 $0x0;
	v4 =	vld [tilespmem:s25+$0xC400]  }
.LBB2_64:
0x2df: {  	_ =	sdelay $0x3  }
0x2e0: {  	s23 =	sadd.s32 $0x2, s23;
	s22 =	sadd.s32 $0x100, s22;
	s24 =	sadd.s32 $0x20, s24;
	v3 =	vadd.f32 v4, v3  }
0x2e1: {  	s26 =	sor.u32 s24, s22;
	p0 =	slt.u32 s23, $0x3E  }
0x2e2: {  	s28 =	sor.u32 $0x2380, s26;
	[tilespmem:s25+$0x4400] =	vst v3  }
0x2e3: {  	v3 =	vld [tilespmem:s28+$0x4400]  }
0x2e4: {  	v4 =	vld [tilespmem:s28+$0xC400];
	_ =	sdelay $0x4  }
.Ltmp31:
0x2e5: {  	v3 =	vadd.f32 v4, v3;
	(pc) =	sbr.rel @p0 .LBB2_64-.Ltmp31, $4  }
0x2e6: {  	_ = 	snop  }
0x2e7: {  	s25 =	sor.u32 $0x2390, s26;
	[tilespmem:s28+$0x4400] =	vst v3  }
0x2e8: {  	v3 =	vld [tilespmem:s25+$0x4400]  }
0x2e9: {  	v4 =	vld [tilespmem:s25+$0xC400]  }
0x2ea: {  	_ =	sdelay $0x3  }
0x2eb: {  	v3 =	vadd.f32 v4, v3;
	_ =	sdelay $0x1  }
0x2ec: {  	s22 =	simm.s32 $0x0;
	[tilespmem:s25+$0x4400] =	vst v3  }
0x2ed: {  	[hbm4b:s10+s22] =	stream.linear.scatter [tilespmem:s1], [sflag:$0x6], $0x4000, $0x38;
	[tilespmem:$0x10400] =	vst v63  }
0x2ee: {  	_ =	swait.ge [sflag:s19], $0x4000  }
0x2ef: {  	[sflag:s19] =	ssyncset.done $0x0  }
0x2f0: {  	[sflag:s19] =	ssyncadd.s32 $0xFFFFC000  }
0x2f1: {  	v3 =	vld [tilespmem:$0x100];
	_ =	sdelay $0x4  }
0x2f2: {  	v4 =	vshll.u32 v3, $0x3  }
0x2f3: {  	v3 =	vand.u32 $0x7, v3;
	v4 =	vand.u32 $0xFFFFFFC0, v4  }
0x2f4: {  	v3 =	vor.u32 v3, v4  }
0x2f5: {  	v4 =	vperm.xlane v3, v0;
	_ =	sdelay $0x1  }
0x2f6: {  	v4 =	vadd.s32 v1, v4;
	_ =	sdelay $0x4  }
0x2f7: {  	[tilespmem:s16], [sflag:$0x1] =	stream.indirect_vreg.gather [hbm4b:s3+s22], $0x80, v4, vm0, $0xb8;
	[tilespmem:$0x10400] =	vst v63  }
0x2f8: {  	s23 =	simm.s32 $0xC00;
	v3 =	vperm.xlane v3, v2  }
0x2f9: {  	[tilespmem:s23], [sflag:$0x1] =	stream.indirect_vreg.gather [hbm4b:s6+s22], $0x80, v4, vm0, $0xb8;
	[tilespmem:$0x10400] =	vst v63  }
0x2fa: {  	s28 =	simm.s32 $0x1400;
	v3 =	vadd.s32 v1, v3  }
0x2fb: {  	[tilespmem:s28], [sflag:$0x1] =	stream.indirect_vreg.gather [hbm4b:s7+s22], $0x80, v4, vm0, $0xb8;
	[tilespmem:$0x10400] =	vst v63  }
0x2fc: {  	s29 =	simm.s32 $0x1C00  }
0x2fd: {  	[tilespmem:s29], [sflag:$0x1] =	stream.indirect_vreg.gather [hbm4b:s8+s22], $0x80, v4, vm0, $0xb8;
	[tilespmem:$0x10400] =	vst v63  }
0x2fe: {  	s30 =	simm.s32 $0x2400  }
0x2ff: {  	[tilespmem:s30], [sflag:$0x1] =	stream.indirect_vreg.gather [hbm4b:s3+s22], $0x80, v3, vm0, $0xb8;
	[tilespmem:$0x10400] =	vst v63  }
0x300: {  	s24 =	simm.s32 $0x2C00  }
0x301: {  	[tilespmem:s24], [sflag:$0x1] =	stream.indirect_vreg.gather [hbm4b:s6+s22], $0x80, v3, vm0, $0xb8;
	[tilespmem:$0x10400] =	vst v63  }
0x302: {  	s25 =	simm.s32 $0x3400  }
0x303: {  	[tilespmem:s25], [sflag:$0x1] =	stream.indirect_vreg.gather [hbm4b:s7+s22], $0x80, v3, vm0, $0xb8;
	[tilespmem:$0x10400] =	vst v63  }
0x304: {  	s26 =	simm.s32 $0x3C00  }
0x305: {  	[tilespmem:s26], [sflag:$0x1] =	stream.indirect_vreg.gather [hbm4b:s8+s22], $0x80, v3, vm0, $0xb8;
	[tilespmem:$0x10400] =	vst v63  }
0x306: {  	v3 =	vld [tilespmem:$0x300];
	_ =	sdelay $0x4  }
0x307: {  	v4 =	vshll.u32 v3, $0x3  }
0x308: {  	v3 =	vand.u32 $0x7, v3;
	v4 =	vand.u32 $0xFFFFFFC0, v4  }
0x309: {  	v3 =	vor.u32 v3, v4  }
0x30a: {  	v4 =	vperm.xlane v3, v0;
	_ =	sdelay $0x1  }
0x30b: {  	v4 =	vadd.s32 v1, v4;
	_ =	sdelay $0x3  }
0x30c: {  	s28 =	simm.s32 $0x8400  }
0x30d: {  	[tilespmem:s28], [sflag:$0x3] =	stream.indirect_vreg.gather [hbm4b:s3+s22], $0x80, v4, vm0, $0xb8;
	[tilespmem:$0x10400] =	vst v63  }
0x30e: {  	s29 =	simm.s32 $0x8C00;
	v3 =	vperm.xlane v3, v2  }
0x30f: {  	[tilespmem:s29], [sflag:$0x3] =	stream.indirect_vreg.gather [hbm4b:s6+s22], $0x80, v4, vm0, $0xb8;
	[tilespmem:$0x10400] =	vst v63  }
0x310: {  	s30 =	simm.s32 $0x9400;
	v3 =	vadd.s32 v1, v3  }
0x311: {  	[tilespmem:s30], [sflag:$0x3] =	stream.indirect_vreg.gather [hbm4b:s7+s22], $0x80, v4, vm0, $0xb8;
	[tilespmem:$0x10400] =	vst v63  }
0x312: {  	s24 =	simm.s32 $0x9C00  }
0x313: {  	[tilespmem:s24], [sflag:$0x3] =	stream.indirect_vreg.gather [hbm4b:s8+s22], $0x80, v4, vm0, $0xb8;
	[tilespmem:$0x10400] =	vst v63  }
0x314: {  	s25 =	simm.s32 $0xA400  }
0x315: {  	[tilespmem:s25], [sflag:$0x3] =	stream.indirect_vreg.gather [hbm4b:s3+s22], $0x80, v3, vm0, $0xb8;
	[tilespmem:$0x10400] =	vst v63  }
0x316: {  	s26 =	simm.s32 $0xAC00  }
0x317: {  	[tilespmem:s26], [sflag:$0x3] =	stream.indirect_vreg.gather [hbm4b:s6+s22], $0x80, v3, vm0, $0xb8;
	[tilespmem:$0x10400] =	vst v63  }
0x318: {  	s28 =	simm.s32 $0xB400  }
0x319: {  	[tilespmem:s28], [sflag:$0x3] =	stream.indirect_vreg.gather [hbm4b:s7+s22], $0x80, v3, vm0, $0xb8;
	[tilespmem:$0x10400] =	vst v63  }
0x31a: {  	s29 =	simm.s32 $0xBC00  }
0x31b: {  	[tilespmem:s29], [sflag:$0x3] =	stream.indirect_vreg.gather [hbm4b:s8+s22], $0x80, v3, vm0, $0xb8;
	[tilespmem:$0x10400] =	vst v63  }
0x31c: {  	_ =	swait.ge [sflag:s0], $0x4000  }
0x31d: {  	[sflag:s0] =	ssyncset.done $0x0  }
0x31e: {  	[sflag:s0] =	ssyncadd.s32 $0xFFFFC000  }
0x31f: {  	_ =	swait.ge [sflag:s15], $0x4000  }
0x320: {  	s30 =	sand.u32 $0x60, s22;
	s22 =	sand.u32 $0x1C00, s22;
	[sflag:s15] =	ssyncset.done $0x0  }
0x321: {  	s22 =	sor.u32 s30, s22;
	[sflag:s15] =	ssyncadd.s32 $0xFFFFC000  }
0x322: {  	v3 =	vld [tilespmem:s22+$0x8400]  }
0x323: {  	v4 =	vld [tilespmem:s22+$0x8410]  }
0x324: {  	v5 =	vld [tilespmem:s22+$0x400]  }
0x325: {  	v6 =	vld [tilespmem:s22+$0x410]  }
0x326: {  	s23 =	simm.s32 $0x0  }
0x327: {  	s25 =	simm.s32 $0x100;
	s26 =	simm.s32 $0x20;
	s24 =	smov.u32 s22  }
.LBB2_66:
0x328: {  	s28 =	sand.u32 $0x60, s26;
	s29 =	sand.u32 $0x1C00, s25  }
0x329: {  	s23 =	sadd.s32 $0x2, s23;
	s28 =	sor.u32 s28, s29;
	v5 =	vadd.f32 v3, v5  }
0x32a: {  	p0 =	slt.u32 s23, $0x3E;
	v3 =	vld [tilespmem:s28+$0x8400];
	v6 =	vadd.f32 v4, v6  }
.Ltmp32:
0x32b: {  	v4 =	vld [tilespmem:s28+$0x8410];
	[tilespmem:s24+$0x400] =	vst v5;
	(pc) =	sbr.rel @p0 .LBB2_66-.Ltmp32, $3  }
0x32c: {  	v5 =	vld [tilespmem:s28+$0x400];
	[tilespmem:s24+$0x410] =	vst v6;
	s24 =	smov.u32 s28  }
0x32d: {  	v6 =	vld [tilespmem:s24+$0x410];
	_ =	sdelay $0x1  }
0x32e: {  	s25 =	sadd.s32 $0x100, s25;
	s26 =	sadd.s32 $0x20, s26  }
0x32f: {  	_ = 	snop  }
0x330: {  	v3 =	vadd.f32 v3, v5  }
0x331: {  	v4 =	vadd.f32 v4, v6  }
0x332: {  	[tilespmem:s24+$0x400] =	vst v3  }
0x333: {  	[tilespmem:s24+$0x410] =	vst v4  }
0x334: {  	v3 =	vld [tilespmem:s22+$0x8480]  }
0x335: {  	v4 =	vld [tilespmem:s22+$0x8490]  }
0x336: {  	v5 =	vld [tilespmem:s22+$0x480]  }
0x337: {  	v6 =	vld [tilespmem:s22+$0x490];
	_ =	sdelay $0x1  }
0x338: {  	s23 =	simm.s32 $0x0;
	s25 =	simm.s32 $0x20;
	s24 =	simm.s32 $0x100  }
.LBB2_68:
0x339: {  	s26 =	sand.u32 $0x60, s25;
	s28 =	sand.u32 $0x1C00, s24  }
0x33a: {  	s23 =	sadd.s32 $0x2, s23;
	s26 =	sor.u32 s26, s28;
	v5 =	vadd.f32 v3, v5  }
0x33b: {  	p0 =	slt.u32 s23, $0x3E;
	v3 =	vld [tilespmem:s26+$0x8480];
	v6 =	vadd.f32 v4, v6  }
.Ltmp33:
0x33c: {  	v4 =	vld [tilespmem:s26+$0x8490];
	[tilespmem:s22+$0x480] =	vst v5;
	(pc) =	sbr.rel @p0 .LBB2_68-.Ltmp33, $3  }
0x33d: {  	v5 =	vld [tilespmem:s26+$0x480];
	[tilespmem:s22+$0x490] =	vst v6  }
0x33e: {  	s22 =	smov.u32 s26;
	v6 =	vld [tilespmem:s26+$0x490];
	_ =	sdelay $0x1  }
0x33f: {  	s24 =	sadd.s32 $0x100, s24;
	s25 =	sadd.s32 $0x20, s25  }
0x340: {  	_ = 	snop  }
0x341: {  	v3 =	vadd.f32 v3, v5  }
0x342: {  	s23 =	simm.s32 $0x0;
	v4 =	vadd.f32 v4, v6  }
0x343: {  	s24 =	sand.u32 $0x60, s23;
	s23 =	sand.u32 $0x1C00, s23;
	[tilespmem:s22+$0x480] =	vst v3  }
0x344: {  	[tilespmem:s22+$0x490] =	vst v4;
	s22 =	sor.u32 s24, s23  }
0x345: {  	v3 =	vld [tilespmem:s22+$0x8500]  }
0x346: {  	v4 =	vld [tilespmem:s22+$0x8510]  }
0x347: {  	v5 =	vld [tilespmem:s22+$0x500]  }
0x348: {  	v6 =	vld [tilespmem:s22+$0x510]  }
0x349: {  	s25 =	simm.s32 $0x100  }
0x34a: {  	s26 =	simm.s32 $0x20;
	s23 =	simm.s32 $0x0;
	s24 =	smov.u32 s22  }
.LBB2_70:
0x34b: {  	s28 =	sand.u32 $0x60, s26;
	s29 =	sand.u32 $0x1C00, s25  }
0x34c: {  	s23 =	sadd.s32 $0x2, s23;
	s28 =	sor.u32 s28, s29;
	v5 =	vadd.f32 v3, v5  }
0x34d: {  	p0 =	slt.u32 s23, $0x3E;
	v3 =	vld [tilespmem:s28+$0x8500];
	v6 =	vadd.f32 v4, v6  }
.Ltmp34:
0x34e: {  	v4 =	vld [tilespmem:s28+$0x8510];
	[tilespmem:s24+$0x500] =	vst v5;
	(pc) =	sbr.rel @p0 .LBB2_70-.Ltmp34, $3  }
0x34f: {  	v5 =	vld [tilespmem:s28+$0x500];
	[tilespmem:s24+$0x510] =	vst v6;
	s24 =	smov.u32 s28  }
0x350: {  	v6 =	vld [tilespmem:s24+$0x510];
	_ =	sdelay $0x1  }
0x351: {  	s25 =	sadd.s32 $0x100, s25;
	s26 =	sadd.s32 $0x20, s26  }
0x352: {  	_ = 	snop  }
0x353: {  	v3 =	vadd.f32 v3, v5  }
0x354: {  	v4 =	vadd.f32 v4, v6  }
0x355: {  	[tilespmem:s24+$0x500] =	vst v3  }
0x356: {  	[tilespmem:s24+$0x510] =	vst v4  }
0x357: {  	v3 =	vld [tilespmem:s22+$0x8580]  }
0x358: {  	v4 =	vld [tilespmem:s22+$0x8590]  }
0x359: {  	v5 =	vld [tilespmem:s22+$0x580]  }
0x35a: {  	v6 =	vld [tilespmem:s22+$0x590];
	_ =	sdelay $0x1  }
0x35b: {  	s23 =	simm.s32 $0x0;
	s25 =	simm.s32 $0x20;
	s24 =	simm.s32 $0x100  }
.LBB2_72:
0x35c: {  	s26 =	sand.u32 $0x60, s25;
	s28 =	sand.u32 $0x1C00, s24  }
0x35d: {  	s23 =	sadd.s32 $0x2, s23;
	s26 =	sor.u32 s26, s28;
	v5 =	vadd.f32 v3, v5  }
0x35e: {  	p0 =	slt.u32 s23, $0x3E;
	v3 =	vld [tilespmem:s26+$0x8580];
	v6 =	vadd.f32 v4, v6  }
.Ltmp35:
0x35f: {  	v4 =	vld [tilespmem:s26+$0x8590];
	[tilespmem:s22+$0x580] =	vst v5;
	(pc) =	sbr.rel @p0 .LBB2_72-.Ltmp35, $3  }
0x360: {  	v5 =	vld [tilespmem:s26+$0x580];
	[tilespmem:s22+$0x590] =	vst v6  }
0x361: {  	s22 =	smov.u32 s26;
	v6 =	vld [tilespmem:s26+$0x590];
	_ =	sdelay $0x1  }
0x362: {  	s24 =	sadd.s32 $0x100, s24;
	s25 =	sadd.s32 $0x20, s25  }
0x363: {  	_ = 	snop  }
0x364: {  	v3 =	vadd.f32 v3, v5  }
0x365: {  	s23 =	simm.s32 $0x0;
	v4 =	vadd.f32 v4, v6  }
0x366: {  	s24 =	sand.u32 $0x60, s23;
	s23 =	sand.u32 $0x1C00, s23;
	[tilespmem:s22+$0x580] =	vst v3  }
0x367: {  	s23 =	sor.u32 s24, s23;
	[tilespmem:s22+$0x590] =	vst v4  }
0x368: {  	v3 =	vld [tilespmem:s23+$0x8600]  }
0x369: {  	v4 =	vld [tilespmem:s23+$0x8610]  }
0x36a: {  	v5 =	vld [tilespmem:s23+$0x600]  }
0x36b: {  	v6 =	vld [tilespmem:s23+$0x610]  }
0x36c: {  	s25 =	simm.s32 $0x100  }
0x36d: {  	s26 =	simm.s32 $0x20;
	s24 =	smov.u32 s23;
	s22 =	simm.s32 $0x0  }
.LBB2_74:
0x36e: {  	s28 =	sand.u32 $0x60, s26;
	s29 =	sand.u32 $0x1C00, s25  }
0x36f: {  	s22 =	sadd.s32 $0x2, s22;
	s28 =	sor.u32 s28, s29;
	v5 =	vadd.f32 v3, v5  }
0x370: {  	p0 =	slt.u32 s22, $0x3E;
	v3 =	vld [tilespmem:s28+$0x8600];
	v6 =	vadd.f32 v4, v6  }
.Ltmp36:
0x371: {  	v4 =	vld [tilespmem:s28+$0x8610];
	[tilespmem:s24+$0x600] =	vst v5;
	(pc) =	sbr.rel @p0 .LBB2_74-.Ltmp36, $3  }
0x372: {  	v5 =	vld [tilespmem:s28+$0x600];
	[tilespmem:s24+$0x610] =	vst v6;
	s24 =	smov.u32 s28  }
0x373: {  	v6 =	vld [tilespmem:s24+$0x610];
	_ =	sdelay $0x1  }
0x374: {  	s25 =	sadd.s32 $0x100, s25;
	s26 =	sadd.s32 $0x20, s26  }
0x375: {  	_ = 	snop  }
0x376: {  	v3 =	vadd.f32 v3, v5  }
0x377: {  	v4 =	vadd.f32 v4, v6  }
0x378: {  	[tilespmem:s24+$0x600] =	vst v3  }
0x379: {  	[tilespmem:s24+$0x610] =	vst v4  }
0x37a: {  	v4 =	vld [tilespmem:s23+$0x8680]  }
0x37b: {  	v3 =	vld [tilespmem:s23+$0x8690]  }
0x37c: {  	v5 =	vld [tilespmem:s23+$0x680]  }
0x37d: {  	v6 =	vld [tilespmem:s23+$0x690];
	_ =	sdelay $0x1  }
0x37e: {  	s22 =	simm.s32 $0x0;
	s25 =	simm.s32 $0x20;
	s24 =	simm.s32 $0x100  }
.LBB2_76:
0x37f: {  	s26 =	sand.u32 $0x60, s25;
	s28 =	sand.u32 $0x1C00, s24  }
0x380: {  	s22 =	sadd.s32 $0x2, s22;
	s26 =	sor.u32 s26, s28;
	v5 =	vadd.f32 v4, v5  }
0x381: {  	p0 =	slt.u32 s22, $0x3E;
	v4 =	vld [tilespmem:s26+$0x8680];
	v6 =	vadd.f32 v3, v6  }
.Ltmp37:
0x382: {  	v3 =	vld [tilespmem:s26+$0x8690];
	[tilespmem:s23+$0x680] =	vst v5;
	(pc) =	sbr.rel @p0 .LBB2_76-.Ltmp37, $3  }
0x383: {  	v5 =	vld [tilespmem:s26+$0x680];
	[tilespmem:s23+$0x690] =	vst v6  }
0x384: {  	s23 =	smov.u32 s26;
	v6 =	vld [tilespmem:s26+$0x690];
	_ =	sdelay $0x1  }
0x385: {  	s24 =	sadd.s32 $0x100, s24;
	s25 =	sadd.s32 $0x20, s25  }
0x386: {  	s22 =	simm.s32 $0x0  }
0x387: {  	v4 =	vadd.f32 v4, v5;
	s24 =	sand.u32 $0x3, s22  }
0x388: {  	v3 =	vadd.f32 v3, v6;
	s24 =	sshll.u32 s24, $0x5  }
0x389: {  	[tilespmem:s23+$0x680] =	vst v4;
	s24 =	sadd.s32 $0x0, s24  }
0x38a: {  	[tilespmem:s23+$0x690] =	vst v3;
	s30 =	sor.u32 $0x300, s24  }
0x38b: {  	v3 =	vld [tilespmem:s30+$0x400]  }
0x38c: {  	v4 =	vld [tilespmem:s30+$0x8400];
	_ =	sdelay $0x4  }
0x38d: {  	v3 =	vadd.f32 v4, v3;
	_ =	sdelay $0x1  }
0x38e: {  	s28 =	sor.u32 $0x310, s24;
	[tilespmem:s30+$0x400] =	vst v3  }
0x38f: {  	v3 =	vld [tilespmem:s28+$0x400]  }
0x390: {  	v4 =	vld [tilespmem:s28+$0x8400];
	_ =	sdelay $0x2  }
0x391: {  	s26 =	simm.s32 $0x2;
	s24 =	simm.s32 $0x1  }
0x392: {  	s25 =	simm.s32 $0x0;
	s23 =	simm.s32 $0x0;
	s29 =	sand.u32 $0x3, s24  }
.LBB2_78:
0x393: {  	s26 =	sadd.s32 $0x2, s26;
	s29 =	sshll.u32 s29, $0x5;
	v3 =	vadd.f32 v4, v3;
	s25 =	sadd.s32 $0x100, s25  }
0x394: {  	p0 =	slt.u32 s26, $0x3E;
	s29 =	sadd.s32 s29, s25  }
0x395: {  	s30 =	sor.u32 $0x300, s29;
	[tilespmem:s28+$0x400] =	vst v3  }
0x396: {  	v3 =	vld [tilespmem:s30+$0x400]  }
0x397: {  	v4 =	vld [tilespmem:s30+$0x8400];
	_ =	sdelay $0x4  }
0x398: {  	v3 =	vadd.f32 v4, v3;
	_ =	sdelay $0x1  }
0x399: {  	s28 =	sor.u32 $0x310, s29;
	[tilespmem:s30+$0x400] =	vst v3  }
0x39a: {  	v3 =	vld [tilespmem:s28+$0x400]  }
.Ltmp38:
0x39b: {  	v4 =	vld [tilespmem:s28+$0x8400];
	(pc) =	sbr.rel @p0 .LBB2_78-.Ltmp38, $3  }
0x39c: {  	_ =	sdelay $0x1  }
0x39d: {  	s24 =	sadd.s32 $0x1, s24  }
0x39e: {  	s29 =	sand.u32 $0x3, s24  }
0x39f: {  	s24 =	sshll.u32 s29, $0x5;
	v3 =	vadd.f32 v4, v3;
	s25 =	sadd.s32 $0x100, s25  }
0x3a0: {  	s24 =	sadd.s32 s24, s25  }
0x3a1: {  	s25 =	sor.u32 $0x300, s24;
	[tilespmem:s28+$0x400] =	vst v3  }
0x3a2: {  	v3 =	vld [tilespmem:s25+$0x400]  }
0x3a3: {  	v4 =	vld [tilespmem:s25+$0x8400];
	_ =	sdelay $0x4  }
0x3a4: {  	v3 =	vadd.f32 v4, v3;
	_ =	sdelay $0x1  }
0x3a5: {  	s24 =	sor.u32 $0x310, s24;
	[tilespmem:s25+$0x400] =	vst v3  }
0x3a6: {  	v3 =	vld [tilespmem:s24+$0x400]  }
0x3a7: {  	v4 =	vld [tilespmem:s24+$0x8400];
	_ =	sdelay $0x4  }
0x3a8: {  	v3 =	vadd.f32 v4, v3  }
0x3a9: {  	s29 =	sor.u32 s22, s22  }
0x3aa: {  	s30 =	sor.u32 $0x380, s29;
	[tilespmem:s24+$0x400] =	vst v3  }
0x3ab: {  	v3 =	vld [tilespmem:s30+$0x400]  }
0x3ac: {  	v4 =	vld [tilespmem:s30+$0x8400];
	_ =	sdelay $0x4  }
0x3ad: {  	v3 =	vadd.f32 v4, v3;
	_ =	sdelay $0x1  }
0x3ae: {  	s25 =	sor.u32 $0x390, s29;
	[tilespmem:s30+$0x400] =	vst v3  }
0x3af: {  	v3 =	vld [tilespmem:s25+$0x400]  }
0x3b0: {  	v4 =	vld [tilespmem:s25+$0x8400];
	_ =	sdelay $0x3  }
0x3b1: {  	s24 =	simm.s32 $0x0  }
.LBB2_80:
0x3b2: {  	s23 =	sadd.s32 $0x2, s23;
	v3 =	vadd.f32 v4, v3;
	s22 =	sadd.s32 $0x100, s22;
	s24 =	sadd.s32 $0x20, s24  }
0x3b3: {  	s26 =	sor.u32 s24, s22;
	p0 =	slt.u32 s23, $0x3E  }
0x3b4: {  	s28 =	sor.u32 $0x380, s26;
	[tilespmem:s25+$0x400] =	vst v3  }
0x3b5: {  	v3 =	vld [tilespmem:s28+$0x400]  }
0x3b6: {  	v4 =	vld [tilespmem:s28+$0x8400];
	_ =	sdelay $0x4  }
0x3b7: {  	v3 =	vadd.f32 v4, v3;
	_ =	sdelay $0x1  }
0x3b8: {  	s25 =	sor.u32 $0x390, s26;
	[tilespmem:s28+$0x400] =	vst v3  }
0x3b9: {  	v3 =	vld [tilespmem:s25+$0x400]  }
.Ltmp39:
0x3ba: {  	v4 =	vld [tilespmem:s25+$0x8400];
	(pc) =	sbr.rel @p0 .LBB2_80-.Ltmp39, $2  }
0x3bb: {  	_ =	sdelay $0x2  }
0x3bc: {  	s26 =	simm.s32 $0x0  }
0x3bd: {  	v3 =	vadd.f32 v4, v3  }
0x3be: {  	s22 =	sand.u32 $0x60, s26;
	s23 =	sand.u32 $0x1C00, s26  }
0x3bf: {  	s22 =	sor.u32 s22, s23;
	[tilespmem:s25+$0x400] =	vst v3  }
0x3c0: {  	v3 =	vld [tilespmem:s22+$0xA400]  }
0x3c1: {  	v4 =	vld [tilespmem:s22+$0xA410]  }
0x3c2: {  	v5 =	vld [tilespmem:s22+$0x2400]  }
0x3c3: {  	v6 =	vld [tilespmem:s22+$0x2410]  }
0x3c4: {  	s26 =	simm.s32 $0x20  }
0x3c5: {  	s23 =	simm.s32 $0x0;
	s25 =	simm.s32 $0x100;
	s24 =	smov.u32 s22  }
.LBB2_82:
0x3c6: {  	s28 =	sand.u32 $0x60, s26;
	s29 =	sand.u32 $0x1C00, s25  }
0x3c7: {  	s23 =	sadd.s32 $0x2, s23;
	s28 =	sor.u32 s28, s29;
	v5 =	vadd.f32 v3, v5  }
0x3c8: {  	p0 =	slt.u32 s23, $0x3E;
	v3 =	vld [tilespmem:s28+$0xA400];
	v6 =	vadd.f32 v4, v6  }
.Ltmp40:
0x3c9: {  	v4 =	vld [tilespmem:s28+$0xA410];
	[tilespmem:s24+$0x2400] =	vst v5;
	(pc) =	sbr.rel @p0 .LBB2_82-.Ltmp40, $3  }
0x3ca: {  	v5 =	vld [tilespmem:s28+$0x2400];
	[tilespmem:s24+$0x2410] =	vst v6;
	s24 =	smov.u32 s28  }
0x3cb: {  	v6 =	vld [tilespmem:s24+$0x2410];
	_ =	sdelay $0x1  }
0x3cc: {  	s25 =	sadd.s32 $0x100, s25;
	s26 =	sadd.s32 $0x20, s26  }
0x3cd: {  	_ = 	snop  }
0x3ce: {  	v3 =	vadd.f32 v3, v5  }
0x3cf: {  	v4 =	vadd.f32 v4, v6  }
0x3d0: {  	[tilespmem:s24+$0x2400] =	vst v3  }
0x3d1: {  	[tilespmem:s24+$0x2410] =	vst v4  }
0x3d2: {  	v3 =	vld [tilespmem:s22+$0xA480]  }
0x3d3: {  	v4 =	vld [tilespmem:s22+$0xA490]  }
0x3d4: {  	v5 =	vld [tilespmem:s22+$0x2480]  }
0x3d5: {  	v6 =	vld [tilespmem:s22+$0x2490];
	_ =	sdelay $0x1  }
0x3d6: {  	s23 =	simm.s32 $0x0;
	s25 =	simm.s32 $0x20;
	s24 =	simm.s32 $0x100  }
.LBB2_84:
0x3d7: {  	s26 =	sand.u32 $0x60, s25;
	s28 =	sand.u32 $0x1C00, s24  }
0x3d8: {  	s23 =	sadd.s32 $0x2, s23;
	s26 =	sor.u32 s26, s28;
	v5 =	vadd.f32 v3, v5  }
0x3d9: {  	p0 =	slt.u32 s23, $0x3E;
	v3 =	vld [tilespmem:s26+$0xA480];
	v6 =	vadd.f32 v4, v6  }
.Ltmp41:
0x3da: {  	v4 =	vld [tilespmem:s26+$0xA490];
	[tilespmem:s22+$0x2480] =	vst v5;
	(pc) =	sbr.rel @p0 .LBB2_84-.Ltmp41, $3  }
0x3db: {  	v5 =	vld [tilespmem:s26+$0x2480];
	[tilespmem:s22+$0x2490] =	vst v6  }
0x3dc: {  	s22 =	smov.u32 s26;
	v6 =	vld [tilespmem:s26+$0x2490];
	_ =	sdelay $0x1  }
0x3dd: {  	s24 =	sadd.s32 $0x100, s24;
	s25 =	sadd.s32 $0x20, s25  }
0x3de: {  	_ = 	snop  }
0x3df: {  	v3 =	vadd.f32 v3, v5  }
0x3e0: {  	s23 =	simm.s32 $0x0;
	v4 =	vadd.f32 v4, v6  }
0x3e1: {  	s24 =	sand.u32 $0x60, s23;
	s23 =	sand.u32 $0x1C00, s23;
	[tilespmem:s22+$0x2480] =	vst v3  }
0x3e2: {  	[tilespmem:s22+$0x2490] =	vst v4;
	s22 =	sor.u32 s24, s23  }
0x3e3: {  	v3 =	vld [tilespmem:s22+$0xA500]  }
0x3e4: {  	v4 =	vld [tilespmem:s22+$0xA510]  }
0x3e5: {  	v5 =	vld [tilespmem:s22+$0x2500]  }
0x3e6: {  	v6 =	vld [tilespmem:s22+$0x2510]  }
0x3e7: {  	s25 =	simm.s32 $0x100  }
0x3e8: {  	s26 =	simm.s32 $0x20;
	s23 =	simm.s32 $0x0;
	s24 =	smov.u32 s22  }
.LBB2_86:
0x3e9: {  	s28 =	sand.u32 $0x60, s26;
	s29 =	sand.u32 $0x1C00, s25  }
0x3ea: {  	s23 =	sadd.s32 $0x2, s23;
	s28 =	sor.u32 s28, s29;
	v5 =	vadd.f32 v3, v5  }
0x3eb: {  	p0 =	slt.u32 s23, $0x3E;
	v3 =	vld [tilespmem:s28+$0xA500];
	v6 =	vadd.f32 v4, v6  }
.Ltmp42:
0x3ec: {  	v4 =	vld [tilespmem:s28+$0xA510];
	[tilespmem:s24+$0x2500] =	vst v5;
	(pc) =	sbr.rel @p0 .LBB2_86-.Ltmp42, $3  }
0x3ed: {  	v5 =	vld [tilespmem:s28+$0x2500];
	[tilespmem:s24+$0x2510] =	vst v6;
	s24 =	smov.u32 s28  }
0x3ee: {  	v6 =	vld [tilespmem:s24+$0x2510];
	_ =	sdelay $0x1  }
0x3ef: {  	s25 =	sadd.s32 $0x100, s25;
	s26 =	sadd.s32 $0x20, s26  }
0x3f0: {  	_ = 	snop  }
0x3f1: {  	v3 =	vadd.f32 v3, v5  }
0x3f2: {  	v4 =	vadd.f32 v4, v6  }
0x3f3: {  	[tilespmem:s24+$0x2500] =	vst v3  }
0x3f4: {  	[tilespmem:s24+$0x2510] =	vst v4  }
0x3f5: {  	v3 =	vld [tilespmem:s22+$0xA580]  }
0x3f6: {  	v4 =	vld [tilespmem:s22+$0xA590]  }
0x3f7: {  	v5 =	vld [tilespmem:s22+$0x2580]  }
0x3f8: {  	v6 =	vld [tilespmem:s22+$0x2590];
	_ =	sdelay $0x1  }
0x3f9: {  	s23 =	simm.s32 $0x0;
	s25 =	simm.s32 $0x20;
	s24 =	simm.s32 $0x100  }
.LBB2_88:
0x3fa: {  	s26 =	sand.u32 $0x60, s25;
	s28 =	sand.u32 $0x1C00, s24  }
0x3fb: {  	s23 =	sadd.s32 $0x2, s23;
	s26 =	sor.u32 s26, s28;
	v5 =	vadd.f32 v3, v5  }
0x3fc: {  	p0 =	slt.u32 s23, $0x3E;
	v3 =	vld [tilespmem:s26+$0xA580];
	v6 =	vadd.f32 v4, v6  }
.Ltmp43:
0x3fd: {  	v4 =	vld [tilespmem:s26+$0xA590];
	[tilespmem:s22+$0x2580] =	vst v5;
	(pc) =	sbr.rel @p0 .LBB2_88-.Ltmp43, $3  }
0x3fe: {  	v5 =	vld [tilespmem:s26+$0x2580];
	[tilespmem:s22+$0x2590] =	vst v6  }
0x3ff: {  	s22 =	smov.u32 s26;
	v6 =	vld [tilespmem:s26+$0x2590];
	_ =	sdelay $0x1  }
0x400: {  	s24 =	sadd.s32 $0x100, s24;
	s25 =	sadd.s32 $0x20, s25  }
0x401: {  	_ = 	snop  }
0x402: {  	v3 =	vadd.f32 v3, v5  }
0x403: {  	s23 =	simm.s32 $0x0;
	v4 =	vadd.f32 v4, v6  }
0x404: {  	s24 =	sand.u32 $0x60, s23;
	s23 =	sand.u32 $0x1C00, s23;
	[tilespmem:s22+$0x2580] =	vst v3  }
0x405: {  	s23 =	sor.u32 s24, s23;
	[tilespmem:s22+$0x2590] =	vst v4  }
0x406: {  	v3 =	vld [tilespmem:s23+$0xA600]  }
0x407: {  	v4 =	vld [tilespmem:s23+$0xA610]  }
0x408: {  	v5 =	vld [tilespmem:s23+$0x2600]  }
0x409: {  	v6 =	vld [tilespmem:s23+$0x2610]  }
0x40a: {  	s25 =	simm.s32 $0x100  }
0x40b: {  	s26 =	simm.s32 $0x20;
	s24 =	smov.u32 s23;
	s22 =	simm.s32 $0x0  }
.LBB2_90:
0x40c: {  	s28 =	sand.u32 $0x60, s26;
	s29 =	sand.u32 $0x1C00, s25  }
0x40d: {  	s22 =	sadd.s32 $0x2, s22;
	s28 =	sor.u32 s28, s29;
	v5 =	vadd.f32 v3, v5  }
0x40e: {  	p0 =	slt.u32 s22, $0x3E;
	v3 =	vld [tilespmem:s28+$0xA600];
	v6 =	vadd.f32 v4, v6  }
.Ltmp44:
0x40f: {  	v4 =	vld [tilespmem:s28+$0xA610];
	[tilespmem:s24+$0x2600] =	vst v5;
	(pc) =	sbr.rel @p0 .LBB2_90-.Ltmp44, $3  }
0x410: {  	v5 =	vld [tilespmem:s28+$0x2600];
	[tilespmem:s24+$0x2610] =	vst v6;
	s24 =	smov.u32 s28  }
0x411: {  	v6 =	vld [tilespmem:s24+$0x2610];
	_ =	sdelay $0x1  }
0x412: {  	s25 =	sadd.s32 $0x100, s25;
	s26 =	sadd.s32 $0x20, s26  }
0x413: {  	_ = 	snop  }
0x414: {  	v3 =	vadd.f32 v3, v5  }
0x415: {  	v4 =	vadd.f32 v4, v6  }
0x416: {  	[tilespmem:s24+$0x2600] =	vst v3  }
0x417: {  	[tilespmem:s24+$0x2610] =	vst v4  }
0x418: {  	v4 =	vld [tilespmem:s23+$0xA680]  }
0x419: {  	v3 =	vld [tilespmem:s23+$0xA690]  }
0x41a: {  	v5 =	vld [tilespmem:s23+$0x2680]  }
0x41b: {  	v6 =	vld [tilespmem:s23+$0x2690];
	_ =	sdelay $0x1  }
0x41c: {  	s22 =	simm.s32 $0x0;
	s25 =	simm.s32 $0x20;
	s24 =	simm.s32 $0x100  }
.LBB2_92:
0x41d: {  	s26 =	sand.u32 $0x60, s25;
	s28 =	sand.u32 $0x1C00, s24  }
0x41e: {  	s22 =	sadd.s32 $0x2, s22;
	s26 =	sor.u32 s26, s28;
	v5 =	vadd.f32 v4, v5  }
0x41f: {  	p0 =	slt.u32 s22, $0x3E;
	v4 =	vld [tilespmem:s26+$0xA680];
	v6 =	vadd.f32 v3, v6  }
.Ltmp45:
0x420: {  	v3 =	vld [tilespmem:s26+$0xA690];
	[tilespmem:s23+$0x2680] =	vst v5;
	(pc) =	sbr.rel @p0 .LBB2_92-.Ltmp45, $3  }
0x421: {  	v5 =	vld [tilespmem:s26+$0x2680];
	[tilespmem:s23+$0x2690] =	vst v6  }
0x422: {  	s23 =	smov.u32 s26;
	v6 =	vld [tilespmem:s26+$0x2690];
	_ =	sdelay $0x1  }
0x423: {  	s24 =	sadd.s32 $0x100, s24;
	s25 =	sadd.s32 $0x20, s25  }
0x424: {  	s22 =	simm.s32 $0x0  }
0x425: {  	v4 =	vadd.f32 v4, v5;
	s24 =	sand.u32 $0x3, s22  }
0x426: {  	v3 =	vadd.f32 v3, v6;
	s24 =	sshll.u32 s24, $0x5  }
0x427: {  	[tilespmem:s23+$0x2680] =	vst v4;
	s24 =	sadd.s32 $0x0, s24  }
0x428: {  	[tilespmem:s23+$0x2690] =	vst v3;
	s30 =	sor.u32 $0x2300, s24  }
0x429: {  	v3 =	vld [tilespmem:s30+$0x400]  }
0x42a: {  	v4 =	vld [tilespmem:s30+$0x8400];
	_ =	sdelay $0x4  }
0x42b: {  	v3 =	vadd.f32 v4, v3;
	_ =	sdelay $0x1  }
0x42c: {  	s28 =	sor.u32 $0x2310, s24;
	[tilespmem:s30+$0x400] =	vst v3  }
0x42d: {  	v3 =	vld [tilespmem:s28+$0x400]  }
0x42e: {  	v4 =	vld [tilespmem:s28+$0x8400];
	_ =	sdelay $0x2  }
0x42f: {  	s26 =	simm.s32 $0x2;
	s24 =	simm.s32 $0x1  }
0x430: {  	s25 =	simm.s32 $0x0;
	s23 =	simm.s32 $0x0;
	s29 =	sand.u32 $0x3, s24  }
.LBB2_94:
0x431: {  	s26 =	sadd.s32 $0x2, s26;
	s29 =	sshll.u32 s29, $0x5;
	v3 =	vadd.f32 v4, v3;
	s25 =	sadd.s32 $0x100, s25  }
0x432: {  	p0 =	slt.u32 s26, $0x3E;
	s29 =	sadd.s32 s29, s25  }
0x433: {  	s30 =	sor.u32 $0x2300, s29;
	[tilespmem:s28+$0x400] =	vst v3  }
0x434: {  	v3 =	vld [tilespmem:s30+$0x400]  }
0x435: {  	v4 =	vld [tilespmem:s30+$0x8400];
	_ =	sdelay $0x4  }
0x436: {  	v3 =	vadd.f32 v4, v3;
	_ =	sdelay $0x1  }
0x437: {  	s28 =	sor.u32 $0x2310, s29;
	[tilespmem:s30+$0x400] =	vst v3  }
0x438: {  	v3 =	vld [tilespmem:s28+$0x400]  }
.Ltmp46:
0x439: {  	v4 =	vld [tilespmem:s28+$0x8400];
	(pc) =	sbr.rel @p0 .LBB2_94-.Ltmp46, $3  }
0x43a: {  	_ =	sdelay $0x1  }
0x43b: {  	s24 =	sadd.s32 $0x1, s24  }
0x43c: {  	s29 =	sand.u32 $0x3, s24  }
0x43d: {  	s24 =	sshll.u32 s29, $0x5;
	v3 =	vadd.f32 v4, v3;
	s25 =	sadd.s32 $0x100, s25  }
0x43e: {  	s24 =	sadd.s32 s24, s25  }
0x43f: {  	s25 =	sor.u32 $0x2300, s24;
	[tilespmem:s28+$0x400] =	vst v3  }
0x440: {  	v3 =	vld [tilespmem:s25+$0x400]  }
0x441: {  	v4 =	vld [tilespmem:s25+$0x8400];
	_ =	sdelay $0x4  }
0x442: {  	v3 =	vadd.f32 v4, v3;
	_ =	sdelay $0x1  }
0x443: {  	s24 =	sor.u32 $0x2310, s24;
	[tilespmem:s25+$0x400] =	vst v3  }
0x444: {  	v3 =	vld [tilespmem:s24+$0x400]  }
0x445: {  	v4 =	vld [tilespmem:s24+$0x8400];
	_ =	sdelay $0x4  }
0x446: {  	v3 =	vadd.f32 v4, v3  }
0x447: {  	s29 =	sor.u32 s22, s22  }
0x448: {  	s30 =	sor.u32 $0x2380, s29;
	[tilespmem:s24+$0x400] =	vst v3  }
0x449: {  	v3 =	vld [tilespmem:s30+$0x400]  }
0x44a: {  	v4 =	vld [tilespmem:s30+$0x8400];
	_ =	sdelay $0x4  }
0x44b: {  	v3 =	vadd.f32 v4, v3;
	_ =	sdelay $0x1  }
0x44c: {  	s25 =	sor.u32 $0x2390, s29;
	[tilespmem:s30+$0x400] =	vst v3  }
0x44d: {  	v3 =	vld [tilespmem:s25+$0x400]  }
0x44e: {  	s24 =	simm.s32 $0x0;
	v4 =	vld [tilespmem:s25+$0x8400]  }
.LBB2_96:
0x44f: {  	_ =	sdelay $0x3  }
0x450: {  	s23 =	sadd.s32 $0x2, s23;
	s22 =	sadd.s32 $0x100, s22;
	s24 =	sadd.s32 $0x20, s24;
	v3 =	vadd.f32 v4, v3  }
0x451: {  	s26 =	sor.u32 s24, s22;
	p0 =	slt.u32 s23, $0x3E  }
0x452: {  	s28 =	sor.u32 $0x2380, s26;
	[tilespmem:s25+$0x400] =	vst v3  }
0x453: {  	v3 =	vld [tilespmem:s28+$0x400]  }
0x454: {  	v4 =	vld [tilespmem:s28+$0x8400];
	_ =	sdelay $0x4  }
.Ltmp47:
0x455: {  	v3 =	vadd.f32 v4, v3;
	(pc) =	sbr.rel @p0 .LBB2_96-.Ltmp47, $4  }
0x456: {  	_ = 	snop  }
0x457: {  	s25 =	sor.u32 $0x2390, s26;
	[tilespmem:s28+$0x400] =	vst v3  }
0x458: {  	v3 =	vld [tilespmem:s25+$0x400]  }
0x459: {  	v4 =	vld [tilespmem:s25+$0x8400]  }
0x45a: {  	_ =	sdelay $0x3  }
0x45b: {  	v3 =	vadd.f32 v4, v3;
	_ =	sdelay $0x1  }
0x45c: {  	s22 =	simm.s32 $0x0;
	[tilespmem:s25+$0x400] =	vst v3  }
0x45d: {  	[hbm4b:s11+s22] =	stream.linear.scatter [tilespmem:s16], [sflag:$0x5], $0x4000, $0x38;
	[tilespmem:$0x10400] =	vst v63  }
0x45e: {  	_ =	swait.ge [sflag:s20], $0x4000  }
0x45f: {  	[sflag:s20] =	ssyncset.done $0x0  }
0x460: {  	[sflag:s20] =	ssyncadd.s32 $0xFFFFC000  }
0x461: {  	v3 =	vld [tilespmem:$0x180];
	_ =	sdelay $0x4  }
0x462: {  	v4 =	vshll.u32 v3, $0x3  }
0x463: {  	v3 =	vand.u32 $0x7, v3;
	v4 =	vand.u32 $0xFFFFFFC0, v4  }
0x464: {  	v3 =	vor.u32 v3, v4  }
0x465: {  	v4 =	vperm.xlane v3, v0;
	_ =	sdelay $0x1  }
0x466: {  	v4 =	vadd.s32 v1, v4;
	_ =	sdelay $0x4  }
0x467: {  	[tilespmem:s1], [sflag:$0x2] =	stream.indirect_vreg.gather [hbm4b:s3+s22], $0x80, v4, vm0, $0xb8;
	[tilespmem:$0x10400] =	vst v63  }
0x468: {  	s23 =	simm.s32 $0x4C00;
	v3 =	vperm.xlane v3, v2  }
0x469: {  	[tilespmem:s23], [sflag:$0x2] =	stream.indirect_vreg.gather [hbm4b:s6+s22], $0x80, v4, vm0, $0xb8;
	[tilespmem:$0x10400] =	vst v63  }
0x46a: {  	s29 =	simm.s32 $0x5400;
	v3 =	vadd.s32 v1, v3  }
0x46b: {  	[tilespmem:s29], [sflag:$0x2] =	stream.indirect_vreg.gather [hbm4b:s7+s22], $0x80, v4, vm0, $0xb8;
	[tilespmem:$0x10400] =	vst v63  }
0x46c: {  	s30 =	simm.s32 $0x5C00  }
0x46d: {  	[tilespmem:s30], [sflag:$0x2] =	stream.indirect_vreg.gather [hbm4b:s8+s22], $0x80, v4, vm0, $0xb8;
	[tilespmem:$0x10400] =	vst v63  }
0x46e: {  	s24 =	simm.s32 $0x6400  }
0x46f: {  	[tilespmem:s24], [sflag:$0x2] =	stream.indirect_vreg.gather [hbm4b:s3+s22], $0x80, v3, vm0, $0xb8;
	[tilespmem:$0x10400] =	vst v63  }
0x470: {  	s25 =	simm.s32 $0x6C00  }
0x471: {  	[tilespmem:s25], [sflag:$0x2] =	stream.indirect_vreg.gather [hbm4b:s6+s22], $0x80, v3, vm0, $0xb8;
	[tilespmem:$0x10400] =	vst v63  }
0x472: {  	s26 =	simm.s32 $0x7400  }
0x473: {  	[tilespmem:s26], [sflag:$0x2] =	stream.indirect_vreg.gather [hbm4b:s7+s22], $0x80, v3, vm0, $0xb8;
	[tilespmem:$0x10400] =	vst v63  }
0x474: {  	s28 =	simm.s32 $0x7C00  }
0x475: {  	[tilespmem:s28], [sflag:$0x2] =	stream.indirect_vreg.gather [hbm4b:s8+s22], $0x80, v3, vm0, $0xb8;
	[tilespmem:$0x10400] =	vst v63  }
0x476: {  	v3 =	vld [tilespmem:$0x380];
	_ =	sdelay $0x4  }
0x477: {  	v4 =	vshll.u32 v3, $0x3  }
0x478: {  	v3 =	vand.u32 $0x7, v3;
	v4 =	vand.u32 $0xFFFFFFC0, v4  }
0x479: {  	v3 =	vor.u32 v3, v4  }
0x47a: {  	v4 =	vperm.xlane v3, v0;
	_ =	sdelay $0x1  }
0x47b: {  	v4 =	vadd.s32 v1, v4;
	_ =	sdelay $0x3  }
0x47c: {  	s29 =	simm.s32 $0xC400  }
0x47d: {  	[tilespmem:s29], [sflag:$0x4] =	stream.indirect_vreg.gather [hbm4b:s3+s22], $0x80, v4, vm0, $0xb8;
	[tilespmem:$0x10400] =	vst v63  }
0x47e: {  	s30 =	simm.s32 $0xCC00;
	v3 =	vperm.xlane v3, v2  }
0x47f: {  	[tilespmem:s30], [sflag:$0x4] =	stream.indirect_vreg.gather [hbm4b:s6+s22], $0x80, v4, vm0, $0xb8;
	[tilespmem:$0x10400] =	vst v63  }
0x480: {  	s24 =	simm.s32 $0xD400;
	v3 =	vadd.s32 v1, v3  }
0x481: {  	[tilespmem:s24], [sflag:$0x4] =	stream.indirect_vreg.gather [hbm4b:s7+s22], $0x80, v4, vm0, $0xb8;
	[tilespmem:$0x10400] =	vst v63  }
0x482: {  	s25 =	simm.s32 $0xDC00  }
0x483: {  	[tilespmem:s25], [sflag:$0x4] =	stream.indirect_vreg.gather [hbm4b:s8+s22], $0x80, v4, vm0, $0xb8;
	[tilespmem:$0x10400] =	vst v63  }
0x484: {  	s26 =	simm.s32 $0xE400  }
0x485: {  	[tilespmem:s26], [sflag:$0x4] =	stream.indirect_vreg.gather [hbm4b:s3+s22], $0x80, v3, vm0, $0xb8;
	[tilespmem:$0x10400] =	vst v63  }
0x486: {  	s28 =	simm.s32 $0xEC00  }
0x487: {  	[tilespmem:s28], [sflag:$0x4] =	stream.indirect_vreg.gather [hbm4b:s6+s22], $0x80, v3, vm0, $0xb8;
	[tilespmem:$0x10400] =	vst v63  }
0x488: {  	s29 =	simm.s32 $0xF400  }
0x489: {  	[tilespmem:s29], [sflag:$0x4] =	stream.indirect_vreg.gather [hbm4b:s7+s22], $0x80, v3, vm0, $0xb8;
	[tilespmem:$0x10400] =	vst v63  }
0x48a: {  	_ = 	snop  }
0x48b: {  	[tilespmem:s31], [sflag:$0x4] =	stream.indirect_vreg.gather [hbm4b:s8+s22], $0x80, v3, vm0, $0xb8;
	[tilespmem:$0x10400] =	vst v63  }
0x48c: {  	_ =	swait.ge [sflag:s17], $0x4000  }
0x48d: {  	[sflag:s17] =	ssyncset.done $0x0  }
0x48e: {  	[sflag:s17] =	ssyncadd.s32 $0xFFFFC000  }
0x48f: {  	_ =	swait.ge [sflag:s18], $0x4000  }
0x490: {  	s30 =	sand.u32 $0x60, s22;
	s22 =	sand.u32 $0x1C00, s22;
	[sflag:s18] =	ssyncset.done $0x0  }
0x491: {  	s22 =	sor.u32 s30, s22;
	[sflag:s18] =	ssyncadd.s32 $0xFFFFC000  }
0x492: {  	v3 =	vld [tilespmem:s22+$0xC400]  }
0x493: {  	v4 =	vld [tilespmem:s22+$0xC410]  }
0x494: {  	v5 =	vld [tilespmem:s22+$0x4400]  }
0x495: {  	v6 =	vld [tilespmem:s22+$0x4410]  }
0x496: {  	s23 =	simm.s32 $0x0  }
0x497: {  	s25 =	simm.s32 $0x100;
	s26 =	simm.s32 $0x20;
	s24 =	smov.u32 s22  }
.LBB2_98:
0x498: {  	s28 =	sand.u32 $0x60, s26;
	s29 =	sand.u32 $0x1C00, s25  }
0x499: {  	s23 =	sadd.s32 $0x2, s23;
	s28 =	sor.u32 s28, s29;
	v5 =	vadd.f32 v3, v5  }
0x49a: {  	p0 =	slt.u32 s23, $0x3E;
	v3 =	vld [tilespmem:s28+$0xC400];
	v6 =	vadd.f32 v4, v6  }
.Ltmp48:
0x49b: {  	v4 =	vld [tilespmem:s28+$0xC410];
	[tilespmem:s24+$0x4400] =	vst v5;
	(pc) =	sbr.rel @p0 .LBB2_98-.Ltmp48, $3  }
0x49c: {  	v5 =	vld [tilespmem:s28+$0x4400];
	[tilespmem:s24+$0x4410] =	vst v6;
	s24 =	smov.u32 s28  }
0x49d: {  	v6 =	vld [tilespmem:s24+$0x4410];
	_ =	sdelay $0x1  }
0x49e: {  	s25 =	sadd.s32 $0x100, s25;
	s26 =	sadd.s32 $0x20, s26  }
0x49f: {  	_ = 	snop  }
0x4a0: {  	v3 =	vadd.f32 v3, v5  }
0x4a1: {  	v4 =	vadd.f32 v4, v6  }
0x4a2: {  	[tilespmem:s24+$0x4400] =	vst v3  }
0x4a3: {  	[tilespmem:s24+$0x4410] =	vst v4  }
0x4a4: {  	v3 =	vld [tilespmem:s22+$0xC480]  }
0x4a5: {  	v4 =	vld [tilespmem:s22+$0xC490]  }
0x4a6: {  	v5 =	vld [tilespmem:s22+$0x4480]  }
0x4a7: {  	v6 =	vld [tilespmem:s22+$0x4490];
	_ =	sdelay $0x1  }
0x4a8: {  	s23 =	simm.s32 $0x0;
	s25 =	simm.s32 $0x20;
	s24 =	simm.s32 $0x100  }
.LBB2_100:
0x4a9: {  	s26 =	sand.u32 $0x60, s25;
	s28 =	sand.u32 $0x1C00, s24  }
0x4aa: {  	s23 =	sadd.s32 $0x2, s23;
	s26 =	sor.u32 s26, s28;
	v5 =	vadd.f32 v3, v5  }
0x4ab: {  	p0 =	slt.u32 s23, $0x3E;
	v3 =	vld [tilespmem:s26+$0xC480];
	v6 =	vadd.f32 v4, v6  }
.Ltmp49:
0x4ac: {  	v4 =	vld [tilespmem:s26+$0xC490];
	[tilespmem:s22+$0x4480] =	vst v5;
	(pc) =	sbr.rel @p0 .LBB2_100-.Ltmp49, $3  }
0x4ad: {  	v5 =	vld [tilespmem:s26+$0x4480];
	[tilespmem:s22+$0x4490] =	vst v6  }
0x4ae: {  	s22 =	smov.u32 s26;
	v6 =	vld [tilespmem:s26+$0x4490];
	_ =	sdelay $0x1  }
0x4af: {  	s24 =	sadd.s32 $0x100, s24;
	s25 =	sadd.s32 $0x20, s25  }
0x4b0: {  	_ = 	snop  }
0x4b1: {  	v3 =	vadd.f32 v3, v5  }
0x4b2: {  	s23 =	simm.s32 $0x0;
	v4 =	vadd.f32 v4, v6  }
0x4b3: {  	s24 =	sand.u32 $0x60, s23;
	s23 =	sand.u32 $0x1C00, s23;
	[tilespmem:s22+$0x4480] =	vst v3  }
0x4b4: {  	[tilespmem:s22+$0x4490] =	vst v4;
	s22 =	sor.u32 s24, s23  }
0x4b5: {  	v3 =	vld [tilespmem:s22+$0xC500]  }
0x4b6: {  	v4 =	vld [tilespmem:s22+$0xC510]  }
0x4b7: {  	v5 =	vld [tilespmem:s22+$0x4500]  }
0x4b8: {  	v6 =	vld [tilespmem:s22+$0x4510]  }
0x4b9: {  	s25 =	simm.s32 $0x100  }
0x4ba: {  	s26 =	simm.s32 $0x20;
	s23 =	simm.s32 $0x0;
	s24 =	smov.u32 s22  }
.LBB2_102:
0x4bb: {  	s28 =	sand.u32 $0x60, s26;
	s29 =	sand.u32 $0x1C00, s25  }
0x4bc: {  	s23 =	sadd.s32 $0x2, s23;
	s28 =	sor.u32 s28, s29;
	v5 =	vadd.f32 v3, v5  }
0x4bd: {  	p0 =	slt.u32 s23, $0x3E;
	v3 =	vld [tilespmem:s28+$0xC500];
	v6 =	vadd.f32 v4, v6  }
.Ltmp50:
0x4be: {  	v4 =	vld [tilespmem:s28+$0xC510];
	[tilespmem:s24+$0x4500] =	vst v5;
	(pc) =	sbr.rel @p0 .LBB2_102-.Ltmp50, $3  }
0x4bf: {  	v5 =	vld [tilespmem:s28+$0x4500];
	[tilespmem:s24+$0x4510] =	vst v6;
	s24 =	smov.u32 s28  }
0x4c0: {  	v6 =	vld [tilespmem:s24+$0x4510];
	_ =	sdelay $0x1  }
0x4c1: {  	s25 =	sadd.s32 $0x100, s25;
	s26 =	sadd.s32 $0x20, s26  }
0x4c2: {  	_ = 	snop  }
0x4c3: {  	v3 =	vadd.f32 v3, v5  }
0x4c4: {  	v4 =	vadd.f32 v4, v6  }
0x4c5: {  	[tilespmem:s24+$0x4500] =	vst v3  }
0x4c6: {  	[tilespmem:s24+$0x4510] =	vst v4  }
0x4c7: {  	v3 =	vld [tilespmem:s22+$0xC580]  }
0x4c8: {  	v4 =	vld [tilespmem:s22+$0xC590]  }
0x4c9: {  	v5 =	vld [tilespmem:s22+$0x4580]  }
0x4ca: {  	v6 =	vld [tilespmem:s22+$0x4590];
	_ =	sdelay $0x1  }
0x4cb: {  	s23 =	simm.s32 $0x0;
	s25 =	simm.s32 $0x20;
	s24 =	simm.s32 $0x100  }
.LBB2_104:
0x4cc: {  	s26 =	sand.u32 $0x60, s25;
	s28 =	sand.u32 $0x1C00, s24  }
0x4cd: {  	s23 =	sadd.s32 $0x2, s23;
	s26 =	sor.u32 s26, s28;
	v5 =	vadd.f32 v3, v5  }
0x4ce: {  	p0 =	slt.u32 s23, $0x3E;
	v3 =	vld [tilespmem:s26+$0xC580];
	v6 =	vadd.f32 v4, v6  }
.Ltmp51:
0x4cf: {  	v4 =	vld [tilespmem:s26+$0xC590];
	[tilespmem:s22+$0x4580] =	vst v5;
	(pc) =	sbr.rel @p0 .LBB2_104-.Ltmp51, $3  }
0x4d0: {  	v5 =	vld [tilespmem:s26+$0x4580];
	[tilespmem:s22+$0x4590] =	vst v6  }
0x4d1: {  	s22 =	smov.u32 s26;
	v6 =	vld [tilespmem:s26+$0x4590];
	_ =	sdelay $0x1  }
0x4d2: {  	s24 =	sadd.s32 $0x100, s24;
	s25 =	sadd.s32 $0x20, s25  }
0x4d3: {  	_ = 	snop  }
0x4d4: {  	v3 =	vadd.f32 v3, v5  }
0x4d5: {  	s23 =	simm.s32 $0x0;
	v4 =	vadd.f32 v4, v6  }
0x4d6: {  	s24 =	sand.u32 $0x60, s23;
	s23 =	sand.u32 $0x1C00, s23;
	[tilespmem:s22+$0x4580] =	vst v3  }
0x4d7: {  	s23 =	sor.u32 s24, s23;
	[tilespmem:s22+$0x4590] =	vst v4  }
0x4d8: {  	v3 =	vld [tilespmem:s23+$0xC600]  }
0x4d9: {  	v4 =	vld [tilespmem:s23+$0xC610]  }
0x4da: {  	v5 =	vld [tilespmem:s23+$0x4600]  }
0x4db: {  	v6 =	vld [tilespmem:s23+$0x4610]  }
0x4dc: {  	s25 =	simm.s32 $0x100  }
0x4dd: {  	s26 =	simm.s32 $0x20;
	s24 =	smov.u32 s23;
	s22 =	simm.s32 $0x0  }
.LBB2_106:
0x4de: {  	s28 =	sand.u32 $0x60, s26;
	s29 =	sand.u32 $0x1C00, s25  }
0x4df: {  	s22 =	sadd.s32 $0x2, s22;
	s28 =	sor.u32 s28, s29;
	v5 =	vadd.f32 v3, v5  }
0x4e0: {  	p0 =	slt.u32 s22, $0x3E;
	v3 =	vld [tilespmem:s28+$0xC600];
	v6 =	vadd.f32 v4, v6  }
.Ltmp52:
0x4e1: {  	v4 =	vld [tilespmem:s28+$0xC610];
	[tilespmem:s24+$0x4600] =	vst v5;
	(pc) =	sbr.rel @p0 .LBB2_106-.Ltmp52, $3  }
0x4e2: {  	v5 =	vld [tilespmem:s28+$0x4600];
	[tilespmem:s24+$0x4610] =	vst v6;
	s24 =	smov.u32 s28  }
0x4e3: {  	v6 =	vld [tilespmem:s24+$0x4610];
	_ =	sdelay $0x1  }
0x4e4: {  	s25 =	sadd.s32 $0x100, s25;
	s26 =	sadd.s32 $0x20, s26  }
0x4e5: {  	_ = 	snop  }
0x4e6: {  	v3 =	vadd.f32 v3, v5  }
0x4e7: {  	v4 =	vadd.f32 v4, v6  }
0x4e8: {  	[tilespmem:s24+$0x4600] =	vst v3  }
0x4e9: {  	[tilespmem:s24+$0x4610] =	vst v4  }
0x4ea: {  	v4 =	vld [tilespmem:s23+$0xC680]  }
0x4eb: {  	v3 =	vld [tilespmem:s23+$0xC690]  }
0x4ec: {  	v5 =	vld [tilespmem:s23+$0x4680]  }
0x4ed: {  	v6 =	vld [tilespmem:s23+$0x4690];
	_ =	sdelay $0x1  }
0x4ee: {  	s22 =	simm.s32 $0x0;
	s25 =	simm.s32 $0x20;
	s24 =	simm.s32 $0x100  }
.LBB2_108:
0x4ef: {  	s26 =	sand.u32 $0x60, s25;
	s28 =	sand.u32 $0x1C00, s24  }
0x4f0: {  	s22 =	sadd.s32 $0x2, s22;
	s26 =	sor.u32 s26, s28;
	v5 =	vadd.f32 v4, v5  }
0x4f1: {  	p0 =	slt.u32 s22, $0x3E;
	v4 =	vld [tilespmem:s26+$0xC680];
	v6 =	vadd.f32 v3, v6  }
.Ltmp53:
0x4f2: {  	v3 =	vld [tilespmem:s26+$0xC690];
	[tilespmem:s23+$0x4680] =	vst v5;
	(pc) =	sbr.rel @p0 .LBB2_108-.Ltmp53, $3  }
0x4f3: {  	v5 =	vld [tilespmem:s26+$0x4680];
	[tilespmem:s23+$0x4690] =	vst v6  }
0x4f4: {  	s23 =	smov.u32 s26;
	v6 =	vld [tilespmem:s26+$0x4690];
	_ =	sdelay $0x1  }
0x4f5: {  	s24 =	sadd.s32 $0x100, s24;
	s25 =	sadd.s32 $0x20, s25  }
0x4f6: {  	s22 =	simm.s32 $0x0  }
0x4f7: {  	v4 =	vadd.f32 v4, v5;
	s24 =	sand.u32 $0x3, s22  }
0x4f8: {  	v3 =	vadd.f32 v3, v6;
	s24 =	sshll.u32 s24, $0x5  }
0x4f9: {  	[tilespmem:s23+$0x4680] =	vst v4;
	s24 =	sadd.s32 $0x0, s24  }
0x4fa: {  	[tilespmem:s23+$0x4690] =	vst v3;
	s30 =	sor.u32 $0x300, s24  }
0x4fb: {  	v3 =	vld [tilespmem:s30+$0x4400]  }
0x4fc: {  	v4 =	vld [tilespmem:s30+$0xC400];
	_ =	sdelay $0x4  }
0x4fd: {  	v3 =	vadd.f32 v4, v3;
	_ =	sdelay $0x1  }
0x4fe: {  	s28 =	sor.u32 $0x310, s24;
	[tilespmem:s30+$0x4400] =	vst v3  }
0x4ff: {  	v3 =	vld [tilespmem:s28+$0x4400]  }
0x500: {  	v4 =	vld [tilespmem:s28+$0xC400];
	_ =	sdelay $0x2  }
0x501: {  	s26 =	simm.s32 $0x2;
	s24 =	simm.s32 $0x1  }
0x502: {  	s25 =	simm.s32 $0x0;
	s23 =	simm.s32 $0x0;
	s29 =	sand.u32 $0x3, s24  }
.LBB2_110:
0x503: {  	s26 =	sadd.s32 $0x2, s26;
	s29 =	sshll.u32 s29, $0x5;
	v3 =	vadd.f32 v4, v3;
	s25 =	sadd.s32 $0x100, s25  }
0x504: {  	p0 =	slt.u32 s26, $0x3E;
	s29 =	sadd.s32 s29, s25  }
0x505: {  	s30 =	sor.u32 $0x300, s29;
	[tilespmem:s28+$0x4400] =	vst v3  }
0x506: {  	v3 =	vld [tilespmem:s30+$0x4400]  }
0x507: {  	v4 =	vld [tilespmem:s30+$0xC400];
	_ =	sdelay $0x4  }
0x508: {  	v3 =	vadd.f32 v4, v3;
	_ =	sdelay $0x1  }
0x509: {  	s28 =	sor.u32 $0x310, s29;
	[tilespmem:s30+$0x4400] =	vst v3  }
0x50a: {  	v3 =	vld [tilespmem:s28+$0x4400]  }
.Ltmp54:
0x50b: {  	v4 =	vld [tilespmem:s28+$0xC400];
	(pc) =	sbr.rel @p0 .LBB2_110-.Ltmp54, $3  }
0x50c: {  	_ =	sdelay $0x1  }
0x50d: {  	s24 =	sadd.s32 $0x1, s24  }
0x50e: {  	s29 =	sand.u32 $0x3, s24  }
0x50f: {  	s24 =	sshll.u32 s29, $0x5;
	v3 =	vadd.f32 v4, v3;
	s25 =	sadd.s32 $0x100, s25  }
0x510: {  	s24 =	sadd.s32 s24, s25  }
0x511: {  	s25 =	sor.u32 $0x300, s24;
	[tilespmem:s28+$0x4400] =	vst v3  }
0x512: {  	v3 =	vld [tilespmem:s25+$0x4400]  }
0x513: {  	v4 =	vld [tilespmem:s25+$0xC400];
	_ =	sdelay $0x4  }
0x514: {  	v3 =	vadd.f32 v4, v3;
	_ =	sdelay $0x1  }
0x515: {  	s24 =	sor.u32 $0x310, s24;
	[tilespmem:s25+$0x4400] =	vst v3  }
0x516: {  	v3 =	vld [tilespmem:s24+$0x4400]  }
0x517: {  	v4 =	vld [tilespmem:s24+$0xC400];
	_ =	sdelay $0x4  }
0x518: {  	v3 =	vadd.f32 v4, v3  }
0x519: {  	s29 =	sor.u32 s22, s22  }
0x51a: {  	s30 =	sor.u32 $0x380, s29;
	[tilespmem:s24+$0x4400] =	vst v3  }
0x51b: {  	v3 =	vld [tilespmem:s30+$0x4400]  }
0x51c: {  	v4 =	vld [tilespmem:s30+$0xC400];
	_ =	sdelay $0x4  }
0x51d: {  	v3 =	vadd.f32 v4, v3;
	_ =	sdelay $0x1  }
0x51e: {  	s25 =	sor.u32 $0x390, s29;
	[tilespmem:s30+$0x4400] =	vst v3  }
0x51f: {  	v3 =	vld [tilespmem:s25+$0x4400]  }
0x520: {  	v4 =	vld [tilespmem:s25+$0xC400];
	_ =	sdelay $0x3  }
0x521: {  	s24 =	simm.s32 $0x0  }
.LBB2_112:
0x522: {  	s23 =	sadd.s32 $0x2, s23;
	v3 =	vadd.f32 v4, v3;
	s22 =	sadd.s32 $0x100, s22;
	s24 =	sadd.s32 $0x20, s24  }
0x523: {  	s26 =	sor.u32 s24, s22;
	p0 =	slt.u32 s23, $0x3E  }
0x524: {  	s28 =	sor.u32 $0x380, s26;
	[tilespmem:s25+$0x4400] =	vst v3  }
0x525: {  	v3 =	vld [tilespmem:s28+$0x4400]  }
0x526: {  	v4 =	vld [tilespmem:s28+$0xC400];
	_ =	sdelay $0x4  }
0x527: {  	v3 =	vadd.f32 v4, v3;
	_ =	sdelay $0x1  }
0x528: {  	s25 =	sor.u32 $0x390, s26;
	[tilespmem:s28+$0x4400] =	vst v3  }
0x529: {  	v3 =	vld [tilespmem:s25+$0x4400]  }
.Ltmp55:
0x52a: {  	v4 =	vld [tilespmem:s25+$0xC400];
	(pc) =	sbr.rel @p0 .LBB2_112-.Ltmp55, $2  }
0x52b: {  	_ =	sdelay $0x2  }
0x52c: {  	s26 =	simm.s32 $0x0  }
0x52d: {  	v3 =	vadd.f32 v4, v3  }
0x52e: {  	s22 =	sand.u32 $0x60, s26;
	s23 =	sand.u32 $0x1C00, s26  }
0x52f: {  	s22 =	sor.u32 s22, s23;
	[tilespmem:s25+$0x4400] =	vst v3  }
0x530: {  	v3 =	vld [tilespmem:s22+$0xE400]  }
0x531: {  	v4 =	vld [tilespmem:s22+$0xE410]  }
0x532: {  	v5 =	vld [tilespmem:s22+$0x6400]  }
0x533: {  	v6 =	vld [tilespmem:s22+$0x6410]  }
0x534: {  	s26 =	simm.s32 $0x20  }
0x535: {  	s23 =	simm.s32 $0x0;
	s25 =	simm.s32 $0x100;
	s24 =	smov.u32 s22  }
.LBB2_114:
0x536: {  	s28 =	sand.u32 $0x60, s26;
	s29 =	sand.u32 $0x1C00, s25  }
0x537: {  	s23 =	sadd.s32 $0x2, s23;
	s28 =	sor.u32 s28, s29;
	v5 =	vadd.f32 v3, v5  }
0x538: {  	p0 =	slt.u32 s23, $0x3E;
	v3 =	vld [tilespmem:s28+$0xE400];
	v6 =	vadd.f32 v4, v6  }
.Ltmp56:
0x539: {  	v4 =	vld [tilespmem:s28+$0xE410];
	[tilespmem:s24+$0x6400] =	vst v5;
	(pc) =	sbr.rel @p0 .LBB2_114-.Ltmp56, $3  }
0x53a: {  	v5 =	vld [tilespmem:s28+$0x6400];
	[tilespmem:s24+$0x6410] =	vst v6;
	s24 =	smov.u32 s28  }
0x53b: {  	v6 =	vld [tilespmem:s24+$0x6410];
	_ =	sdelay $0x1  }
0x53c: {  	s25 =	sadd.s32 $0x100, s25;
	s26 =	sadd.s32 $0x20, s26  }
0x53d: {  	_ = 	snop  }
0x53e: {  	v3 =	vadd.f32 v3, v5  }
0x53f: {  	v4 =	vadd.f32 v4, v6  }
0x540: {  	[tilespmem:s24+$0x6400] =	vst v3  }
0x541: {  	[tilespmem:s24+$0x6410] =	vst v4  }
0x542: {  	v3 =	vld [tilespmem:s22+$0xE480]  }
0x543: {  	v4 =	vld [tilespmem:s22+$0xE490]  }
0x544: {  	v5 =	vld [tilespmem:s22+$0x6480]  }
0x545: {  	v6 =	vld [tilespmem:s22+$0x6490];
	_ =	sdelay $0x1  }
0x546: {  	s23 =	simm.s32 $0x0;
	s25 =	simm.s32 $0x20;
	s24 =	simm.s32 $0x100  }
.LBB2_116:
0x547: {  	s26 =	sand.u32 $0x60, s25;
	s28 =	sand.u32 $0x1C00, s24  }
0x548: {  	s23 =	sadd.s32 $0x2, s23;
	s26 =	sor.u32 s26, s28;
	v5 =	vadd.f32 v3, v5  }
0x549: {  	p0 =	slt.u32 s23, $0x3E;
	v3 =	vld [tilespmem:s26+$0xE480];
	v6 =	vadd.f32 v4, v6  }
.Ltmp57:
0x54a: {  	v4 =	vld [tilespmem:s26+$0xE490];
	[tilespmem:s22+$0x6480] =	vst v5;
	(pc) =	sbr.rel @p0 .LBB2_116-.Ltmp57, $3  }
0x54b: {  	v5 =	vld [tilespmem:s26+$0x6480];
	[tilespmem:s22+$0x6490] =	vst v6  }
0x54c: {  	s22 =	smov.u32 s26;
	v6 =	vld [tilespmem:s26+$0x6490];
	_ =	sdelay $0x1  }
0x54d: {  	s24 =	sadd.s32 $0x100, s24;
	s25 =	sadd.s32 $0x20, s25  }
0x54e: {  	_ = 	snop  }
0x54f: {  	v3 =	vadd.f32 v3, v5  }
0x550: {  	s23 =	simm.s32 $0x0;
	v4 =	vadd.f32 v4, v6  }
0x551: {  	s24 =	sand.u32 $0x60, s23;
	s23 =	sand.u32 $0x1C00, s23;
	[tilespmem:s22+$0x6480] =	vst v3  }
0x552: {  	[tilespmem:s22+$0x6490] =	vst v4;
	s22 =	sor.u32 s24, s23  }
0x553: {  	v3 =	vld [tilespmem:s22+$0xE500]  }
0x554: {  	v4 =	vld [tilespmem:s22+$0xE510]  }
0x555: {  	v5 =	vld [tilespmem:s22+$0x6500]  }
0x556: {  	v6 =	vld [tilespmem:s22+$0x6510]  }
0x557: {  	s25 =	simm.s32 $0x100  }
0x558: {  	s26 =	simm.s32 $0x20;
	s23 =	simm.s32 $0x0;
	s24 =	smov.u32 s22  }
.LBB2_118:
0x559: {  	s28 =	sand.u32 $0x60, s26;
	s29 =	sand.u32 $0x1C00, s25  }
0x55a: {  	s23 =	sadd.s32 $0x2, s23;
	s28 =	sor.u32 s28, s29;
	v5 =	vadd.f32 v3, v5  }
0x55b: {  	p0 =	slt.u32 s23, $0x3E;
	v3 =	vld [tilespmem:s28+$0xE500];
	v6 =	vadd.f32 v4, v6  }
.Ltmp58:
0x55c: {  	v4 =	vld [tilespmem:s28+$0xE510];
	[tilespmem:s24+$0x6500] =	vst v5;
	(pc) =	sbr.rel @p0 .LBB2_118-.Ltmp58, $3  }
0x55d: {  	v5 =	vld [tilespmem:s28+$0x6500];
	[tilespmem:s24+$0x6510] =	vst v6;
	s24 =	smov.u32 s28  }
0x55e: {  	v6 =	vld [tilespmem:s24+$0x6510];
	_ =	sdelay $0x1  }
0x55f: {  	s25 =	sadd.s32 $0x100, s25;
	s26 =	sadd.s32 $0x20, s26  }
0x560: {  	_ = 	snop  }
0x561: {  	v3 =	vadd.f32 v3, v5  }
0x562: {  	v4 =	vadd.f32 v4, v6  }
0x563: {  	[tilespmem:s24+$0x6500] =	vst v3  }
0x564: {  	[tilespmem:s24+$0x6510] =	vst v4  }
0x565: {  	v3 =	vld [tilespmem:s22+$0xE580]  }
0x566: {  	v4 =	vld [tilespmem:s22+$0xE590]  }
0x567: {  	v5 =	vld [tilespmem:s22+$0x6580]  }
0x568: {  	v6 =	vld [tilespmem:s22+$0x6590];
	_ =	sdelay $0x1  }
0x569: {  	s23 =	simm.s32 $0x0;
	s25 =	simm.s32 $0x20;
	s24 =	simm.s32 $0x100  }
.LBB2_120:
0x56a: {  	s26 =	sand.u32 $0x60, s25;
	s28 =	sand.u32 $0x1C00, s24  }
0x56b: {  	s23 =	sadd.s32 $0x2, s23;
	s26 =	sor.u32 s26, s28;
	v5 =	vadd.f32 v3, v5  }
0x56c: {  	p0 =	slt.u32 s23, $0x3E;
	v3 =	vld [tilespmem:s26+$0xE580];
	v6 =	vadd.f32 v4, v6  }
.Ltmp59:
0x56d: {  	v4 =	vld [tilespmem:s26+$0xE590];
	[tilespmem:s22+$0x6580] =	vst v5;
	(pc) =	sbr.rel @p0 .LBB2_120-.Ltmp59, $3  }
0x56e: {  	v5 =	vld [tilespmem:s26+$0x6580];
	[tilespmem:s22+$0x6590] =	vst v6  }
0x56f: {  	s22 =	smov.u32 s26;
	v6 =	vld [tilespmem:s26+$0x6590];
	_ =	sdelay $0x1  }
0x570: {  	s24 =	sadd.s32 $0x100, s24;
	s25 =	sadd.s32 $0x20, s25  }
0x571: {  	_ = 	snop  }
0x572: {  	v3 =	vadd.f32 v3, v5  }
0x573: {  	s23 =	simm.s32 $0x0;
	v4 =	vadd.f32 v4, v6  }
0x574: {  	s24 =	sand.u32 $0x60, s23;
	s23 =	sand.u32 $0x1C00, s23;
	[tilespmem:s22+$0x6580] =	vst v3  }
0x575: {  	s23 =	sor.u32 s24, s23;
	[tilespmem:s22+$0x6590] =	vst v4  }
0x576: {  	v3 =	vld [tilespmem:s23+$0xE600]  }
0x577: {  	v4 =	vld [tilespmem:s23+$0xE610]  }
0x578: {  	v5 =	vld [tilespmem:s23+$0x6600]  }
0x579: {  	v6 =	vld [tilespmem:s23+$0x6610]  }
0x57a: {  	s25 =	simm.s32 $0x100  }
0x57b: {  	s26 =	simm.s32 $0x20;
	s24 =	smov.u32 s23;
	s22 =	simm.s32 $0x0  }
.LBB2_122:
0x57c: {  	s28 =	sand.u32 $0x60, s26;
	s29 =	sand.u32 $0x1C00, s25  }
0x57d: {  	s22 =	sadd.s32 $0x2, s22;
	s28 =	sor.u32 s28, s29;
	v5 =	vadd.f32 v3, v5  }
0x57e: {  	p0 =	slt.u32 s22, $0x3E;
	v3 =	vld [tilespmem:s28+$0xE600];
	v6 =	vadd.f32 v4, v6  }
.Ltmp60:
0x57f: {  	v4 =	vld [tilespmem:s28+$0xE610];
	[tilespmem:s24+$0x6600] =	vst v5;
	(pc) =	sbr.rel @p0 .LBB2_122-.Ltmp60, $3  }
0x580: {  	v5 =	vld [tilespmem:s28+$0x6600];
	[tilespmem:s24+$0x6610] =	vst v6;
	s24 =	smov.u32 s28  }
0x581: {  	v6 =	vld [tilespmem:s24+$0x6610];
	_ =	sdelay $0x1  }
0x582: {  	s25 =	sadd.s32 $0x100, s25;
	s26 =	sadd.s32 $0x20, s26  }
0x583: {  	_ = 	snop  }
0x584: {  	v3 =	vadd.f32 v3, v5  }
0x585: {  	v4 =	vadd.f32 v4, v6  }
0x586: {  	[tilespmem:s24+$0x6600] =	vst v3  }
0x587: {  	[tilespmem:s24+$0x6610] =	vst v4  }
0x588: {  	v4 =	vld [tilespmem:s23+$0xE680]  }
0x589: {  	v3 =	vld [tilespmem:s23+$0xE690]  }
0x58a: {  	v5 =	vld [tilespmem:s23+$0x6680]  }
0x58b: {  	v6 =	vld [tilespmem:s23+$0x6690];
	_ =	sdelay $0x1  }
0x58c: {  	s22 =	simm.s32 $0x0;
	s25 =	simm.s32 $0x20;
	s24 =	simm.s32 $0x100  }
.LBB2_124:
0x58d: {  	s26 =	sand.u32 $0x60, s25;
	s28 =	sand.u32 $0x1C00, s24  }
0x58e: {  	s22 =	sadd.s32 $0x2, s22;
	s26 =	sor.u32 s26, s28;
	v5 =	vadd.f32 v4, v5  }
0x58f: {  	p0 =	slt.u32 s22, $0x3E;
	v4 =	vld [tilespmem:s26+$0xE680];
	v6 =	vadd.f32 v3, v6  }
.Ltmp61:
0x590: {  	v3 =	vld [tilespmem:s26+$0xE690];
	[tilespmem:s23+$0x6680] =	vst v5;
	(pc) =	sbr.rel @p0 .LBB2_124-.Ltmp61, $3  }
0x591: {  	v5 =	vld [tilespmem:s26+$0x6680];
	[tilespmem:s23+$0x6690] =	vst v6  }
0x592: {  	s23 =	smov.u32 s26;
	v6 =	vld [tilespmem:s26+$0x6690];
	_ =	sdelay $0x1  }
0x593: {  	s24 =	sadd.s32 $0x100, s24;
	s25 =	sadd.s32 $0x20, s25  }
0x594: {  	s22 =	simm.s32 $0x0  }
0x595: {  	v4 =	vadd.f32 v4, v5;
	s24 =	sand.u32 $0x3, s22  }
0x596: {  	v3 =	vadd.f32 v3, v6;
	s24 =	sshll.u32 s24, $0x5  }
0x597: {  	[tilespmem:s23+$0x6680] =	vst v4;
	s24 =	sadd.s32 $0x0, s24  }
0x598: {  	[tilespmem:s23+$0x6690] =	vst v3;
	s30 =	sor.u32 $0x2300, s24  }
0x599: {  	v3 =	vld [tilespmem:s30+$0x4400]  }
0x59a: {  	v4 =	vld [tilespmem:s30+$0xC400];
	_ =	sdelay $0x4  }
0x59b: {  	v3 =	vadd.f32 v4, v3;
	_ =	sdelay $0x1  }
0x59c: {  	s28 =	sor.u32 $0x2310, s24;
	[tilespmem:s30+$0x4400] =	vst v3  }
0x59d: {  	v3 =	vld [tilespmem:s28+$0x4400]  }
0x59e: {  	v4 =	vld [tilespmem:s28+$0xC400];
	_ =	sdelay $0x2  }
0x59f: {  	s26 =	simm.s32 $0x2;
	s24 =	simm.s32 $0x1  }
0x5a0: {  	s25 =	simm.s32 $0x0;
	s23 =	simm.s32 $0x0;
	s29 =	sand.u32 $0x3, s24  }
.LBB2_126:
0x5a1: {  	s26 =	sadd.s32 $0x2, s26;
	s29 =	sshll.u32 s29, $0x5;
	v3 =	vadd.f32 v4, v3;
	s25 =	sadd.s32 $0x100, s25  }
0x5a2: {  	p0 =	slt.u32 s26, $0x3E;
	s29 =	sadd.s32 s29, s25  }
0x5a3: {  	s30 =	sor.u32 $0x2300, s29;
	[tilespmem:s28+$0x4400] =	vst v3  }
0x5a4: {  	v3 =	vld [tilespmem:s30+$0x4400]  }
0x5a5: {  	v4 =	vld [tilespmem:s30+$0xC400];
	_ =	sdelay $0x4  }
0x5a6: {  	v3 =	vadd.f32 v4, v3;
	_ =	sdelay $0x1  }
0x5a7: {  	s28 =	sor.u32 $0x2310, s29;
	[tilespmem:s30+$0x4400] =	vst v3  }
0x5a8: {  	v3 =	vld [tilespmem:s28+$0x4400]  }
.Ltmp62:
0x5a9: {  	v4 =	vld [tilespmem:s28+$0xC400];
	(pc) =	sbr.rel @p0 .LBB2_126-.Ltmp62, $3  }
0x5aa: {  	_ =	sdelay $0x1  }
0x5ab: {  	s24 =	sadd.s32 $0x1, s24  }
0x5ac: {  	s29 =	sand.u32 $0x3, s24  }
0x5ad: {  	s24 =	sshll.u32 s29, $0x5;
	v3 =	vadd.f32 v4, v3;
	s25 =	sadd.s32 $0x100, s25  }
0x5ae: {  	s24 =	sadd.s32 s24, s25  }
0x5af: {  	s25 =	sor.u32 $0x2300, s24;
	[tilespmem:s28+$0x4400] =	vst v3  }
0x5b0: {  	v3 =	vld [tilespmem:s25+$0x4400]  }
0x5b1: {  	v4 =	vld [tilespmem:s25+$0xC400];
	_ =	sdelay $0x4  }
0x5b2: {  	v3 =	vadd.f32 v4, v3;
	_ =	sdelay $0x1  }
0x5b3: {  	s24 =	sor.u32 $0x2310, s24;
	[tilespmem:s25+$0x4400] =	vst v3  }
0x5b4: {  	v3 =	vld [tilespmem:s24+$0x4400]  }
0x5b5: {  	v4 =	vld [tilespmem:s24+$0xC400];
	_ =	sdelay $0x4  }
0x5b6: {  	v3 =	vadd.f32 v4, v3  }
0x5b7: {  	s29 =	sor.u32 s22, s22  }
0x5b8: {  	s30 =	sor.u32 $0x2380, s29;
	[tilespmem:s24+$0x4400] =	vst v3  }
0x5b9: {  	v3 =	vld [tilespmem:s30+$0x4400]  }
0x5ba: {  	v4 =	vld [tilespmem:s30+$0xC400];
	_ =	sdelay $0x4  }
0x5bb: {  	v3 =	vadd.f32 v4, v3;
	_ =	sdelay $0x1  }
0x5bc: {  	s25 =	sor.u32 $0x2390, s29;
	[tilespmem:s30+$0x4400] =	vst v3  }
0x5bd: {  	v3 =	vld [tilespmem:s25+$0x4400]  }
0x5be: {  	s24 =	simm.s32 $0x0;
	v4 =	vld [tilespmem:s25+$0xC400]  }
.LBB2_128:
0x5bf: {  	_ =	sdelay $0x3  }
0x5c0: {  	s23 =	sadd.s32 $0x2, s23;
	s22 =	sadd.s32 $0x100, s22;
	s24 =	sadd.s32 $0x20, s24;
	v3 =	vadd.f32 v4, v3  }
0x5c1: {  	s26 =	sor.u32 s24, s22;
	p0 =	slt.u32 s23, $0x3E  }
0x5c2: {  	s28 =	sor.u32 $0x2380, s26;
	[tilespmem:s25+$0x4400] =	vst v3  }
0x5c3: {  	v3 =	vld [tilespmem:s28+$0x4400]  }
0x5c4: {  	v4 =	vld [tilespmem:s28+$0xC400];
	_ =	sdelay $0x4  }
.Ltmp63:
0x5c5: {  	v3 =	vadd.f32 v4, v3;
	(pc) =	sbr.rel @p0 .LBB2_128-.Ltmp63, $4  }
0x5c6: {  	_ = 	snop  }
0x5c7: {  	s25 =	sor.u32 $0x2390, s26;
	[tilespmem:s28+$0x4400] =	vst v3  }
0x5c8: {  	v3 =	vld [tilespmem:s25+$0x4400]  }
0x5c9: {  	v4 =	vld [tilespmem:s25+$0xC400]  }
0x5ca: {  	_ =	sdelay $0x3  }
0x5cb: {  	v3 =	vadd.f32 v4, v3;
	_ =	sdelay $0x1  }
0x5cc: {  	s21 =	sadd.s32 $0x1, s21;
	[tilespmem:s25+$0x4400] =	vst v3  }
0x5cd: {  	[hbm4b:s12+s2] =	stream.linear.scatter [tilespmem:s1], [sflag:$0x6], $0x4000, $0x38;
	[tilespmem:$0x10400] =	vst v63  }
0x5ce: {  	p0 =	sne.s32 s21, s13;
	_ =	swait.ge [sflag:s19], $0x4000  }
.Ltmp64:
0x5cf: {  	[sflag:s19] =	ssyncset.done $0x0;
	(pc) =	sbr.rel @p0 .LBB2_1-.Ltmp64, $4  }
0x5d0: {  	[sflag:s19] =	ssyncadd.s32 $0xFFFFC000  }
0x5d1: {  	_ =	swait.ge [sflag:s20], $0x4000  }
0x5d2: {  	[sflag:s20] =	ssyncset.done $0x0  }
0x5d3: {  	[sflag:s20] =	ssyncadd.s32 $0xFFFFC000  }
0x5d4: {  	_ =	sfence.sel $0x180000  }
0x5d5: {  	[bflag:$0x0] =	sbarrier.arrive $0xFFFF  }
0x5d6: {  	_ =	strace $0x9000004A  }
0x5d7: {  	s0 =	stileid.u32;
	[bflag:$0x2] =	sbarrier.arrive $0xFFFF  }
0x5d8: {  	p0 =	sne.s32 s0, $0x0;
	s0 =	rddreg [dreg:$0x2]  }
0x5d9: {  	s0 =	sadd.s32 @!p0 $0x100000, s0  }
0x5da: {  	[sflag:s0] =	ssyncadd.tile.s32 @!p0 $0x1;
	_ =	shalt  }
.Lfunc_end2:
_tile_overlayer_lowered:
.L_overlay_start_2:
0x5db: {  	(tag) =	ssettag $0x2  }
0x5dc: {  	s0 =	rddreg [dreg:$0x0];
	s2 =	stileid.u32  }
0x5dd: {  	s1 =	rddreg [dreg:$0x1];
	p0 =	sne.s32 s2, $0x0  }
0x5de: {  	s3 =	rddreg [dreg:$0x2];
	[bflag:$0x3] =	sbarrier.arrive $0xFFFF;
	s2 =	simm.s32 @!p0 $0x1C07  }
0x5df: {  	[timem:s3], [sflag:s2] =	dma.local @!p0 [hbm:s0], s1  }
0x5e0: {  	s0 =	simm.s32 @!p0 $0x7  }
0x5e1: {  	_ =	swait.ge @!p0 [sflag:s0], s1  }
0x5e2: {  	s1 =	ssub.s32 @!p0 $0x0, s1;
	[sflag:s0] =	ssyncset.done @!p0 $0x0  }
0x5e3: {  	[sflag:s0] =	ssyncadd.s32 @!p0 s1  }
0x5e4: {  	[bflag:$0x3] =	sbarrier.arrive $0xFFFF  }
0x5e5: {  	_ =	shalt  }

</sc_bundles>
